<compile_context>
chip_gen: v7x
topology: tpu7x:2x2x1
jax: 0.10.2.dev20260603
libtpu: 0.0.44.dev20260713+nightly
codegen_flags: <defaults>
</compile_context>

<pallas_src>
import functools

import jax
import jax.numpy as jnp
from jax import lax
from jax.experimental import pallas as pl
from jax.experimental.pallas import tpu as pltpu
from jax.experimental.pallas import tpu_sc as plsc

H, W, D = 32, 32, 768
B = 32
DH = D // 2
L = 16
HH = H // 2


def _sc_lookup(scale_hbm, row_hbm, col_hbm, tabs_hbm, sbuf, buf, sem):
    sid = lax.axis_index("s")
    r0 = 2 * sid
    cp_s = pltpu.make_async_copy(scale_hbm, sbuf, sem)
    cp_r = pltpu.make_async_copy(row_hbm.at[pl.ds(r0, 2)], buf.at[pl.ds(0, 2)],
                                 sem)
    cp_c = pltpu.make_async_copy(col_hbm.at[pl.ds(r0, 2)], buf.at[pl.ds(2, 2)],
                                 sem)
    cp_s.start()
    cp_r.start()
    cp_c.start()
    cp_s.wait()
    cp_r.wait()
    cp_c.wait()
    s = sbuf[...]
    for j in range(4):
        for k in range(DH // L):
            buf[j, pl.ds(L * k, L)] = buf[j, pl.ds(L * k, L)] * s
    o_r = pltpu.make_async_copy(buf.at[pl.ds(0, 2)], tabs_hbm.at[pl.ds(r0, 2)],
                                sem)
    o_c = pltpu.make_async_copy(buf.at[pl.ds(2, 2)],
                                tabs_hbm.at[pl.ds(H + r0, 2)], sem)
    o_r.start()
    o_c.start()
    o_r.wait()
    o_c.wait()


def _tc_replicate(tabs_ref, out_ref, tile_ref, sems):
    c = tabs_ref[pl.ds(H, W), :]
    copies = []
    for i in range(2):
        r = tabs_ref[pl.ds(i * HH, HH), :]
        tile_ref[pl.ds(i * HH, HH), :, :DH] = jnp.broadcast_to(
            r[:, None, :], (HH, W, DH))
        tile_ref[pl.ds(i * HH, HH), :, DH:] = jnp.broadcast_to(
            c[None, :, :], (HH, W, DH))
        for b in range(B):
            cp = pltpu.make_async_copy(
                tile_ref.at[pl.ds(i * HH, HH)],
                out_ref.at[b, pl.ds(i * HH, HH)],
                sems.at[2 * b + i])
            cp.start()
            copies.append(cp)
    for cp in copies:
        cp.wait()


def kernel(row_embed, col_embed, batch_size):
    scale = (jnp.asarray(batch_size, jnp.int32) // B).astype(jnp.float32)
    scale_vec = jnp.full((L,), scale, dtype=jnp.float32)
    mesh = plsc.VectorSubcoreMesh(core_axis_name="c", subcore_axis_name="s",
                                  num_cores=1)
    lookup = functools.partial(
        pl.kernel,
        mesh=mesh,
        out_type=jax.ShapeDtypeStruct((H + W, DH), jnp.float32),
        scratch_types=[
            pltpu.VMEM((L,), jnp.float32),
            pltpu.VMEM((4, DH), jnp.float32),
            pltpu.SemaphoreType.DMA,
        ],
    )(_sc_lookup)
    tabs = lookup(scale_vec, row_embed, col_embed)
    return pl.pallas_call(
        _tc_replicate,
        in_specs=[pl.BlockSpec(memory_space=pltpu.VMEM)],
        out_specs=pl.BlockSpec(memory_space=pl.ANY),
        out_shape=jax.ShapeDtypeStruct((B, H, W, D), jnp.float32),
        scratch_shapes=[
            pltpu.VMEM((H, W, D), jnp.float32),
            pltpu.SemaphoreType.DMA((2 * B,)),
        ],
    )(tabs)

# --- scband reference (transcript-rebuilt; emitter-appended) ---
"""Pipeline reference for scband-learned-positional-encoding2-d-43379169690394 (READ-ONLY COPY).

The authoritative reference and input builder live on the scoring server;
editing this copy changes nothing except your own understanding.
"""

import jax, jax.numpy as jnp
import numpy as np

H, W, D = 32, 32, 768
BATCH = 32

def setup_inputs(seed: int = 0) -> dict:
    key = jax.random.key(seed)
    k1, k2 = jax.random.split(key)
    row_embed = jax.random.normal(k1, (H, D // 2), dtype=jnp.float32)
    col_embed = jax.random.normal(k2, (W, D // 2), dtype=jnp.float32)
    return {"row_embed": row_embed, "col_embed": col_embed, "batch_size": 32}

def reference(row_embed, col_embed, batch_size):
    rows = jnp.arange(H, dtype=jnp.int32)
    cols = jnp.arange(W, dtype=jnp.int32)
    row_emb = jnp.take(row_embed, rows, axis=0)
    col_emb = jnp.take(col_embed, cols, axis=0)
    row_emb = jnp.broadcast_to(row_emb[:, None, :], (H, W, D // 2))
    col_emb = jnp.broadcast_to(col_emb[None, :, :], (H, W, D // 2))
    pos = jnp.concatenate([row_emb, col_emb], axis=-1)
    pos = jnp.broadcast_to(pos[None, :, :, :], (BATCH, H, W, D))
    pos = pos * (jnp.asarray(batch_size, dtype=jnp.int32) // BATCH).astype(pos.dtype)
    return pos

if __name__ == "__main__":
    import jax
    _d = setup_inputs()
    print(jax.jit(kernel)(*tuple(_d.values())))

</pallas_src>

<mosaic_0001>
#map = affine_map<(d0, d1) -> (0)>
#map1 = affine_map<(d0, d1) -> (0, 0)>
module attributes {stable_mosaic.version = 14 : i64} {
  func.func @_sc_lookup(%arg0: i32, %arg1: i32, %arg2: memref<16xf32, #tpu.memory_space<hbm>>, %arg3: memref<32x384xf32, #tpu.memory_space<hbm>>, %arg4: memref<32x384xf32, #tpu.memory_space<hbm>>, %arg5: memref<64x384xf32, #tpu.memory_space<hbm>>, %arg6: memref<16xf32, #tpu.memory_space<vmem>>, %arg7: memref<4x384xf32, #tpu.memory_space<vmem>>, %arg8: memref<!tpu.dma_semaphore, #tpu.memory_space<semaphore_mem>>) attributes {dimension_semantics = [#tpu.dimension_semantics<core_parallel>, #tpu.dimension_semantics<subcore_parallel>], iteration_bounds = array<i64: 1, 16>, scalar_prefetch = 0 : i64, scratch_operands = 3 : i64, tpu.core_type = #tpu.core_type<sc_vector_subcore>, window_params = [{transform_indices = #map}, {transform_indices = #map1}, {transform_indices = #map1}, {transform_indices = #map1}]} {
    %mul3A = arith.constant 2 : i32
    %mul3A_0 = arith.muli %mul3A, %arg1 : i32
    tpu.enqueue_dma source(%arg2 : memref<16xf32, #tpu.memory_space<hbm>>) target(%arg6 : memref<16xf32, #tpu.memory_space<vmem>>) target_semaphore(%arg8 : memref<!tpu.dma_semaphore, #tpu.memory_space<semaphore_mem>>)
    %dma_start3A = arith.constant 0 : i32
    %dma_start3A_1 = arith.constant 0 : i32
    %dma_start3A_2 = tpu.memref_slice %arg7[%dma_start3A, %dma_start3A_1] : memref<4x384xf32, #tpu.memory_space<vmem>> -> memref<2x384xf32, #tpu.memory_space<vmem>>
    %dma_start3A_3 = arith.constant 0 : i32
    %dma_start3A_4 = tpu.memref_slice %arg3[%mul3A_0, %dma_start3A_3] : memref<32x384xf32, #tpu.memory_space<hbm>> -> memref<2x384xf32, #tpu.memory_space<hbm>>
    %dma_start3A_5 = arith.constant 0 : i32
    %dma_start3A_6 = arith.constant 0 : i32
    %dma_start3A_7 = tpu.memref_slice %arg7[%dma_start3A_5, %dma_start3A_6] : memref<4x384xf32, #tpu.memory_space<vmem>> -> memref<2x384xf32, #tpu.memory_space<vmem>>
    %dma_start3A_8 = arith.constant 0 : i32
    %dma_start3A_9 = tpu.memref_slice %arg3[%mul3A_0, %dma_start3A_8] : memref<32x384xf32, #tpu.memory_space<hbm>> -> memref<2x384xf32, #tpu.memory_space<hbm>>
    tpu.enqueue_dma source(%dma_start3A_9 : memref<2x384xf32, #tpu.memory_space<hbm>>) target(%dma_start3A_7 : memref<2x384xf32, #tpu.memory_space<vmem>>) target_semaphore(%arg8 : memref<!tpu.dma_semaphore, #tpu.memory_space<semaphore_mem>>)
    %dma_start3A_10 = arith.constant 2 : i32
    %dma_start3A_11 = arith.constant 0 : i32
    %dma_start3A_12 = tpu.memref_slice %arg7[%dma_start3A_10, %dma_start3A_11] : memref<4x384xf32, #tpu.memory_space<vmem>> -> memref<2x384xf32, #tpu.memory_space<vmem>>
    %dma_start3A_13 = arith.constant 0 : i32
    %dma_start3A_14 = tpu.memref_slice %arg4[%mul3A_0, %dma_start3A_13] : memref<32x384xf32, #tpu.memory_space<hbm>> -> memref<2x384xf32, #tpu.memory_space<hbm>>
    %dma_start3A_15 = arith.constant 2 : i32
    %dma_start3A_16 = arith.constant 0 : i32
    %dma_start3A_17 = tpu.memref_slice %arg7[%dma_start3A_15, %dma_start3A_16] : memref<4x384xf32, #tpu.memory_space<vmem>> -> memref<2x384xf32, #tpu.memory_space<vmem>>
    %dma_start3A_18 = arith.constant 0 : i32
    %dma_start3A_19 = tpu.memref_slice %arg4[%mul3A_0, %dma_start3A_18] : memref<32x384xf32, #tpu.memory_space<hbm>> -> memref<2x384xf32, #tpu.memory_space<hbm>>
    tpu.enqueue_dma source(%dma_start3A_19 : memref<2x384xf32, #tpu.memory_space<hbm>>) target(%dma_start3A_17 : memref<2x384xf32, #tpu.memory_space<vmem>>) target_semaphore(%arg8 : memref<!tpu.dma_semaphore, #tpu.memory_space<semaphore_mem>>)
    tpu.wait_dma2 semaphore(%arg8 : memref<!tpu.dma_semaphore, #tpu.memory_space<semaphore_mem>>) src(%arg2 : memref<16xf32, #tpu.memory_space<hbm>>) dst(%arg6 : memref<16xf32, #tpu.memory_space<vmem>>)
    %dma_wait3A = arith.constant 0 : i32
    %dma_wait3A_20 = arith.constant 0 : i32
    %dma_wait3A_21 = tpu.memref_slice %arg7[%dma_wait3A, %dma_wait3A_20] : memref<4x384xf32, #tpu.memory_space<vmem>> -> memref<2x384xf32, #tpu.memory_space<vmem>>
    %dma_wait3A_22 = arith.constant 0 : i32
    %dma_wait3A_23 = tpu.memref_slice %arg3[%mul3A_0, %dma_wait3A_22] : memref<32x384xf32, #tpu.memory_space<hbm>> -> memref<2x384xf32, #tpu.memory_space<hbm>>
    %dma_wait3A_24 = arith.constant 0 : i32
    %dma_wait3A_25 = arith.constant 0 : i32
    %dma_wait3A_26 = tpu.memref_slice %arg7[%dma_wait3A_24, %dma_wait3A_25] : memref<4x384xf32, #tpu.memory_space<vmem>> -> memref<2x384xf32, #tpu.memory_space<vmem>>
    %dma_wait3A_27 = arith.constant 0 : i32
    %dma_wait3A_28 = tpu.memref_slice %arg3[%mul3A_0, %dma_wait3A_27] : memref<32x384xf32, #tpu.memory_space<hbm>> -> memref<2x384xf32, #tpu.memory_space<hbm>>
    tpu.wait_dma2 semaphore(%arg8 : memref<!tpu.dma_semaphore, #tpu.memory_space<semaphore_mem>>) src(%dma_wait3A_28 : memref<2x384xf32, #tpu.memory_space<hbm>>) dst(%dma_wait3A_26 : memref<2x384xf32, #tpu.memory_space<vmem>>)
    %dma_wait3A_29 = arith.constant 2 : i32
    %dma_wait3A_30 = arith.constant 0 : i32
    %dma_wait3A_31 = tpu.memref_slice %arg7[%dma_wait3A_29, %dma_wait3A_30] : memref<4x384xf32, #tpu.memory_space<vmem>> -> memref<2x384xf32, #tpu.memory_space<vmem>>
    %dma_wait3A_32 = arith.constant 0 : i32
    %dma_wait3A_33 = tpu.memref_slice %arg4[%mul3A_0, %dma_wait3A_32] : memref<32x384xf32, #tpu.memory_space<hbm>> -> memref<2x384xf32, #tpu.memory_space<hbm>>
    %dma_wait3A_34 = arith.constant 2 : i32
    %dma_wait3A_35 = arith.constant 0 : i32
    %dma_wait3A_36 = tpu.memref_slice %arg7[%dma_wait3A_34, %dma_wait3A_35] : memref<4x384xf32, #tpu.memory_space<vmem>> -> memref<2x384xf32, #tpu.memory_space<vmem>>
    %dma_wait3A_37 = arith.constant 0 : i32
    %dma_wait3A_38 = tpu.memref_slice %arg4[%mul3A_0, %dma_wait3A_37] : memref<32x384xf32, #tpu.memory_space<hbm>> -> memref<2x384xf32, #tpu.memory_space<hbm>>
    tpu.wait_dma2 semaphore(%arg8 : memref<!tpu.dma_semaphore, #tpu.memory_space<semaphore_mem>>) src(%dma_wait3A_38 : memref<2x384xf32, #tpu.memory_space<hbm>>) dst(%dma_wait3A_36 : memref<2x384xf32, #tpu.memory_space<vmem>>)
    %get3A = arith.constant 0 : index
    %get3A_39 = tpu.vector_load %arg6[%get3A] {strides = array<i32>} : memref<16xf32, #tpu.memory_space<vmem>>, vector<16xf32>,
    %get3A_40 = vector.shape_cast %get3A_39 : vector<16xf32> to vector<16xf32>
    %get3A_41 = arith.constant 0 : i32
    %get3A_42 = arith.index_cast %get3A_41 : i32 to index
    %get3A_43 = arith.constant 0 : index
    %get3A_44 = tpu.vector_load %arg7[%get3A_42, %get3A_43] {strides = array<i32>} : memref<4x384xf32, #tpu.memory_space<vmem>>, vector<1x16xf32>,
    %get3A_45 = vector.shape_cast %get3A_44 : vector<1x16xf32> to vector<16xf32>
    %mul3A_46 = arith.mulf %get3A_45, %get3A_40 : vector<16xf32>
    %swap3A = arith.constant 0 : i32
    %swap3A_47 = arith.index_cast %swap3A : i32 to index
    %swap3A_48 = arith.constant 0 : index
    %swap3A_49 = tpu.vector_load %arg7[%swap3A_47, %swap3A_48] {strides = array<i32>} : memref<4x384xf32, #tpu.memory_space<vmem>>, vector<1x16xf32>,
    %swap3A_50 = vector.shape_cast %swap3A_49 : vector<1x16xf32> to vector<16xf32>
    %swap3A_51 = vector.shape_cast %mul3A_46 : vector<16xf32> to vector<1x16xf32>
    tpu.vector_store %arg7[%swap3A_47, %swap3A_48], %swap3A_51 {strides = array<i32>} : memref<4x384xf32, #tpu.memory_space<vmem>>, vector<1x16xf32>,
    %get3A_52 = arith.constant 0 : i32
    %get3A_53 = arith.index_cast %get3A_52 : i32 to index
    %get3A_54 = arith.constant 16 : index
    %get3A_55 = tpu.vector_load %arg7[%get3A_53, %get3A_54] {strides = array<i32>} : memref<4x384xf32, #tpu.memory_space<vmem>>, vector<1x16xf32>,
    %get3A_56 = vector.shape_cast %get3A_55 : vector<1x16xf32> to vector<16xf32>
    %mul3A_57 = arith.mulf %get3A_56, %get3A_40 : vector<16xf32>
    %swap3A_58 = arith.constant 0 : i32
    %swap3A_59 = arith.index_cast %swap3A_58 : i32 to index
    %swap3A_60 = arith.constant 16 : index
    %swap3A_61 = tpu.vector_load %arg7[%swap3A_59, %swap3A_60] {strides = array<i32>} : memref<4x384xf32, #tpu.memory_space<vmem>>, vector<1x16xf32>,
    %swap3A_62 = vector.shape_cast %swap3A_61 : vector<1x16xf32> to vector<16xf32>
    %swap3A_63 = vector.shape_cast %mul3A_57 : vector<16xf32> to vector<1x16xf32>
    tpu.vector_store %arg7[%swap3A_59, %swap3A_60], %swap3A_63 {strides = array<i32>} : memref<4x384xf32, #tpu.memory_space<vmem>>, vector<1x16xf32>,
    %get3A_64 = arith.constant 0 : i32
    %get3A_65 = arith.index_cast %get3A_64 : i32 to index
    %get3A_66 = arith.constant 32 : index
    %get3A_67 = tpu.vector_load %arg7[%get3A_65, %get3A_66] {strides = array<i32>} : memref<4x384xf32, #tpu.memory_space<vmem>>, vector<1x16xf32>,
    %get3A_68 = vector.shape_cast %get3A_67 : vector<1x16xf32> to vector<16xf32>
    %mul3A_69 = arith.mulf %get3A_68, %get3A_40 : vector<16xf32>
    %swap3A_70 = arith.constant 0 : i32
    %swap3A_71 = arith.index_cast %swap3A_70 : i32 to index
    %swap3A_72 = arith.constant 32 : index
    %swap3A_73 = tpu.vector_load %arg7[%swap3A_71, %swap3A_72] {strides = array<i32>} : memref<4x384xf32, #tpu.memory_space<vmem>>, vector<1x16xf32>,
    %swap3A_74 = vector.shape_cast %swap3A_73 : vector<1x16xf32> to vector<16xf32>
    %swap3A_75 = vector.shape_cast %mul3A_69 : vector<16xf32> to vector<1x16xf32>
    tpu.vector_store %arg7[%swap3A_71, %swap3A_72], %swap3A_75 {strides = array<i32>} : memref<4x384xf32, #tpu.memory_space<vmem>>, vector<1x16xf32>,
    %get3A_76 = arith.constant 0 : i32
    %get3A_77 = arith.index_cast %get3A_76 : i32 to index
    %get3A_78 = arith.constant 48 : index
    %get3A_79 = tpu.vector_load %arg7[%get3A_77, %get3A_78] {strides = array<i32>} : memref<4x384xf32, #tpu.memory_space<vmem>>, vector<1x16xf32>,
    %get3A_80 = vector.shape_cast %get3A_79 : vector<1x16xf32> to vector<16xf32>
    %mul3A_81 = arith.mulf %get3A_80, %get3A_40 : vector<16xf32>
    %swap3A_82 = arith.constant 0 : i32
    %swap3A_83 = arith.index_cast %swap3A_82 : i32 to index
    %swap3A_84 = arith.constant 48 : index
    %swap3A_85 = tpu.vector_load %arg7[%swap3A_83, %swap3A_84] {strides = array<i32>} : memref<4x384xf32, #tpu.memory_space<vmem>>, vector<1x16xf32>,
    %swap3A_86 = vector.shape_cast %swap3A_85 : vector<1x16xf32> to vector<16xf32>
    %swap3A_87 = vector.shape_cast %mul3A_81 : vector<16xf32> to vector<1x16xf32>
    tpu.vector_store %arg7[%swap3A_83, %swap3A_84], %swap3A_87 {strides = array<i32>} : memref<4x384xf32, #tpu.memory_space<vmem>>, vector<1x16xf32>,
    %get3A_88 = arith.constant 0 : i32
    %get3A_89 = arith.index_cast %get3A_88 : i32 to index
    %get3A_90 = arith.constant 64 : index
    %get3A_91 = tpu.vector_load %arg7[%get3A_89, %get3A_90] {strides = array<i32>} : memref<4x384xf32, #tpu.memory_space<vmem>>, vector<1x16xf32>,
    %get3A_92 = vector.shape_cast %get3A_91 : vector<1x16xf32> to vector<16xf32>
    %mul3A_93 = arith.mulf %get3A_92, %get3A_40 : vector<16xf32>
    %swap3A_94 = arith.constant 0 : i32
    %swap3A_95 = arith.index_cast %swap3A_94 : i32 to index
    %swap3A_96 = arith.constant 64 : index
    %swap3A_97 = tpu.vector_load %arg7[%swap3A_95, %swap3A_96] {strides = array<i32>} : memref<4x384xf32, #tpu.memory_space<vmem>>, vector<1x16xf32>,
    %swap3A_98 = vector.shape_cast %swap3A_97 : vector<1x16xf32> to vector<16xf32>
    %swap3A_99 = vector.shape_cast %mul3A_93 : vector<16xf32> to vector<1x16xf32>
    tpu.vector_store %arg7[%swap3A_95, %swap3A_96], %swap3A_99 {strides = array<i32>} : memref<4x384xf32, #tpu.memory_space<vmem>>, vector<1x16xf32>,
    %get3A_100 = arith.constant 0 : i32
    %get3A_101 = arith.index_cast %get3A_100 : i32 to index
    %get3A_102 = arith.constant 80 : index
    %get3A_103 = tpu.vector_load %arg7[%get3A_101, %get3A_102] {strides = array<i32>} : memref<4x384xf32, #tpu.memory_space<vmem>>, vector<1x16xf32>,
    %get3A_104 = vector.shape_cast %get3A_103 : vector<1x16xf32> to vector<16xf32>
    %mul3A_105 = arith.mulf %get3A_104, %get3A_40 : vector<16xf32>
    %swap3A_106 = arith.constant 0 : i32
    %swap3A_107 = arith.index_cast %swap3A_106 : i32 to index
    %swap3A_108 = arith.constant 80 : index
    %swap3A_109 = tpu.vector_load %arg7[%swap3A_107, %swap3A_108] {strides = array<i32>} : memref<4x384xf32, #tpu.memory_space<vmem>>, vector<1x16xf32>,
    %swap3A_110 = vector.shape_cast %swap3A_109 : vector<1x16xf32> to vector<16xf32>
    %swap3A_111 = vector.shape_cast %mul3A_105 : vector<16xf32> to vector<1x16xf32>
    tpu.vector_store %arg7[%swap3A_107, %swap3A_108], %swap3A_111 {strides = array<i32>} : memref<4x384xf32, #tpu.memory_space<vmem>>, vector<1x16xf32>,
    %get3A_112 = arith.constant 0 : i32
    %get3A_113 = arith.index_cast %get3A_112 : i32 to index
    %get3A_114 = arith.constant 96 : index
    %get3A_115 = tpu.vector_load %arg7[%get3A_113, %get3A_114] {strides = array<i32>} : memref<4x384xf32, #tpu.memory_space<vmem>>, vector<1x16xf32>,
    %get3A_116 = vector.shape_cast %get3A_115 : vector<1x16xf32> to vector<16xf32>
    %mul3A_117 = arith.mulf %get3A_116, %get3A_40 : vector<16xf32>
    %swap3A_118 = arith.constant 0 : i32
    %swap3A_119 = arith.index_cast %swap3A_118 : i32 to index
    %swap3A_120 = arith.constant 96 : index
    %swap3A_121 = tpu.vector_load %arg7[%swap3A_119, %swap3A_120] {strides = array<i32>} : memref<4x384xf32, #tpu.memory_space<vmem>>, vector<1x16xf32>,
    %swap3A_122 = vector.shape_cast %swap3A_121 : vector<1x16xf32> to vector<16xf32>
    %swap3A_123 = vector.shape_cast %mul3A_117 : vector<16xf32> to vector<1x16xf32>
    tpu.vector_store %arg7[%swap3A_119, %swap3A_120], %swap3A_123 {strides = array<i32>} : memref<4x384xf32, #tpu.memory_space<vmem>>, vector<1x16xf32>,
    %get3A_124 = arith.constant 0 : i32
    %get3A_125 = arith.index_cast %get3A_124 : i32 to index
    %get3A_126 = arith.constant 112 : index
    %get3A_127 = tpu.vector_load %arg7[%get3A_125, %get3A_126] {strides = array<i32>} : memref<4x384xf32, #tpu.memory_space<vmem>>, vector<1x16xf32>,
    %get3A_128 = vector.shape_cast %get3A_127 : vector<1x16xf32> to vector<16xf32>
    %mul3A_129 = arith.mulf %get3A_128, %get3A_40 : vector<16xf32>
    %swap3A_130 = arith.constant 0 : i32
    %swap3A_131 = arith.index_cast %swap3A_130 : i32 to index
    %swap3A_132 = arith.constant 112 : index
    %swap3A_133 = tpu.vector_load %arg7[%swap3A_131, %swap3A_132] {strides = array<i32>} : memref<4x384xf32, #tpu.memory_space<vmem>>, vector<1x16xf32>,
    %swap3A_134 = vector.shape_cast %swap3A_133 : vector<1x16xf32> to vector<16xf32>
    %swap3A_135 = vector.shape_cast %mul3A_129 : vector<16xf32> to vector<1x16xf32>
    tpu.vector_store %arg7[%swap3A_131, %swap3A_132], %swap3A_135 {strides = array<i32>} : memref<4x384xf32, #tpu.memory_space<vmem>>, vector<1x16xf32>,
    %get3A_136 = arith.constant 0 : i32
    %get3A_137 = arith.index_cast %get3A_136 : i32 to index
    %get3A_138 = arith.constant 128 : index
    %get3A_139 = tpu.vector_load %arg7[%get3A_137, %get3A_138] {strides = array<i32>} : memref<4x384xf32, #tpu.memory_space<vmem>>, vector<1x16xf32>,
    %get3A_140 = vector.shape_cast %get3A_139 : vector<1x16xf32> to vector<16xf32>
    %mul3A_141 = arith.mulf %get3A_140, %get3A_40 : vector<16xf32>
    %swap3A_142 = arith.constant 0 : i32
    %swap3A_143 = arith.index_cast %swap3A_142 : i32 to index
    %swap3A_144 = arith.constant 128 : index
    %swap3A_145 = tpu.vector_load %arg7[%swap3A_143, %swap3A_144] {strides = array<i32>} : memref<4x384xf32, #tpu.memory_space<vmem>>, vector<1x16xf32>,
    %swap3A_146 = vector.shape_cast %swap3A_145 : vector<1x16xf32> to vector<16xf32>
    %swap3A_147 = vector.shape_cast %mul3A_141 : vector<16xf32> to vector<1x16xf32>
    tpu.vector_store %arg7[%swap3A_143, %swap3A_144], %swap3A_147 {strides = array<i32>} : memref<4x384xf32, #tpu.memory_space<vmem>>, vector<1x16xf32>,
    %get3A_148 = arith.constant 0 : i32
    %get3A_149 = arith.index_cast %get3A_148 : i32 to index
    %get3A_150 = arith.constant 144 : index
    %get3A_151 = tpu.vector_load %arg7[%get3A_149, %get3A_150] {strides = array<i32>} : memref<4x384xf32, #tpu.memory_space<vmem>>, vector<1x16xf32>,
    %get3A_152 = vector.shape_cast %get3A_151 : vector<1x16xf32> to vector<16xf32>
    %mul3A_153 = arith.mulf %get3A_152, %get3A_40 : vector<16xf32>
    %swap3A_154 = arith.constant 0 : i32
    %swap3A_155 = arith.index_cast %swap3A_154 : i32 to index
    %swap3A_156 = arith.constant 144 : index
    %swap3A_157 = tpu.vector_load %arg7[%swap3A_155, %swap3A_156] {strides = array<i32>} : memref<4x384xf32, #tpu.memory_space<vmem>>, vector<1x16xf32>,
    %swap3A_158 = vector.shape_cast %swap3A_157 : vector<1x16xf32> to vector<16xf32>
    %swap3A_159 = vector.shape_cast %mul3A_153 : vector<16xf32> to vector<1x16xf32>
    tpu.vector_store %arg7[%swap3A_155, %swap3A_156], %swap3A_159 {strides = array<i32>} : memref<4x384xf32, #tpu.memory_space<vmem>>, vector<1x16xf32>,
    %get3A_160 = arith.constant 0 : i32
    %get3A_161 = arith.index_cast %get3A_160 : i32 to index
    %get3A_162 = arith.constant 160 : index
    %get3A_163 = tpu.vector_load %arg7[%get3A_161, %get3A_162] {strides = array<i32>} : memref<4x384xf32, #tpu.memory_space<vmem>>, vector<1x16xf32>,
    %get3A_164 = vector.shape_cast %get3A_163 : vector<1x16xf32> to vector<16xf32>
    %mul3A_165 = arith.mulf %get3A_164, %get3A_40 : vector<16xf32>
    %swap3A_166 = arith.constant 0 : i32
    %swap3A_167 = arith.index_cast %swap3A_166 : i32 to index
    %swap3A_168 = arith.constant 160 : index
    %swap3A_169 = tpu.vector_load %arg7[%swap3A_167, %swap3A_168] {strides = array<i32>} : memref<4x384xf32, #tpu.memory_space<vmem>>, vector<1x16xf32>,
    %swap3A_170 = vector.shape_cast %swap3A_169 : vector<1x16xf32> to vector<16xf32>
    %swap3A_171 = vector.shape_cast %mul3A_165 : vector<16xf32> to vector<1x16xf32>
    tpu.vector_store %arg7[%swap3A_167, %swap3A_168], %swap3A_171 {strides = array<i32>} : memref<4x384xf32, #tpu.memory_space<vmem>>, vector<1x16xf32>,
    %get3A_172 = arith.constant 0 : i32
    %get3A_173 = arith.index_cast %get3A_172 : i32 to index
    %get3A_174 = arith.constant 176 : index
    %get3A_175 = tpu.vector_load %arg7[%get3A_173, %get3A_174] {strides = array<i32>} : memref<4x384xf32, #tpu.memory_space<vmem>>, vector<1x16xf32>,
    %get3A_176 = vector.shape_cast %get3A_175 : vector<1x16xf32> to vector<16xf32>
    %mul3A_177 = arith.mulf %get3A_176, %get3A_40 : vector<16xf32>
    %swap3A_178 = arith.constant 0 : i32
    %swap3A_179 = arith.index_cast %swap3A_178 : i32 to index
    %swap3A_180 = arith.constant 176 : index
    %swap3A_181 = tpu.vector_load %arg7[%swap3A_179, %swap3A_180] {strides = array<i32>} : memref<4x384xf32, #tpu.memory_space<vmem>>, vector<1x16xf32>,
    %swap3A_182 = vector.shape_cast %swap3A_181 : vector<1x16xf32> to vector<16xf32>
    %swap3A_183 = vector.shape_cast %mul3A_177 : vector<16xf32> to vector<1x16xf32>
    tpu.vector_store %arg7[%swap3A_179, %swap3A_180], %swap3A_183 {strides = array<i32>} : memref<4x384xf32, #tpu.memory_space<vmem>>, vector<1x16xf32>,
    %get3A_184 = arith.constant 0 : i32
    %get3A_185 = arith.index_cast %get3A_184 : i32 to index
    %get3A_186 = arith.constant 192 : index
    %get3A_187 = tpu.vector_load %arg7[%get3A_185, %get3A_186] {strides = array<i32>} : memref<4x384xf32, #tpu.memory_space<vmem>>, vector<1x16xf32>,
    %get3A_188 = vector.shape_cast %get3A_187 : vector<1x16xf32> to vector<16xf32>
    %mul3A_189 = arith.mulf %get3A_188, %get3A_40 : vector<16xf32>
    %swap3A_190 = arith.constant 0 : i32
    %swap3A_191 = arith.index_cast %swap3A_190 : i32 to index
    %swap3A_192 = arith.constant 192 : index
    %swap3A_193 = tpu.vector_load %arg7[%swap3A_191, %swap3A_192] {strides = array<i32>} : memref<4x384xf32, #tpu.memory_space<vmem>>, vector<1x16xf32>,
    %swap3A_194 = vector.shape_cast %swap3A_193 : vector<1x16xf32> to vector<16xf32>
    %swap3A_195 = vector.shape_cast %mul3A_189 : vector<16xf32> to vector<1x16xf32>
    tpu.vector_store %arg7[%swap3A_191, %swap3A_192], %swap3A_195 {strides = array<i32>} : memref<4x384xf32, #tpu.memory_space<vmem>>, vector<1x16xf32>,
    %get3A_196 = arith.constant 0 : i32
    %get3A_197 = arith.index_cast %get3A_196 : i32 to index
    %get3A_198 = arith.constant 208 : index
    %get3A_199 = tpu.vector_load %arg7[%get3A_197, %get3A_198] {strides = array<i32>} : memref<4x384xf32, #tpu.memory_space<vmem>>, vector<1x16xf32>,
    %get3A_200 = vector.shape_cast %get3A_199 : vector<1x16xf32> to vector<16xf32>
    %mul3A_201 = arith.mulf %get3A_200, %get3A_40 : vector<16xf32>
    %swap3A_202 = arith.constant 0 : i32
    %swap3A_203 = arith.index_cast %swap3A_202 : i32 to index
    %swap3A_204 = arith.constant 208 : index
    %swap3A_205 = tpu.vector_load %arg7[%swap3A_203, %swap3A_204] {strides = array<i32>} : memref<4x384xf32, #tpu.memory_space<vmem>>, vector<1x16xf32>,
    %swap3A_206 = vector.shape_cast %swap3A_205 : vector<1x16xf32> to vector<16xf32>
    %swap3A_207 = vector.shape_cast %mul3A_201 : vector<16xf32> to vector<1x16xf32>
    tpu.vector_store %arg7[%swap3A_203, %swap3A_204], %swap3A_207 {strides = array<i32>} : memref<4x384xf32, #tpu.memory_space<vmem>>, vector<1x16xf32>,
    %get3A_208 = arith.constant 0 : i32
    %get3A_209 = arith.index_cast %get3A_208 : i32 to index
    %get3A_210 = arith.constant 224 : index
    %get3A_211 = tpu.vector_load %arg7[%get3A_209, %get3A_210] {strides = array<i32>} : memref<4x384xf32, #tpu.memory_space<vmem>>, vector<1x16xf32>,
    %get3A_212 = vector.shape_cast %get3A_211 : vector<1x16xf32> to vector<16xf32>
    %mul3A_213 = arith.mulf %get3A_212, %get3A_40 : vector<16xf32>
    %swap3A_214 = arith.constant 0 : i32
    %swap3A_215 = arith.index_cast %swap3A_214 : i32 to index
    %swap3A_216 = arith.constant 224 : index
    %swap3A_217 = tpu.vector_load %arg7[%swap3A_215, %swap3A_216] {strides = array<i32>} : memref<4x384xf32, #tpu.memory_space<vmem>>, vector<1x16xf32>,
    %swap3A_218 = vector.shape_cast %swap3A_217 : vector<1x16xf32> to vector<16xf32>
    %swap3A_219 = vector.shape_cast %mul3A_213 : vector<16xf32> to vector<1x16xf32>
    tpu.vector_store %arg7[%swap3A_215, %swap3A_216], %swap3A_219 {strides = array<i32>} : memref<4x384xf32, #tpu.memory_space<vmem>>, vector<1x16xf32>,
    %get3A_220 = arith.constant 0 : i32
    %get3A_221 = arith.index_cast %get3A_220 : i32 to index
    %get3A_222 = arith.constant 240 : index
    %get3A_223 = tpu.vector_load %arg7[%get3A_221, %get3A_222] {strides = array<i32>} : memref<4x384xf32, #tpu.memory_space<vmem>>, vector<1x16xf32>,
    %get3A_224 = vector.shape_cast %get3A_223 : vector<1x16xf32> to vector<16xf32>
    %mul3A_225 = arith.mulf %get3A_224, %get3A_40 : vector<16xf32>
    %swap3A_226 = arith.constant 0 : i32
    %swap3A_227 = arith.index_cast %swap3A_226 : i32 to index
    %swap3A_228 = arith.constant 240 : index
    %swap3A_229 = tpu.vector_load %arg7[%swap3A_227, %swap3A_228] {strides = array<i32>} : memref<4x384xf32, #tpu.memory_space<vmem>>, vector<1x16xf32>,
    %swap3A_230 = vector.shape_cast %swap3A_229 : vector<1x16xf32> to vector<16xf32>
    %swap3A_231 = vector.shape_cast %mul3A_225 : vector<16xf32> to vector<1x16xf32>
    tpu.vector_store %arg7[%swap3A_227, %swap3A_228], %swap3A_231 {strides = array<i32>} : memref<4x384xf32, #tpu.memory_space<vmem>>, vector<1x16xf32>,
    %get3A_232 = arith.constant 0 : i32
    %get3A_233 = arith.index_cast %get3A_232 : i32 to index
    %get3A_234 = arith.constant 256 : index
    %get3A_235 = tpu.vector_load %arg7[%get3A_233, %get3A_234] {strides = array<i32>} : memref<4x384xf32, #tpu.memory_space<vmem>>, vector<1x16xf32>,
    %get3A_236 = vector.shape_cast %get3A_235 : vector<1x16xf32> to vector<16xf32>
    %mul3A_237 = arith.mulf %get3A_236, %get3A_40 : vector<16xf32>
    %swap3A_238 = arith.constant 0 : i32
    %swap3A_239 = arith.index_cast %swap3A_238 : i32 to index
    %swap3A_240 = arith.constant 256 : index
    %swap3A_241 = tpu.vector_load %arg7[%swap3A_239, %swap3A_240] {strides = array<i32>} : memref<4x384xf32, #tpu.memory_space<vmem>>, vector<1x16xf32>,
    %swap3A_242 = vector.shape_cast %swap3A_241 : vector<1x16xf32> to vector<16xf32>
    %swap3A_243 = vector.shape_cast %mul3A_237 : vector<16xf32> to vector<1x16xf32>
    tpu.vector_store %arg7[%swap3A_239, %swap3A_240], %swap3A_243 {strides = array<i32>} : memref<4x384xf32, #tpu.memory_space<vmem>>, vector<1x16xf32>,
    %get3A_244 = arith.constant 0 : i32
    %get3A_245 = arith.index_cast %get3A_244 : i32 to index
    %get3A_246 = arith.constant 272 : index
    %get3A_247 = tpu.vector_load %arg7[%get3A_245, %get3A_246] {strides = array<i32>} : memref<4x384xf32, #tpu.memory_space<vmem>>, vector<1x16xf32>,
    %get3A_248 = vector.shape_cast %get3A_247 : vector<1x16xf32> to vector<16xf32>
    %mul3A_249 = arith.mulf %get3A_248, %get3A_40 : vector<16xf32>
    %swap3A_250 = arith.constant 0 : i32
    %swap3A_251 = arith.index_cast %swap3A_250 : i32 to index
    %swap3A_252 = arith.constant 272 : index
    %swap3A_253 = tpu.vector_load %arg7[%swap3A_251, %swap3A_252] {strides = array<i32>} : memref<4x384xf32, #tpu.memory_space<vmem>>, vector<1x16xf32>,
    %swap3A_254 = vector.shape_cast %swap3A_253 : vector<1x16xf32> to vector<16xf32>
    %swap3A_255 = vector.shape_cast %mul3A_249 : vector<16xf32> to vector<1x16xf32>
    tpu.vector_store %arg7[%swap3A_251, %swap3A_252], %swap3A_255 {strides = array<i32>} : memref<4x384xf32, #tpu.memory_space<vmem>>, vector<1x16xf32>,
    %get3A_256 = arith.constant 0 : i32
    %get3A_257 = arith.index_cast %get3A_256 : i32 to index
    %get3A_258 = arith.constant 288 : index
    %get3A_259 = tpu.vector_load %arg7[%get3A_257, %get3A_258] {strides = array<i32>} : memref<4x384xf32, #tpu.memory_space<vmem>>, vector<1x16xf32>,
    %get3A_260 = vector.shape_cast %get3A_259 : vector<1x16xf32> to vector<16xf32>
    %mul3A_261 = arith.mulf %get3A_260, %get3A_40 : vector<16xf32>
    %swap3A_262 = arith.constant 0 : i32
    %swap3A_263 = arith.index_cast %swap3A_262 : i32 to index
    %swap3A_264 = arith.constant 288 : index
    %swap3A_265 = tpu.vector_load %arg7[%swap3A_263, %swap3A_264] {strides = array<i32>} : memref<4x384xf32, #tpu.memory_space<vmem>>, vector<1x16xf32>,
    %swap3A_266 = vector.shape_cast %swap3A_265 : vector<1x16xf32> to vector<16xf32>
    %swap3A_267 = vector.shape_cast %mul3A_261 : vector<16xf32> to vector<1x16xf32>
    tpu.vector_store %arg7[%swap3A_263, %swap3A_264], %swap3A_267 {strides = array<i32>} : memref<4x384xf32, #tpu.memory_space<vmem>>, vector<1x16xf32>,
    %get3A_268 = arith.constant 0 : i32
    %get3A_269 = arith.index_cast %get3A_268 : i32 to index
    %get3A_270 = arith.constant 304 : index
    %get3A_271 = tpu.vector_load %arg7[%get3A_269, %get3A_270] {strides = array<i32>} : memref<4x384xf32, #tpu.memory_space<vmem>>, vector<1x16xf32>,
    %get3A_272 = vector.shape_cast %get3A_271 : vector<1x16xf32> to vector<16xf32>
    %mul3A_273 = arith.mulf %get3A_272, %get3A_40 : vector<16xf32>
    %swap3A_274 = arith.constant 0 : i32
    %swap3A_275 = arith.index_cast %swap3A_274 : i32 to index
    %swap3A_276 = arith.constant 304 : index
    %swap3A_277 = tpu.vector_load %arg7[%swap3A_275, %swap3A_276] {strides = array<i32>} : memref<4x384xf32, #tpu.memory_space<vmem>>, vector<1x16xf32>,
    %swap3A_278 = vector.shape_cast %swap3A_277 : vector<1x16xf32> to vector<16xf32>
    %swap3A_279 = vector.shape_cast %mul3A_273 : vector<16xf32> to vector<1x16xf32>
    tpu.vector_store %arg7[%swap3A_275, %swap3A_276], %swap3A_279 {strides = array<i32>} : memref<4x384xf32, #tpu.memory_space<vmem>>, vector<1x16xf32>,
    %get3A_280 = arith.constant 0 : i32
    %get3A_281 = arith.index_cast %get3A_280 : i32 to index
    %get3A_282 = arith.constant 320 : index
    %get3A_283 = tpu.vector_load %arg7[%get3A_281, %get3A_282] {strides = array<i32>} : memref<4x384xf32, #tpu.memory_space<vmem>>, vector<1x16xf32>,
    %get3A_284 = vector.shape_cast %get3A_283 : vector<1x16xf32> to vector<16xf32>
    %mul3A_285 = arith.mulf %get3A_284, %get3A_40 : vector<16xf32>
    %swap3A_286 = arith.constant 0 : i32
    %swap3A_287 = arith.index_cast %swap3A_286 : i32 to index
    %swap3A_288 = arith.constant 320 : index
    %swap3A_289 = tpu.vector_load %arg7[%swap3A_287, %swap3A_288] {strides = array<i32>} : memref<4x384xf32, #tpu.memory_space<vmem>>, vector<1x16xf32>,
    %swap3A_290 = vector.shape_cast %swap3A_289 : vector<1x16xf32> to vector<16xf32>
    %swap3A_291 = vector.shape_cast %mul3A_285 : vector<16xf32> to vector<1x16xf32>
    tpu.vector_store %arg7[%swap3A_287, %swap3A_288], %swap3A_291 {strides = array<i32>} : memref<4x384xf32, #tpu.memory_space<vmem>>, vector<1x16xf32>,
    %get3A_292 = arith.constant 0 : i32
    %get3A_293 = arith.index_cast %get3A_292 : i32 to index
    %get3A_294 = arith.constant 336 : index
    %get3A_295 = tpu.vector_load %arg7[%get3A_293, %get3A_294] {strides = array<i32>} : memref<4x384xf32, #tpu.memory_space<vmem>>, vector<1x16xf32>,
    %get3A_296 = vector.shape_cast %get3A_295 : vector<1x16xf32> to vector<16xf32>
    %mul3A_297 = arith.mulf %get3A_296, %get3A_40 : vector<16xf32>
    %swap3A_298 = arith.constant 0 : i32
    %swap3A_299 = arith.index_cast %swap3A_298 : i32 to index
    %swap3A_300 = arith.constant 336 : index
    %swap3A_301 = tpu.vector_load %arg7[%swap3A_299, %swap3A_300] {strides = array<i32>} : memref<4x384xf32, #tpu.memory_space<vmem>>, vector<1x16xf32>,
    %swap3A_302 = vector.shape_cast %swap3A_301 : vector<1x16xf32> to vector<16xf32>
    %swap3A_303 = vector.shape_cast %mul3A_297 : vector<16xf32> to vector<1x16xf32>
    tpu.vector_store %arg7[%swap3A_299, %swap3A_300], %swap3A_303 {strides = array<i32>} : memref<4x384xf32, #tpu.memory_space<vmem>>, vector<1x16xf32>,
    %get3A_304 = arith.constant 0 : i32
    %get3A_305 = arith.index_cast %get3A_304 : i32 to index
    %get3A_306 = arith.constant 352 : index
    %get3A_307 = tpu.vector_load %arg7[%get3A_305, %get3A_306] {strides = array<i32>} : memref<4x384xf32, #tpu.memory_space<vmem>>, vector<1x16xf32>,
    %get3A_308 = vector.shape_cast %get3A_307 : vector<1x16xf32> to vector<16xf32>
    %mul3A_309 = arith.mulf %get3A_308, %get3A_40 : vector<16xf32>
    %swap3A_310 = arith.constant 0 : i32
    %swap3A_311 = arith.index_cast %swap3A_310 : i32 to index
    %swap3A_312 = arith.constant 352 : index
    %swap3A_313 = tpu.vector_load %arg7[%swap3A_311, %swap3A_312] {strides = array<i32>} : memref<4x384xf32, #tpu.memory_space<vmem>>, vector<1x16xf32>,
    %swap3A_314 = vector.shape_cast %swap3A_313 : vector<1x16xf32> to vector<16xf32>
    %swap3A_315 = vector.shape_cast %mul3A_309 : vector<16xf32> to vector<1x16xf32>
    tpu.vector_store %arg7[%swap3A_311, %swap3A_312], %swap3A_315 {strides = array<i32>} : memref<4x384xf32, #tpu.memory_space<vmem>>, vector<1x16xf32>,
    %get3A_316 = arith.constant 0 : i32
    %get3A_317 = arith.index_cast %get3A_316 : i32 to index
    %get3A_318 = arith.constant 368 : index
    %get3A_319 = tpu.vector_load %arg7[%get3A_317, %get3A_318] {strides = array<i32>} : memref<4x384xf32, #tpu.memory_space<vmem>>, vector<1x16xf32>,
    %get3A_320 = vector.shape_cast %get3A_319 : vector<1x16xf32> to vector<16xf32>
    %mul3A_321 = arith.mulf %get3A_320, %get3A_40 : vector<16xf32>
    %swap3A_322 = arith.constant 0 : i32
    %swap3A_323 = arith.index_cast %swap3A_322 : i32 to index
    %swap3A_324 = arith.constant 368 : index
    %swap3A_325 = tpu.vector_load %arg7[%swap3A_323, %swap3A_324] {strides = array<i32>} : memref<4x384xf32, #tpu.memory_space<vmem>>, vector<1x16xf32>,
    %swap3A_326 = vector.shape_cast %swap3A_325 : vector<1x16xf32> to vector<16xf32>
    %swap3A_327 = vector.shape_cast %mul3A_321 : vector<16xf32> to vector<1x16xf32>
    tpu.vector_store %arg7[%swap3A_323, %swap3A_324], %swap3A_327 {strides = array<i32>} : memref<4x384xf32, #tpu.memory_space<vmem>>, vector<1x16xf32>,
    %get3A_328 = arith.constant 1 : i32
    %get3A_329 = arith.index_cast %get3A_328 : i32 to index
    %get3A_330 = arith.constant 0 : index
    %get3A_331 = tpu.vector_load %arg7[%get3A_329, %get3A_330] {strides = array<i32>} : memref<4x384xf32, #tpu.memory_space<vmem>>, vector<1x16xf32>,
    %get3A_332 = vector.shape_cast %get3A_331 : vector<1x16xf32> to vector<16xf32>
    %mul3A_333 = arith.mulf %get3A_332, %get3A_40 : vector<16xf32>
    %swap3A_334 = arith.constant 1 : i32
    %swap3A_335 = arith.index_cast %swap3A_334 : i32 to index
    %swap3A_336 = arith.constant 0 : index
    %swap3A_337 = tpu.vector_load %arg7[%swap3A_335, %swap3A_336] {strides = array<i32>} : memref<4x384xf32, #tpu.memory_space<vmem>>, vector<1x16xf32>,
    %swap3A_338 = vector.shape_cast %swap3A_337 : vector<1x16xf32> to vector<16xf32>
    %swap3A_339 = vector.shape_cast %mul3A_333 : vector<16xf32> to vector<1x16xf32>
    tpu.vector_store %arg7[%swap3A_335, %swap3A_336], %swap3A_339 {strides = array<i32>} : memref<4x384xf32, #tpu.memory_space<vmem>>, vector<1x16xf32>,
    %get3A_340 = arith.constant 1 : i32
    %get3A_341 = arith.index_cast %get3A_340 : i32 to index
    %get3A_342 = arith.constant 16 : index
    %get3A_343 = tpu.vector_load %arg7[%get3A_341, %get3A_342] {strides = array<i32>} : memref<4x384xf32, #tpu.memory_space<vmem>>, vector<1x16xf32>,
    %get3A_344 = vector.shape_cast %get3A_343 : vector<1x16xf32> to vector<16xf32>
    %mul3A_345 = arith.mulf %get3A_344, %get3A_40 : vector<16xf32>
    %swap3A_346 = arith.constant 1 : i32
    %swap3A_347 = arith.index_cast %swap3A_346 : i32 to index
    %swap3A_348 = arith.constant 16 : index
    %swap3A_349 = tpu.vector_load %arg7[%swap3A_347, %swap3A_348] {strides = array<i32>} : memref<4x384xf32, #tpu.memory_space<vmem>>, vector<1x16xf32>,
    %swap3A_350 = vector.shape_cast %swap3A_349 : vector<1x16xf32> to vector<16xf32>
    %swap3A_351 = vector.shape_cast %mul3A_345 : vector<16xf32> to vector<1x16xf32>
    tpu.vector_store %arg7[%swap3A_347, %swap3A_348], %swap3A_351 {strides = array<i32>} : memref<4x384xf32, #tpu.memory_space<vmem>>, vector<1x16xf32>,
    %get3A_352 = arith.constant 1 : i32
    %get3A_353 = arith.index_cast %get3A_352 : i32 to index
    %get3A_354 = arith.constant 32 : index
    %get3A_355 = tpu.vector_load %arg7[%get3A_353, %get3A_354] {strides = array<i32>} : memref<4x384xf32, #tpu.memory_space<vmem>>, vector<1x16xf32>,
    %get3A_356 = vector.shape_cast %get3A_355 : vector<1x16xf32> to vector<16xf32>
    %mul3A_357 = arith.mulf %get3A_356, %get3A_40 : vector<16xf32>
    %swap3A_358 = arith.constant 1 : i32
    %swap3A_359 = arith.index_cast %swap3A_358 : i32 to index
    %swap3A_360 = arith.constant 32 : index
    %swap3A_361 = tpu.vector_load %arg7[%swap3A_359, %swap3A_360] {strides = array<i32>} : memref<4x384xf32, #tpu.memory_space<vmem>>, vector<1x16xf32>,
    %swap3A_362 = vector.shape_cast %swap3A_361 : vector<1x16xf32> to vector<16xf32>
    %swap3A_363 = vector.shape_cast %mul3A_357 : vector<16xf32> to vector<1x16xf32>
    tpu.vector_store %arg7[%swap3A_359, %swap3A_360], %swap3A_363 {strides = array<i32>} : memref<4x384xf32, #tpu.memory_space<vmem>>, vector<1x16xf32>,
    %get3A_364 = arith.constant 1 : i32
    %get3A_365 = arith.index_cast %get3A_364 : i32 to index
    %get3A_366 = arith.constant 48 : index
    %get3A_367 = tpu.vector_load %arg7[%get3A_365, %get3A_366] {strides = array<i32>} : memref<4x384xf32, #tpu.memory_space<vmem>>, vector<1x16xf32>,
    %get3A_368 = vector.shape_cast %get3A_367 : vector<1x16xf32> to vector<16xf32>
    %mul3A_369 = arith.mulf %get3A_368, %get3A_40 : vector<16xf32>
    %swap3A_370 = arith.constant 1 : i32
    %swap3A_371 = arith.index_cast %swap3A_370 : i32 to index
    %swap3A_372 = arith.constant 48 : index
    %swap3A_373 = tpu.vector_load %arg7[%swap3A_371, %swap3A_372] {strides = array<i32>} : memref<4x384xf32, #tpu.memory_space<vmem>>, vector<1x16xf32>,
    %swap3A_374 = vector.shape_cast %swap3A_373 : vector<1x16xf32> to vector<16xf32>
    %swap3A_375 = vector.shape_cast %mul3A_369 : vector<16xf32> to vector<1x16xf32>
    tpu.vector_store %arg7[%swap3A_371, %swap3A_372], %swap3A_375 {strides = array<i32>} : memref<4x384xf32, #tpu.memory_space<vmem>>, vector<1x16xf32>,
    %get3A_376 = arith.constant 1 : i32
    %get3A_377 = arith.index_cast %get3A_376 : i32 to index
    %get3A_378 = arith.constant 64 : index
    %get3A_379 = tpu.vector_load %arg7[%get3A_377, %get3A_378] {strides = array<i32>} : memref<4x384xf32, #tpu.memory_space<vmem>>, vector<1x16xf32>,
    %get3A_380 = vector.shape_cast %get3A_379 : vector<1x16xf32> to vector<16xf32>
    %mul3A_381 = arith.mulf %get3A_380, %get3A_40 : vector<16xf32>
    %swap3A_382 = arith.constant 1 : i32
    %swap3A_383 = arith.index_cast %swap3A_382 : i32 to index
    %swap3A_384 = arith.constant 64 : index
    %swap3A_385 = tpu.vector_load %arg7[%swap3A_383, %swap3A_384] {strides = array<i32>} : memref<4x384xf32, #tpu.memory_space<vmem>>, vector<1x16xf32>,
    %swap3A_386 = vector.shape_cast %swap3A_385 : vector<1x16xf32> to vector<16xf32>
    %swap3A_387 = vector.shape_cast %mul3A_381 : vector<16xf32> to vector<1x16xf32>
    tpu.vector_store %arg7[%swap3A_383, %swap3A_384], %swap3A_387 {strides = array<i32>} : memref<4x384xf32, #tpu.memory_space<vmem>>, vector<1x16xf32>,
    %get3A_388 = arith.constant 1 : i32
    %get3A_389 = arith.index_cast %get3A_388 : i32 to index
    %get3A_390 = arith.constant 80 : index
    %get3A_391 = tpu.vector_load %arg7[%get3A_389, %get3A_390] {strides = array<i32>} : memref<4x384xf32, #tpu.memory_space<vmem>>, vector<1x16xf32>,
    %get3A_392 = vector.shape_cast %get3A_391 : vector<1x16xf32> to vector<16xf32>
    %mul3A_393 = arith.mulf %get3A_392, %get3A_40 : vector<16xf32>
    %swap3A_394 = arith.constant 1 : i32
    %swap3A_395 = arith.index_cast %swap3A_394 : i32 to index
    %swap3A_396 = arith.constant 80 : index
    %swap3A_397 = tpu.vector_load %arg7[%swap3A_395, %swap3A_396] {strides = array<i32>} : memref<4x384xf32, #tpu.memory_space<vmem>>, vector<1x16xf32>,
    %swap3A_398 = vector.shape_cast %swap3A_397 : vector<1x16xf32> to vector<16xf32>
    %swap3A_399 = vector.shape_cast %mul3A_393 : vector<16xf32> to vector<1x16xf32>
    tpu.vector_store %arg7[%swap3A_395, %swap3A_396], %swap3A_399 {strides = array<i32>} : memref<4x384xf32, #tpu.memory_space<vmem>>, vector<1x16xf32>,
    %get3A_400 = arith.constant 1 : i32
    %get3A_401 = arith.index_cast %get3A_400 : i32 to index
    %get3A_402 = arith.constant 96 : index
    %get3A_403 = tpu.vector_load %arg7[%get3A_401, %get3A_402] {strides = array<i32>} : memref<4x384xf32, #tpu.memory_space<vmem>>, vector<1x16xf32>,
    %get3A_404 = vector.shape_cast %get3A_403 : vector<1x16xf32> to vector<16xf32>
    %mul3A_405 = arith.mulf %get3A_404, %get3A_40 : vector<16xf32>
    %swap3A_406 = arith.constant 1 : i32
    %swap3A_407 = arith.index_cast %swap3A_406 : i32 to index
    %swap3A_408 = arith.constant 96 : index
    %swap3A_409 = tpu.vector_load %arg7[%swap3A_407, %swap3A_408] {strides = array<i32>} : memref<4x384xf32, #tpu.memory_space<vmem>>, vector<1x16xf32>,
    %swap3A_410 = vector.shape_cast %swap3A_409 : vector<1x16xf32> to vector<16xf32>
    %swap3A_411 = vector.shape_cast %mul3A_405 : vector<16xf32> to vector<1x16xf32>
    tpu.vector_store %arg7[%swap3A_407, %swap3A_408], %swap3A_411 {strides = array<i32>} : memref<4x384xf32, #tpu.memory_space<vmem>>, vector<1x16xf32>,
    %get3A_412 = arith.constant 1 : i32
    %get3A_413 = arith.index_cast %get3A_412 : i32 to index
    %get3A_414 = arith.constant 112 : index
    %get3A_415 = tpu.vector_load %arg7[%get3A_413, %get3A_414] {strides = array<i32>} : memref<4x384xf32, #tpu.memory_space<vmem>>, vector<1x16xf32>,
    %get3A_416 = vector.shape_cast %get3A_415 : vector<1x16xf32> to vector<16xf32>
    %mul3A_417 = arith.mulf %get3A_416, %get3A_40 : vector<16xf32>
    %swap3A_418 = arith.constant 1 : i32
    %swap3A_419 = arith.index_cast %swap3A_418 : i32 to index
    %swap3A_420 = arith.constant 112 : index
    %swap3A_421 = tpu.vector_load %arg7[%swap3A_419, %swap3A_420] {strides = array<i32>} : memref<4x384xf32, #tpu.memory_space<vmem>>, vector<1x16xf32>,
    %swap3A_422 = vector.shape_cast %swap3A_421 : vector<1x16xf32> to vector<16xf32>
    %swap3A_423 = vector.shape_cast %mul3A_417 : vector<16xf32> to vector<1x16xf32>
    tpu.vector_store %arg7[%swap3A_419, %swap3A_420], %swap3A_423 {strides = array<i32>} : memref<4x384xf32, #tpu.memory_space<vmem>>, vector<1x16xf32>,
    %get3A_424 = arith.constant 1 : i32
    %get3A_425 = arith.index_cast %get3A_424 : i32 to index
    %get3A_426 = arith.constant 128 : index
    %get3A_427 = tpu.vector_load %arg7[%get3A_425, %get3A_426] {strides = array<i32>} : memref<4x384xf32, #tpu.memory_space<vmem>>, vector<1x16xf32>,
    %get3A_428 = vector.shape_cast %get3A_427 : vector<1x16xf32> to vector<16xf32>
    %mul3A_429 = arith.mulf %get3A_428, %get3A_40 : vector<16xf32>
    %swap3A_430 = arith.constant 1 : i32
    %swap3A_431 = arith.index_cast %swap3A_430 : i32 to index
    %swap3A_432 = arith.constant 128 : index
    %swap3A_433 = tpu.vector_load %arg7[%swap3A_431, %swap3A_432] {strides = array<i32>} : memref<4x384xf32, #tpu.memory_space<vmem>>, vector<1x16xf32>,
    %swap3A_434 = vector.shape_cast %swap3A_433 : vector<1x16xf32> to vector<16xf32>
    %swap3A_435 = vector.shape_cast %mul3A_429 : vector<16xf32> to vector<1x16xf32>
    tpu.vector_store %arg7[%swap3A_431, %swap3A_432], %swap3A_435 {strides = array<i32>} : memref<4x384xf32, #tpu.memory_space<vmem>>, vector<1x16xf32>,
    %get3A_436 = arith.constant 1 : i32
    %get3A_437 = arith.index_cast %get3A_436 : i32 to index
    %get3A_438 = arith.constant 144 : index
    %get3A_439 = tpu.vector_load %arg7[%get3A_437, %get3A_438] {strides = array<i32>} : memref<4x384xf32, #tpu.memory_space<vmem>>, vector<1x16xf32>,
    %get3A_440 = vector.shape_cast %get3A_439 : vector<1x16xf32> to vector<16xf32>
    %mul3A_441 = arith.mulf %get3A_440, %get3A_40 : vector<16xf32>
    %swap3A_442 = arith.constant 1 : i32
    %swap3A_443 = arith.index_cast %swap3A_442 : i32 to index
    %swap3A_444 = arith.constant 144 : index
    %swap3A_445 = tpu.vector_load %arg7[%swap3A_443, %swap3A_444] {strides = array<i32>} : memref<4x384xf32, #tpu.memory_space<vmem>>, vector<1x16xf32>,
    %swap3A_446 = vector.shape_cast %swap3A_445 : vector<1x16xf32> to vector<16xf32>
    %swap3A_447 = vector.shape_cast %mul3A_441 : vector<16xf32> to vector<1x16xf32>
    tpu.vector_store %arg7[%swap3A_443, %swap3A_444], %swap3A_447 {strides = array<i32>} : memref<4x384xf32, #tpu.memory_space<vmem>>, vector<1x16xf32>,
    %get3A_448 = arith.constant 1 : i32
    %get3A_449 = arith.index_cast %get3A_448 : i32 to index
    %get3A_450 = arith.constant 160 : index
    %get3A_451 = tpu.vector_load %arg7[%get3A_449, %get3A_450] {strides = array<i32>} : memref<4x384xf32, #tpu.memory_space<vmem>>, vector<1x16xf32>,
    %get3A_452 = vector.shape_cast %get3A_451 : vector<1x16xf32> to vector<16xf32>
    %mul3A_453 = arith.mulf %get3A_452, %get3A_40 : vector<16xf32>
    %swap3A_454 = arith.constant 1 : i32
    %swap3A_455 = arith.index_cast %swap3A_454 : i32 to index
    %swap3A_456 = arith.constant 160 : index
    %swap3A_457 = tpu.vector_load %arg7[%swap3A_455, %swap3A_456] {strides = array<i32>} : memref<4x384xf32, #tpu.memory_space<vmem>>, vector<1x16xf32>,
    %swap3A_458 = vector.shape_cast %swap3A_457 : vector<1x16xf32> to vector<16xf32>
    %swap3A_459 = vector.shape_cast %mul3A_453 : vector<16xf32> to vector<1x16xf32>
    tpu.vector_store %arg7[%swap3A_455, %swap3A_456], %swap3A_459 {strides = array<i32>} : memref<4x384xf32, #tpu.memory_space<vmem>>, vector<1x16xf32>,
    %get3A_460 = arith.constant 1 : i32
    %get3A_461 = arith.index_cast %get3A_460 : i32 to index
    %get3A_462 = arith.constant 176 : index
    %get3A_463 = tpu.vector_load %arg7[%get3A_461, %get3A_462] {strides = array<i32>} : memref<4x384xf32, #tpu.memory_space<vmem>>, vector<1x16xf32>,
    %get3A_464 = vector.shape_cast %get3A_463 : vector<1x16xf32> to vector<16xf32>
    %mul3A_465 = arith.mulf %get3A_464, %get3A_40 : vector<16xf32>
    %swap3A_466 = arith.constant 1 : i32
    %swap3A_467 = arith.index_cast %swap3A_466 : i32 to index
    %swap3A_468 = arith.constant 176 : index
    %swap3A_469 = tpu.vector_load %arg7[%swap3A_467, %swap3A_468] {strides = array<i32>} : memref<4x384xf32, #tpu.memory_space<vmem>>, vector<1x16xf32>,
    %swap3A_470 = vector.shape_cast %swap3A_469 : vector<1x16xf32> to vector<16xf32>
    %swap3A_471 = vector.shape_cast %mul3A_465 : vector<16xf32> to vector<1x16xf32>
    tpu.vector_store %arg7[%swap3A_467, %swap3A_468], %swap3A_471 {strides = array<i32>} : memref<4x384xf32, #tpu.memory_space<vmem>>, vector<1x16xf32>,
    %get3A_472 = arith.constant 1 : i32
    %get3A_473 = arith.index_cast %get3A_472 : i32 to index
    %get3A_474 = arith.constant 192 : index
    %get3A_475 = tpu.vector_load %arg7[%get3A_473, %get3A_474] {strides = array<i32>} : memref<4x384xf32, #tpu.memory_space<vmem>>, vector<1x16xf32>,
    %get3A_476 = vector.shape_cast %get3A_475 : vector<1x16xf32> to vector<16xf32>
    %mul3A_477 = arith.mulf %get3A_476, %get3A_40 : vector<16xf32>
    %swap3A_478 = arith.constant 1 : i32
    %swap3A_479 = arith.index_cast %swap3A_478 : i32 to index
    %swap3A_480 = arith.constant 192 : index
    %swap3A_481 = tpu.vector_load %arg7[%swap3A_479, %swap3A_480] {strides = array<i32>} : memref<4x384xf32, #tpu.memory_space<vmem>>, vector<1x16xf32>,
    %swap3A_482 = vector.shape_cast %swap3A_481 : vector<1x16xf32> to vector<16xf32>
    %swap3A_483 = vector.shape_cast %mul3A_477 : vector<16xf32> to vector<1x16xf32>
    tpu.vector_store %arg7[%swap3A_479, %swap3A_480], %swap3A_483 {strides = array<i32>} : memref<4x384xf32, #tpu.memory_space<vmem>>, vector<1x16xf32>,
    %get3A_484 = arith.constant 1 : i32
    %get3A_485 = arith.index_cast %get3A_484 : i32 to index
    %get3A_486 = arith.constant 208 : index
    %get3A_487 = tpu.vector_load %arg7[%get3A_485, %get3A_486] {strides = array<i32>} : memref<4x384xf32, #tpu.memory_space<vmem>>, vector<1x16xf32>,
    %get3A_488 = vector.shape_cast %get3A_487 : vector<1x16xf32> to vector<16xf32>
    %mul3A_489 = arith.mulf %get3A_488, %get3A_40 : vector<16xf32>
    %swap3A_490 = arith.constant 1 : i32
    %swap3A_491 = arith.index_cast %swap3A_490 : i32 to index
    %swap3A_492 = arith.constant 208 : index
    %swap3A_493 = tpu.vector_load %arg7[%swap3A_491, %swap3A_492] {strides = array<i32>} : memref<4x384xf32, #tpu.memory_space<vmem>>, vector<1x16xf32>,
    %swap3A_494 = vector.shape_cast %swap3A_493 : vector<1x16xf32> to vector<16xf32>
    %swap3A_495 = vector.shape_cast %mul3A_489 : vector<16xf32> to vector<1x16xf32>
    tpu.vector_store %arg7[%swap3A_491, %swap3A_492], %swap3A_495 {strides = array<i32>} : memref<4x384xf32, #tpu.memory_space<vmem>>, vector<1x16xf32>,
    %get3A_496 = arith.constant 1 : i32
    %get3A_497 = arith.index_cast %get3A_496 : i32 to index
    %get3A_498 = arith.constant 224 : index
    %get3A_499 = tpu.vector_load %arg7[%get3A_497, %get3A_498] {strides = array<i32>} : memref<4x384xf32, #tpu.memory_space<vmem>>, vector<1x16xf32>,
    %get3A_500 = vector.shape_cast %get3A_499 : vector<1x16xf32> to vector<16xf32>
    %mul3A_501 = arith.mulf %get3A_500, %get3A_40 : vector<16xf32>
    %swap3A_502 = arith.constant 1 : i32
    %swap3A_503 = arith.index_cast %swap3A_502 : i32 to index
    %swap3A_504 = arith.constant 224 : index
    %swap3A_505 = tpu.vector_load %arg7[%swap3A_503, %swap3A_504] {strides = array<i32>} : memref<4x384xf32, #tpu.memory_space<vmem>>, vector<1x16xf32>,
    %swap3A_506 = vector.shape_cast %swap3A_505 : vector<1x16xf32> to vector<16xf32>
    %swap3A_507 = vector.shape_cast %mul3A_501 : vector<16xf32> to vector<1x16xf32>
    tpu.vector_store %arg7[%swap3A_503, %swap3A_504], %swap3A_507 {strides = array<i32>} : memref<4x384xf32, #tpu.memory_space<vmem>>, vector<1x16xf32>,
    %get3A_508 = arith.constant 1 : i32
    %get3A_509 = arith.index_cast %get3A_508 : i32 to index
    %get3A_510 = arith.constant 240 : index
    %get3A_511 = tpu.vector_load %arg7[%get3A_509, %get3A_510] {strides = array<i32>} : memref<4x384xf32, #tpu.memory_space<vmem>>, vector<1x16xf32>,
    %get3A_512 = vector.shape_cast %get3A_511 : vector<1x16xf32> to vector<16xf32>
    %mul3A_513 = arith.mulf %get3A_512, %get3A_40 : vector<16xf32>
    %swap3A_514 = arith.constant 1 : i32
    %swap3A_515 = arith.index_cast %swap3A_514 : i32 to index
    %swap3A_516 = arith.constant 240 : index
    %swap3A_517 = tpu.vector_load %arg7[%swap3A_515, %swap3A_516] {strides = array<i32>} : memref<4x384xf32, #tpu.memory_space<vmem>>, vector<1x16xf32>,
    %swap3A_518 = vector.shape_cast %swap3A_517 : vector<1x16xf32> to vector<16xf32>
    %swap3A_519 = vector.shape_cast %mul3A_513 : vector<16xf32> to vector<1x16xf32>
    tpu.vector_store %arg7[%swap3A_515, %swap3A_516], %swap3A_519 {strides = array<i32>} : memref<4x384xf32, #tpu.memory_space<vmem>>, vector<1x16xf32>,
    %get3A_520 = arith.constant 1 : i32
    %get3A_521 = arith.index_cast %get3A_520 : i32 to index
    %get3A_522 = arith.constant 256 : index
    %get3A_523 = tpu.vector_load %arg7[%get3A_521, %get3A_522] {strides = array<i32>} : memref<4x384xf32, #tpu.memory_space<vmem>>, vector<1x16xf32>,
    %get3A_524 = vector.shape_cast %get3A_523 : vector<1x16xf32> to vector<16xf32>
    %mul3A_525 = arith.mulf %get3A_524, %get3A_40 : vector<16xf32>
    %swap3A_526 = arith.constant 1 : i32
    %swap3A_527 = arith.index_cast %swap3A_526 : i32 to index
    %swap3A_528 = arith.constant 256 : index
    %swap3A_529 = tpu.vector_load %arg7[%swap3A_527, %swap3A_528] {strides = array<i32>} : memref<4x384xf32, #tpu.memory_space<vmem>>, vector<1x16xf32>,
    %swap3A_530 = vector.shape_cast %swap3A_529 : vector<1x16xf32> to vector<16xf32>
    %swap3A_531 = vector.shape_cast %mul3A_525 : vector<16xf32> to vector<1x16xf32>
    tpu.vector_store %arg7[%swap3A_527, %swap3A_528], %swap3A_531 {strides = array<i32>} : memref<4x384xf32, #tpu.memory_space<vmem>>, vector<1x16xf32>,
    %get3A_532 = arith.constant 1 : i32
    %get3A_533 = arith.index_cast %get3A_532 : i32 to index
    %get3A_534 = arith.constant 272 : index
    %get3A_535 = tpu.vector_load %arg7[%get3A_533, %get3A_534] {strides = array<i32>} : memref<4x384xf32, #tpu.memory_space<vmem>>, vector<1x16xf32>,
    %get3A_536 = vector.shape_cast %get3A_535 : vector<1x16xf32> to vector<16xf32>
    %mul3A_537 = arith.mulf %get3A_536, %get3A_40 : vector<16xf32>
    %swap3A_538 = arith.constant 1 : i32
    %swap3A_539 = arith.index_cast %swap3A_538 : i32 to index
    %swap3A_540 = arith.constant 272 : index
    %swap3A_541 = tpu.vector_load %arg7[%swap3A_539, %swap3A_540] {strides = array<i32>} : memref<4x384xf32, #tpu.memory_space<vmem>>, vector<1x16xf32>,
    %swap3A_542 = vector.shape_cast %swap3A_541 : vector<1x16xf32> to vector<16xf32>
    %swap3A_543 = vector.shape_cast %mul3A_537 : vector<16xf32> to vector<1x16xf32>
    tpu.vector_store %arg7[%swap3A_539, %swap3A_540], %swap3A_543 {strides = array<i32>} : memref<4x384xf32, #tpu.memory_space<vmem>>, vector<1x16xf32>,
    %get3A_544 = arith.constant 1 : i32
    %get3A_545 = arith.index_cast %get3A_544 : i32 to index
    %get3A_546 = arith.constant 288 : index
    %get3A_547 = tpu.vector_load %arg7[%get3A_545, %get3A_546] {strides = array<i32>} : memref<4x384xf32, #tpu.memory_space<vmem>>, vector<1x16xf32>,
    %get3A_548 = vector.shape_cast %get3A_547 : vector<1x16xf32> to vector<16xf32>
    %mul3A_549 = arith.mulf %get3A_548, %get3A_40 : vector<16xf32>
    %swap3A_550 = arith.constant 1 : i32
    %swap3A_551 = arith.index_cast %swap3A_550 : i32 to index
    %swap3A_552 = arith.constant 288 : index
    %swap3A_553 = tpu.vector_load %arg7[%swap3A_551, %swap3A_552] {strides = array<i32>} : memref<4x384xf32, #tpu.memory_space<vmem>>, vector<1x16xf32>,
    %swap3A_554 = vector.shape_cast %swap3A_553 : vector<1x16xf32> to vector<16xf32>
    %swap3A_555 = vector.shape_cast %mul3A_549 : vector<16xf32> to vector<1x16xf32>
    tpu.vector_store %arg7[%swap3A_551, %swap3A_552], %swap3A_555 {strides = array<i32>} : memref<4x384xf32, #tpu.memory_space<vmem>>, vector<1x16xf32>,
    %get3A_556 = arith.constant 1 : i32
    %get3A_557 = arith.index_cast %get3A_556 : i32 to index
    %get3A_558 = arith.constant 304 : index
    %get3A_559 = tpu.vector_load %arg7[%get3A_557, %get3A_558] {strides = array<i32>} : memref<4x384xf32, #tpu.memory_space<vmem>>, vector<1x16xf32>,
    %get3A_560 = vector.shape_cast %get3A_559 : vector<1x16xf32> to vector<16xf32>
    %mul3A_561 = arith.mulf %get3A_560, %get3A_40 : vector<16xf32>
    %swap3A_562 = arith.constant 1 : i32
    %swap3A_563 = arith.index_cast %swap3A_562 : i32 to index
    %swap3A_564 = arith.constant 304 : index
    %swap3A_565 = tpu.vector_load %arg7[%swap3A_563, %swap3A_564] {strides = array<i32>} : memref<4x384xf32, #tpu.memory_space<vmem>>, vector<1x16xf32>,
    %swap3A_566 = vector.shape_cast %swap3A_565 : vector<1x16xf32> to vector<16xf32>
    %swap3A_567 = vector.shape_cast %mul3A_561 : vector<16xf32> to vector<1x16xf32>
    tpu.vector_store %arg7[%swap3A_563, %swap3A_564], %swap3A_567 {strides = array<i32>} : memref<4x384xf32, #tpu.memory_space<vmem>>, vector<1x16xf32>,
    %get3A_568 = arith.constant 1 : i32
    %get3A_569 = arith.index_cast %get3A_568 : i32 to index
    %get3A_570 = arith.constant 320 : index
    %get3A_571 = tpu.vector_load %arg7[%get3A_569, %get3A_570] {strides = array<i32>} : memref<4x384xf32, #tpu.memory_space<vmem>>, vector<1x16xf32>,
    %get3A_572 = vector.shape_cast %get3A_571 : vector<1x16xf32> to vector<16xf32>
    %mul3A_573 = arith.mulf %get3A_572, %get3A_40 : vector<16xf32>
    %swap3A_574 = arith.constant 1 : i32
    %swap3A_575 = arith.index_cast %swap3A_574 : i32 to index
    %swap3A_576 = arith.constant 320 : index
    %swap3A_577 = tpu.vector_load %arg7[%swap3A_575, %swap3A_576] {strides = array<i32>} : memref<4x384xf32, #tpu.memory_space<vmem>>, vector<1x16xf32>,
    %swap3A_578 = vector.shape_cast %swap3A_577 : vector<1x16xf32> to vector<16xf32>
    %swap3A_579 = vector.shape_cast %mul3A_573 : vector<16xf32> to vector<1x16xf32>
    tpu.vector_store %arg7[%swap3A_575, %swap3A_576], %swap3A_579 {strides = array<i32>} : memref<4x384xf32, #tpu.memory_space<vmem>>, vector<1x16xf32>,
    %get3A_580 = arith.constant 1 : i32
    %get3A_581 = arith.index_cast %get3A_580 : i32 to index
    %get3A_582 = arith.constant 336 : index
    %get3A_583 = tpu.vector_load %arg7[%get3A_581, %get3A_582] {strides = array<i32>} : memref<4x384xf32, #tpu.memory_space<vmem>>, vector<1x16xf32>,
    %get3A_584 = vector.shape_cast %get3A_583 : vector<1x16xf32> to vector<16xf32>
    %mul3A_585 = arith.mulf %get3A_584, %get3A_40 : vector<16xf32>
    %swap3A_586 = arith.constant 1 : i32
    %swap3A_587 = arith.index_cast %swap3A_586 : i32 to index
    %swap3A_588 = arith.constant 336 : index
    %swap3A_589 = tpu.vector_load %arg7[%swap3A_587, %swap3A_588] {strides = array<i32>} : memref<4x384xf32, #tpu.memory_space<vmem>>, vector<1x16xf32>,
    %swap3A_590 = vector.shape_cast %swap3A_589 : vector<1x16xf32> to vector<16xf32>
    %swap3A_591 = vector.shape_cast %mul3A_585 : vector<16xf32> to vector<1x16xf32>
    tpu.vector_store %arg7[%swap3A_587, %swap3A_588], %swap3A_591 {strides = array<i32>} : memref<4x384xf32, #tpu.memory_space<vmem>>, vector<1x16xf32>,
    %get3A_592 = arith.constant 1 : i32
    %get3A_593 = arith.index_cast %get3A_592 : i32 to index
    %get3A_594 = arith.constant 352 : index
    %get3A_595 = tpu.vector_load %arg7[%get3A_593, %get3A_594] {strides = array<i32>} : memref<4x384xf32, #tpu.memory_space<vmem>>, vector<1x16xf32>,
    %get3A_596 = vector.shape_cast %get3A_595 : vector<1x16xf32> to vector<16xf32>
    %mul3A_597 = arith.mulf %get3A_596, %get3A_40 : vector<16xf32>
    %swap3A_598 = arith.constant 1 : i32
    %swap3A_599 = arith.index_cast %swap3A_598 : i32 to index
    %swap3A_600 = arith.constant 352 : index
    %swap3A_601 = tpu.vector_load %arg7[%swap3A_599, %swap3A_600] {strides = array<i32>} : memref<4x384xf32, #tpu.memory_space<vmem>>, vector<1x16xf32>,
    %swap3A_602 = vector.shape_cast %swap3A_601 : vector<1x16xf32> to vector<16xf32>
    %swap3A_603 = vector.shape_cast %mul3A_597 : vector<16xf32> to vector<1x16xf32>
    tpu.vector_store %arg7[%swap3A_599, %swap3A_600], %swap3A_603 {strides = array<i32>} : memref<4x384xf32, #tpu.memory_space<vmem>>, vector<1x16xf32>,
    %get3A_604 = arith.constant 1 : i32
    %get3A_605 = arith.index_cast %get3A_604 : i32 to index
    %get3A_606 = arith.constant 368 : index
    %get3A_607 = tpu.vector_load %arg7[%get3A_605, %get3A_606] {strides = array<i32>} : memref<4x384xf32, #tpu.memory_space<vmem>>, vector<1x16xf32>,
    %get3A_608 = vector.shape_cast %get3A_607 : vector<1x16xf32> to vector<16xf32>
    %mul3A_609 = arith.mulf %get3A_608, %get3A_40 : vector<16xf32>
    %swap3A_610 = arith.constant 1 : i32
    %swap3A_611 = arith.index_cast %swap3A_610 : i32 to index
    %swap3A_612 = arith.constant 368 : index
    %swap3A_613 = tpu.vector_load %arg7[%swap3A_611, %swap3A_612] {strides = array<i32>} : memref<4x384xf32, #tpu.memory_space<vmem>>, vector<1x16xf32>,
    %swap3A_614 = vector.shape_cast %swap3A_613 : vector<1x16xf32> to vector<16xf32>
    %swap3A_615 = vector.shape_cast %mul3A_609 : vector<16xf32> to vector<1x16xf32>
    tpu.vector_store %arg7[%swap3A_611, %swap3A_612], %swap3A_615 {strides = array<i32>} : memref<4x384xf32, #tpu.memory_space<vmem>>, vector<1x16xf32>,
    %get3A_616 = arith.constant 2 : i32
    %get3A_617 = arith.index_cast %get3A_616 : i32 to index
    %get3A_618 = arith.constant 0 : index
    %get3A_619 = tpu.vector_load %arg7[%get3A_617, %get3A_618] {strides = array<i32>} : memref<4x384xf32, #tpu.memory_space<vmem>>, vector<1x16xf32>,
    %get3A_620 = vector.shape_cast %get3A_619 : vector<1x16xf32> to vector<16xf32>
    %mul3A_621 = arith.mulf %get3A_620, %get3A_40 : vector<16xf32>
    %swap3A_622 = arith.constant 2 : i32
    %swap3A_623 = arith.index_cast %swap3A_622 : i32 to index
    %swap3A_624 = arith.constant 0 : index
    %swap3A_625 = tpu.vector_load %arg7[%swap3A_623, %swap3A_624] {strides = array<i32>} : memref<4x384xf32, #tpu.memory_space<vmem>>, vector<1x16xf32>,
    %swap3A_626 = vector.shape_cast %swap3A_625 : vector<1x16xf32> to vector<16xf32>
    %swap3A_627 = vector.shape_cast %mul3A_621 : vector<16xf32> to vector<1x16xf32>
    tpu.vector_store %arg7[%swap3A_623, %swap3A_624], %swap3A_627 {strides = array<i32>} : memref<4x384xf32, #tpu.memory_space<vmem>>, vector<1x16xf32>,
    %get3A_628 = arith.constant 2 : i32
    %get3A_629 = arith.index_cast %get3A_628 : i32 to index
    %get3A_630 = arith.constant 16 : index
    %get3A_631 = tpu.vector_load %arg7[%get3A_629, %get3A_630] {strides = array<i32>} : memref<4x384xf32, #tpu.memory_space<vmem>>, vector<1x16xf32>,
    %get3A_632 = vector.shape_cast %get3A_631 : vector<1x16xf32> to vector<16xf32>
    %mul3A_633 = arith.mulf %get3A_632, %get3A_40 : vector<16xf32>
    %swap3A_634 = arith.constant 2 : i32
    %swap3A_635 = arith.index_cast %swap3A_634 : i32 to index
    %swap3A_636 = arith.constant 16 : index
    %swap3A_637 = tpu.vector_load %arg7[%swap3A_635, %swap3A_636] {strides = array<i32>} : memref<4x384xf32, #tpu.memory_space<vmem>>, vector<1x16xf32>,
    %swap3A_638 = vector.shape_cast %swap3A_637 : vector<1x16xf32> to vector<16xf32>
    %swap3A_639 = vector.shape_cast %mul3A_633 : vector<16xf32> to vector<1x16xf32>
    tpu.vector_store %arg7[%swap3A_635, %swap3A_636], %swap3A_639 {strides = array<i32>} : memref<4x384xf32, #tpu.memory_space<vmem>>, vector<1x16xf32>,
    %get3A_640 = arith.constant 2 : i32
    %get3A_641 = arith.index_cast %get3A_640 : i32 to index
    %get3A_642 = arith.constant 32 : index
    %get3A_643 = tpu.vector_load %arg7[%get3A_641, %get3A_642] {strides = array<i32>} : memref<4x384xf32, #tpu.memory_space<vmem>>, vector<1x16xf32>,
    %get3A_644 = vector.shape_cast %get3A_643 : vector<1x16xf32> to vector<16xf32>
    %mul3A_645 = arith.mulf %get3A_644, %get3A_40 : vector<16xf32>
    %swap3A_646 = arith.constant 2 : i32
    %swap3A_647 = arith.index_cast %swap3A_646 : i32 to index
    %swap3A_648 = arith.constant 32 : index
    %swap3A_649 = tpu.vector_load %arg7[%swap3A_647, %swap3A_648] {strides = array<i32>} : memref<4x384xf32, #tpu.memory_space<vmem>>, vector<1x16xf32>,
    %swap3A_650 = vector.shape_cast %swap3A_649 : vector<1x16xf32> to vector<16xf32>
    %swap3A_651 = vector.shape_cast %mul3A_645 : vector<16xf32> to vector<1x16xf32>
    tpu.vector_store %arg7[%swap3A_647, %swap3A_648], %swap3A_651 {strides = array<i32>} : memref<4x384xf32, #tpu.memory_space<vmem>>, vector<1x16xf32>,
    %get3A_652 = arith.constant 2 : i32
    %get3A_653 = arith.index_cast %get3A_652 : i32 to index
    %get3A_654 = arith.constant 48 : index
    %get3A_655 = tpu.vector_load %arg7[%get3A_653, %get3A_654] {strides = array<i32>} : memref<4x384xf32, #tpu.memory_space<vmem>>, vector<1x16xf32>,
    %get3A_656 = vector.shape_cast %get3A_655 : vector<1x16xf32> to vector<16xf32>
    %mul3A_657 = arith.mulf %get3A_656, %get3A_40 : vector<16xf32>
    %swap3A_658 = arith.constant 2 : i32
    %swap3A_659 = arith.index_cast %swap3A_658 : i32 to index
    %swap3A_660 = arith.constant 48 : index
    %swap3A_661 = tpu.vector_load %arg7[%swap3A_659, %swap3A_660] {strides = array<i32>} : memref<4x384xf32, #tpu.memory_space<vmem>>, vector<1x16xf32>,
    %swap3A_662 = vector.shape_cast %swap3A_661 : vector<1x16xf32> to vector<16xf32>
    %swap3A_663 = vector.shape_cast %mul3A_657 : vector<16xf32> to vector<1x16xf32>
    tpu.vector_store %arg7[%swap3A_659, %swap3A_660], %swap3A_663 {strides = array<i32>} : memref<4x384xf32, #tpu.memory_space<vmem>>, vector<1x16xf32>,
    %get3A_664 = arith.constant 2 : i32
    %get3A_665 = arith.index_cast %get3A_664 : i32 to index
    %get3A_666 = arith.constant 64 : index
    %get3A_667 = tpu.vector_load %arg7[%get3A_665, %get3A_666] {strides = array<i32>} : memref<4x384xf32, #tpu.memory_space<vmem>>, vector<1x16xf32>,
    %get3A_668 = vector.shape_cast %get3A_667 : vector<1x16xf32> to vector<16xf32>
    %mul3A_669 = arith.mulf %get3A_668, %get3A_40 : vector<16xf32>
    %swap3A_670 = arith.constant 2 : i32
    %swap3A_671 = arith.index_cast %swap3A_670 : i32 to index
    %swap3A_672 = arith.constant 64 : index
    %swap3A_673 = tpu.vector_load %arg7[%swap3A_671, %swap3A_672] {strides = array<i32>} : memref<4x384xf32, #tpu.memory_space<vmem>>, vector<1x16xf32>,
    %swap3A_674 = vector.shape_cast %swap3A_673 : vector<1x16xf32> to vector<16xf32>
    %swap3A_675 = vector.shape_cast %mul3A_669 : vector<16xf32> to vector<1x16xf32>
    tpu.vector_store %arg7[%swap3A_671, %swap3A_672], %swap3A_675 {strides = array<i32>} : memref<4x384xf32, #tpu.memory_space<vmem>>, vector<1x16xf32>,
    %get3A_676 = arith.constant 2 : i32
    %get3A_677 = arith.index_cast %get3A_676 : i32 to index
    %get3A_678 = arith.constant 80 : index
    %get3A_679 = tpu.vector_load %arg7[%get3A_677, %get3A_678] {strides = array<i32>} : memref<4x384xf32, #tpu.memory_space<vmem>>, vector<1x16xf32>,
    %get3A_680 = vector.shape_cast %get3A_679 : vector<1x16xf32> to vector<16xf32>
    %mul3A_681 = arith.mulf %get3A_680, %get3A_40 : vector<16xf32>
    %swap3A_682 = arith.constant 2 : i32
    %swap3A_683 = arith.index_cast %swap3A_682 : i32 to index
    %swap3A_684 = arith.constant 80 : index
    %swap3A_685 = tpu.vector_load %arg7[%swap3A_683, %swap3A_684] {strides = array<i32>} : memref<4x384xf32, #tpu.memory_space<vmem>>, vector<1x16xf32>,
    %swap3A_686 = vector.shape_cast %swap3A_685 : vector<1x16xf32> to vector<16xf32>
    %swap3A_687 = vector.shape_cast %mul3A_681 : vector<16xf32> to vector<1x16xf32>
    tpu.vector_store %arg7[%swap3A_683, %swap3A_684], %swap3A_687 {strides = array<i32>} : memref<4x384xf32, #tpu.memory_space<vmem>>, vector<1x16xf32>,
    %get3A_688 = arith.constant 2 : i32
    %get3A_689 = arith.index_cast %get3A_688 : i32 to index
    %get3A_690 = arith.constant 96 : index
    %get3A_691 = tpu.vector_load %arg7[%get3A_689, %get3A_690] {strides = array<i32>} : memref<4x384xf32, #tpu.memory_space<vmem>>, vector<1x16xf32>,
    %get3A_692 = vector.shape_cast %get3A_691 : vector<1x16xf32> to vector<16xf32>
    %mul3A_693 = arith.mulf %get3A_692, %get3A_40 : vector<16xf32>
    %swap3A_694 = arith.constant 2 : i32
    %swap3A_695 = arith.index_cast %swap3A_694 : i32 to index
    %swap3A_696 = arith.constant 96 : index
    %swap3A_697 = tpu.vector_load %arg7[%swap3A_695, %swap3A_696] {strides = array<i32>} : memref<4x384xf32, #tpu.memory_space<vmem>>, vector<1x16xf32>,
    %swap3A_698 = vector.shape_cast %swap3A_697 : vector<1x16xf32> to vector<16xf32>
    %swap3A_699 = vector.shape_cast %mul3A_693 : vector<16xf32> to vector<1x16xf32>
    tpu.vector_store %arg7[%swap3A_695, %swap3A_696], %swap3A_699 {strides = array<i32>} : memref<4x384xf32, #tpu.memory_space<vmem>>, vector<1x16xf32>,
    %get3A_700 = arith.constant 2 : i32
    %get3A_701 = arith.index_cast %get3A_700 : i32 to index
    %get3A_702 = arith.constant 112 : index
    %get3A_703 = tpu.vector_load %arg7[%get3A_701, %get3A_702] {strides = array<i32>} : memref<4x384xf32, #tpu.memory_space<vmem>>, vector<1x16xf32>,
    %get3A_704 = vector.shape_cast %get3A_703 : vector<1x16xf32> to vector<16xf32>
    %mul3A_705 = arith.mulf %get3A_704, %get3A_40 : vector<16xf32>
    %swap3A_706 = arith.constant 2 : i32
    %swap3A_707 = arith.index_cast %swap3A_706 : i32 to index
    %swap3A_708 = arith.constant 112 : index
    %swap3A_709 = tpu.vector_load %arg7[%swap3A_707, %swap3A_708] {strides = array<i32>} : memref<4x384xf32, #tpu.memory_space<vmem>>, vector<1x16xf32>,
    %swap3A_710 = vector.shape_cast %swap3A_709 : vector<1x16xf32> to vector<16xf32>
    %swap3A_711 = vector.shape_cast %mul3A_705 : vector<16xf32> to vector<1x16xf32>
    tpu.vector_store %arg7[%swap3A_707, %swap3A_708], %swap3A_711 {strides = array<i32>} : memref<4x384xf32, #tpu.memory_space<vmem>>, vector<1x16xf32>,
    %get3A_712 = arith.constant 2 : i32
    %get3A_713 = arith.index_cast %get3A_712 : i32 to index
    %get3A_714 = arith.constant 128 : index
    %get3A_715 = tpu.vector_load %arg7[%get3A_713, %get3A_714] {strides = array<i32>} : memref<4x384xf32, #tpu.memory_space<vmem>>, vector<1x16xf32>,
    %get3A_716 = vector.shape_cast %get3A_715 : vector<1x16xf32> to vector<16xf32>
    %mul3A_717 = arith.mulf %get3A_716, %get3A_40 : vector<16xf32>
    %swap3A_718 = arith.constant 2 : i32
    %swap3A_719 = arith.index_cast %swap3A_718 : i32 to index
    %swap3A_720 = arith.constant 128 : index
    %swap3A_721 = tpu.vector_load %arg7[%swap3A_719, %swap3A_720] {strides = array<i32>} : memref<4x384xf32, #tpu.memory_space<vmem>>, vector<1x16xf32>,
    %swap3A_722 = vector.shape_cast %swap3A_721 : vector<1x16xf32> to vector<16xf32>
    %swap3A_723 = vector.shape_cast %mul3A_717 : vector<16xf32> to vector<1x16xf32>
    tpu.vector_store %arg7[%swap3A_719, %swap3A_720], %swap3A_723 {strides = array<i32>} : memref<4x384xf32, #tpu.memory_space<vmem>>, vector<1x16xf32>,
    %get3A_724 = arith.constant 2 : i32
    %get3A_725 = arith.index_cast %get3A_724 : i32 to index
    %get3A_726 = arith.constant 144 : index
    %get3A_727 = tpu.vector_load %arg7[%get3A_725, %get3A_726] {strides = array<i32>} : memref<4x384xf32, #tpu.memory_space<vmem>>, vector<1x16xf32>,
    %get3A_728 = vector.shape_cast %get3A_727 : vector<1x16xf32> to vector<16xf32>
    %mul3A_729 = arith.mulf %get3A_728, %get3A_40 : vector<16xf32>
    %swap3A_730 = arith.constant 2 : i32
    %swap3A_731 = arith.index_cast %swap3A_730 : i32 to index
    %swap3A_732 = arith.constant 144 : index
    %swap3A_733 = tpu.vector_load %arg7[%swap3A_731, %swap3A_732] {strides = array<i32>} : memref<4x384xf32, #tpu.memory_space<vmem>>, vector<1x16xf32>,
    %swap3A_734 = vector.shape_cast %swap3A_733 : vector<1x16xf32> to vector<16xf32>
    %swap3A_735 = vector.shape_cast %mul3A_729 : vector<16xf32> to vector<1x16xf32>
    tpu.vector_store %arg7[%swap3A_731, %swap3A_732], %swap3A_735 {strides = array<i32>} : memref<4x384xf32, #tpu.memory_space<vmem>>, vector<1x16xf32>,
    %get3A_736 = arith.constant 2 : i32
    %get3A_737 = arith.index_cast %get3A_736 : i32 to index
    %get3A_738 = arith.constant 160 : index
    %get3A_739 = tpu.vector_load %arg7[%get3A_737, %get3A_738] {strides = array<i32>} : memref<4x384xf32, #tpu.memory_space<vmem>>, vector<1x16xf32>,
    %get3A_740 = vector.shape_cast %get3A_739 : vector<1x16xf32> to vector<16xf32>
    %mul3A_741 = arith.mulf %get3A_740, %get3A_40 : vector<16xf32>
    %swap3A_742 = arith.constant 2 : i32
    %swap3A_743 = arith.index_cast %swap3A_742 : i32 to index
    %swap3A_744 = arith.constant 160 : index
    %swap3A_745 = tpu.vector_load %arg7[%swap3A_743, %swap3A_744] {strides = array<i32>} : memref<4x384xf32, #tpu.memory_space<vmem>>, vector<1x16xf32>,
    %swap3A_746 = vector.shape_cast %swap3A_745 : vector<1x16xf32> to vector<16xf32>
    %swap3A_747 = vector.shape_cast %mul3A_741 : vector<16xf32> to vector<1x16xf32>
    tpu.vector_store %arg7[%swap3A_743, %swap3A_744], %swap3A_747 {strides = array<i32>} : memref<4x384xf32, #tpu.memory_space<vmem>>, vector<1x16xf32>,
    %get3A_748 = arith.constant 2 : i32
    %get3A_749 = arith.index_cast %get3A_748 : i32 to index
    %get3A_750 = arith.constant 176 : index
    %get3A_751 = tpu.vector_load %arg7[%get3A_749, %get3A_750] {strides = array<i32>} : memref<4x384xf32, #tpu.memory_space<vmem>>, vector<1x16xf32>,
    %get3A_752 = vector.shape_cast %get3A_751 : vector<1x16xf32> to vector<16xf32>
    %mul3A_753 = arith.mulf %get3A_752, %get3A_40 : vector<16xf32>
    %swap3A_754 = arith.constant 2 : i32
    %swap3A_755 = arith.index_cast %swap3A_754 : i32 to index
    %swap3A_756 = arith.constant 176 : index
    %swap3A_757 = tpu.vector_load %arg7[%swap3A_755, %swap3A_756] {strides = array<i32>} : memref<4x384xf32, #tpu.memory_space<vmem>>, vector<1x16xf32>,
    %swap3A_758 = vector.shape_cast %swap3A_757 : vector<1x16xf32> to vector<16xf32>
    %swap3A_759 = vector.shape_cast %mul3A_753 : vector<16xf32> to vector<1x16xf32>
    tpu.vector_store %arg7[%swap3A_755, %swap3A_756], %swap3A_759 {strides = array<i32>} : memref<4x384xf32, #tpu.memory_space<vmem>>, vector<1x16xf32>,
    %get3A_760 = arith.constant 2 : i32
    %get3A_761 = arith.index_cast %get3A_760 : i32 to index
    %get3A_762 = arith.constant 192 : index
    %get3A_763 = tpu.vector_load %arg7[%get3A_761, %get3A_762] {strides = array<i32>} : memref<4x384xf32, #tpu.memory_space<vmem>>, vector<1x16xf32>,
    %get3A_764 = vector.shape_cast %get3A_763 : vector<1x16xf32> to vector<16xf32>
    %mul3A_765 = arith.mulf %get3A_764, %get3A_40 : vector<16xf32>
    %swap3A_766 = arith.constant 2 : i32
    %swap3A_767 = arith.index_cast %swap3A_766 : i32 to index
    %swap3A_768 = arith.constant 192 : index
    %swap3A_769 = tpu.vector_load %arg7[%swap3A_767, %swap3A_768] {strides = array<i32>} : memref<4x384xf32, #tpu.memory_space<vmem>>, vector<1x16xf32>,
    %swap3A_770 = vector.shape_cast %swap3A_769 : vector<1x16xf32> to vector<16xf32>
    %swap3A_771 = vector.shape_cast %mul3A_765 : vector<16xf32> to vector<1x16xf32>
    tpu.vector_store %arg7[%swap3A_767, %swap3A_768], %swap3A_771 {strides = array<i32>} : memref<4x384xf32, #tpu.memory_space<vmem>>, vector<1x16xf32>,
    %get3A_772 = arith.constant 2 : i32
    %get3A_773 = arith.index_cast %get3A_772 : i32 to index
    %get3A_774 = arith.constant 208 : index
    %get3A_775 = tpu.vector_load %arg7[%get3A_773, %get3A_774] {strides = array<i32>} : memref<4x384xf32, #tpu.memory_space<vmem>>, vector<1x16xf32>,
    %get3A_776 = vector.shape_cast %get3A_775 : vector<1x16xf32> to vector<16xf32>
    %mul3A_777 = arith.mulf %get3A_776, %get3A_40 : vector<16xf32>
    %swap3A_778 = arith.constant 2 : i32
    %swap3A_779 = arith.index_cast %swap3A_778 : i32 to index
    %swap3A_780 = arith.constant 208 : index
    %swap3A_781 = tpu.vector_load %arg7[%swap3A_779, %swap3A_780] {strides = array<i32>} : memref<4x384xf32, #tpu.memory_space<vmem>>, vector<1x16xf32>,
    %swap3A_782 = vector.shape_cast %swap3A_781 : vector<1x16xf32> to vector<16xf32>
    %swap3A_783 = vector.shape_cast %mul3A_777 : vector<16xf32> to vector<1x16xf32>
    tpu.vector_store %arg7[%swap3A_779, %swap3A_780], %swap3A_783 {strides = array<i32>} : memref<4x384xf32, #tpu.memory_space<vmem>>, vector<1x16xf32>,
    %get3A_784 = arith.constant 2 : i32
    %get3A_785 = arith.index_cast %get3A_784 : i32 to index
    %get3A_786 = arith.constant 224 : index
    %get3A_787 = tpu.vector_load %arg7[%get3A_785, %get3A_786] {strides = array<i32>} : memref<4x384xf32, #tpu.memory_space<vmem>>, vector<1x16xf32>,
    %get3A_788 = vector.shape_cast %get3A_787 : vector<1x16xf32> to vector<16xf32>
    %mul3A_789 = arith.mulf %get3A_788, %get3A_40 : vector<16xf32>
    %swap3A_790 = arith.constant 2 : i32
    %swap3A_791 = arith.index_cast %swap3A_790 : i32 to index
    %swap3A_792 = arith.constant 224 : index
    %swap3A_793 = tpu.vector_load %arg7[%swap3A_791, %swap3A_792] {strides = array<i32>} : memref<4x384xf32, #tpu.memory_space<vmem>>, vector<1x16xf32>,
    %swap3A_794 = vector.shape_cast %swap3A_793 : vector<1x16xf32> to vector<16xf32>
    %swap3A_795 = vector.shape_cast %mul3A_789 : vector<16xf32> to vector<1x16xf32>
    tpu.vector_store %arg7[%swap3A_791, %swap3A_792], %swap3A_795 {strides = array<i32>} : memref<4x384xf32, #tpu.memory_space<vmem>>, vector<1x16xf32>,
    %get3A_796 = arith.constant 2 : i32
    %get3A_797 = arith.index_cast %get3A_796 : i32 to index
    %get3A_798 = arith.constant 240 : index
    %get3A_799 = tpu.vector_load %arg7[%get3A_797, %get3A_798] {strides = array<i32>} : memref<4x384xf32, #tpu.memory_space<vmem>>, vector<1x16xf32>,
    %get3A_800 = vector.shape_cast %get3A_799 : vector<1x16xf32> to vector<16xf32>
    %mul3A_801 = arith.mulf %get3A_800, %get3A_40 : vector<16xf32>
    %swap3A_802 = arith.constant 2 : i32
    %swap3A_803 = arith.index_cast %swap3A_802 : i32 to index
    %swap3A_804 = arith.constant 240 : index
    %swap3A_805 = tpu.vector_load %arg7[%swap3A_803, %swap3A_804] {strides = array<i32>} : memref<4x384xf32, #tpu.memory_space<vmem>>, vector<1x16xf32>,
    %swap3A_806 = vector.shape_cast %swap3A_805 : vector<1x16xf32> to vector<16xf32>
    %swap3A_807 = vector.shape_cast %mul3A_801 : vector<16xf32> to vector<1x16xf32>
    tpu.vector_store %arg7[%swap3A_803, %swap3A_804], %swap3A_807 {strides = array<i32>} : memref<4x384xf32, #tpu.memory_space<vmem>>, vector<1x16xf32>,
    %get3A_808 = arith.constant 2 : i32
    %get3A_809 = arith.index_cast %get3A_808 : i32 to index
    %get3A_810 = arith.constant 256 : index
    %get3A_811 = tpu.vector_load %arg7[%get3A_809, %get3A_810] {strides = array<i32>} : memref<4x384xf32, #tpu.memory_space<vmem>>, vector<1x16xf32>,
    %get3A_812 = vector.shape_cast %get3A_811 : vector<1x16xf32> to vector<16xf32>
    %mul3A_813 = arith.mulf %get3A_812, %get3A_40 : vector<16xf32>
    %swap3A_814 = arith.constant 2 : i32
    %swap3A_815 = arith.index_cast %swap3A_814 : i32 to index
    %swap3A_816 = arith.constant 256 : index
    %swap3A_817 = tpu.vector_load %arg7[%swap3A_815, %swap3A_816] {strides = array<i32>} : memref<4x384xf32, #tpu.memory_space<vmem>>, vector<1x16xf32>,
    %swap3A_818 = vector.shape_cast %swap3A_817 : vector<1x16xf32> to vector<16xf32>
    %swap3A_819 = vector.shape_cast %mul3A_813 : vector<16xf32> to vector<1x16xf32>
    tpu.vector_store %arg7[%swap3A_815, %swap3A_816], %swap3A_819 {strides = array<i32>} : memref<4x384xf32, #tpu.memory_space<vmem>>, vector<1x16xf32>,
    %get3A_820 = arith.constant 2 : i32
    %get3A_821 = arith.index_cast %get3A_820 : i32 to index
    %get3A_822 = arith.constant 272 : index
    %get3A_823 = tpu.vector_load %arg7[%get3A_821, %get3A_822] {strides = array<i32>} : memref<4x384xf32, #tpu.memory_space<vmem>>, vector<1x16xf32>,
    %get3A_824 = vector.shape_cast %get3A_823 : vector<1x16xf32> to vector<16xf32>
    %mul3A_825 = arith.mulf %get3A_824, %get3A_40 : vector<16xf32>
    %swap3A_826 = arith.constant 2 : i32
    %swap3A_827 = arith.index_cast %swap3A_826 : i32 to index
    %swap3A_828 = arith.constant 272 : index
    %swap3A_829 = tpu.vector_load %arg7[%swap3A_827, %swap3A_828] {strides = array<i32>} : memref<4x384xf32, #tpu.memory_space<vmem>>, vector<1x16xf32>,
    %swap3A_830 = vector.shape_cast %swap3A_829 : vector<1x16xf32> to vector<16xf32>
    %swap3A_831 = vector.shape_cast %mul3A_825 : vector<16xf32> to vector<1x16xf32>
    tpu.vector_store %arg7[%swap3A_827, %swap3A_828], %swap3A_831 {strides = array<i32>} : memref<4x384xf32, #tpu.memory_space<vmem>>, vector<1x16xf32>,
    %get3A_832 = arith.constant 2 : i32
    %get3A_833 = arith.index_cast %get3A_832 : i32 to index
    %get3A_834 = arith.constant 288 : index
    %get3A_835 = tpu.vector_load %arg7[%get3A_833, %get3A_834] {strides = array<i32>} : memref<4x384xf32, #tpu.memory_space<vmem>>, vector<1x16xf32>,
    %get3A_836 = vector.shape_cast %get3A_835 : vector<1x16xf32> to vector<16xf32>
    %mul3A_837 = arith.mulf %get3A_836, %get3A_40 : vector<16xf32>
    %swap3A_838 = arith.constant 2 : i32
    %swap3A_839 = arith.index_cast %swap3A_838 : i32 to index
    %swap3A_840 = arith.constant 288 : index
    %swap3A_841 = tpu.vector_load %arg7[%swap3A_839, %swap3A_840] {strides = array<i32>} : memref<4x384xf32, #tpu.memory_space<vmem>>, vector<1x16xf32>,
    %swap3A_842 = vector.shape_cast %swap3A_841 : vector<1x16xf32> to vector<16xf32>
    %swap3A_843 = vector.shape_cast %mul3A_837 : vector<16xf32> to vector<1x16xf32>
    tpu.vector_store %arg7[%swap3A_839, %swap3A_840], %swap3A_843 {strides = array<i32>} : memref<4x384xf32, #tpu.memory_space<vmem>>, vector<1x16xf32>,
    %get3A_844 = arith.constant 2 : i32
    %get3A_845 = arith.index_cast %get3A_844 : i32 to index
    %get3A_846 = arith.constant 304 : index
    %get3A_847 = tpu.vector_load %arg7[%get3A_845, %get3A_846] {strides = array<i32>} : memref<4x384xf32, #tpu.memory_space<vmem>>, vector<1x16xf32>,
    %get3A_848 = vector.shape_cast %get3A_847 : vector<1x16xf32> to vector<16xf32>
    %mul3A_849 = arith.mulf %get3A_848, %get3A_40 : vector<16xf32>
    %swap3A_850 = arith.constant 2 : i32
    %swap3A_851 = arith.index_cast %swap3A_850 : i32 to index
    %swap3A_852 = arith.constant 304 : index
    %swap3A_853 = tpu.vector_load %arg7[%swap3A_851, %swap3A_852] {strides = array<i32>} : memref<4x384xf32, #tpu.memory_space<vmem>>, vector<1x16xf32>,
    %swap3A_854 = vector.shape_cast %swap3A_853 : vector<1x16xf32> to vector<16xf32>
    %swap3A_855 = vector.shape_cast %mul3A_849 : vector<16xf32> to vector<1x16xf32>
    tpu.vector_store %arg7[%swap3A_851, %swap3A_852], %swap3A_855 {strides = array<i32>} : memref<4x384xf32, #tpu.memory_space<vmem>>, vector<1x16xf32>,
    %get3A_856 = arith.constant 2 : i32
    %get3A_857 = arith.index_cast %get3A_856 : i32 to index
    %get3A_858 = arith.constant 320 : index
    %get3A_859 = tpu.vector_load %arg7[%get3A_857, %get3A_858] {strides = array<i32>} : memref<4x384xf32, #tpu.memory_space<vmem>>, vector<1x16xf32>,
    %get3A_860 = vector.shape_cast %get3A_859 : vector<1x16xf32> to vector<16xf32>
    %mul3A_861 = arith.mulf %get3A_860, %get3A_40 : vector<16xf32>
    %swap3A_862 = arith.constant 2 : i32
    %swap3A_863 = arith.index_cast %swap3A_862 : i32 to index
    %swap3A_864 = arith.constant 320 : index
    %swap3A_865 = tpu.vector_load %arg7[%swap3A_863, %swap3A_864] {strides = array<i32>} : memref<4x384xf32, #tpu.memory_space<vmem>>, vector<1x16xf32>,
    %swap3A_866 = vector.shape_cast %swap3A_865 : vector<1x16xf32> to vector<16xf32>
    %swap3A_867 = vector.shape_cast %mul3A_861 : vector<16xf32> to vector<1x16xf32>
    tpu.vector_store %arg7[%swap3A_863, %swap3A_864], %swap3A_867 {strides = array<i32>} : memref<4x384xf32, #tpu.memory_space<vmem>>, vector<1x16xf32>,
    %get3A_868 = arith.constant 2 : i32
    %get3A_869 = arith.index_cast %get3A_868 : i32 to index
    %get3A_870 = arith.constant 336 : index
    %get3A_871 = tpu.vector_load %arg7[%get3A_869, %get3A_870] {strides = array<i32>} : memref<4x384xf32, #tpu.memory_space<vmem>>, vector<1x16xf32>,
    %get3A_872 = vector.shape_cast %get3A_871 : vector<1x16xf32> to vector<16xf32>
    %mul3A_873 = arith.mulf %get3A_872, %get3A_40 : vector<16xf32>
    %swap3A_874 = arith.constant 2 : i32
    %swap3A_875 = arith.index_cast %swap3A_874 : i32 to index
    %swap3A_876 = arith.constant 336 : index
    %swap3A_877 = tpu.vector_load %arg7[%swap3A_875, %swap3A_876] {strides = array<i32>} : memref<4x384xf32, #tpu.memory_space<vmem>>, vector<1x16xf32>,
    %swap3A_878 = vector.shape_cast %swap3A_877 : vector<1x16xf32> to vector<16xf32>
    %swap3A_879 = vector.shape_cast %mul3A_873 : vector<16xf32> to vector<1x16xf32>
    tpu.vector_store %arg7[%swap3A_875, %swap3A_876], %swap3A_879 {strides = array<i32>} : memref<4x384xf32, #tpu.memory_space<vmem>>, vector<1x16xf32>,
    %get3A_880 = arith.constant 2 : i32
    %get3A_881 = arith.index_cast %get3A_880 : i32 to index
    %get3A_882 = arith.constant 352 : index
    %get3A_883 = tpu.vector_load %arg7[%get3A_881, %get3A_882] {strides = array<i32>} : memref<4x384xf32, #tpu.memory_space<vmem>>, vector<1x16xf32>,
    %get3A_884 = vector.shape_cast %get3A_883 : vector<1x16xf32> to vector<16xf32>
    %mul3A_885 = arith.mulf %get3A_884, %get3A_40 : vector<16xf32>
    %swap3A_886 = arith.constant 2 : i32
    %swap3A_887 = arith.index_cast %swap3A_886 : i32 to index
    %swap3A_888 = arith.constant 352 : index
    %swap3A_889 = tpu.vector_load %arg7[%swap3A_887, %swap3A_888] {strides = array<i32>} : memref<4x384xf32, #tpu.memory_space<vmem>>, vector<1x16xf32>,
    %swap3A_890 = vector.shape_cast %swap3A_889 : vector<1x16xf32> to vector<16xf32>
    %swap3A_891 = vector.shape_cast %mul3A_885 : vector<16xf32> to vector<1x16xf32>
    tpu.vector_store %arg7[%swap3A_887, %swap3A_888], %swap3A_891 {strides = array<i32>} : memref<4x384xf32, #tpu.memory_space<vmem>>, vector<1x16xf32>,
    %get3A_892 = arith.constant 2 : i32
    %get3A_893 = arith.index_cast %get3A_892 : i32 to index
    %get3A_894 = arith.constant 368 : index
    %get3A_895 = tpu.vector_load %arg7[%get3A_893, %get3A_894] {strides = array<i32>} : memref<4x384xf32, #tpu.memory_space<vmem>>, vector<1x16xf32>,
    %get3A_896 = vector.shape_cast %get3A_895 : vector<1x16xf32> to vector<16xf32>
    %mul3A_897 = arith.mulf %get3A_896, %get3A_40 : vector<16xf32>
    %swap3A_898 = arith.constant 2 : i32
    %swap3A_899 = arith.index_cast %swap3A_898 : i32 to index
    %swap3A_900 = arith.constant 368 : index
    %swap3A_901 = tpu.vector_load %arg7[%swap3A_899, %swap3A_900] {strides = array<i32>} : memref<4x384xf32, #tpu.memory_space<vmem>>, vector<1x16xf32>,
    %swap3A_902 = vector.shape_cast %swap3A_901 : vector<1x16xf32> to vector<16xf32>
    %swap3A_903 = vector.shape_cast %mul3A_897 : vector<16xf32> to vector<1x16xf32>
    tpu.vector_store %arg7[%swap3A_899, %swap3A_900], %swap3A_903 {strides = array<i32>} : memref<4x384xf32, #tpu.memory_space<vmem>>, vector<1x16xf32>,
    %get3A_904 = arith.constant 3 : i32
    %get3A_905 = arith.index_cast %get3A_904 : i32 to index
    %get3A_906 = arith.constant 0 : index
    %get3A_907 = tpu.vector_load %arg7[%get3A_905, %get3A_906] {strides = array<i32>} : memref<4x384xf32, #tpu.memory_space<vmem>>, vector<1x16xf32>,
    %get3A_908 = vector.shape_cast %get3A_907 : vector<1x16xf32> to vector<16xf32>
    %mul3A_909 = arith.mulf %get3A_908, %get3A_40 : vector<16xf32>
    %swap3A_910 = arith.constant 3 : i32
    %swap3A_911 = arith.index_cast %swap3A_910 : i32 to index
    %swap3A_912 = arith.constant 0 : index
    %swap3A_913 = tpu.vector_load %arg7[%swap3A_911, %swap3A_912] {strides = array<i32>} : memref<4x384xf32, #tpu.memory_space<vmem>>, vector<1x16xf32>,
    %swap3A_914 = vector.shape_cast %swap3A_913 : vector<1x16xf32> to vector<16xf32>
    %swap3A_915 = vector.shape_cast %mul3A_909 : vector<16xf32> to vector<1x16xf32>
    tpu.vector_store %arg7[%swap3A_911, %swap3A_912], %swap3A_915 {strides = array<i32>} : memref<4x384xf32, #tpu.memory_space<vmem>>, vector<1x16xf32>,
    %get3A_916 = arith.constant 3 : i32
    %get3A_917 = arith.index_cast %get3A_916 : i32 to index
    %get3A_918 = arith.constant 16 : index
    %get3A_919 = tpu.vector_load %arg7[%get3A_917, %get3A_918] {strides = array<i32>} : memref<4x384xf32, #tpu.memory_space<vmem>>, vector<1x16xf32>,
    %get3A_920 = vector.shape_cast %get3A_919 : vector<1x16xf32> to vector<16xf32>
    %mul3A_921 = arith.mulf %get3A_920, %get3A_40 : vector<16xf32>
    %swap3A_922 = arith.constant 3 : i32
    %swap3A_923 = arith.index_cast %swap3A_922 : i32 to index
    %swap3A_924 = arith.constant 16 : index
    %swap3A_925 = tpu.vector_load %arg7[%swap3A_923, %swap3A_924] {strides = array<i32>} : memref<4x384xf32, #tpu.memory_space<vmem>>, vector<1x16xf32>,
    %swap3A_926 = vector.shape_cast %swap3A_925 : vector<1x16xf32> to vector<16xf32>
    %swap3A_927 = vector.shape_cast %mul3A_921 : vector<16xf32> to vector<1x16xf32>
    tpu.vector_store %arg7[%swap3A_923, %swap3A_924], %swap3A_927 {strides = array<i32>} : memref<4x384xf32, #tpu.memory_space<vmem>>, vector<1x16xf32>,
    %get3A_928 = arith.constant 3 : i32
    %get3A_929 = arith.index_cast %get3A_928 : i32 to index
    %get3A_930 = arith.constant 32 : index
    %get3A_931 = tpu.vector_load %arg7[%get3A_929, %get3A_930] {strides = array<i32>} : memref<4x384xf32, #tpu.memory_space<vmem>>, vector<1x16xf32>,
    %get3A_932 = vector.shape_cast %get3A_931 : vector<1x16xf32> to vector<16xf32>
    %mul3A_933 = arith.mulf %get3A_932, %get3A_40 : vector<16xf32>
    %swap3A_934 = arith.constant 3 : i32
    %swap3A_935 = arith.index_cast %swap3A_934 : i32 to index
    %swap3A_936 = arith.constant 32 : index
    %swap3A_937 = tpu.vector_load %arg7[%swap3A_935, %swap3A_936] {strides = array<i32>} : memref<4x384xf32, #tpu.memory_space<vmem>>, vector<1x16xf32>,
    %swap3A_938 = vector.shape_cast %swap3A_937 : vector<1x16xf32> to vector<16xf32>
    %swap3A_939 = vector.shape_cast %mul3A_933 : vector<16xf32> to vector<1x16xf32>
    tpu.vector_store %arg7[%swap3A_935, %swap3A_936], %swap3A_939 {strides = array<i32>} : memref<4x384xf32, #tpu.memory_space<vmem>>, vector<1x16xf32>,
    %get3A_940 = arith.constant 3 : i32
    %get3A_941 = arith.index_cast %get3A_940 : i32 to index
    %get3A_942 = arith.constant 48 : index
    %get3A_943 = tpu.vector_load %arg7[%get3A_941, %get3A_942] {strides = array<i32>} : memref<4x384xf32, #tpu.memory_space<vmem>>, vector<1x16xf32>,
    %get3A_944 = vector.shape_cast %get3A_943 : vector<1x16xf32> to vector<16xf32>
    %mul3A_945 = arith.mulf %get3A_944, %get3A_40 : vector<16xf32>
    %swap3A_946 = arith.constant 3 : i32
    %swap3A_947 = arith.index_cast %swap3A_946 : i32 to index
    %swap3A_948 = arith.constant 48 : index
    %swap3A_949 = tpu.vector_load %arg7[%swap3A_947, %swap3A_948] {strides = array<i32>} : memref<4x384xf32, #tpu.memory_space<vmem>>, vector<1x16xf32>,
    %swap3A_950 = vector.shape_cast %swap3A_949 : vector<1x16xf32> to vector<16xf32>
    %swap3A_951 = vector.shape_cast %mul3A_945 : vector<16xf32> to vector<1x16xf32>
    tpu.vector_store %arg7[%swap3A_947, %swap3A_948], %swap3A_951 {strides = array<i32>} : memref<4x384xf32, #tpu.memory_space<vmem>>, vector<1x16xf32>,
    %get3A_952 = arith.constant 3 : i32
    %get3A_953 = arith.index_cast %get3A_952 : i32 to index
    %get3A_954 = arith.constant 64 : index
    %get3A_955 = tpu.vector_load %arg7[%get3A_953, %get3A_954] {strides = array<i32>} : memref<4x384xf32, #tpu.memory_space<vmem>>, vector<1x16xf32>,
    %get3A_956 = vector.shape_cast %get3A_955 : vector<1x16xf32> to vector<16xf32>
    %mul3A_957 = arith.mulf %get3A_956, %get3A_40 : vector<16xf32>
    %swap3A_958 = arith.constant 3 : i32
    %swap3A_959 = arith.index_cast %swap3A_958 : i32 to index
    %swap3A_960 = arith.constant 64 : index
    %swap3A_961 = tpu.vector_load %arg7[%swap3A_959, %swap3A_960] {strides = array<i32>} : memref<4x384xf32, #tpu.memory_space<vmem>>, vector<1x16xf32>,
    %swap3A_962 = vector.shape_cast %swap3A_961 : vector<1x16xf32> to vector<16xf32>
    %swap3A_963 = vector.shape_cast %mul3A_957 : vector<16xf32> to vector<1x16xf32>
    tpu.vector_store %arg7[%swap3A_959, %swap3A_960], %swap3A_963 {strides = array<i32>} : memref<4x384xf32, #tpu.memory_space<vmem>>, vector<1x16xf32>,
    %get3A_964 = arith.constant 3 : i32
    %get3A_965 = arith.index_cast %get3A_964 : i32 to index
    %get3A_966 = arith.constant 80 : index
    %get3A_967 = tpu.vector_load %arg7[%get3A_965, %get3A_966] {strides = array<i32>} : memref<4x384xf32, #tpu.memory_space<vmem>>, vector<1x16xf32>,
    %get3A_968 = vector.shape_cast %get3A_967 : vector<1x16xf32> to vector<16xf32>
    %mul3A_969 = arith.mulf %get3A_968, %get3A_40 : vector<16xf32>
    %swap3A_970 = arith.constant 3 : i32
    %swap3A_971 = arith.index_cast %swap3A_970 : i32 to index
    %swap3A_972 = arith.constant 80 : index
    %swap3A_973 = tpu.vector_load %arg7[%swap3A_971, %swap3A_972] {strides = array<i32>} : memref<4x384xf32, #tpu.memory_space<vmem>>, vector<1x16xf32>,
    %swap3A_974 = vector.shape_cast %swap3A_973 : vector<1x16xf32> to vector<16xf32>
    %swap3A_975 = vector.shape_cast %mul3A_969 : vector<16xf32> to vector<1x16xf32>
    tpu.vector_store %arg7[%swap3A_971, %swap3A_972], %swap3A_975 {strides = array<i32>} : memref<4x384xf32, #tpu.memory_space<vmem>>, vector<1x16xf32>,
    %get3A_976 = arith.constant 3 : i32
    %get3A_977 = arith.index_cast %get3A_976 : i32 to index
    %get3A_978 = arith.constant 96 : index
    %get3A_979 = tpu.vector_load %arg7[%get3A_977, %get3A_978] {strides = array<i32>} : memref<4x384xf32, #tpu.memory_space<vmem>>, vector<1x16xf32>,
    %get3A_980 = vector.shape_cast %get3A_979 : vector<1x16xf32> to vector<16xf32>
    %mul3A_981 = arith.mulf %get3A_980, %get3A_40 : vector<16xf32>
    %swap3A_982 = arith.constant 3 : i32
    %swap3A_983 = arith.index_cast %swap3A_982 : i32 to index
    %swap3A_984 = arith.constant 96 : index
    %swap3A_985 = tpu.vector_load %arg7[%swap3A_983, %swap3A_984] {strides = array<i32>} : memref<4x384xf32, #tpu.memory_space<vmem>>, vector<1x16xf32>,
    %swap3A_986 = vector.shape_cast %swap3A_985 : vector<1x16xf32> to vector<16xf32>
    %swap3A_987 = vector.shape_cast %mul3A_981 : vector<16xf32> to vector<1x16xf32>
    tpu.vector_store %arg7[%swap3A_983, %swap3A_984], %swap3A_987 {strides = array<i32>} : memref<4x384xf32, #tpu.memory_space<vmem>>, vector<1x16xf32>,
    %get3A_988 = arith.constant 3 : i32
    %get3A_989 = arith.index_cast %get3A_988 : i32 to index
    %get3A_990 = arith.constant 112 : index
    %get3A_991 = tpu.vector_load %arg7[%get3A_989, %get3A_990] {strides = array<i32>} : memref<4x384xf32, #tpu.memory_space<vmem>>, vector<1x16xf32>,
    %get3A_992 = vector.shape_cast %get3A_991 : vector<1x16xf32> to vector<16xf32>
    %mul3A_993 = arith.mulf %get3A_992, %get3A_40 : vector<16xf32>
    %swap3A_994 = arith.constant 3 : i32
    %swap3A_995 = arith.index_cast %swap3A_994 : i32 to index
    %swap3A_996 = arith.constant 112 : index
    %swap3A_997 = tpu.vector_load %arg7[%swap3A_995, %swap3A_996] {strides = array<i32>} : memref<4x384xf32, #tpu.memory_space<vmem>>, vector<1x16xf32>,
    %swap3A_998 = vector.shape_cast %swap3A_997 : vector<1x16xf32> to vector<16xf32>
    %swap3A_999 = vector.shape_cast %mul3A_993 : vector<16xf32> to vector<1x16xf32>
    tpu.vector_store %arg7[%swap3A_995, %swap3A_996], %swap3A_999 {strides = array<i32>} : memref<4x384xf32, #tpu.memory_space<vmem>>, vector<1x16xf32>,
    %get3A_1000 = arith.constant 3 : i32
    %get3A_1001 = arith.index_cast %get3A_1000 : i32 to index
    %get3A_1002 = arith.constant 128 : index
    %get3A_1003 = tpu.vector_load %arg7[%get3A_1001, %get3A_1002] {strides = array<i32>} : memref<4x384xf32, #tpu.memory_space<vmem>>, vector<1x16xf32>,
    %get3A_1004 = vector.shape_cast %get3A_1003 : vector<1x16xf32> to vector<16xf32>
    %mul3A_1005 = arith.mulf %get3A_1004, %get3A_40 : vector<16xf32>
    %swap3A_1006 = arith.constant 3 : i32
    %swap3A_1007 = arith.index_cast %swap3A_1006 : i32 to index
    %swap3A_1008 = arith.constant 128 : index
    %swap3A_1009 = tpu.vector_load %arg7[%swap3A_1007, %swap3A_1008] {strides = array<i32>} : memref<4x384xf32, #tpu.memory_space<vmem>>, vector<1x16xf32>,
    %swap3A_1010 = vector.shape_cast %swap3A_1009 : vector<1x16xf32> to vector<16xf32>
    %swap3A_1011 = vector.shape_cast %mul3A_1005 : vector<16xf32> to vector<1x16xf32>
    tpu.vector_store %arg7[%swap3A_1007, %swap3A_1008], %swap3A_1011 {strides = array<i32>} : memref<4x384xf32, #tpu.memory_space<vmem>>, vector<1x16xf32>,
    %get3A_1012 = arith.constant 3 : i32
    %get3A_1013 = arith.index_cast %get3A_1012 : i32 to index
    %get3A_1014 = arith.constant 144 : index
    %get3A_1015 = tpu.vector_load %arg7[%get3A_1013, %get3A_1014] {strides = array<i32>} : memref<4x384xf32, #tpu.memory_space<vmem>>, vector<1x16xf32>,
    %get3A_1016 = vector.shape_cast %get3A_1015 : vector<1x16xf32> to vector<16xf32>
    %mul3A_1017 = arith.mulf %get3A_1016, %get3A_40 : vector<16xf32>
    %swap3A_1018 = arith.constant 3 : i32
    %swap3A_1019 = arith.index_cast %swap3A_1018 : i32 to index
    %swap3A_1020 = arith.constant 144 : index
    %swap3A_1021 = tpu.vector_load %arg7[%swap3A_1019, %swap3A_1020] {strides = array<i32>} : memref<4x384xf32, #tpu.memory_space<vmem>>, vector<1x16xf32>,
    %swap3A_1022 = vector.shape_cast %swap3A_1021 : vector<1x16xf32> to vector<16xf32>
    %swap3A_1023 = vector.shape_cast %mul3A_1017 : vector<16xf32> to vector<1x16xf32>
    tpu.vector_store %arg7[%swap3A_1019, %swap3A_1020], %swap3A_1023 {strides = array<i32>} : memref<4x384xf32, #tpu.memory_space<vmem>>, vector<1x16xf32>,
    %get3A_1024 = arith.constant 3 : i32
    %get3A_1025 = arith.index_cast %get3A_1024 : i32 to index
    %get3A_1026 = arith.constant 160 : index
    %get3A_1027 = tpu.vector_load %arg7[%get3A_1025, %get3A_1026] {strides = array<i32>} : memref<4x384xf32, #tpu.memory_space<vmem>>, vector<1x16xf32>,
    %get3A_1028 = vector.shape_cast %get3A_1027 : vector<1x16xf32> to vector<16xf32>
    %mul3A_1029 = arith.mulf %get3A_1028, %get3A_40 : vector<16xf32>
    %swap3A_1030 = arith.constant 3 : i32
    %swap3A_1031 = arith.index_cast %swap3A_1030 : i32 to index
    %swap3A_1032 = arith.constant 160 : index
    %swap3A_1033 = tpu.vector_load %arg7[%swap3A_1031, %swap3A_1032] {strides = array<i32>} : memref<4x384xf32, #tpu.memory_space<vmem>>, vector<1x16xf32>,
    %swap3A_1034 = vector.shape_cast %swap3A_1033 : vector<1x16xf32> to vector<16xf32>
    %swap3A_1035 = vector.shape_cast %mul3A_1029 : vector<16xf32> to vector<1x16xf32>
    tpu.vector_store %arg7[%swap3A_1031, %swap3A_1032], %swap3A_1035 {strides = array<i32>} : memref<4x384xf32, #tpu.memory_space<vmem>>, vector<1x16xf32>,
    %get3A_1036 = arith.constant 3 : i32
    %get3A_1037 = arith.index_cast %get3A_1036 : i32 to index
    %get3A_1038 = arith.constant 176 : index
    %get3A_1039 = tpu.vector_load %arg7[%get3A_1037, %get3A_1038] {strides = array<i32>} : memref<4x384xf32, #tpu.memory_space<vmem>>, vector<1x16xf32>,
    %get3A_1040 = vector.shape_cast %get3A_1039 : vector<1x16xf32> to vector<16xf32>
    %mul3A_1041 = arith.mulf %get3A_1040, %get3A_40 : vector<16xf32>
    %swap3A_1042 = arith.constant 3 : i32
    %swap3A_1043 = arith.index_cast %swap3A_1042 : i32 to index
    %swap3A_1044 = arith.constant 176 : index
    %swap3A_1045 = tpu.vector_load %arg7[%swap3A_1043, %swap3A_1044] {strides = array<i32>} : memref<4x384xf32, #tpu.memory_space<vmem>>, vector<1x16xf32>,
    %swap3A_1046 = vector.shape_cast %swap3A_1045 : vector<1x16xf32> to vector<16xf32>
    %swap3A_1047 = vector.shape_cast %mul3A_1041 : vector<16xf32> to vector<1x16xf32>
    tpu.vector_store %arg7[%swap3A_1043, %swap3A_1044], %swap3A_1047 {strides = array<i32>} : memref<4x384xf32, #tpu.memory_space<vmem>>, vector<1x16xf32>,
    %get3A_1048 = arith.constant 3 : i32
    %get3A_1049 = arith.index_cast %get3A_1048 : i32 to index
    %get3A_1050 = arith.constant 192 : index
    %get3A_1051 = tpu.vector_load %arg7[%get3A_1049, %get3A_1050] {strides = array<i32>} : memref<4x384xf32, #tpu.memory_space<vmem>>, vector<1x16xf32>,
    %get3A_1052 = vector.shape_cast %get3A_1051 : vector<1x16xf32> to vector<16xf32>
    %mul3A_1053 = arith.mulf %get3A_1052, %get3A_40 : vector<16xf32>
    %swap3A_1054 = arith.constant 3 : i32
    %swap3A_1055 = arith.index_cast %swap3A_1054 : i32 to index
    %swap3A_1056 = arith.constant 192 : index
    %swap3A_1057 = tpu.vector_load %arg7[%swap3A_1055, %swap3A_1056] {strides = array<i32>} : memref<4x384xf32, #tpu.memory_space<vmem>>, vector<1x16xf32>,
    %swap3A_1058 = vector.shape_cast %swap3A_1057 : vector<1x16xf32> to vector<16xf32>
    %swap3A_1059 = vector.shape_cast %mul3A_1053 : vector<16xf32> to vector<1x16xf32>
    tpu.vector_store %arg7[%swap3A_1055, %swap3A_1056], %swap3A_1059 {strides = array<i32>} : memref<4x384xf32, #tpu.memory_space<vmem>>, vector<1x16xf32>,
    %get3A_1060 = arith.constant 3 : i32
    %get3A_1061 = arith.index_cast %get3A_1060 : i32 to index
    %get3A_1062 = arith.constant 208 : index
    %get3A_1063 = tpu.vector_load %arg7[%get3A_1061, %get3A_1062] {strides = array<i32>} : memref<4x384xf32, #tpu.memory_space<vmem>>, vector<1x16xf32>,
    %get3A_1064 = vector.shape_cast %get3A_1063 : vector<1x16xf32> to vector<16xf32>
    %mul3A_1065 = arith.mulf %get3A_1064, %get3A_40 : vector<16xf32>
    %swap3A_1066 = arith.constant 3 : i32
    %swap3A_1067 = arith.index_cast %swap3A_1066 : i32 to index
    %swap3A_1068 = arith.constant 208 : index
    %swap3A_1069 = tpu.vector_load %arg7[%swap3A_1067, %swap3A_1068] {strides = array<i32>} : memref<4x384xf32, #tpu.memory_space<vmem>>, vector<1x16xf32>,
    %swap3A_1070 = vector.shape_cast %swap3A_1069 : vector<1x16xf32> to vector<16xf32>
    %swap3A_1071 = vector.shape_cast %mul3A_1065 : vector<16xf32> to vector<1x16xf32>
    tpu.vector_store %arg7[%swap3A_1067, %swap3A_1068], %swap3A_1071 {strides = array<i32>} : memref<4x384xf32, #tpu.memory_space<vmem>>, vector<1x16xf32>,
    %get3A_1072 = arith.constant 3 : i32
    %get3A_1073 = arith.index_cast %get3A_1072 : i32 to index
    %get3A_1074 = arith.constant 224 : index
    %get3A_1075 = tpu.vector_load %arg7[%get3A_1073, %get3A_1074] {strides = array<i32>} : memref<4x384xf32, #tpu.memory_space<vmem>>, vector<1x16xf32>,
    %get3A_1076 = vector.shape_cast %get3A_1075 : vector<1x16xf32> to vector<16xf32>
    %mul3A_1077 = arith.mulf %get3A_1076, %get3A_40 : vector<16xf32>
    %swap3A_1078 = arith.constant 3 : i32
    %swap3A_1079 = arith.index_cast %swap3A_1078 : i32 to index
    %swap3A_1080 = arith.constant 224 : index
    %swap3A_1081 = tpu.vector_load %arg7[%swap3A_1079, %swap3A_1080] {strides = array<i32>} : memref<4x384xf32, #tpu.memory_space<vmem>>, vector<1x16xf32>,
    %swap3A_1082 = vector.shape_cast %swap3A_1081 : vector<1x16xf32> to vector<16xf32>
    %swap3A_1083 = vector.shape_cast %mul3A_1077 : vector<16xf32> to vector<1x16xf32>
    tpu.vector_store %arg7[%swap3A_1079, %swap3A_1080], %swap3A_1083 {strides = array<i32>} : memref<4x384xf32, #tpu.memory_space<vmem>>, vector<1x16xf32>,
    %get3A_1084 = arith.constant 3 : i32
    %get3A_1085 = arith.index_cast %get3A_1084 : i32 to index
    %get3A_1086 = arith.constant 240 : index
    %get3A_1087 = tpu.vector_load %arg7[%get3A_1085, %get3A_1086] {strides = array<i32>} : memref<4x384xf32, #tpu.memory_space<vmem>>, vector<1x16xf32>,
    %get3A_1088 = vector.shape_cast %get3A_1087 : vector<1x16xf32> to vector<16xf32>
    %mul3A_1089 = arith.mulf %get3A_1088, %get3A_40 : vector<16xf32>
    %swap3A_1090 = arith.constant 3 : i32
    %swap3A_1091 = arith.index_cast %swap3A_1090 : i32 to index
    %swap3A_1092 = arith.constant 240 : index
    %swap3A_1093 = tpu.vector_load %arg7[%swap3A_1091, %swap3A_1092] {strides = array<i32>} : memref<4x384xf32, #tpu.memory_space<vmem>>, vector<1x16xf32>,
    %swap3A_1094 = vector.shape_cast %swap3A_1093 : vector<1x16xf32> to vector<16xf32>
    %swap3A_1095 = vector.shape_cast %mul3A_1089 : vector<16xf32> to vector<1x16xf32>
    tpu.vector_store %arg7[%swap3A_1091, %swap3A_1092], %swap3A_1095 {strides = array<i32>} : memref<4x384xf32, #tpu.memory_space<vmem>>, vector<1x16xf32>,
    %get3A_1096 = arith.constant 3 : i32
    %get3A_1097 = arith.index_cast %get3A_1096 : i32 to index
    %get3A_1098 = arith.constant 256 : index
    %get3A_1099 = tpu.vector_load %arg7[%get3A_1097, %get3A_1098] {strides = array<i32>} : memref<4x384xf32, #tpu.memory_space<vmem>>, vector<1x16xf32>,
    %get3A_1100 = vector.shape_cast %get3A_1099 : vector<1x16xf32> to vector<16xf32>
    %mul3A_1101 = arith.mulf %get3A_1100, %get3A_40 : vector<16xf32>
    %swap3A_1102 = arith.constant 3 : i32
    %swap3A_1103 = arith.index_cast %swap3A_1102 : i32 to index
    %swap3A_1104 = arith.constant 256 : index
    %swap3A_1105 = tpu.vector_load %arg7[%swap3A_1103, %swap3A_1104] {strides = array<i32>} : memref<4x384xf32, #tpu.memory_space<vmem>>, vector<1x16xf32>,
    %swap3A_1106 = vector.shape_cast %swap3A_1105 : vector<1x16xf32> to vector<16xf32>
    %swap3A_1107 = vector.shape_cast %mul3A_1101 : vector<16xf32> to vector<1x16xf32>
    tpu.vector_store %arg7[%swap3A_1103, %swap3A_1104], %swap3A_1107 {strides = array<i32>} : memref<4x384xf32, #tpu.memory_space<vmem>>, vector<1x16xf32>,
    %get3A_1108 = arith.constant 3 : i32
    %get3A_1109 = arith.index_cast %get3A_1108 : i32 to index
    %get3A_1110 = arith.constant 272 : index
    %get3A_1111 = tpu.vector_load %arg7[%get3A_1109, %get3A_1110] {strides = array<i32>} : memref<4x384xf32, #tpu.memory_space<vmem>>, vector<1x16xf32>,
    %get3A_1112 = vector.shape_cast %get3A_1111 : vector<1x16xf32> to vector<16xf32>
    %mul3A_1113 = arith.mulf %get3A_1112, %get3A_40 : vector<16xf32>
    %swap3A_1114 = arith.constant 3 : i32
    %swap3A_1115 = arith.index_cast %swap3A_1114 : i32 to index
    %swap3A_1116 = arith.constant 272 : index
    %swap3A_1117 = tpu.vector_load %arg7[%swap3A_1115, %swap3A_1116] {strides = array<i32>} : memref<4x384xf32, #tpu.memory_space<vmem>>, vector<1x16xf32>,
    %swap3A_1118 = vector.shape_cast %swap3A_1117 : vector<1x16xf32> to vector<16xf32>
    %swap3A_1119 = vector.shape_cast %mul3A_1113 : vector<16xf32> to vector<1x16xf32>
    tpu.vector_store %arg7[%swap3A_1115, %swap3A_1116], %swap3A_1119 {strides = array<i32>} : memref<4x384xf32, #tpu.memory_space<vmem>>, vector<1x16xf32>,
    %get3A_1120 = arith.constant 3 : i32
    %get3A_1121 = arith.index_cast %get3A_1120 : i32 to index
    %get3A_1122 = arith.constant 288 : index
    %get3A_1123 = tpu.vector_load %arg7[%get3A_1121, %get3A_1122] {strides = array<i32>} : memref<4x384xf32, #tpu.memory_space<vmem>>, vector<1x16xf32>,
    %get3A_1124 = vector.shape_cast %get3A_1123 : vector<1x16xf32> to vector<16xf32>
    %mul3A_1125 = arith.mulf %get3A_1124, %get3A_40 : vector<16xf32>
    %swap3A_1126 = arith.constant 3 : i32
    %swap3A_1127 = arith.index_cast %swap3A_1126 : i32 to index
    %swap3A_1128 = arith.constant 288 : index
    %swap3A_1129 = tpu.vector_load %arg7[%swap3A_1127, %swap3A_1128] {strides = array<i32>} : memref<4x384xf32, #tpu.memory_space<vmem>>, vector<1x16xf32>,
    %swap3A_1130 = vector.shape_cast %swap3A_1129 : vector<1x16xf32> to vector<16xf32>
    %swap3A_1131 = vector.shape_cast %mul3A_1125 : vector<16xf32> to vector<1x16xf32>
    tpu.vector_store %arg7[%swap3A_1127, %swap3A_1128], %swap3A_1131 {strides = array<i32>} : memref<4x384xf32, #tpu.memory_space<vmem>>, vector<1x16xf32>,
    %get3A_1132 = arith.constant 3 : i32
    %get3A_1133 = arith.index_cast %get3A_1132 : i32 to index
    %get3A_1134 = arith.constant 304 : index
    %get3A_1135 = tpu.vector_load %arg7[%get3A_1133, %get3A_1134] {strides = array<i32>} : memref<4x384xf32, #tpu.memory_space<vmem>>, vector<1x16xf32>,
    %get3A_1136 = vector.shape_cast %get3A_1135 : vector<1x16xf32> to vector<16xf32>
    %mul3A_1137 = arith.mulf %get3A_1136, %get3A_40 : vector<16xf32>
    %swap3A_1138 = arith.constant 3 : i32
    %swap3A_1139 = arith.index_cast %swap3A_1138 : i32 to index
    %swap3A_1140 = arith.constant 304 : index
    %swap3A_1141 = tpu.vector_load %arg7[%swap3A_1139, %swap3A_1140] {strides = array<i32>} : memref<4x384xf32, #tpu.memory_space<vmem>>, vector<1x16xf32>,
    %swap3A_1142 = vector.shape_cast %swap3A_1141 : vector<1x16xf32> to vector<16xf32>
    %swap3A_1143 = vector.shape_cast %mul3A_1137 : vector<16xf32> to vector<1x16xf32>
    tpu.vector_store %arg7[%swap3A_1139, %swap3A_1140], %swap3A_1143 {strides = array<i32>} : memref<4x384xf32, #tpu.memory_space<vmem>>, vector<1x16xf32>,
    %get3A_1144 = arith.constant 3 : i32
    %get3A_1145 = arith.index_cast %get3A_1144 : i32 to index
    %get3A_1146 = arith.constant 320 : index
    %get3A_1147 = tpu.vector_load %arg7[%get3A_1145, %get3A_1146] {strides = array<i32>} : memref<4x384xf32, #tpu.memory_space<vmem>>, vector<1x16xf32>,
    %get3A_1148 = vector.shape_cast %get3A_1147 : vector<1x16xf32> to vector<16xf32>
    %mul3A_1149 = arith.mulf %get3A_1148, %get3A_40 : vector<16xf32>
    %swap3A_1150 = arith.constant 3 : i32
    %swap3A_1151 = arith.index_cast %swap3A_1150 : i32 to index
    %swap3A_1152 = arith.constant 320 : index
    %swap3A_1153 = tpu.vector_load %arg7[%swap3A_1151, %swap3A_1152] {strides = array<i32>} : memref<4x384xf32, #tpu.memory_space<vmem>>, vector<1x16xf32>,
    %swap3A_1154 = vector.shape_cast %swap3A_1153 : vector<1x16xf32> to vector<16xf32>
    %swap3A_1155 = vector.shape_cast %mul3A_1149 : vector<16xf32> to vector<1x16xf32>
    tpu.vector_store %arg7[%swap3A_1151, %swap3A_1152], %swap3A_1155 {strides = array<i32>} : memref<4x384xf32, #tpu.memory_space<vmem>>, vector<1x16xf32>,
    %get3A_1156 = arith.constant 3 : i32
    %get3A_1157 = arith.index_cast %get3A_1156 : i32 to index
    %get3A_1158 = arith.constant 336 : index
    %get3A_1159 = tpu.vector_load %arg7[%get3A_1157, %get3A_1158] {strides = array<i32>} : memref<4x384xf32, #tpu.memory_space<vmem>>, vector<1x16xf32>,
    %get3A_1160 = vector.shape_cast %get3A_1159 : vector<1x16xf32> to vector<16xf32>
    %mul3A_1161 = arith.mulf %get3A_1160, %get3A_40 : vector<16xf32>
    %swap3A_1162 = arith.constant 3 : i32
    %swap3A_1163 = arith.index_cast %swap3A_1162 : i32 to index
    %swap3A_1164 = arith.constant 336 : index
    %swap3A_1165 = tpu.vector_load %arg7[%swap3A_1163, %swap3A_1164] {strides = array<i32>} : memref<4x384xf32, #tpu.memory_space<vmem>>, vector<1x16xf32>,
    %swap3A_1166 = vector.shape_cast %swap3A_1165 : vector<1x16xf32> to vector<16xf32>
    %swap3A_1167 = vector.shape_cast %mul3A_1161 : vector<16xf32> to vector<1x16xf32>
    tpu.vector_store %arg7[%swap3A_1163, %swap3A_1164], %swap3A_1167 {strides = array<i32>} : memref<4x384xf32, #tpu.memory_space<vmem>>, vector<1x16xf32>,
    %get3A_1168 = arith.constant 3 : i32
    %get3A_1169 = arith.index_cast %get3A_1168 : i32 to index
    %get3A_1170 = arith.constant 352 : index
    %get3A_1171 = tpu.vector_load %arg7[%get3A_1169, %get3A_1170] {strides = array<i32>} : memref<4x384xf32, #tpu.memory_space<vmem>>, vector<1x16xf32>,
    %get3A_1172 = vector.shape_cast %get3A_1171 : vector<1x16xf32> to vector<16xf32>
    %mul3A_1173 = arith.mulf %get3A_1172, %get3A_40 : vector<16xf32>
    %swap3A_1174 = arith.constant 3 : i32
    %swap3A_1175 = arith.index_cast %swap3A_1174 : i32 to index
    %swap3A_1176 = arith.constant 352 : index
    %swap3A_1177 = tpu.vector_load %arg7[%swap3A_1175, %swap3A_1176] {strides = array<i32>} : memref<4x384xf32, #tpu.memory_space<vmem>>, vector<1x16xf32>,
    %swap3A_1178 = vector.shape_cast %swap3A_1177 : vector<1x16xf32> to vector<16xf32>
    %swap3A_1179 = vector.shape_cast %mul3A_1173 : vector<16xf32> to vector<1x16xf32>
    tpu.vector_store %arg7[%swap3A_1175, %swap3A_1176], %swap3A_1179 {strides = array<i32>} : memref<4x384xf32, #tpu.memory_space<vmem>>, vector<1x16xf32>,
    %get3A_1180 = arith.constant 3 : i32
    %get3A_1181 = arith.index_cast %get3A_1180 : i32 to index
    %get3A_1182 = arith.constant 368 : index
    %get3A_1183 = tpu.vector_load %arg7[%get3A_1181, %get3A_1182] {strides = array<i32>} : memref<4x384xf32, #tpu.memory_space<vmem>>, vector<1x16xf32>,
    %get3A_1184 = vector.shape_cast %get3A_1183 : vector<1x16xf32> to vector<16xf32>
    %mul3A_1185 = arith.mulf %get3A_1184, %get3A_40 : vector<16xf32>
    %swap3A_1186 = arith.constant 3 : i32
    %swap3A_1187 = arith.index_cast %swap3A_1186 : i32 to index
    %swap3A_1188 = arith.constant 368 : index
    %swap3A_1189 = tpu.vector_load %arg7[%swap3A_1187, %swap3A_1188] {strides = array<i32>} : memref<4x384xf32, #tpu.memory_space<vmem>>, vector<1x16xf32>,
    %swap3A_1190 = vector.shape_cast %swap3A_1189 : vector<1x16xf32> to vector<16xf32>
    %swap3A_1191 = vector.shape_cast %mul3A_1185 : vector<16xf32> to vector<1x16xf32>
    tpu.vector_store %arg7[%swap3A_1187, %swap3A_1188], %swap3A_1191 {strides = array<i32>} : memref<4x384xf32, #tpu.memory_space<vmem>>, vector<1x16xf32>,
    %add3A = arith.constant 32 : i32
    %add3A_1192 = arith.addi %add3A, %mul3A_0 : i32
    %dma_start3A_1193 = arith.constant 0 : i32
    %dma_start3A_1194 = arith.constant 0 : i32
    %dma_start3A_1195 = tpu.memref_slice %arg7[%dma_start3A_1193, %dma_start3A_1194] : memref<4x384xf32, #tpu.memory_space<vmem>> -> memref<2x384xf32, #tpu.memory_space<vmem>>
    %dma_start3A_1196 = arith.constant 0 : i32
    %dma_start3A_1197 = tpu.memref_slice %arg5[%mul3A_0, %dma_start3A_1196] : memref<64x384xf32, #tpu.memory_space<hbm>> -> memref<2x384xf32, #tpu.memory_space<hbm>>
    %dma_start3A_1198 = arith.constant 0 : i32
    %dma_start3A_1199 = tpu.memref_slice %arg5[%mul3A_0, %dma_start3A_1198] : memref<64x384xf32, #tpu.memory_space<hbm>> -> memref<2x384xf32, #tpu.memory_space<hbm>>
    %dma_start3A_1200 = arith.constant 0 : i32
    %dma_start3A_1201 = arith.constant 0 : i32
    %dma_start3A_1202 = tpu.memref_slice %arg7[%dma_start3A_1200, %dma_start3A_1201] : memref<4x384xf32, #tpu.memory_space<vmem>> -> memref<2x384xf32, #tpu.memory_space<vmem>>
    tpu.enqueue_dma source(%dma_start3A_1202 : memref<2x384xf32, #tpu.memory_space<vmem>>) target(%dma_start3A_1199 : memref<2x384xf32, #tpu.memory_space<hbm>>) target_semaphore(%arg8 : memref<!tpu.dma_semaphore, #tpu.memory_space<semaphore_mem>>)
    %dma_start3A_1203 = arith.constant 2 : i32
    %dma_start3A_1204 = arith.constant 0 : i32
    %dma_start3A_1205 = tpu.memref_slice %arg7[%dma_start3A_1203, %dma_start3A_1204] : memref<4x384xf32, #tpu.memory_space<vmem>> -> memref<2x384xf32, #tpu.memory_space<vmem>>
    %dma_start3A_1206 = arith.constant 0 : i32
    %dma_start3A_1207 = tpu.memref_slice %arg5[%add3A_1192, %dma_start3A_1206] : memref<64x384xf32, #tpu.memory_space<hbm>> -> memref<2x384xf32, #tpu.memory_space<hbm>>
    %dma_start3A_1208 = arith.constant 0 : i32
    %dma_start3A_1209 = tpu.memref_slice %arg5[%add3A_1192, %dma_start3A_1208] : memref<64x384xf32, #tpu.memory_space<hbm>> -> memref<2x384xf32, #tpu.memory_space<hbm>>
    %dma_start3A_1210 = arith.constant 2 : i32
    %dma_start3A_1211 = arith.constant 0 : i32
    %dma_start3A_1212 = tpu.memref_slice %arg7[%dma_start3A_1210, %dma_start3A_1211] : memref<4x384xf32, #tpu.memory_space<vmem>> -> memref<2x384xf32, #tpu.memory_space<vmem>>
    tpu.enqueue_dma source(%dma_start3A_1212 : memref<2x384xf32, #tpu.memory_space<vmem>>) target(%dma_start3A_1209 : memref<2x384xf32, #tpu.memory_space<hbm>>) target_semaphore(%arg8 : memref<!tpu.dma_semaphore, #tpu.memory_space<semaphore_mem>>)
    %dma_wait3A_1213 = arith.constant 0 : i32
    %dma_wait3A_1214 = arith.constant 0 : i32
    %dma_wait3A_1215 = tpu.memref_slice %arg7[%dma_wait3A_1213, %dma_wait3A_1214] : memref<4x384xf32, #tpu.memory_space<vmem>> -> memref<2x384xf32, #tpu.memory_space<vmem>>
    %dma_wait3A_1216 = arith.constant 0 : i32
    %dma_wait3A_1217 = tpu.memref_slice %arg5[%mul3A_0, %dma_wait3A_1216] : memref<64x384xf32, #tpu.memory_space<hbm>> -> memref<2x384xf32, #tpu.memory_space<hbm>>
    %dma_wait3A_1218 = arith.constant 0 : i32
    %dma_wait3A_1219 = tpu.memref_slice %arg5[%mul3A_0, %dma_wait3A_1218] : memref<64x384xf32, #tpu.memory_space<hbm>> -> memref<2x384xf32, #tpu.memory_space<hbm>>
    %dma_wait3A_1220 = arith.constant 0 : i32
    %dma_wait3A_1221 = arith.constant 0 : i32
    %dma_wait3A_1222 = tpu.memref_slice %arg7[%dma_wait3A_1220, %dma_wait3A_1221] : memref<4x384xf32, #tpu.memory_space<vmem>> -> memref<2x384xf32, #tpu.memory_space<vmem>>
    tpu.wait_dma2 semaphore(%arg8 : memref<!tpu.dma_semaphore, #tpu.memory_space<semaphore_mem>>) src(%dma_wait3A_1222 : memref<2x384xf32, #tpu.memory_space<vmem>>) dst(%dma_wait3A_1219 : memref<2x384xf32, #tpu.memory_space<hbm>>)
    %dma_wait3A_1223 = arith.constant 2 : i32
    %dma_wait3A_1224 = arith.constant 0 : i32
    %dma_wait3A_1225 = tpu.memref_slice %arg7[%dma_wait3A_1223, %dma_wait3A_1224] : memref<4x384xf32, #tpu.memory_space<vmem>> -> memref<2x384xf32, #tpu.memory_space<vmem>>
    %dma_wait3A_1226 = arith.constant 0 : i32
    %dma_wait3A_1227 = tpu.memref_slice %arg5[%add3A_1192, %dma_wait3A_1226] : memref<64x384xf32, #tpu.memory_space<hbm>> -> memref<2x384xf32, #tpu.memory_space<hbm>>
    %dma_wait3A_1228 = arith.constant 0 : i32
    %dma_wait3A_1229 = tpu.memref_slice %arg5[%add3A_1192, %dma_wait3A_1228] : memref<64x384xf32, #tpu.memory_space<hbm>> -> memref<2x384xf32, #tpu.memory_space<hbm>>
    %dma_wait3A_1230 = arith.constant 2 : i32
    %dma_wait3A_1231 = arith.constant 0 : i32
    %dma_wait3A_1232 = tpu.memref_slice %arg7[%dma_wait3A_1230, %dma_wait3A_1231] : memref<4x384xf32, #tpu.memory_space<vmem>> -> memref<2x384xf32, #tpu.memory_space<vmem>>
    tpu.wait_dma2 semaphore(%arg8 : memref<!tpu.dma_semaphore, #tpu.memory_space<semaphore_mem>>) src(%dma_wait3A_1232 : memref<2x384xf32, #tpu.memory_space<vmem>>) dst(%dma_wait3A_1229 : memref<2x384xf32, #tpu.memory_space<hbm>>)
    return
  }
}

module attributes {stable_mosaic.version = 14 : i64} {
  func.func @_tc_replicate(%arg0: memref<64x384xf32, #tpu.memory_space<vmem>>, %arg1: memref<32x32x32x768xf32, #tpu.memory_space<any>>, %arg2: memref<32x32x768xf32, #tpu.memory_space<vmem>>, %arg3: memref<64x!tpu.dma_semaphore, #tpu.memory_space<semaphore_mem>>) attributes {dimension_semantics = [], scalar_prefetch = 0 : i64, scratch_operands = 2 : i64, tpu.core_type = #tpu.core_type<tc>} {
    %get3A = arith.constant 32 : index
    %get3A_0 = arith.constant 0 : index
    %get3A_1 = vector.load %arg0[%get3A, %get3A_0] : memref<64x384xf32, #tpu.memory_space<vmem>>, vector<32x384xf32>
    %get3A_2 = arith.constant 0 : index
    %get3A_3 = arith.constant 0 : index
    %get3A_4 = vector.load %arg0[%get3A_2, %get3A_3] : memref<64x384xf32, #tpu.memory_space<vmem>>, vector<16x384xf32>
    %broadcast_in_dim3A = vector.shape_cast %get3A_4 : vector<16x384xf32> to vector<16x1x384xf32>
    %broadcast_in_dim3A_5 = vector.shape_cast %broadcast_in_dim3A : vector<16x1x384xf32> to vector<16x1x384xf32>
    %broadcast_in_dim3A_6 = vector.broadcast %broadcast_in_dim3A_5 : vector<16x1x384xf32> to vector<16x32x384xf32>
    %swap3A = arith.constant 0 : index
    %swap3A_7 = arith.constant 0 : index
    %swap3A_8 = arith.constant 0 : index
    %swap3A_9 = vector.load %arg2[%swap3A, %swap3A_7, %swap3A_8] : memref<32x32x768xf32, #tpu.memory_space<vmem>>, vector<16x32x384xf32>
    tpu.vector_store %arg2[%swap3A, %swap3A_7, %swap3A_8], %broadcast_in_dim3A_6 {strides = array<i32>} : memref<32x32x768xf32, #tpu.memory_space<vmem>>, vector<16x32x384xf32>,
    %broadcast_in_dim3A_10 = vector.shape_cast %get3A_1 : vector<32x384xf32> to vector<1x32x384xf32>
    %broadcast_in_dim3A_11 = vector.shape_cast %broadcast_in_dim3A_10 : vector<1x32x384xf32> to vector<1x32x384xf32>
    %broadcast_in_dim3A_12 = vector.broadcast %broadcast_in_dim3A_11 : vector<1x32x384xf32> to vector<16x32x384xf32>
    %swap3A_13 = arith.constant 0 : index
    %swap3A_14 = arith.constant 0 : index
    %swap3A_15 = arith.constant 384 : index
    %swap3A_16 = vector.load %arg2[%swap3A_13, %swap3A_14, %swap3A_15] : memref<32x32x768xf32, #tpu.memory_space<vmem>>, vector<16x32x384xf32>
    tpu.vector_store %arg2[%swap3A_13, %swap3A_14, %swap3A_15], %broadcast_in_dim3A_12 {strides = array<i32>} : memref<32x32x768xf32, #tpu.memory_space<vmem>>, vector<16x32x384xf32>,
    %dma_start3A = arith.constant 0 : i32
    %dma_start3A_17 = arith.constant 0 : i32
    %dma_start3A_18 = tpu.memref_slice %arg3[%dma_start3A_17] : memref<64x!tpu.dma_semaphore, #tpu.memory_space<semaphore_mem>> -> memref<1x!tpu.dma_semaphore, #tpu.memory_space<semaphore_mem>>
    %dma_start3A_19 = tpu.memref_squeeze %dma_start3A_18 : memref<1x!tpu.dma_semaphore, #tpu.memory_space<semaphore_mem>> -> memref<!tpu.dma_semaphore, #tpu.memory_space<semaphore_mem>>
    %dma_start3A_20 = arith.constant 0 : i32
    %dma_start3A_21 = arith.constant 0 : i32
    %dma_start3A_22 = arith.constant 0 : i32
    %dma_start3A_23 = tpu.memref_slice %arg1[%dma_start3A, %dma_start3A_20, %dma_start3A_21, %dma_start3A_22] : memref<32x32x32x768xf32, #tpu.memory_space<any>> -> memref<1x16x32x768xf32, #tpu.memory_space<any>>
    %dma_start3A_24 = tpu.memref_squeeze %dma_start3A_23 : memref<1x16x32x768xf32, #tpu.memory_space<any>> -> memref<16x32x768xf32, #tpu.memory_space<any>>
    %dma_start3A_25 = arith.constant 0 : i32
    %dma_start3A_26 = arith.constant 0 : i32
    %dma_start3A_27 = arith.constant 0 : i32
    %dma_start3A_28 = tpu.memref_slice %arg2[%dma_start3A_25, %dma_start3A_26, %dma_start3A_27] : memref<32x32x768xf32, #tpu.memory_space<vmem>> -> memref<16x32x768xf32, #tpu.memory_space<vmem>>
    tpu.enqueue_dma source(%dma_start3A_28 : memref<16x32x768xf32, #tpu.memory_space<vmem>>) target(%dma_start3A_24 : memref<16x32x768xf32, #tpu.memory_space<any>>) target_semaphore(%dma_start3A_19 : memref<!tpu.dma_semaphore, #tpu.memory_space<semaphore_mem>>)
    %dma_start3A_29 = arith.constant 1 : i32
    %dma_start3A_30 = arith.constant 2 : i32
    %dma_start3A_31 = tpu.memref_slice %arg3[%dma_start3A_30] : memref<64x!tpu.dma_semaphore, #tpu.memory_space<semaphore_mem>> -> memref<1x!tpu.dma_semaphore, #tpu.memory_space<semaphore_mem>>
    %dma_start3A_32 = tpu.memref_squeeze %dma_start3A_31 : memref<1x!tpu.dma_semaphore, #tpu.memory_space<semaphore_mem>> -> memref<!tpu.dma_semaphore, #tpu.memory_space<semaphore_mem>>
    %dma_start3A_33 = arith.constant 0 : i32
    %dma_start3A_34 = arith.constant 0 : i32
    %dma_start3A_35 = arith.constant 0 : i32
    %dma_start3A_36 = tpu.memref_slice %arg1[%dma_start3A_29, %dma_start3A_33, %dma_start3A_34, %dma_start3A_35] : memref<32x32x32x768xf32, #tpu.memory_space<any>> -> memref<1x16x32x768xf32, #tpu.memory_space<any>>
    %dma_start3A_37 = tpu.memref_squeeze %dma_start3A_36 : memref<1x16x32x768xf32, #tpu.memory_space<any>> -> memref<16x32x768xf32, #tpu.memory_space<any>>
    %dma_start3A_38 = arith.constant 0 : i32
    %dma_start3A_39 = arith.constant 0 : i32
    %dma_start3A_40 = arith.constant 0 : i32
    %dma_start3A_41 = tpu.memref_slice %arg2[%dma_start3A_38, %dma_start3A_39, %dma_start3A_40] : memref<32x32x768xf32, #tpu.memory_space<vmem>> -> memref<16x32x768xf32, #tpu.memory_space<vmem>>
    tpu.enqueue_dma source(%dma_start3A_41 : memref<16x32x768xf32, #tpu.memory_space<vmem>>) target(%dma_start3A_37 : memref<16x32x768xf32, #tpu.memory_space<any>>) target_semaphore(%dma_start3A_32 : memref<!tpu.dma_semaphore, #tpu.memory_space<semaphore_mem>>)
    %dma_start3A_42 = arith.constant 2 : i32
    %dma_start3A_43 = arith.constant 4 : i32
    %dma_start3A_44 = tpu.memref_slice %arg3[%dma_start3A_43] : memref<64x!tpu.dma_semaphore, #tpu.memory_space<semaphore_mem>> -> memref<1x!tpu.dma_semaphore, #tpu.memory_space<semaphore_mem>>
    %dma_start3A_45 = tpu.memref_squeeze %dma_start3A_44 : memref<1x!tpu.dma_semaphore, #tpu.memory_space<semaphore_mem>> -> memref<!tpu.dma_semaphore, #tpu.memory_space<semaphore_mem>>
    %dma_start3A_46 = arith.constant 0 : i32
    %dma_start3A_47 = arith.constant 0 : i32
    %dma_start3A_48 = arith.constant 0 : i32
    %dma_start3A_49 = tpu.memref_slice %arg1[%dma_start3A_42, %dma_start3A_46, %dma_start3A_47, %dma_start3A_48] : memref<32x32x32x768xf32, #tpu.memory_space<any>> -> memref<1x16x32x768xf32, #tpu.memory_space<any>>
    %dma_start3A_50 = tpu.memref_squeeze %dma_start3A_49 : memref<1x16x32x768xf32, #tpu.memory_space<any>> -> memref<16x32x768xf32, #tpu.memory_space<any>>
    %dma_start3A_51 = arith.constant 0 : i32
    %dma_start3A_52 = arith.constant 0 : i32
    %dma_start3A_53 = arith.constant 0 : i32
    %dma_start3A_54 = tpu.memref_slice %arg2[%dma_start3A_51, %dma_start3A_52, %dma_start3A_53] : memref<32x32x768xf32, #tpu.memory_space<vmem>> -> memref<16x32x768xf32, #tpu.memory_space<vmem>>
    tpu.enqueue_dma source(%dma_start3A_54 : memref<16x32x768xf32, #tpu.memory_space<vmem>>) target(%dma_start3A_50 : memref<16x32x768xf32, #tpu.memory_space<any>>) target_semaphore(%dma_start3A_45 : memref<!tpu.dma_semaphore, #tpu.memory_space<semaphore_mem>>)
    %dma_start3A_55 = arith.constant 3 : i32
    %dma_start3A_56 = arith.constant 6 : i32
    %dma_start3A_57 = tpu.memref_slice %arg3[%dma_start3A_56] : memref<64x!tpu.dma_semaphore, #tpu.memory_space<semaphore_mem>> -> memref<1x!tpu.dma_semaphore, #tpu.memory_space<semaphore_mem>>
    %dma_start3A_58 = tpu.memref_squeeze %dma_start3A_57 : memref<1x!tpu.dma_semaphore, #tpu.memory_space<semaphore_mem>> -> memref<!tpu.dma_semaphore, #tpu.memory_space<semaphore_mem>>
    %dma_start3A_59 = arith.constant 0 : i32
    %dma_start3A_60 = arith.constant 0 : i32
    %dma_start3A_61 = arith.constant 0 : i32
    %dma_start3A_62 = tpu.memref_slice %arg1[%dma_start3A_55, %dma_start3A_59, %dma_start3A_60, %dma_start3A_61] : memref<32x32x32x768xf32, #tpu.memory_space<any>> -> memref<1x16x32x768xf32, #tpu.memory_space<any>>
    %dma_start3A_63 = tpu.memref_squeeze %dma_start3A_62 : memref<1x16x32x768xf32, #tpu.memory_space<any>> -> memref<16x32x768xf32, #tpu.memory_space<any>>
    %dma_start3A_64 = arith.constant 0 : i32
    %dma_start3A_65 = arith.constant 0 : i32
    %dma_start3A_66 = arith.constant 0 : i32
    %dma_start3A_67 = tpu.memref_slice %arg2[%dma_start3A_64, %dma_start3A_65, %dma_start3A_66] : memref<32x32x768xf32, #tpu.memory_space<vmem>> -> memref<16x32x768xf32, #tpu.memory_space<vmem>>
    tpu.enqueue_dma source(%dma_start3A_67 : memref<16x32x768xf32, #tpu.memory_space<vmem>>) target(%dma_start3A_63 : memref<16x32x768xf32, #tpu.memory_space<any>>) target_semaphore(%dma_start3A_58 : memref<!tpu.dma_semaphore, #tpu.memory_space<semaphore_mem>>)
    %dma_start3A_68 = arith.constant 4 : i32
    %dma_start3A_69 = arith.constant 8 : i32
    %dma_start3A_70 = tpu.memref_slice %arg3[%dma_start3A_69] : memref<64x!tpu.dma_semaphore, #tpu.memory_space<semaphore_mem>> -> memref<1x!tpu.dma_semaphore, #tpu.memory_space<semaphore_mem>>
    %dma_start3A_71 = tpu.memref_squeeze %dma_start3A_70 : memref<1x!tpu.dma_semaphore, #tpu.memory_space<semaphore_mem>> -> memref<!tpu.dma_semaphore, #tpu.memory_space<semaphore_mem>>
    %dma_start3A_72 = arith.constant 0 : i32
    %dma_start3A_73 = arith.constant 0 : i32
    %dma_start3A_74 = arith.constant 0 : i32
    %dma_start3A_75 = tpu.memref_slice %arg1[%dma_start3A_68, %dma_start3A_72, %dma_start3A_73, %dma_start3A_74] : memref<32x32x32x768xf32, #tpu.memory_space<any>> -> memref<1x16x32x768xf32, #tpu.memory_space<any>>
    %dma_start3A_76 = tpu.memref_squeeze %dma_start3A_75 : memref<1x16x32x768xf32, #tpu.memory_space<any>> -> memref<16x32x768xf32, #tpu.memory_space<any>>
    %dma_start3A_77 = arith.constant 0 : i32
    %dma_start3A_78 = arith.constant 0 : i32
    %dma_start3A_79 = arith.constant 0 : i32
    %dma_start3A_80 = tpu.memref_slice %arg2[%dma_start3A_77, %dma_start3A_78, %dma_start3A_79] : memref<32x32x768xf32, #tpu.memory_space<vmem>> -> memref<16x32x768xf32, #tpu.memory_space<vmem>>
    tpu.enqueue_dma source(%dma_start3A_80 : memref<16x32x768xf32, #tpu.memory_space<vmem>>) target(%dma_start3A_76 : memref<16x32x768xf32, #tpu.memory_space<any>>) target_semaphore(%dma_start3A_71 : memref<!tpu.dma_semaphore, #tpu.memory_space<semaphore_mem>>)
    %dma_start3A_81 = arith.constant 5 : i32
    %dma_start3A_82 = arith.constant 10 : i32
    %dma_start3A_83 = tpu.memref_slice %arg3[%dma_start3A_82] : memref<64x!tpu.dma_semaphore, #tpu.memory_space<semaphore_mem>> -> memref<1x!tpu.dma_semaphore, #tpu.memory_space<semaphore_mem>>
    %dma_start3A_84 = tpu.memref_squeeze %dma_start3A_83 : memref<1x!tpu.dma_semaphore, #tpu.memory_space<semaphore_mem>> -> memref<!tpu.dma_semaphore, #tpu.memory_space<semaphore_mem>>
    %dma_start3A_85 = arith.constant 0 : i32
    %dma_start3A_86 = arith.constant 0 : i32
    %dma_start3A_87 = arith.constant 0 : i32
    %dma_start3A_88 = tpu.memref_slice %arg1[%dma_start3A_81, %dma_start3A_85, %dma_start3A_86, %dma_start3A_87] : memref<32x32x32x768xf32, #tpu.memory_space<any>> -> memref<1x16x32x768xf32, #tpu.memory_space<any>>
    %dma_start3A_89 = tpu.memref_squeeze %dma_start3A_88 : memref<1x16x32x768xf32, #tpu.memory_space<any>> -> memref<16x32x768xf32, #tpu.memory_space<any>>
    %dma_start3A_90 = arith.constant 0 : i32
    %dma_start3A_91 = arith.constant 0 : i32
    %dma_start3A_92 = arith.constant 0 : i32
    %dma_start3A_93 = tpu.memref_slice %arg2[%dma_start3A_90, %dma_start3A_91, %dma_start3A_92] : memref<32x32x768xf32, #tpu.memory_space<vmem>> -> memref<16x32x768xf32, #tpu.memory_space<vmem>>
    tpu.enqueue_dma source(%dma_start3A_93 : memref<16x32x768xf32, #tpu.memory_space<vmem>>) target(%dma_start3A_89 : memref<16x32x768xf32, #tpu.memory_space<any>>) target_semaphore(%dma_start3A_84 : memref<!tpu.dma_semaphore, #tpu.memory_space<semaphore_mem>>)
    %dma_start3A_94 = arith.constant 6 : i32
    %dma_start3A_95 = arith.constant 12 : i32
    %dma_start3A_96 = tpu.memref_slice %arg3[%dma_start3A_95] : memref<64x!tpu.dma_semaphore, #tpu.memory_space<semaphore_mem>> -> memref<1x!tpu.dma_semaphore, #tpu.memory_space<semaphore_mem>>
    %dma_start3A_97 = tpu.memref_squeeze %dma_start3A_96 : memref<1x!tpu.dma_semaphore, #tpu.memory_space<semaphore_mem>> -> memref<!tpu.dma_semaphore, #tpu.memory_space<semaphore_mem>>
    %dma_start3A_98 = arith.constant 0 : i32
    %dma_start3A_99 = arith.constant 0 : i32
    %dma_start3A_100 = arith.constant 0 : i32
    %dma_start3A_101 = tpu.memref_slice %arg1[%dma_start3A_94, %dma_start3A_98, %dma_start3A_99, %dma_start3A_100] : memref<32x32x32x768xf32, #tpu.memory_space<any>> -> memref<1x16x32x768xf32, #tpu.memory_space<any>>
    %dma_start3A_102 = tpu.memref_squeeze %dma_start3A_101 : memref<1x16x32x768xf32, #tpu.memory_space<any>> -> memref<16x32x768xf32, #tpu.memory_space<any>>
    %dma_start3A_103 = arith.constant 0 : i32
    %dma_start3A_104 = arith.constant 0 : i32
    %dma_start3A_105 = arith.constant 0 : i32
    %dma_start3A_106 = tpu.memref_slice %arg2[%dma_start3A_103, %dma_start3A_104, %dma_start3A_105] : memref<32x32x768xf32, #tpu.memory_space<vmem>> -> memref<16x32x768xf32, #tpu.memory_space<vmem>>
    tpu.enqueue_dma source(%dma_start3A_106 : memref<16x32x768xf32, #tpu.memory_space<vmem>>) target(%dma_start3A_102 : memref<16x32x768xf32, #tpu.memory_space<any>>) target_semaphore(%dma_start3A_97 : memref<!tpu.dma_semaphore, #tpu.memory_space<semaphore_mem>>)
    %dma_start3A_107 = arith.constant 7 : i32
    %dma_start3A_108 = arith.constant 14 : i32
    %dma_start3A_109 = tpu.memref_slice %arg3[%dma_start3A_108] : memref<64x!tpu.dma_semaphore, #tpu.memory_space<semaphore_mem>> -> memref<1x!tpu.dma_semaphore, #tpu.memory_space<semaphore_mem>>
    %dma_start3A_110 = tpu.memref_squeeze %dma_start3A_109 : memref<1x!tpu.dma_semaphore, #tpu.memory_space<semaphore_mem>> -> memref<!tpu.dma_semaphore, #tpu.memory_space<semaphore_mem>>
    %dma_start3A_111 = arith.constant 0 : i32
    %dma_start3A_112 = arith.constant 0 : i32
    %dma_start3A_113 = arith.constant 0 : i32
    %dma_start3A_114 = tpu.memref_slice %arg1[%dma_start3A_107, %dma_start3A_111, %dma_start3A_112, %dma_start3A_113] : memref<32x32x32x768xf32, #tpu.memory_space<any>> -> memref<1x16x32x768xf32, #tpu.memory_space<any>>
    %dma_start3A_115 = tpu.memref_squeeze %dma_start3A_114 : memref<1x16x32x768xf32, #tpu.memory_space<any>> -> memref<16x32x768xf32, #tpu.memory_space<any>>
    %dma_start3A_116 = arith.constant 0 : i32
    %dma_start3A_117 = arith.constant 0 : i32
    %dma_start3A_118 = arith.constant 0 : i32
    %dma_start3A_119 = tpu.memref_slice %arg2[%dma_start3A_116, %dma_start3A_117, %dma_start3A_118] : memref<32x32x768xf32, #tpu.memory_space<vmem>> -> memref<16x32x768xf32, #tpu.memory_space<vmem>>
    tpu.enqueue_dma source(%dma_start3A_119 : memref<16x32x768xf32, #tpu.memory_space<vmem>>) target(%dma_start3A_115 : memref<16x32x768xf32, #tpu.memory_space<any>>) target_semaphore(%dma_start3A_110 : memref<!tpu.dma_semaphore, #tpu.memory_space<semaphore_mem>>)
    %dma_start3A_120 = arith.constant 8 : i32
    %dma_start3A_121 = arith.constant 16 : i32
    %dma_start3A_122 = tpu.memref_slice %arg3[%dma_start3A_121] : memref<64x!tpu.dma_semaphore, #tpu.memory_space<semaphore_mem>> -> memref<1x!tpu.dma_semaphore, #tpu.memory_space<semaphore_mem>>
    %dma_start3A_123 = tpu.memref_squeeze %dma_start3A_122 : memref<1x!tpu.dma_semaphore, #tpu.memory_space<semaphore_mem>> -> memref<!tpu.dma_semaphore, #tpu.memory_space<semaphore_mem>>
    %dma_start3A_124 = arith.constant 0 : i32
    %dma_start3A_125 = arith.constant 0 : i32
    %dma_start3A_126 = arith.constant 0 : i32
    %dma_start3A_127 = tpu.memref_slice %arg1[%dma_start3A_120, %dma_start3A_124, %dma_start3A_125, %dma_start3A_126] : memref<32x32x32x768xf32, #tpu.memory_space<any>> -> memref<1x16x32x768xf32, #tpu.memory_space<any>>
    %dma_start3A_128 = tpu.memref_squeeze %dma_start3A_127 : memref<1x16x32x768xf32, #tpu.memory_space<any>> -> memref<16x32x768xf32, #tpu.memory_space<any>>
    %dma_start3A_129 = arith.constant 0 : i32
    %dma_start3A_130 = arith.constant 0 : i32
    %dma_start3A_131 = arith.constant 0 : i32
    %dma_start3A_132 = tpu.memref_slice %arg2[%dma_start3A_129, %dma_start3A_130, %dma_start3A_131] : memref<32x32x768xf32, #tpu.memory_space<vmem>> -> memref<16x32x768xf32, #tpu.memory_space<vmem>>
    tpu.enqueue_dma source(%dma_start3A_132 : memref<16x32x768xf32, #tpu.memory_space<vmem>>) target(%dma_start3A_128 : memref<16x32x768xf32, #tpu.memory_space<any>>) target_semaphore(%dma_start3A_123 : memref<!tpu.dma_semaphore, #tpu.memory_space<semaphore_mem>>)
    %dma_start3A_133 = arith.constant 9 : i32
    %dma_start3A_134 = arith.constant 18 : i32
    %dma_start3A_135 = tpu.memref_slice %arg3[%dma_start3A_134] : memref<64x!tpu.dma_semaphore, #tpu.memory_space<semaphore_mem>> -> memref<1x!tpu.dma_semaphore, #tpu.memory_space<semaphore_mem>>
    %dma_start3A_136 = tpu.memref_squeeze %dma_start3A_135 : memref<1x!tpu.dma_semaphore, #tpu.memory_space<semaphore_mem>> -> memref<!tpu.dma_semaphore, #tpu.memory_space<semaphore_mem>>
    %dma_start3A_137 = arith.constant 0 : i32
    %dma_start3A_138 = arith.constant 0 : i32
    %dma_start3A_139 = arith.constant 0 : i32
    %dma_start3A_140 = tpu.memref_slice %arg1[%dma_start3A_133, %dma_start3A_137, %dma_start3A_138, %dma_start3A_139] : memref<32x32x32x768xf32, #tpu.memory_space<any>> -> memref<1x16x32x768xf32, #tpu.memory_space<any>>
    %dma_start3A_141 = tpu.memref_squeeze %dma_start3A_140 : memref<1x16x32x768xf32, #tpu.memory_space<any>> -> memref<16x32x768xf32, #tpu.memory_space<any>>
    %dma_start3A_142 = arith.constant 0 : i32
    %dma_start3A_143 = arith.constant 0 : i32
    %dma_start3A_144 = arith.constant 0 : i32
    %dma_start3A_145 = tpu.memref_slice %arg2[%dma_start3A_142, %dma_start3A_143, %dma_start3A_144] : memref<32x32x768xf32, #tpu.memory_space<vmem>> -> memref<16x32x768xf32, #tpu.memory_space<vmem>>
    tpu.enqueue_dma source(%dma_start3A_145 : memref<16x32x768xf32, #tpu.memory_space<vmem>>) target(%dma_start3A_141 : memref<16x32x768xf32, #tpu.memory_space<any>>) target_semaphore(%dma_start3A_136 : memref<!tpu.dma_semaphore, #tpu.memory_space<semaphore_mem>>)
    %dma_start3A_146 = arith.constant 10 : i32
    %dma_start3A_147 = arith.constant 20 : i32
    %dma_start3A_148 = tpu.memref_slice %arg3[%dma_start3A_147] : memref<64x!tpu.dma_semaphore, #tpu.memory_space<semaphore_mem>> -> memref<1x!tpu.dma_semaphore, #tpu.memory_space<semaphore_mem>>
    %dma_start3A_149 = tpu.memref_squeeze %dma_start3A_148 : memref<1x!tpu.dma_semaphore, #tpu.memory_space<semaphore_mem>> -> memref<!tpu.dma_semaphore, #tpu.memory_space<semaphore_mem>>
    %dma_start3A_150 = arith.constant 0 : i32
    %dma_start3A_151 = arith.constant 0 : i32
    %dma_start3A_152 = arith.constant 0 : i32
    %dma_start3A_153 = tpu.memref_slice %arg1[%dma_start3A_146, %dma_start3A_150, %dma_start3A_151, %dma_start3A_152] : memref<32x32x32x768xf32, #tpu.memory_space<any>> -> memref<1x16x32x768xf32, #tpu.memory_space<any>>
    %dma_start3A_154 = tpu.memref_squeeze %dma_start3A_153 : memref<1x16x32x768xf32, #tpu.memory_space<any>> -> memref<16x32x768xf32, #tpu.memory_space<any>>
    %dma_start3A_155 = arith.constant 0 : i32
    %dma_start3A_156 = arith.constant 0 : i32
    %dma_start3A_157 = arith.constant 0 : i32
    %dma_start3A_158 = tpu.memref_slice %arg2[%dma_start3A_155, %dma_start3A_156, %dma_start3A_157] : memref<32x32x768xf32, #tpu.memory_space<vmem>> -> memref<16x32x768xf32, #tpu.memory_space<vmem>>
    tpu.enqueue_dma source(%dma_start3A_158 : memref<16x32x768xf32, #tpu.memory_space<vmem>>) target(%dma_start3A_154 : memref<16x32x768xf32, #tpu.memory_space<any>>) target_semaphore(%dma_start3A_149 : memref<!tpu.dma_semaphore, #tpu.memory_space<semaphore_mem>>)
    %dma_start3A_159 = arith.constant 11 : i32
    %dma_start3A_160 = arith.constant 22 : i32
    %dma_start3A_161 = tpu.memref_slice %arg3[%dma_start3A_160] : memref<64x!tpu.dma_semaphore, #tpu.memory_space<semaphore_mem>> -> memref<1x!tpu.dma_semaphore, #tpu.memory_space<semaphore_mem>>
    %dma_start3A_162 = tpu.memref_squeeze %dma_start3A_161 : memref<1x!tpu.dma_semaphore, #tpu.memory_space<semaphore_mem>> -> memref<!tpu.dma_semaphore, #tpu.memory_space<semaphore_mem>>
    %dma_start3A_163 = arith.constant 0 : i32
    %dma_start3A_164 = arith.constant 0 : i32
    %dma_start3A_165 = arith.constant 0 : i32
    %dma_start3A_166 = tpu.memref_slice %arg1[%dma_start3A_159, %dma_start3A_163, %dma_start3A_164, %dma_start3A_165] : memref<32x32x32x768xf32, #tpu.memory_space<any>> -> memref<1x16x32x768xf32, #tpu.memory_space<any>>
    %dma_start3A_167 = tpu.memref_squeeze %dma_start3A_166 : memref<1x16x32x768xf32, #tpu.memory_space<any>> -> memref<16x32x768xf32, #tpu.memory_space<any>>
    %dma_start3A_168 = arith.constant 0 : i32
    %dma_start3A_169 = arith.constant 0 : i32
    %dma_start3A_170 = arith.constant 0 : i32
    %dma_start3A_171 = tpu.memref_slice %arg2[%dma_start3A_168, %dma_start3A_169, %dma_start3A_170] : memref<32x32x768xf32, #tpu.memory_space<vmem>> -> memref<16x32x768xf32, #tpu.memory_space<vmem>>
    tpu.enqueue_dma source(%dma_start3A_171 : memref<16x32x768xf32, #tpu.memory_space<vmem>>) target(%dma_start3A_167 : memref<16x32x768xf32, #tpu.memory_space<any>>) target_semaphore(%dma_start3A_162 : memref<!tpu.dma_semaphore, #tpu.memory_space<semaphore_mem>>)
    %dma_start3A_172 = arith.constant 12 : i32
    %dma_start3A_173 = arith.constant 24 : i32
    %dma_start3A_174 = tpu.memref_slice %arg3[%dma_start3A_173] : memref<64x!tpu.dma_semaphore, #tpu.memory_space<semaphore_mem>> -> memref<1x!tpu.dma_semaphore, #tpu.memory_space<semaphore_mem>>
    %dma_start3A_175 = tpu.memref_squeeze %dma_start3A_174 : memref<1x!tpu.dma_semaphore, #tpu.memory_space<semaphore_mem>> -> memref<!tpu.dma_semaphore, #tpu.memory_space<semaphore_mem>>
    %dma_start3A_176 = arith.constant 0 : i32
    %dma_start3A_177 = arith.constant 0 : i32
    %dma_start3A_178 = arith.constant 0 : i32
    %dma_start3A_179 = tpu.memref_slice %arg1[%dma_start3A_172, %dma_start3A_176, %dma_start3A_177, %dma_start3A_178] : memref<32x32x32x768xf32, #tpu.memory_space<any>> -> memref<1x16x32x768xf32, #tpu.memory_space<any>>
    %dma_start3A_180 = tpu.memref_squeeze %dma_start3A_179 : memref<1x16x32x768xf32, #tpu.memory_space<any>> -> memref<16x32x768xf32, #tpu.memory_space<any>>
    %dma_start3A_181 = arith.constant 0 : i32
    %dma_start3A_182 = arith.constant 0 : i32
    %dma_start3A_183 = arith.constant 0 : i32
    %dma_start3A_184 = tpu.memref_slice %arg2[%dma_start3A_181, %dma_start3A_182, %dma_start3A_183] : memref<32x32x768xf32, #tpu.memory_space<vmem>> -> memref<16x32x768xf32, #tpu.memory_space<vmem>>
    tpu.enqueue_dma source(%dma_start3A_184 : memref<16x32x768xf32, #tpu.memory_space<vmem>>) target(%dma_start3A_180 : memref<16x32x768xf32, #tpu.memory_space<any>>) target_semaphore(%dma_start3A_175 : memref<!tpu.dma_semaphore, #tpu.memory_space<semaphore_mem>>)
    %dma_start3A_185 = arith.constant 13 : i32
    %dma_start3A_186 = arith.constant 26 : i32
    %dma_start3A_187 = tpu.memref_slice %arg3[%dma_start3A_186] : memref<64x!tpu.dma_semaphore, #tpu.memory_space<semaphore_mem>> -> memref<1x!tpu.dma_semaphore, #tpu.memory_space<semaphore_mem>>
    %dma_start3A_188 = tpu.memref_squeeze %dma_start3A_187 : memref<1x!tpu.dma_semaphore, #tpu.memory_space<semaphore_mem>> -> memref<!tpu.dma_semaphore, #tpu.memory_space<semaphore_mem>>
    %dma_start3A_189 = arith.constant 0 : i32
    %dma_start3A_190 = arith.constant 0 : i32
    %dma_start3A_191 = arith.constant 0 : i32
    %dma_start3A_192 = tpu.memref_slice %arg1[%dma_start3A_185, %dma_start3A_189, %dma_start3A_190, %dma_start3A_191] : memref<32x32x32x768xf32, #tpu.memory_space<any>> -> memref<1x16x32x768xf32, #tpu.memory_space<any>>
    %dma_start3A_193 = tpu.memref_squeeze %dma_start3A_192 : memref<1x16x32x768xf32, #tpu.memory_space<any>> -> memref<16x32x768xf32, #tpu.memory_space<any>>
    %dma_start3A_194 = arith.constant 0 : i32
    %dma_start3A_195 = arith.constant 0 : i32
    %dma_start3A_196 = arith.constant 0 : i32
    %dma_start3A_197 = tpu.memref_slice %arg2[%dma_start3A_194, %dma_start3A_195, %dma_start3A_196] : memref<32x32x768xf32, #tpu.memory_space<vmem>> -> memref<16x32x768xf32, #tpu.memory_space<vmem>>
    tpu.enqueue_dma source(%dma_start3A_197 : memref<16x32x768xf32, #tpu.memory_space<vmem>>) target(%dma_start3A_193 : memref<16x32x768xf32, #tpu.memory_space<any>>) target_semaphore(%dma_start3A_188 : memref<!tpu.dma_semaphore, #tpu.memory_space<semaphore_mem>>)
    %dma_start3A_198 = arith.constant 14 : i32
    %dma_start3A_199 = arith.constant 28 : i32
    %dma_start3A_200 = tpu.memref_slice %arg3[%dma_start3A_199] : memref<64x!tpu.dma_semaphore, #tpu.memory_space<semaphore_mem>> -> memref<1x!tpu.dma_semaphore, #tpu.memory_space<semaphore_mem>>
    %dma_start3A_201 = tpu.memref_squeeze %dma_start3A_200 : memref<1x!tpu.dma_semaphore, #tpu.memory_space<semaphore_mem>> -> memref<!tpu.dma_semaphore, #tpu.memory_space<semaphore_mem>>
    %dma_start3A_202 = arith.constant 0 : i32
    %dma_start3A_203 = arith.constant 0 : i32
    %dma_start3A_204 = arith.constant 0 : i32
    %dma_start3A_205 = tpu.memref_slice %arg1[%dma_start3A_198, %dma_start3A_202, %dma_start3A_203, %dma_start3A_204] : memref<32x32x32x768xf32, #tpu.memory_space<any>> -> memref<1x16x32x768xf32, #tpu.memory_space<any>>
    %dma_start3A_206 = tpu.memref_squeeze %dma_start3A_205 : memref<1x16x32x768xf32, #tpu.memory_space<any>> -> memref<16x32x768xf32, #tpu.memory_space<any>>
    %dma_start3A_207 = arith.constant 0 : i32
    %dma_start3A_208 = arith.constant 0 : i32
    %dma_start3A_209 = arith.constant 0 : i32
    %dma_start3A_210 = tpu.memref_slice %arg2[%dma_start3A_207, %dma_start3A_208, %dma_start3A_209] : memref<32x32x768xf32, #tpu.memory_space<vmem>> -> memref<16x32x768xf32, #tpu.memory_space<vmem>>
    tpu.enqueue_dma source(%dma_start3A_210 : memref<16x32x768xf32, #tpu.memory_space<vmem>>) target(%dma_start3A_206 : memref<16x32x768xf32, #tpu.memory_space<any>>) target_semaphore(%dma_start3A_201 : memref<!tpu.dma_semaphore, #tpu.memory_space<semaphore_mem>>)
    %dma_start3A_211 = arith.constant 15 : i32
    %dma_start3A_212 = arith.constant 30 : i32
    %dma_start3A_213 = tpu.memref_slice %arg3[%dma_start3A_212] : memref<64x!tpu.dma_semaphore, #tpu.memory_space<semaphore_mem>> -> memref<1x!tpu.dma_semaphore, #tpu.memory_space<semaphore_mem>>
    %dma_start3A_214 = tpu.memref_squeeze %dma_start3A_213 : memref<1x!tpu.dma_semaphore, #tpu.memory_space<semaphore_mem>> -> memref<!tpu.dma_semaphore, #tpu.memory_space<semaphore_mem>>
    %dma_start3A_215 = arith.constant 0 : i32
    %dma_start3A_216 = arith.constant 0 : i32
    %dma_start3A_217 = arith.constant 0 : i32
    %dma_start3A_218 = tpu.memref_slice %arg1[%dma_start3A_211, %dma_start3A_215, %dma_start3A_216, %dma_start3A_217] : memref<32x32x32x768xf32, #tpu.memory_space<any>> -> memref<1x16x32x768xf32, #tpu.memory_space<any>>
    %dma_start3A_219 = tpu.memref_squeeze %dma_start3A_218 : memref<1x16x32x768xf32, #tpu.memory_space<any>> -> memref<16x32x768xf32, #tpu.memory_space<any>>
    %dma_start3A_220 = arith.constant 0 : i32
    %dma_start3A_221 = arith.constant 0 : i32
    %dma_start3A_222 = arith.constant 0 : i32
    %dma_start3A_223 = tpu.memref_slice %arg2[%dma_start3A_220, %dma_start3A_221, %dma_start3A_222] : memref<32x32x768xf32, #tpu.memory_space<vmem>> -> memref<16x32x768xf32, #tpu.memory_space<vmem>>
    tpu.enqueue_dma source(%dma_start3A_223 : memref<16x32x768xf32, #tpu.memory_space<vmem>>) target(%dma_start3A_219 : memref<16x32x768xf32, #tpu.memory_space<any>>) target_semaphore(%dma_start3A_214 : memref<!tpu.dma_semaphore, #tpu.memory_space<semaphore_mem>>)
    %dma_start3A_224 = arith.constant 16 : i32
    %dma_start3A_225 = arith.constant 32 : i32
    %dma_start3A_226 = tpu.memref_slice %arg3[%dma_start3A_225] : memref<64x!tpu.dma_semaphore, #tpu.memory_space<semaphore_mem>> -> memref<1x!tpu.dma_semaphore, #tpu.memory_space<semaphore_mem>>
    %dma_start3A_227 = tpu.memref_squeeze %dma_start3A_226 : memref<1x!tpu.dma_semaphore, #tpu.memory_space<semaphore_mem>> -> memref<!tpu.dma_semaphore, #tpu.memory_space<semaphore_mem>>
    %dma_start3A_228 = arith.constant 0 : i32
    %dma_start3A_229 = arith.constant 0 : i32
    %dma_start3A_230 = arith.constant 0 : i32
    %dma_start3A_231 = tpu.memref_slice %arg1[%dma_start3A_224, %dma_start3A_228, %dma_start3A_229, %dma_start3A_230] : memref<32x32x32x768xf32, #tpu.memory_space<any>> -> memref<1x16x32x768xf32, #tpu.memory_space<any>>
    %dma_start3A_232 = tpu.memref_squeeze %dma_start3A_231 : memref<1x16x32x768xf32, #tpu.memory_space<any>> -> memref<16x32x768xf32, #tpu.memory_space<any>>
    %dma_start3A_233 = arith.constant 0 : i32
    %dma_start3A_234 = arith.constant 0 : i32
    %dma_start3A_235 = arith.constant 0 : i32
    %dma_start3A_236 = tpu.memref_slice %arg2[%dma_start3A_233, %dma_start3A_234, %dma_start3A_235] : memref<32x32x768xf32, #tpu.memory_space<vmem>> -> memref<16x32x768xf32, #tpu.memory_space<vmem>>
    tpu.enqueue_dma source(%dma_start3A_236 : memref<16x32x768xf32, #tpu.memory_space<vmem>>) target(%dma_start3A_232 : memref<16x32x768xf32, #tpu.memory_space<any>>) target_semaphore(%dma_start3A_227 : memref<!tpu.dma_semaphore, #tpu.memory_space<semaphore_mem>>)
    %dma_start3A_237 = arith.constant 17 : i32
    %dma_start3A_238 = arith.constant 34 : i32
    %dma_start3A_239 = tpu.memref_slice %arg3[%dma_start3A_238] : memref<64x!tpu.dma_semaphore, #tpu.memory_space<semaphore_mem>> -> memref<1x!tpu.dma_semaphore, #tpu.memory_space<semaphore_mem>>
    %dma_start3A_240 = tpu.memref_squeeze %dma_start3A_239 : memref<1x!tpu.dma_semaphore, #tpu.memory_space<semaphore_mem>> -> memref<!tpu.dma_semaphore, #tpu.memory_space<semaphore_mem>>
    %dma_start3A_241 = arith.constant 0 : i32
    %dma_start3A_242 = arith.constant 0 : i32
    %dma_start3A_243 = arith.constant 0 : i32
    %dma_start3A_244 = tpu.memref_slice %arg1[%dma_start3A_237, %dma_start3A_241, %dma_start3A_242, %dma_start3A_243] : memref<32x32x32x768xf32, #tpu.memory_space<any>> -> memref<1x16x32x768xf32, #tpu.memory_space<any>>
    %dma_start3A_245 = tpu.memref_squeeze %dma_start3A_244 : memref<1x16x32x768xf32, #tpu.memory_space<any>> -> memref<16x32x768xf32, #tpu.memory_space<any>>
    %dma_start3A_246 = arith.constant 0 : i32
    %dma_start3A_247 = arith.constant 0 : i32
    %dma_start3A_248 = arith.constant 0 : i32
    %dma_start3A_249 = tpu.memref_slice %arg2[%dma_start3A_246, %dma_start3A_247, %dma_start3A_248] : memref<32x32x768xf32, #tpu.memory_space<vmem>> -> memref<16x32x768xf32, #tpu.memory_space<vmem>>
    tpu.enqueue_dma source(%dma_start3A_249 : memref<16x32x768xf32, #tpu.memory_space<vmem>>) target(%dma_start3A_245 : memref<16x32x768xf32, #tpu.memory_space<any>>) target_semaphore(%dma_start3A_240 : memref<!tpu.dma_semaphore, #tpu.memory_space<semaphore_mem>>)
    %dma_start3A_250 = arith.constant 18 : i32
    %dma_start3A_251 = arith.constant 36 : i32
    %dma_start3A_252 = tpu.memref_slice %arg3[%dma_start3A_251] : memref<64x!tpu.dma_semaphore, #tpu.memory_space<semaphore_mem>> -> memref<1x!tpu.dma_semaphore, #tpu.memory_space<semaphore_mem>>
    %dma_start3A_253 = tpu.memref_squeeze %dma_start3A_252 : memref<1x!tpu.dma_semaphore, #tpu.memory_space<semaphore_mem>> -> memref<!tpu.dma_semaphore, #tpu.memory_space<semaphore_mem>>
    %dma_start3A_254 = arith.constant 0 : i32
    %dma_start3A_255 = arith.constant 0 : i32
    %dma_start3A_256 = arith.constant 0 : i32
    %dma_start3A_257 = tpu.memref_slice %arg1[%dma_start3A_250, %dma_start3A_254, %dma_start3A_255, %dma_start3A_256] : memref<32x32x32x768xf32, #tpu.memory_space<any>> -> memref<1x16x32x768xf32, #tpu.memory_space<any>>
    %dma_start3A_258 = tpu.memref_squeeze %dma_start3A_257 : memref<1x16x32x768xf32, #tpu.memory_space<any>> -> memref<16x32x768xf32, #tpu.memory_space<any>>
    %dma_start3A_259 = arith.constant 0 : i32
    %dma_start3A_260 = arith.constant 0 : i32
    %dma_start3A_261 = arith.constant 0 : i32
    %dma_start3A_262 = tpu.memref_slice %arg2[%dma_start3A_259, %dma_start3A_260, %dma_start3A_261] : memref<32x32x768xf32, #tpu.memory_space<vmem>> -> memref<16x32x768xf32, #tpu.memory_space<vmem>>
    tpu.enqueue_dma source(%dma_start3A_262 : memref<16x32x768xf32, #tpu.memory_space<vmem>>) target(%dma_start3A_258 : memref<16x32x768xf32, #tpu.memory_space<any>>) target_semaphore(%dma_start3A_253 : memref<!tpu.dma_semaphore, #tpu.memory_space<semaphore_mem>>)
    %dma_start3A_263 = arith.constant 19 : i32
    %dma_start3A_264 = arith.constant 38 : i32
    %dma_start3A_265 = tpu.memref_slice %arg3[%dma_start3A_264] : memref<64x!tpu.dma_semaphore, #tpu.memory_space<semaphore_mem>> -> memref<1x!tpu.dma_semaphore, #tpu.memory_space<semaphore_mem>>
    %dma_start3A_266 = tpu.memref_squeeze %dma_start3A_265 : memref<1x!tpu.dma_semaphore, #tpu.memory_space<semaphore_mem>> -> memref<!tpu.dma_semaphore, #tpu.memory_space<semaphore_mem>>
    %dma_start3A_267 = arith.constant 0 : i32
    %dma_start3A_268 = arith.constant 0 : i32
    %dma_start3A_269 = arith.constant 0 : i32
    %dma_start3A_270 = tpu.memref_slice %arg1[%dma_start3A_263, %dma_start3A_267, %dma_start3A_268, %dma_start3A_269] : memref<32x32x32x768xf32, #tpu.memory_space<any>> -> memref<1x16x32x768xf32, #tpu.memory_space<any>>
    %dma_start3A_271 = tpu.memref_squeeze %dma_start3A_270 : memref<1x16x32x768xf32, #tpu.memory_space<any>> -> memref<16x32x768xf32, #tpu.memory_space<any>>
    %dma_start3A_272 = arith.constant 0 : i32
    %dma_start3A_273 = arith.constant 0 : i32
    %dma_start3A_274 = arith.constant 0 : i32
    %dma_start3A_275 = tpu.memref_slice %arg2[%dma_start3A_272, %dma_start3A_273, %dma_start3A_274] : memref<32x32x768xf32, #tpu.memory_space<vmem>> -> memref<16x32x768xf32, #tpu.memory_space<vmem>>
    tpu.enqueue_dma source(%dma_start3A_275 : memref<16x32x768xf32, #tpu.memory_space<vmem>>) target(%dma_start3A_271 : memref<16x32x768xf32, #tpu.memory_space<any>>) target_semaphore(%dma_start3A_266 : memref<!tpu.dma_semaphore, #tpu.memory_space<semaphore_mem>>)
    %dma_start3A_276 = arith.constant 20 : i32
    %dma_start3A_277 = arith.constant 40 : i32
    %dma_start3A_278 = tpu.memref_slice %arg3[%dma_start3A_277] : memref<64x!tpu.dma_semaphore, #tpu.memory_space<semaphore_mem>> -> memref<1x!tpu.dma_semaphore, #tpu.memory_space<semaphore_mem>>
    %dma_start3A_279 = tpu.memref_squeeze %dma_start3A_278 : memref<1x!tpu.dma_semaphore, #tpu.memory_space<semaphore_mem>> -> memref<!tpu.dma_semaphore, #tpu.memory_space<semaphore_mem>>
    %dma_start3A_280 = arith.constant 0 : i32
    %dma_start3A_281 = arith.constant 0 : i32
    %dma_start3A_282 = arith.constant 0 : i32
    %dma_start3A_283 = tpu.memref_slice %arg1[%dma_start3A_276, %dma_start3A_280, %dma_start3A_281, %dma_start3A_282] : memref<32x32x32x768xf32, #tpu.memory_space<any>> -> memref<1x16x32x768xf32, #tpu.memory_space<any>>
    %dma_start3A_284 = tpu.memref_squeeze %dma_start3A_283 : memref<1x16x32x768xf32, #tpu.memory_space<any>> -> memref<16x32x768xf32, #tpu.memory_space<any>>
    %dma_start3A_285 = arith.constant 0 : i32
    %dma_start3A_286 = arith.constant 0 : i32
    %dma_start3A_287 = arith.constant 0 : i32
    %dma_start3A_288 = tpu.memref_slice %arg2[%dma_start3A_285, %dma_start3A_286, %dma_start3A_287] : memref<32x32x768xf32, #tpu.memory_space<vmem>> -> memref<16x32x768xf32, #tpu.memory_space<vmem>>
    tpu.enqueue_dma source(%dma_start3A_288 : memref<16x32x768xf32, #tpu.memory_space<vmem>>) target(%dma_start3A_284 : memref<16x32x768xf32, #tpu.memory_space<any>>) target_semaphore(%dma_start3A_279 : memref<!tpu.dma_semaphore, #tpu.memory_space<semaphore_mem>>)
    %dma_start3A_289 = arith.constant 21 : i32
    %dma_start3A_290 = arith.constant 42 : i32
    %dma_start3A_291 = tpu.memref_slice %arg3[%dma_start3A_290] : memref<64x!tpu.dma_semaphore, #tpu.memory_space<semaphore_mem>> -> memref<1x!tpu.dma_semaphore, #tpu.memory_space<semaphore_mem>>
    %dma_start3A_292 = tpu.memref_squeeze %dma_start3A_291 : memref<1x!tpu.dma_semaphore, #tpu.memory_space<semaphore_mem>> -> memref<!tpu.dma_semaphore, #tpu.memory_space<semaphore_mem>>
    %dma_start3A_293 = arith.constant 0 : i32
    %dma_start3A_294 = arith.constant 0 : i32
    %dma_start3A_295 = arith.constant 0 : i32
    %dma_start3A_296 = tpu.memref_slice %arg1[%dma_start3A_289, %dma_start3A_293, %dma_start3A_294, %dma_start3A_295] : memref<32x32x32x768xf32, #tpu.memory_space<any>> -> memref<1x16x32x768xf32, #tpu.memory_space<any>>
    %dma_start3A_297 = tpu.memref_squeeze %dma_start3A_296 : memref<1x16x32x768xf32, #tpu.memory_space<any>> -> memref<16x32x768xf32, #tpu.memory_space<any>>
    %dma_start3A_298 = arith.constant 0 : i32
    %dma_start3A_299 = arith.constant 0 : i32
    %dma_start3A_300 = arith.constant 0 : i32
    %dma_start3A_301 = tpu.memref_slice %arg2[%dma_start3A_298, %dma_start3A_299, %dma_start3A_300] : memref<32x32x768xf32, #tpu.memory_space<vmem>> -> memref<16x32x768xf32, #tpu.memory_space<vmem>>
    tpu.enqueue_dma source(%dma_start3A_301 : memref<16x32x768xf32, #tpu.memory_space<vmem>>) target(%dma_start3A_297 : memref<16x32x768xf32, #tpu.memory_space<any>>) target_semaphore(%dma_start3A_292 : memref<!tpu.dma_semaphore, #tpu.memory_space<semaphore_mem>>)
    %dma_start3A_302 = arith.constant 22 : i32
    %dma_start3A_303 = arith.constant 44 : i32
    %dma_start3A_304 = tpu.memref_slice %arg3[%dma_start3A_303] : memref<64x!tpu.dma_semaphore, #tpu.memory_space<semaphore_mem>> -> memref<1x!tpu.dma_semaphore, #tpu.memory_space<semaphore_mem>>
    %dma_start3A_305 = tpu.memref_squeeze %dma_start3A_304 : memref<1x!tpu.dma_semaphore, #tpu.memory_space<semaphore_mem>> -> memref<!tpu.dma_semaphore, #tpu.memory_space<semaphore_mem>>
    %dma_start3A_306 = arith.constant 0 : i32
    %dma_start3A_307 = arith.constant 0 : i32
    %dma_start3A_308 = arith.constant 0 : i32
    %dma_start3A_309 = tpu.memref_slice %arg1[%dma_start3A_302, %dma_start3A_306, %dma_start3A_307, %dma_start3A_308] : memref<32x32x32x768xf32, #tpu.memory_space<any>> -> memref<1x16x32x768xf32, #tpu.memory_space<any>>
    %dma_start3A_310 = tpu.memref_squeeze %dma_start3A_309 : memref<1x16x32x768xf32, #tpu.memory_space<any>> -> memref<16x32x768xf32, #tpu.memory_space<any>>
    %dma_start3A_311 = arith.constant 0 : i32
    %dma_start3A_312 = arith.constant 0 : i32
    %dma_start3A_313 = arith.constant 0 : i32
    %dma_start3A_314 = tpu.memref_slice %arg2[%dma_start3A_311, %dma_start3A_312, %dma_start3A_313] : memref<32x32x768xf32, #tpu.memory_space<vmem>> -> memref<16x32x768xf32, #tpu.memory_space<vmem>>
    tpu.enqueue_dma source(%dma_start3A_314 : memref<16x32x768xf32, #tpu.memory_space<vmem>>) target(%dma_start3A_310 : memref<16x32x768xf32, #tpu.memory_space<any>>) target_semaphore(%dma_start3A_305 : memref<!tpu.dma_semaphore, #tpu.memory_space<semaphore_mem>>)
    %dma_start3A_315 = arith.constant 23 : i32
    %dma_start3A_316 = arith.constant 46 : i32
    %dma_start3A_317 = tpu.memref_slice %arg3[%dma_start3A_316] : memref<64x!tpu.dma_semaphore, #tpu.memory_space<semaphore_mem>> -> memref<1x!tpu.dma_semaphore, #tpu.memory_space<semaphore_mem>>
    %dma_start3A_318 = tpu.memref_squeeze %dma_start3A_317 : memref<1x!tpu.dma_semaphore, #tpu.memory_space<semaphore_mem>> -> memref<!tpu.dma_semaphore, #tpu.memory_space<semaphore_mem>>
    %dma_start3A_319 = arith.constant 0 : i32
    %dma_start3A_320 = arith.constant 0 : i32
    %dma_start3A_321 = arith.constant 0 : i32
    %dma_start3A_322 = tpu.memref_slice %arg1[%dma_start3A_315, %dma_start3A_319, %dma_start3A_320, %dma_start3A_321] : memref<32x32x32x768xf32, #tpu.memory_space<any>> -> memref<1x16x32x768xf32, #tpu.memory_space<any>>
    %dma_start3A_323 = tpu.memref_squeeze %dma_start3A_322 : memref<1x16x32x768xf32, #tpu.memory_space<any>> -> memref<16x32x768xf32, #tpu.memory_space<any>>
    %dma_start3A_324 = arith.constant 0 : i32
    %dma_start3A_325 = arith.constant 0 : i32
    %dma_start3A_326 = arith.constant 0 : i32
    %dma_start3A_327 = tpu.memref_slice %arg2[%dma_start3A_324, %dma_start3A_325, %dma_start3A_326] : memref<32x32x768xf32, #tpu.memory_space<vmem>> -> memref<16x32x768xf32, #tpu.memory_space<vmem>>
    tpu.enqueue_dma source(%dma_start3A_327 : memref<16x32x768xf32, #tpu.memory_space<vmem>>) target(%dma_start3A_323 : memref<16x32x768xf32, #tpu.memory_space<any>>) target_semaphore(%dma_start3A_318 : memref<!tpu.dma_semaphore, #tpu.memory_space<semaphore_mem>>)
    %dma_start3A_328 = arith.constant 24 : i32
    %dma_start3A_329 = arith.constant 48 : i32
    %dma_start3A_330 = tpu.memref_slice %arg3[%dma_start3A_329] : memref<64x!tpu.dma_semaphore, #tpu.memory_space<semaphore_mem>> -> memref<1x!tpu.dma_semaphore, #tpu.memory_space<semaphore_mem>>
    %dma_start3A_331 = tpu.memref_squeeze %dma_start3A_330 : memref<1x!tpu.dma_semaphore, #tpu.memory_space<semaphore_mem>> -> memref<!tpu.dma_semaphore, #tpu.memory_space<semaphore_mem>>
    %dma_start3A_332 = arith.constant 0 : i32
    %dma_start3A_333 = arith.constant 0 : i32
    %dma_start3A_334 = arith.constant 0 : i32
    %dma_start3A_335 = tpu.memref_slice %arg1[%dma_start3A_328, %dma_start3A_332, %dma_start3A_333, %dma_start3A_334] : memref<32x32x32x768xf32, #tpu.memory_space<any>> -> memref<1x16x32x768xf32, #tpu.memory_space<any>>
    %dma_start3A_336 = tpu.memref_squeeze %dma_start3A_335 : memref<1x16x32x768xf32, #tpu.memory_space<any>> -> memref<16x32x768xf32, #tpu.memory_space<any>>
    %dma_start3A_337 = arith.constant 0 : i32
    %dma_start3A_338 = arith.constant 0 : i32
    %dma_start3A_339 = arith.constant 0 : i32
    %dma_start3A_340 = tpu.memref_slice %arg2[%dma_start3A_337, %dma_start3A_338, %dma_start3A_339] : memref<32x32x768xf32, #tpu.memory_space<vmem>> -> memref<16x32x768xf32, #tpu.memory_space<vmem>>
    tpu.enqueue_dma source(%dma_start3A_340 : memref<16x32x768xf32, #tpu.memory_space<vmem>>) target(%dma_start3A_336 : memref<16x32x768xf32, #tpu.memory_space<any>>) target_semaphore(%dma_start3A_331 : memref<!tpu.dma_semaphore, #tpu.memory_space<semaphore_mem>>)
    %dma_start3A_341 = arith.constant 25 : i32
    %dma_start3A_342 = arith.constant 50 : i32
    %dma_start3A_343 = tpu.memref_slice %arg3[%dma_start3A_342] : memref<64x!tpu.dma_semaphore, #tpu.memory_space<semaphore_mem>> -> memref<1x!tpu.dma_semaphore, #tpu.memory_space<semaphore_mem>>
    %dma_start3A_344 = tpu.memref_squeeze %dma_start3A_343 : memref<1x!tpu.dma_semaphore, #tpu.memory_space<semaphore_mem>> -> memref<!tpu.dma_semaphore, #tpu.memory_space<semaphore_mem>>
    %dma_start3A_345 = arith.constant 0 : i32
    %dma_start3A_346 = arith.constant 0 : i32
    %dma_start3A_347 = arith.constant 0 : i32
    %dma_start3A_348 = tpu.memref_slice %arg1[%dma_start3A_341, %dma_start3A_345, %dma_start3A_346, %dma_start3A_347] : memref<32x32x32x768xf32, #tpu.memory_space<any>> -> memref<1x16x32x768xf32, #tpu.memory_space<any>>
    %dma_start3A_349 = tpu.memref_squeeze %dma_start3A_348 : memref<1x16x32x768xf32, #tpu.memory_space<any>> -> memref<16x32x768xf32, #tpu.memory_space<any>>
    %dma_start3A_350 = arith.constant 0 : i32
    %dma_start3A_351 = arith.constant 0 : i32
    %dma_start3A_352 = arith.constant 0 : i32
    %dma_start3A_353 = tpu.memref_slice %arg2[%dma_start3A_350, %dma_start3A_351, %dma_start3A_352] : memref<32x32x768xf32, #tpu.memory_space<vmem>> -> memref<16x32x768xf32, #tpu.memory_space<vmem>>
    tpu.enqueue_dma source(%dma_start3A_353 : memref<16x32x768xf32, #tpu.memory_space<vmem>>) target(%dma_start3A_349 : memref<16x32x768xf32, #tpu.memory_space<any>>) target_semaphore(%dma_start3A_344 : memref<!tpu.dma_semaphore, #tpu.memory_space<semaphore_mem>>)
    %dma_start3A_354 = arith.constant 26 : i32
    %dma_start3A_355 = arith.constant 52 : i32
    %dma_start3A_356 = tpu.memref_slice %arg3[%dma_start3A_355] : memref<64x!tpu.dma_semaphore, #tpu.memory_space<semaphore_mem>> -> memref<1x!tpu.dma_semaphore, #tpu.memory_space<semaphore_mem>>
    %dma_start3A_357 = tpu.memref_squeeze %dma_start3A_356 : memref<1x!tpu.dma_semaphore, #tpu.memory_space<semaphore_mem>> -> memref<!tpu.dma_semaphore, #tpu.memory_space<semaphore_mem>>
    %dma_start3A_358 = arith.constant 0 : i32
    %dma_start3A_359 = arith.constant 0 : i32
    %dma_start3A_360 = arith.constant 0 : i32
    %dma_start3A_361 = tpu.memref_slice %arg1[%dma_start3A_354, %dma_start3A_358, %dma_start3A_359, %dma_start3A_360] : memref<32x32x32x768xf32, #tpu.memory_space<any>> -> memref<1x16x32x768xf32, #tpu.memory_space<any>>
    %dma_start3A_362 = tpu.memref_squeeze %dma_start3A_361 : memref<1x16x32x768xf32, #tpu.memory_space<any>> -> memref<16x32x768xf32, #tpu.memory_space<any>>
    %dma_start3A_363 = arith.constant 0 : i32
    %dma_start3A_364 = arith.constant 0 : i32
    %dma_start3A_365 = arith.constant 0 : i32
    %dma_start3A_366 = tpu.memref_slice %arg2[%dma_start3A_363, %dma_start3A_364, %dma_start3A_365] : memref<32x32x768xf32, #tpu.memory_space<vmem>> -> memref<16x32x768xf32, #tpu.memory_space<vmem>>
    tpu.enqueue_dma source(%dma_start3A_366 : memref<16x32x768xf32, #tpu.memory_space<vmem>>) target(%dma_start3A_362 : memref<16x32x768xf32, #tpu.memory_space<any>>) target_semaphore(%dma_start3A_357 : memref<!tpu.dma_semaphore, #tpu.memory_space<semaphore_mem>>)
    %dma_start3A_367 = arith.constant 27 : i32
    %dma_start3A_368 = arith.constant 54 : i32
    %dma_start3A_369 = tpu.memref_slice %arg3[%dma_start3A_368] : memref<64x!tpu.dma_semaphore, #tpu.memory_space<semaphore_mem>> -> memref<1x!tpu.dma_semaphore, #tpu.memory_space<semaphore_mem>>
    %dma_start3A_370 = tpu.memref_squeeze %dma_start3A_369 : memref<1x!tpu.dma_semaphore, #tpu.memory_space<semaphore_mem>> -> memref<!tpu.dma_semaphore, #tpu.memory_space<semaphore_mem>>
    %dma_start3A_371 = arith.constant 0 : i32
    %dma_start3A_372 = arith.constant 0 : i32
    %dma_start3A_373 = arith.constant 0 : i32
    %dma_start3A_374 = tpu.memref_slice %arg1[%dma_start3A_367, %dma_start3A_371, %dma_start3A_372, %dma_start3A_373] : memref<32x32x32x768xf32, #tpu.memory_space<any>> -> memref<1x16x32x768xf32, #tpu.memory_space<any>>
    %dma_start3A_375 = tpu.memref_squeeze %dma_start3A_374 : memref<1x16x32x768xf32, #tpu.memory_space<any>> -> memref<16x32x768xf32, #tpu.memory_space<any>>
    %dma_start3A_376 = arith.constant 0 : i32
    %dma_start3A_377 = arith.constant 0 : i32
    %dma_start3A_378 = arith.constant 0 : i32
    %dma_start3A_379 = tpu.memref_slice %arg2[%dma_start3A_376, %dma_start3A_377, %dma_start3A_378] : memref<32x32x768xf32, #tpu.memory_space<vmem>> -> memref<16x32x768xf32, #tpu.memory_space<vmem>>
    tpu.enqueue_dma source(%dma_start3A_379 : memref<16x32x768xf32, #tpu.memory_space<vmem>>) target(%dma_start3A_375 : memref<16x32x768xf32, #tpu.memory_space<any>>) target_semaphore(%dma_start3A_370 : memref<!tpu.dma_semaphore, #tpu.memory_space<semaphore_mem>>)
    %dma_start3A_380 = arith.constant 28 : i32
    %dma_start3A_381 = arith.constant 56 : i32
    %dma_start3A_382 = tpu.memref_slice %arg3[%dma_start3A_381] : memref<64x!tpu.dma_semaphore, #tpu.memory_space<semaphore_mem>> -> memref<1x!tpu.dma_semaphore, #tpu.memory_space<semaphore_mem>>
    %dma_start3A_383 = tpu.memref_squeeze %dma_start3A_382 : memref<1x!tpu.dma_semaphore, #tpu.memory_space<semaphore_mem>> -> memref<!tpu.dma_semaphore, #tpu.memory_space<semaphore_mem>>
    %dma_start3A_384 = arith.constant 0 : i32
    %dma_start3A_385 = arith.constant 0 : i32
    %dma_start3A_386 = arith.constant 0 : i32
    %dma_start3A_387 = tpu.memref_slice %arg1[%dma_start3A_380, %dma_start3A_384, %dma_start3A_385, %dma_start3A_386] : memref<32x32x32x768xf32, #tpu.memory_space<any>> -> memref<1x16x32x768xf32, #tpu.memory_space<any>>
    %dma_start3A_388 = tpu.memref_squeeze %dma_start3A_387 : memref<1x16x32x768xf32, #tpu.memory_space<any>> -> memref<16x32x768xf32, #tpu.memory_space<any>>
    %dma_start3A_389 = arith.constant 0 : i32
    %dma_start3A_390 = arith.constant 0 : i32
    %dma_start3A_391 = arith.constant 0 : i32
    %dma_start3A_392 = tpu.memref_slice %arg2[%dma_start3A_389, %dma_start3A_390, %dma_start3A_391] : memref<32x32x768xf32, #tpu.memory_space<vmem>> -> memref<16x32x768xf32, #tpu.memory_space<vmem>>
    tpu.enqueue_dma source(%dma_start3A_392 : memref<16x32x768xf32, #tpu.memory_space<vmem>>) target(%dma_start3A_388 : memref<16x32x768xf32, #tpu.memory_space<any>>) target_semaphore(%dma_start3A_383 : memref<!tpu.dma_semaphore, #tpu.memory_space<semaphore_mem>>)
    %dma_start3A_393 = arith.constant 29 : i32
    %dma_start3A_394 = arith.constant 58 : i32
    %dma_start3A_395 = tpu.memref_slice %arg3[%dma_start3A_394] : memref<64x!tpu.dma_semaphore, #tpu.memory_space<semaphore_mem>> -> memref<1x!tpu.dma_semaphore, #tpu.memory_space<semaphore_mem>>
    %dma_start3A_396 = tpu.memref_squeeze %dma_start3A_395 : memref<1x!tpu.dma_semaphore, #tpu.memory_space<semaphore_mem>> -> memref<!tpu.dma_semaphore, #tpu.memory_space<semaphore_mem>>
    %dma_start3A_397 = arith.constant 0 : i32
    %dma_start3A_398 = arith.constant 0 : i32
    %dma_start3A_399 = arith.constant 0 : i32
    %dma_start3A_400 = tpu.memref_slice %arg1[%dma_start3A_393, %dma_start3A_397, %dma_start3A_398, %dma_start3A_399] : memref<32x32x32x768xf32, #tpu.memory_space<any>> -> memref<1x16x32x768xf32, #tpu.memory_space<any>>
    %dma_start3A_401 = tpu.memref_squeeze %dma_start3A_400 : memref<1x16x32x768xf32, #tpu.memory_space<any>> -> memref<16x32x768xf32, #tpu.memory_space<any>>
    %dma_start3A_402 = arith.constant 0 : i32
    %dma_start3A_403 = arith.constant 0 : i32
    %dma_start3A_404 = arith.constant 0 : i32
    %dma_start3A_405 = tpu.memref_slice %arg2[%dma_start3A_402, %dma_start3A_403, %dma_start3A_404] : memref<32x32x768xf32, #tpu.memory_space<vmem>> -> memref<16x32x768xf32, #tpu.memory_space<vmem>>
    tpu.enqueue_dma source(%dma_start3A_405 : memref<16x32x768xf32, #tpu.memory_space<vmem>>) target(%dma_start3A_401 : memref<16x32x768xf32, #tpu.memory_space<any>>) target_semaphore(%dma_start3A_396 : memref<!tpu.dma_semaphore, #tpu.memory_space<semaphore_mem>>)
    %dma_start3A_406 = arith.constant 30 : i32
    %dma_start3A_407 = arith.constant 60 : i32
    %dma_start3A_408 = tpu.memref_slice %arg3[%dma_start3A_407] : memref<64x!tpu.dma_semaphore, #tpu.memory_space<semaphore_mem>> -> memref<1x!tpu.dma_semaphore, #tpu.memory_space<semaphore_mem>>
    %dma_start3A_409 = tpu.memref_squeeze %dma_start3A_408 : memref<1x!tpu.dma_semaphore, #tpu.memory_space<semaphore_mem>> -> memref<!tpu.dma_semaphore, #tpu.memory_space<semaphore_mem>>
    %dma_start3A_410 = arith.constant 0 : i32
    %dma_start3A_411 = arith.constant 0 : i32
    %dma_start3A_412 = arith.constant 0 : i32
    %dma_start3A_413 = tpu.memref_slice %arg1[%dma_start3A_406, %dma_start3A_410, %dma_start3A_411, %dma_start3A_412] : memref<32x32x32x768xf32, #tpu.memory_space<any>> -> memref<1x16x32x768xf32, #tpu.memory_space<any>>
    %dma_start3A_414 = tpu.memref_squeeze %dma_start3A_413 : memref<1x16x32x768xf32, #tpu.memory_space<any>> -> memref<16x32x768xf32, #tpu.memory_space<any>>
    %dma_start3A_415 = arith.constant 0 : i32
    %dma_start3A_416 = arith.constant 0 : i32
    %dma_start3A_417 = arith.constant 0 : i32
    %dma_start3A_418 = tpu.memref_slice %arg2[%dma_start3A_415, %dma_start3A_416, %dma_start3A_417] : memref<32x32x768xf32, #tpu.memory_space<vmem>> -> memref<16x32x768xf32, #tpu.memory_space<vmem>>
    tpu.enqueue_dma source(%dma_start3A_418 : memref<16x32x768xf32, #tpu.memory_space<vmem>>) target(%dma_start3A_414 : memref<16x32x768xf32, #tpu.memory_space<any>>) target_semaphore(%dma_start3A_409 : memref<!tpu.dma_semaphore, #tpu.memory_space<semaphore_mem>>)
    %dma_start3A_419 = arith.constant 31 : i32
    %dma_start3A_420 = arith.constant 62 : i32
    %dma_start3A_421 = tpu.memref_slice %arg3[%dma_start3A_420] : memref<64x!tpu.dma_semaphore, #tpu.memory_space<semaphore_mem>> -> memref<1x!tpu.dma_semaphore, #tpu.memory_space<semaphore_mem>>
    %dma_start3A_422 = tpu.memref_squeeze %dma_start3A_421 : memref<1x!tpu.dma_semaphore, #tpu.memory_space<semaphore_mem>> -> memref<!tpu.dma_semaphore, #tpu.memory_space<semaphore_mem>>
    %dma_start3A_423 = arith.constant 0 : i32
    %dma_start3A_424 = arith.constant 0 : i32
    %dma_start3A_425 = arith.constant 0 : i32
    %dma_start3A_426 = tpu.memref_slice %arg1[%dma_start3A_419, %dma_start3A_423, %dma_start3A_424, %dma_start3A_425] : memref<32x32x32x768xf32, #tpu.memory_space<any>> -> memref<1x16x32x768xf32, #tpu.memory_space<any>>
    %dma_start3A_427 = tpu.memref_squeeze %dma_start3A_426 : memref<1x16x32x768xf32, #tpu.memory_space<any>> -> memref<16x32x768xf32, #tpu.memory_space<any>>
    %dma_start3A_428 = arith.constant 0 : i32
    %dma_start3A_429 = arith.constant 0 : i32
    %dma_start3A_430 = arith.constant 0 : i32
    %dma_start3A_431 = tpu.memref_slice %arg2[%dma_start3A_428, %dma_start3A_429, %dma_start3A_430] : memref<32x32x768xf32, #tpu.memory_space<vmem>> -> memref<16x32x768xf32, #tpu.memory_space<vmem>>
    tpu.enqueue_dma source(%dma_start3A_431 : memref<16x32x768xf32, #tpu.memory_space<vmem>>) target(%dma_start3A_427 : memref<16x32x768xf32, #tpu.memory_space<any>>) target_semaphore(%dma_start3A_422 : memref<!tpu.dma_semaphore, #tpu.memory_space<semaphore_mem>>)
    %get3A_432 = arith.constant 16 : index
    %get3A_433 = arith.constant 0 : index
    %get3A_434 = vector.load %arg0[%get3A_432, %get3A_433] : memref<64x384xf32, #tpu.memory_space<vmem>>, vector<16x384xf32>
    %broadcast_in_dim3A_435 = vector.shape_cast %get3A_434 : vector<16x384xf32> to vector<16x1x384xf32>
    %broadcast_in_dim3A_436 = vector.shape_cast %broadcast_in_dim3A_435 : vector<16x1x384xf32> to vector<16x1x384xf32>
    %broadcast_in_dim3A_437 = vector.broadcast %broadcast_in_dim3A_436 : vector<16x1x384xf32> to vector<16x32x384xf32>
    %swap3A_438 = arith.constant 16 : index
    %swap3A_439 = arith.constant 0 : index
    %swap3A_440 = arith.constant 0 : index
    %swap3A_441 = vector.load %arg2[%swap3A_438, %swap3A_439, %swap3A_440] : memref<32x32x768xf32, #tpu.memory_space<vmem>>, vector<16x32x384xf32>
    tpu.vector_store %arg2[%swap3A_438, %swap3A_439, %swap3A_440], %broadcast_in_dim3A_437 {strides = array<i32>} : memref<32x32x768xf32, #tpu.memory_space<vmem>>, vector<16x32x384xf32>,
    %broadcast_in_dim3A_442 = vector.shape_cast %get3A_1 : vector<32x384xf32> to vector<1x32x384xf32>
    %broadcast_in_dim3A_443 = vector.shape_cast %broadcast_in_dim3A_442 : vector<1x32x384xf32> to vector<1x32x384xf32>
    %broadcast_in_dim3A_444 = vector.broadcast %broadcast_in_dim3A_443 : vector<1x32x384xf32> to vector<16x32x384xf32>
    %swap3A_445 = arith.constant 16 : index
    %swap3A_446 = arith.constant 0 : index
    %swap3A_447 = arith.constant 384 : index
    %swap3A_448 = vector.load %arg2[%swap3A_445, %swap3A_446, %swap3A_447] : memref<32x32x768xf32, #tpu.memory_space<vmem>>, vector<16x32x384xf32>
    tpu.vector_store %arg2[%swap3A_445, %swap3A_446, %swap3A_447], %broadcast_in_dim3A_444 {strides = array<i32>} : memref<32x32x768xf32, #tpu.memory_space<vmem>>, vector<16x32x384xf32>,
    %dma_start3A_449 = arith.constant 0 : i32
    %dma_start3A_450 = arith.constant 1 : i32
    %dma_start3A_451 = tpu.memref_slice %arg3[%dma_start3A_450] : memref<64x!tpu.dma_semaphore, #tpu.memory_space<semaphore_mem>> -> memref<1x!tpu.dma_semaphore, #tpu.memory_space<semaphore_mem>>
    %dma_start3A_452 = tpu.memref_squeeze %dma_start3A_451 : memref<1x!tpu.dma_semaphore, #tpu.memory_space<semaphore_mem>> -> memref<!tpu.dma_semaphore, #tpu.memory_space<semaphore_mem>>
    %dma_start3A_453 = arith.constant 16 : i32
    %dma_start3A_454 = arith.constant 0 : i32
    %dma_start3A_455 = arith.constant 0 : i32
    %dma_start3A_456 = tpu.memref_slice %arg1[%dma_start3A_449, %dma_start3A_453, %dma_start3A_454, %dma_start3A_455] : memref<32x32x32x768xf32, #tpu.memory_space<any>> -> memref<1x16x32x768xf32, #tpu.memory_space<any>>
    %dma_start3A_457 = tpu.memref_squeeze %dma_start3A_456 : memref<1x16x32x768xf32, #tpu.memory_space<any>> -> memref<16x32x768xf32, #tpu.memory_space<any>>
    %dma_start3A_458 = arith.constant 16 : i32
    %dma_start3A_459 = arith.constant 0 : i32
    %dma_start3A_460 = arith.constant 0 : i32
    %dma_start3A_461 = tpu.memref_slice %arg2[%dma_start3A_458, %dma_start3A_459, %dma_start3A_460] : memref<32x32x768xf32, #tpu.memory_space<vmem>> -> memref<16x32x768xf32, #tpu.memory_space<vmem>>
    tpu.enqueue_dma source(%dma_start3A_461 : memref<16x32x768xf32, #tpu.memory_space<vmem>>) target(%dma_start3A_457 : memref<16x32x768xf32, #tpu.memory_space<any>>) target_semaphore(%dma_start3A_452 : memref<!tpu.dma_semaphore, #tpu.memory_space<semaphore_mem>>)
    %dma_start3A_462 = arith.constant 1 : i32
    %dma_start3A_463 = arith.constant 3 : i32
    %dma_start3A_464 = tpu.memref_slice %arg3[%dma_start3A_463] : memref<64x!tpu.dma_semaphore, #tpu.memory_space<semaphore_mem>> -> memref<1x!tpu.dma_semaphore, #tpu.memory_space<semaphore_mem>>
    %dma_start3A_465 = tpu.memref_squeeze %dma_start3A_464 : memref<1x!tpu.dma_semaphore, #tpu.memory_space<semaphore_mem>> -> memref<!tpu.dma_semaphore, #tpu.memory_space<semaphore_mem>>
    %dma_start3A_466 = arith.constant 16 : i32
    %dma_start3A_467 = arith.constant 0 : i32
    %dma_start3A_468 = arith.constant 0 : i32
    %dma_start3A_469 = tpu.memref_slice %arg1[%dma_start3A_462, %dma_start3A_466, %dma_start3A_467, %dma_start3A_468] : memref<32x32x32x768xf32, #tpu.memory_space<any>> -> memref<1x16x32x768xf32, #tpu.memory_space<any>>
    %dma_start3A_470 = tpu.memref_squeeze %dma_start3A_469 : memref<1x16x32x768xf32, #tpu.memory_space<any>> -> memref<16x32x768xf32, #tpu.memory_space<any>>
    %dma_start3A_471 = arith.constant 16 : i32
    %dma_start3A_472 = arith.constant 0 : i32
    %dma_start3A_473 = arith.constant 0 : i32
    %dma_start3A_474 = tpu.memref_slice %arg2[%dma_start3A_471, %dma_start3A_472, %dma_start3A_473] : memref<32x32x768xf32, #tpu.memory_space<vmem>> -> memref<16x32x768xf32, #tpu.memory_space<vmem>>
    tpu.enqueue_dma source(%dma_start3A_474 : memref<16x32x768xf32, #tpu.memory_space<vmem>>) target(%dma_start3A_470 : memref<16x32x768xf32, #tpu.memory_space<any>>) target_semaphore(%dma_start3A_465 : memref<!tpu.dma_semaphore, #tpu.memory_space<semaphore_mem>>)
    %dma_start3A_475 = arith.constant 2 : i32
    %dma_start3A_476 = arith.constant 5 : i32
    %dma_start3A_477 = tpu.memref_slice %arg3[%dma_start3A_476] : memref<64x!tpu.dma_semaphore, #tpu.memory_space<semaphore_mem>> -> memref<1x!tpu.dma_semaphore, #tpu.memory_space<semaphore_mem>>
    %dma_start3A_478 = tpu.memref_squeeze %dma_start3A_477 : memref<1x!tpu.dma_semaphore, #tpu.memory_space<semaphore_mem>> -> memref<!tpu.dma_semaphore, #tpu.memory_space<semaphore_mem>>
    %dma_start3A_479 = arith.constant 16 : i32
    %dma_start3A_480 = arith.constant 0 : i32
    %dma_start3A_481 = arith.constant 0 : i32
    %dma_start3A_482 = tpu.memref_slice %arg1[%dma_start3A_475, %dma_start3A_479, %dma_start3A_480, %dma_start3A_481] : memref<32x32x32x768xf32, #tpu.memory_space<any>> -> memref<1x16x32x768xf32, #tpu.memory_space<any>>
    %dma_start3A_483 = tpu.memref_squeeze %dma_start3A_482 : memref<1x16x32x768xf32, #tpu.memory_space<any>> -> memref<16x32x768xf32, #tpu.memory_space<any>>
    %dma_start3A_484 = arith.constant 16 : i32
    %dma_start3A_485 = arith.constant 0 : i32
    %dma_start3A_486 = arith.constant 0 : i32
    %dma_start3A_487 = tpu.memref_slice %arg2[%dma_start3A_484, %dma_start3A_485, %dma_start3A_486] : memref<32x32x768xf32, #tpu.memory_space<vmem>> -> memref<16x32x768xf32, #tpu.memory_space<vmem>>
    tpu.enqueue_dma source(%dma_start3A_487 : memref<16x32x768xf32, #tpu.memory_space<vmem>>) target(%dma_start3A_483 : memref<16x32x768xf32, #tpu.memory_space<any>>) target_semaphore(%dma_start3A_478 : memref<!tpu.dma_semaphore, #tpu.memory_space<semaphore_mem>>)
    %dma_start3A_488 = arith.constant 3 : i32
    %dma_start3A_489 = arith.constant 7 : i32
    %dma_start3A_490 = tpu.memref_slice %arg3[%dma_start3A_489] : memref<64x!tpu.dma_semaphore, #tpu.memory_space<semaphore_mem>> -> memref<1x!tpu.dma_semaphore, #tpu.memory_space<semaphore_mem>>
    %dma_start3A_491 = tpu.memref_squeeze %dma_start3A_490 : memref<1x!tpu.dma_semaphore, #tpu.memory_space<semaphore_mem>> -> memref<!tpu.dma_semaphore, #tpu.memory_space<semaphore_mem>>
    %dma_start3A_492 = arith.constant 16 : i32
    %dma_start3A_493 = arith.constant 0 : i32
    %dma_start3A_494 = arith.constant 0 : i32
    %dma_start3A_495 = tpu.memref_slice %arg1[%dma_start3A_488, %dma_start3A_492, %dma_start3A_493, %dma_start3A_494] : memref<32x32x32x768xf32, #tpu.memory_space<any>> -> memref<1x16x32x768xf32, #tpu.memory_space<any>>
    %dma_start3A_496 = tpu.memref_squeeze %dma_start3A_495 : memref<1x16x32x768xf32, #tpu.memory_space<any>> -> memref<16x32x768xf32, #tpu.memory_space<any>>
    %dma_start3A_497 = arith.constant 16 : i32
    %dma_start3A_498 = arith.constant 0 : i32
    %dma_start3A_499 = arith.constant 0 : i32
    %dma_start3A_500 = tpu.memref_slice %arg2[%dma_start3A_497, %dma_start3A_498, %dma_start3A_499] : memref<32x32x768xf32, #tpu.memory_space<vmem>> -> memref<16x32x768xf32, #tpu.memory_space<vmem>>
    tpu.enqueue_dma source(%dma_start3A_500 : memref<16x32x768xf32, #tpu.memory_space<vmem>>) target(%dma_start3A_496 : memref<16x32x768xf32, #tpu.memory_space<any>>) target_semaphore(%dma_start3A_491 : memref<!tpu.dma_semaphore, #tpu.memory_space<semaphore_mem>>)
    %dma_start3A_501 = arith.constant 4 : i32
    %dma_start3A_502 = arith.constant 9 : i32
    %dma_start3A_503 = tpu.memref_slice %arg3[%dma_start3A_502] : memref<64x!tpu.dma_semaphore, #tpu.memory_space<semaphore_mem>> -> memref<1x!tpu.dma_semaphore, #tpu.memory_space<semaphore_mem>>
    %dma_start3A_504 = tpu.memref_squeeze %dma_start3A_503 : memref<1x!tpu.dma_semaphore, #tpu.memory_space<semaphore_mem>> -> memref<!tpu.dma_semaphore, #tpu.memory_space<semaphore_mem>>
    %dma_start3A_505 = arith.constant 16 : i32
    %dma_start3A_506 = arith.constant 0 : i32
    %dma_start3A_507 = arith.constant 0 : i32
    %dma_start3A_508 = tpu.memref_slice %arg1[%dma_start3A_501, %dma_start3A_505, %dma_start3A_506, %dma_start3A_507] : memref<32x32x32x768xf32, #tpu.memory_space<any>> -> memref<1x16x32x768xf32, #tpu.memory_space<any>>
    %dma_start3A_509 = tpu.memref_squeeze %dma_start3A_508 : memref<1x16x32x768xf32, #tpu.memory_space<any>> -> memref<16x32x768xf32, #tpu.memory_space<any>>
    %dma_start3A_510 = arith.constant 16 : i32
    %dma_start3A_511 = arith.constant 0 : i32
    %dma_start3A_512 = arith.constant 0 : i32
    %dma_start3A_513 = tpu.memref_slice %arg2[%dma_start3A_510, %dma_start3A_511, %dma_start3A_512] : memref<32x32x768xf32, #tpu.memory_space<vmem>> -> memref<16x32x768xf32, #tpu.memory_space<vmem>>
    tpu.enqueue_dma source(%dma_start3A_513 : memref<16x32x768xf32, #tpu.memory_space<vmem>>) target(%dma_start3A_509 : memref<16x32x768xf32, #tpu.memory_space<any>>) target_semaphore(%dma_start3A_504 : memref<!tpu.dma_semaphore, #tpu.memory_space<semaphore_mem>>)
    %dma_start3A_514 = arith.constant 5 : i32
    %dma_start3A_515 = arith.constant 11 : i32
    %dma_start3A_516 = tpu.memref_slice %arg3[%dma_start3A_515] : memref<64x!tpu.dma_semaphore, #tpu.memory_space<semaphore_mem>> -> memref<1x!tpu.dma_semaphore, #tpu.memory_space<semaphore_mem>>
    %dma_start3A_517 = tpu.memref_squeeze %dma_start3A_516 : memref<1x!tpu.dma_semaphore, #tpu.memory_space<semaphore_mem>> -> memref<!tpu.dma_semaphore, #tpu.memory_space<semaphore_mem>>
    %dma_start3A_518 = arith.constant 16 : i32
    %dma_start3A_519 = arith.constant 0 : i32
    %dma_start3A_520 = arith.constant 0 : i32
    %dma_start3A_521 = tpu.memref_slice %arg1[%dma_start3A_514, %dma_start3A_518, %dma_start3A_519, %dma_start3A_520] : memref<32x32x32x768xf32, #tpu.memory_space<any>> -> memref<1x16x32x768xf32, #tpu.memory_space<any>>
    %dma_start3A_522 = tpu.memref_squeeze %dma_start3A_521 : memref<1x16x32x768xf32, #tpu.memory_space<any>> -> memref<16x32x768xf32, #tpu.memory_space<any>>
    %dma_start3A_523 = arith.constant 16 : i32
    %dma_start3A_524 = arith.constant 0 : i32
    %dma_start3A_525 = arith.constant 0 : i32
    %dma_start3A_526 = tpu.memref_slice %arg2[%dma_start3A_523, %dma_start3A_524, %dma_start3A_525] : memref<32x32x768xf32, #tpu.memory_space<vmem>> -> memref<16x32x768xf32, #tpu.memory_space<vmem>>
    tpu.enqueue_dma source(%dma_start3A_526 : memref<16x32x768xf32, #tpu.memory_space<vmem>>) target(%dma_start3A_522 : memref<16x32x768xf32, #tpu.memory_space<any>>) target_semaphore(%dma_start3A_517 : memref<!tpu.dma_semaphore, #tpu.memory_space<semaphore_mem>>)
    %dma_start3A_527 = arith.constant 6 : i32
    %dma_start3A_528 = arith.constant 13 : i32
    %dma_start3A_529 = tpu.memref_slice %arg3[%dma_start3A_528] : memref<64x!tpu.dma_semaphore, #tpu.memory_space<semaphore_mem>> -> memref<1x!tpu.dma_semaphore, #tpu.memory_space<semaphore_mem>>
    %dma_start3A_530 = tpu.memref_squeeze %dma_start3A_529 : memref<1x!tpu.dma_semaphore, #tpu.memory_space<semaphore_mem>> -> memref<!tpu.dma_semaphore, #tpu.memory_space<semaphore_mem>>
    %dma_start3A_531 = arith.constant 16 : i32
    %dma_start3A_532 = arith.constant 0 : i32
    %dma_start3A_533 = arith.constant 0 : i32
    %dma_start3A_534 = tpu.memref_slice %arg1[%dma_start3A_527, %dma_start3A_531, %dma_start3A_532, %dma_start3A_533] : memref<32x32x32x768xf32, #tpu.memory_space<any>> -> memref<1x16x32x768xf32, #tpu.memory_space<any>>
    %dma_start3A_535 = tpu.memref_squeeze %dma_start3A_534 : memref<1x16x32x768xf32, #tpu.memory_space<any>> -> memref<16x32x768xf32, #tpu.memory_space<any>>
    %dma_start3A_536 = arith.constant 16 : i32
    %dma_start3A_537 = arith.constant 0 : i32
    %dma_start3A_538 = arith.constant 0 : i32
    %dma_start3A_539 = tpu.memref_slice %arg2[%dma_start3A_536, %dma_start3A_537, %dma_start3A_538] : memref<32x32x768xf32, #tpu.memory_space<vmem>> -> memref<16x32x768xf32, #tpu.memory_space<vmem>>
    tpu.enqueue_dma source(%dma_start3A_539 : memref<16x32x768xf32, #tpu.memory_space<vmem>>) target(%dma_start3A_535 : memref<16x32x768xf32, #tpu.memory_space<any>>) target_semaphore(%dma_start3A_530 : memref<!tpu.dma_semaphore, #tpu.memory_space<semaphore_mem>>)
    %dma_start3A_540 = arith.constant 7 : i32
    %dma_start3A_541 = arith.constant 15 : i32
    %dma_start3A_542 = tpu.memref_slice %arg3[%dma_start3A_541] : memref<64x!tpu.dma_semaphore, #tpu.memory_space<semaphore_mem>> -> memref<1x!tpu.dma_semaphore, #tpu.memory_space<semaphore_mem>>
    %dma_start3A_543 = tpu.memref_squeeze %dma_start3A_542 : memref<1x!tpu.dma_semaphore, #tpu.memory_space<semaphore_mem>> -> memref<!tpu.dma_semaphore, #tpu.memory_space<semaphore_mem>>
    %dma_start3A_544 = arith.constant 16 : i32
    %dma_start3A_545 = arith.constant 0 : i32
    %dma_start3A_546 = arith.constant 0 : i32
    %dma_start3A_547 = tpu.memref_slice %arg1[%dma_start3A_540, %dma_start3A_544, %dma_start3A_545, %dma_start3A_546] : memref<32x32x32x768xf32, #tpu.memory_space<any>> -> memref<1x16x32x768xf32, #tpu.memory_space<any>>
    %dma_start3A_548 = tpu.memref_squeeze %dma_start3A_547 : memref<1x16x32x768xf32, #tpu.memory_space<any>> -> memref<16x32x768xf32, #tpu.memory_space<any>>
    %dma_start3A_549 = arith.constant 16 : i32
    %dma_start3A_550 = arith.constant 0 : i32
    %dma_start3A_551 = arith.constant 0 : i32
    %dma_start3A_552 = tpu.memref_slice %arg2[%dma_start3A_549, %dma_start3A_550, %dma_start3A_551] : memref<32x32x768xf32, #tpu.memory_space<vmem>> -> memref<16x32x768xf32, #tpu.memory_space<vmem>>
    tpu.enqueue_dma source(%dma_start3A_552 : memref<16x32x768xf32, #tpu.memory_space<vmem>>) target(%dma_start3A_548 : memref<16x32x768xf32, #tpu.memory_space<any>>) target_semaphore(%dma_start3A_543 : memref<!tpu.dma_semaphore, #tpu.memory_space<semaphore_mem>>)
    %dma_start3A_553 = arith.constant 8 : i32
    %dma_start3A_554 = arith.constant 17 : i32
    %dma_start3A_555 = tpu.memref_slice %arg3[%dma_start3A_554] : memref<64x!tpu.dma_semaphore, #tpu.memory_space<semaphore_mem>> -> memref<1x!tpu.dma_semaphore, #tpu.memory_space<semaphore_mem>>
    %dma_start3A_556 = tpu.memref_squeeze %dma_start3A_555 : memref<1x!tpu.dma_semaphore, #tpu.memory_space<semaphore_mem>> -> memref<!tpu.dma_semaphore, #tpu.memory_space<semaphore_mem>>
    %dma_start3A_557 = arith.constant 16 : i32
    %dma_start3A_558 = arith.constant 0 : i32
    %dma_start3A_559 = arith.constant 0 : i32
    %dma_start3A_560 = tpu.memref_slice %arg1[%dma_start3A_553, %dma_start3A_557, %dma_start3A_558, %dma_start3A_559] : memref<32x32x32x768xf32, #tpu.memory_space<any>> -> memref<1x16x32x768xf32, #tpu.memory_space<any>>
    %dma_start3A_561 = tpu.memref_squeeze %dma_start3A_560 : memref<1x16x32x768xf32, #tpu.memory_space<any>> -> memref<16x32x768xf32, #tpu.memory_space<any>>
    %dma_start3A_562 = arith.constant 16 : i32
    %dma_start3A_563 = arith.constant 0 : i32
    %dma_start3A_564 = arith.constant 0 : i32
    %dma_start3A_565 = tpu.memref_slice %arg2[%dma_start3A_562, %dma_start3A_563, %dma_start3A_564] : memref<32x32x768xf32, #tpu.memory_space<vmem>> -> memref<16x32x768xf32, #tpu.memory_space<vmem>>
    tpu.enqueue_dma source(%dma_start3A_565 : memref<16x32x768xf32, #tpu.memory_space<vmem>>) target(%dma_start3A_561 : memref<16x32x768xf32, #tpu.memory_space<any>>) target_semaphore(%dma_start3A_556 : memref<!tpu.dma_semaphore, #tpu.memory_space<semaphore_mem>>)
    %dma_start3A_566 = arith.constant 9 : i32
    %dma_start3A_567 = arith.constant 19 : i32
    %dma_start3A_568 = tpu.memref_slice %arg3[%dma_start3A_567] : memref<64x!tpu.dma_semaphore, #tpu.memory_space<semaphore_mem>> -> memref<1x!tpu.dma_semaphore, #tpu.memory_space<semaphore_mem>>
    %dma_start3A_569 = tpu.memref_squeeze %dma_start3A_568 : memref<1x!tpu.dma_semaphore, #tpu.memory_space<semaphore_mem>> -> memref<!tpu.dma_semaphore, #tpu.memory_space<semaphore_mem>>
    %dma_start3A_570 = arith.constant 16 : i32
    %dma_start3A_571 = arith.constant 0 : i32
    %dma_start3A_572 = arith.constant 0 : i32
    %dma_start3A_573 = tpu.memref_slice %arg1[%dma_start3A_566, %dma_start3A_570, %dma_start3A_571, %dma_start3A_572] : memref<32x32x32x768xf32, #tpu.memory_space<any>> -> memref<1x16x32x768xf32, #tpu.memory_space<any>>
    %dma_start3A_574 = tpu.memref_squeeze %dma_start3A_573 : memref<1x16x32x768xf32, #tpu.memory_space<any>> -> memref<16x32x768xf32, #tpu.memory_space<any>>
    %dma_start3A_575 = arith.constant 16 : i32
    %dma_start3A_576 = arith.constant 0 : i32
    %dma_start3A_577 = arith.constant 0 : i32
    %dma_start3A_578 = tpu.memref_slice %arg2[%dma_start3A_575, %dma_start3A_576, %dma_start3A_577] : memref<32x32x768xf32, #tpu.memory_space<vmem>> -> memref<16x32x768xf32, #tpu.memory_space<vmem>>
    tpu.enqueue_dma source(%dma_start3A_578 : memref<16x32x768xf32, #tpu.memory_space<vmem>>) target(%dma_start3A_574 : memref<16x32x768xf32, #tpu.memory_space<any>>) target_semaphore(%dma_start3A_569 : memref<!tpu.dma_semaphore, #tpu.memory_space<semaphore_mem>>)
    %dma_start3A_579 = arith.constant 10 : i32
    %dma_start3A_580 = arith.constant 21 : i32
    %dma_start3A_581 = tpu.memref_slice %arg3[%dma_start3A_580] : memref<64x!tpu.dma_semaphore, #tpu.memory_space<semaphore_mem>> -> memref<1x!tpu.dma_semaphore, #tpu.memory_space<semaphore_mem>>
    %dma_start3A_582 = tpu.memref_squeeze %dma_start3A_581 : memref<1x!tpu.dma_semaphore, #tpu.memory_space<semaphore_mem>> -> memref<!tpu.dma_semaphore, #tpu.memory_space<semaphore_mem>>
    %dma_start3A_583 = arith.constant 16 : i32
    %dma_start3A_584 = arith.constant 0 : i32
    %dma_start3A_585 = arith.constant 0 : i32
    %dma_start3A_586 = tpu.memref_slice %arg1[%dma_start3A_579, %dma_start3A_583, %dma_start3A_584, %dma_start3A_585] : memref<32x32x32x768xf32, #tpu.memory_space<any>> -> memref<1x16x32x768xf32, #tpu.memory_space<any>>
    %dma_start3A_587 = tpu.memref_squeeze %dma_start3A_586 : memref<1x16x32x768xf32, #tpu.memory_space<any>> -> memref<16x32x768xf32, #tpu.memory_space<any>>
    %dma_start3A_588 = arith.constant 16 : i32
    %dma_start3A_589 = arith.constant 0 : i32
    %dma_start3A_590 = arith.constant 0 : i32
    %dma_start3A_591 = tpu.memref_slice %arg2[%dma_start3A_588, %dma_start3A_589, %dma_start3A_590] : memref<32x32x768xf32, #tpu.memory_space<vmem>> -> memref<16x32x768xf32, #tpu.memory_space<vmem>>
    tpu.enqueue_dma source(%dma_start3A_591 : memref<16x32x768xf32, #tpu.memory_space<vmem>>) target(%dma_start3A_587 : memref<16x32x768xf32, #tpu.memory_space<any>>) target_semaphore(%dma_start3A_582 : memref<!tpu.dma_semaphore, #tpu.memory_space<semaphore_mem>>)
    %dma_start3A_592 = arith.constant 11 : i32
    %dma_start3A_593 = arith.constant 23 : i32
    %dma_start3A_594 = tpu.memref_slice %arg3[%dma_start3A_593] : memref<64x!tpu.dma_semaphore, #tpu.memory_space<semaphore_mem>> -> memref<1x!tpu.dma_semaphore, #tpu.memory_space<semaphore_mem>>
    %dma_start3A_595 = tpu.memref_squeeze %dma_start3A_594 : memref<1x!tpu.dma_semaphore, #tpu.memory_space<semaphore_mem>> -> memref<!tpu.dma_semaphore, #tpu.memory_space<semaphore_mem>>
    %dma_start3A_596 = arith.constant 16 : i32
    %dma_start3A_597 = arith.constant 0 : i32
    %dma_start3A_598 = arith.constant 0 : i32
    %dma_start3A_599 = tpu.memref_slice %arg1[%dma_start3A_592, %dma_start3A_596, %dma_start3A_597, %dma_start3A_598] : memref<32x32x32x768xf32, #tpu.memory_space<any>> -> memref<1x16x32x768xf32, #tpu.memory_space<any>>
    %dma_start3A_600 = tpu.memref_squeeze %dma_start3A_599 : memref<1x16x32x768xf32, #tpu.memory_space<any>> -> memref<16x32x768xf32, #tpu.memory_space<any>>
    %dma_start3A_601 = arith.constant 16 : i32
    %dma_start3A_602 = arith.constant 0 : i32
    %dma_start3A_603 = arith.constant 0 : i32
    %dma_start3A_604 = tpu.memref_slice %arg2[%dma_start3A_601, %dma_start3A_602, %dma_start3A_603] : memref<32x32x768xf32, #tpu.memory_space<vmem>> -> memref<16x32x768xf32, #tpu.memory_space<vmem>>
    tpu.enqueue_dma source(%dma_start3A_604 : memref<16x32x768xf32, #tpu.memory_space<vmem>>) target(%dma_start3A_600 : memref<16x32x768xf32, #tpu.memory_space<any>>) target_semaphore(%dma_start3A_595 : memref<!tpu.dma_semaphore, #tpu.memory_space<semaphore_mem>>)
    %dma_start3A_605 = arith.constant 12 : i32
    %dma_start3A_606 = arith.constant 25 : i32
    %dma_start3A_607 = tpu.memref_slice %arg3[%dma_start3A_606] : memref<64x!tpu.dma_semaphore, #tpu.memory_space<semaphore_mem>> -> memref<1x!tpu.dma_semaphore, #tpu.memory_space<semaphore_mem>>
    %dma_start3A_608 = tpu.memref_squeeze %dma_start3A_607 : memref<1x!tpu.dma_semaphore, #tpu.memory_space<semaphore_mem>> -> memref<!tpu.dma_semaphore, #tpu.memory_space<semaphore_mem>>
    %dma_start3A_609 = arith.constant 16 : i32
    %dma_start3A_610 = arith.constant 0 : i32
    %dma_start3A_611 = arith.constant 0 : i32
    %dma_start3A_612 = tpu.memref_slice %arg1[%dma_start3A_605, %dma_start3A_609, %dma_start3A_610, %dma_start3A_611] : memref<32x32x32x768xf32, #tpu.memory_space<any>> -> memref<1x16x32x768xf32, #tpu.memory_space<any>>
    %dma_start3A_613 = tpu.memref_squeeze %dma_start3A_612 : memref<1x16x32x768xf32, #tpu.memory_space<any>> -> memref<16x32x768xf32, #tpu.memory_space<any>>
    %dma_start3A_614 = arith.constant 16 : i32
    %dma_start3A_615 = arith.constant 0 : i32
    %dma_start3A_616 = arith.constant 0 : i32
    %dma_start3A_617 = tpu.memref_slice %arg2[%dma_start3A_614, %dma_start3A_615, %dma_start3A_616] : memref<32x32x768xf32, #tpu.memory_space<vmem>> -> memref<16x32x768xf32, #tpu.memory_space<vmem>>
    tpu.enqueue_dma source(%dma_start3A_617 : memref<16x32x768xf32, #tpu.memory_space<vmem>>) target(%dma_start3A_613 : memref<16x32x768xf32, #tpu.memory_space<any>>) target_semaphore(%dma_start3A_608 : memref<!tpu.dma_semaphore, #tpu.memory_space<semaphore_mem>>)
    %dma_start3A_618 = arith.constant 13 : i32
    %dma_start3A_619 = arith.constant 27 : i32
    %dma_start3A_620 = tpu.memref_slice %arg3[%dma_start3A_619] : memref<64x!tpu.dma_semaphore, #tpu.memory_space<semaphore_mem>> -> memref<1x!tpu.dma_semaphore, #tpu.memory_space<semaphore_mem>>
    %dma_start3A_621 = tpu.memref_squeeze %dma_start3A_620 : memref<1x!tpu.dma_semaphore, #tpu.memory_space<semaphore_mem>> -> memref<!tpu.dma_semaphore, #tpu.memory_space<semaphore_mem>>
    %dma_start3A_622 = arith.constant 16 : i32
    %dma_start3A_623 = arith.constant 0 : i32
    %dma_start3A_624 = arith.constant 0 : i32
    %dma_start3A_625 = tpu.memref_slice %arg1[%dma_start3A_618, %dma_start3A_622, %dma_start3A_623, %dma_start3A_624] : memref<32x32x32x768xf32, #tpu.memory_space<any>> -> memref<1x16x32x768xf32, #tpu.memory_space<any>>
    %dma_start3A_626 = tpu.memref_squeeze %dma_start3A_625 : memref<1x16x32x768xf32, #tpu.memory_space<any>> -> memref<16x32x768xf32, #tpu.memory_space<any>>
    %dma_start3A_627 = arith.constant 16 : i32
    %dma_start3A_628 = arith.constant 0 : i32
    %dma_start3A_629 = arith.constant 0 : i32
    %dma_start3A_630 = tpu.memref_slice %arg2[%dma_start3A_627, %dma_start3A_628, %dma_start3A_629] : memref<32x32x768xf32, #tpu.memory_space<vmem>> -> memref<16x32x768xf32, #tpu.memory_space<vmem>>
    tpu.enqueue_dma source(%dma_start3A_630 : memref<16x32x768xf32, #tpu.memory_space<vmem>>) target(%dma_start3A_626 : memref<16x32x768xf32, #tpu.memory_space<any>>) target_semaphore(%dma_start3A_621 : memref<!tpu.dma_semaphore, #tpu.memory_space<semaphore_mem>>)
    %dma_start3A_631 = arith.constant 14 : i32
    %dma_start3A_632 = arith.constant 29 : i32
    %dma_start3A_633 = tpu.memref_slice %arg3[%dma_start3A_632] : memref<64x!tpu.dma_semaphore, #tpu.memory_space<semaphore_mem>> -> memref<1x!tpu.dma_semaphore, #tpu.memory_space<semaphore_mem>>
    %dma_start3A_634 = tpu.memref_squeeze %dma_start3A_633 : memref<1x!tpu.dma_semaphore, #tpu.memory_space<semaphore_mem>> -> memref<!tpu.dma_semaphore, #tpu.memory_space<semaphore_mem>>
    %dma_start3A_635 = arith.constant 16 : i32
    %dma_start3A_636 = arith.constant 0 : i32
    %dma_start3A_637 = arith.constant 0 : i32
    %dma_start3A_638 = tpu.memref_slice %arg1[%dma_start3A_631, %dma_start3A_635, %dma_start3A_636, %dma_start3A_637] : memref<32x32x32x768xf32, #tpu.memory_space<any>> -> memref<1x16x32x768xf32, #tpu.memory_space<any>>
    %dma_start3A_639 = tpu.memref_squeeze %dma_start3A_638 : memref<1x16x32x768xf32, #tpu.memory_space<any>> -> memref<16x32x768xf32, #tpu.memory_space<any>>
    %dma_start3A_640 = arith.constant 16 : i32
    %dma_start3A_641 = arith.constant 0 : i32
    %dma_start3A_642 = arith.constant 0 : i32
    %dma_start3A_643 = tpu.memref_slice %arg2[%dma_start3A_640, %dma_start3A_641, %dma_start3A_642] : memref<32x32x768xf32, #tpu.memory_space<vmem>> -> memref<16x32x768xf32, #tpu.memory_space<vmem>>
    tpu.enqueue_dma source(%dma_start3A_643 : memref<16x32x768xf32, #tpu.memory_space<vmem>>) target(%dma_start3A_639 : memref<16x32x768xf32, #tpu.memory_space<any>>) target_semaphore(%dma_start3A_634 : memref<!tpu.dma_semaphore, #tpu.memory_space<semaphore_mem>>)
    %dma_start3A_644 = arith.constant 15 : i32
    %dma_start3A_645 = arith.constant 31 : i32
    %dma_start3A_646 = tpu.memref_slice %arg3[%dma_start3A_645] : memref<64x!tpu.dma_semaphore, #tpu.memory_space<semaphore_mem>> -> memref<1x!tpu.dma_semaphore, #tpu.memory_space<semaphore_mem>>
    %dma_start3A_647 = tpu.memref_squeeze %dma_start3A_646 : memref<1x!tpu.dma_semaphore, #tpu.memory_space<semaphore_mem>> -> memref<!tpu.dma_semaphore, #tpu.memory_space<semaphore_mem>>
    %dma_start3A_648 = arith.constant 16 : i32
    %dma_start3A_649 = arith.constant 0 : i32
    %dma_start3A_650 = arith.constant 0 : i32
    %dma_start3A_651 = tpu.memref_slice %arg1[%dma_start3A_644, %dma_start3A_648, %dma_start3A_649, %dma_start3A_650] : memref<32x32x32x768xf32, #tpu.memory_space<any>> -> memref<1x16x32x768xf32, #tpu.memory_space<any>>
    %dma_start3A_652 = tpu.memref_squeeze %dma_start3A_651 : memref<1x16x32x768xf32, #tpu.memory_space<any>> -> memref<16x32x768xf32, #tpu.memory_space<any>>
    %dma_start3A_653 = arith.constant 16 : i32
    %dma_start3A_654 = arith.constant 0 : i32
    %dma_start3A_655 = arith.constant 0 : i32
    %dma_start3A_656 = tpu.memref_slice %arg2[%dma_start3A_653, %dma_start3A_654, %dma_start3A_655] : memref<32x32x768xf32, #tpu.memory_space<vmem>> -> memref<16x32x768xf32, #tpu.memory_space<vmem>>
    tpu.enqueue_dma source(%dma_start3A_656 : memref<16x32x768xf32, #tpu.memory_space<vmem>>) target(%dma_start3A_652 : memref<16x32x768xf32, #tpu.memory_space<any>>) target_semaphore(%dma_start3A_647 : memref<!tpu.dma_semaphore, #tpu.memory_space<semaphore_mem>>)
    %dma_start3A_657 = arith.constant 16 : i32
    %dma_start3A_658 = arith.constant 33 : i32
    %dma_start3A_659 = tpu.memref_slice %arg3[%dma_start3A_658] : memref<64x!tpu.dma_semaphore, #tpu.memory_space<semaphore_mem>> -> memref<1x!tpu.dma_semaphore, #tpu.memory_space<semaphore_mem>>
    %dma_start3A_660 = tpu.memref_squeeze %dma_start3A_659 : memref<1x!tpu.dma_semaphore, #tpu.memory_space<semaphore_mem>> -> memref<!tpu.dma_semaphore, #tpu.memory_space<semaphore_mem>>
    %dma_start3A_661 = arith.constant 16 : i32
    %dma_start3A_662 = arith.constant 0 : i32
    %dma_start3A_663 = arith.constant 0 : i32
    %dma_start3A_664 = tpu.memref_slice %arg1[%dma_start3A_657, %dma_start3A_661, %dma_start3A_662, %dma_start3A_663] : memref<32x32x32x768xf32, #tpu.memory_space<any>> -> memref<1x16x32x768xf32, #tpu.memory_space<any>>
    %dma_start3A_665 = tpu.memref_squeeze %dma_start3A_664 : memref<1x16x32x768xf32, #tpu.memory_space<any>> -> memref<16x32x768xf32, #tpu.memory_space<any>>
    %dma_start3A_666 = arith.constant 16 : i32
    %dma_start3A_667 = arith.constant 0 : i32
    %dma_start3A_668 = arith.constant 0 : i32
    %dma_start3A_669 = tpu.memref_slice %arg2[%dma_start3A_666, %dma_start3A_667, %dma_start3A_668] : memref<32x32x768xf32, #tpu.memory_space<vmem>> -> memref<16x32x768xf32, #tpu.memory_space<vmem>>
    tpu.enqueue_dma source(%dma_start3A_669 : memref<16x32x768xf32, #tpu.memory_space<vmem>>) target(%dma_start3A_665 : memref<16x32x768xf32, #tpu.memory_space<any>>) target_semaphore(%dma_start3A_660 : memref<!tpu.dma_semaphore, #tpu.memory_space<semaphore_mem>>)
    %dma_start3A_670 = arith.constant 17 : i32
    %dma_start3A_671 = arith.constant 35 : i32
    %dma_start3A_672 = tpu.memref_slice %arg3[%dma_start3A_671] : memref<64x!tpu.dma_semaphore, #tpu.memory_space<semaphore_mem>> -> memref<1x!tpu.dma_semaphore, #tpu.memory_space<semaphore_mem>>
    %dma_start3A_673 = tpu.memref_squeeze %dma_start3A_672 : memref<1x!tpu.dma_semaphore, #tpu.memory_space<semaphore_mem>> -> memref<!tpu.dma_semaphore, #tpu.memory_space<semaphore_mem>>
    %dma_start3A_674 = arith.constant 16 : i32
    %dma_start3A_675 = arith.constant 0 : i32
    %dma_start3A_676 = arith.constant 0 : i32
    %dma_start3A_677 = tpu.memref_slice %arg1[%dma_start3A_670, %dma_start3A_674, %dma_start3A_675, %dma_start3A_676] : memref<32x32x32x768xf32, #tpu.memory_space<any>> -> memref<1x16x32x768xf32, #tpu.memory_space<any>>
    %dma_start3A_678 = tpu.memref_squeeze %dma_start3A_677 : memref<1x16x32x768xf32, #tpu.memory_space<any>> -> memref<16x32x768xf32, #tpu.memory_space<any>>
    %dma_start3A_679 = arith.constant 16 : i32
    %dma_start3A_680 = arith.constant 0 : i32
    %dma_start3A_681 = arith.constant 0 : i32
    %dma_start3A_682 = tpu.memref_slice %arg2[%dma_start3A_679, %dma_start3A_680, %dma_start3A_681] : memref<32x32x768xf32, #tpu.memory_space<vmem>> -> memref<16x32x768xf32, #tpu.memory_space<vmem>>
    tpu.enqueue_dma source(%dma_start3A_682 : memref<16x32x768xf32, #tpu.memory_space<vmem>>) target(%dma_start3A_678 : memref<16x32x768xf32, #tpu.memory_space<any>>) target_semaphore(%dma_start3A_673 : memref<!tpu.dma_semaphore, #tpu.memory_space<semaphore_mem>>)
    %dma_start3A_683 = arith.constant 18 : i32
    %dma_start3A_684 = arith.constant 37 : i32
    %dma_start3A_685 = tpu.memref_slice %arg3[%dma_start3A_684] : memref<64x!tpu.dma_semaphore, #tpu.memory_space<semaphore_mem>> -> memref<1x!tpu.dma_semaphore, #tpu.memory_space<semaphore_mem>>
    %dma_start3A_686 = tpu.memref_squeeze %dma_start3A_685 : memref<1x!tpu.dma_semaphore, #tpu.memory_space<semaphore_mem>> -> memref<!tpu.dma_semaphore, #tpu.memory_space<semaphore_mem>>
    %dma_start3A_687 = arith.constant 16 : i32
    %dma_start3A_688 = arith.constant 0 : i32
    %dma_start3A_689 = arith.constant 0 : i32
    %dma_start3A_690 = tpu.memref_slice %arg1[%dma_start3A_683, %dma_start3A_687, %dma_start3A_688, %dma_start3A_689] : memref<32x32x32x768xf32, #tpu.memory_space<any>> -> memref<1x16x32x768xf32, #tpu.memory_space<any>>
    %dma_start3A_691 = tpu.memref_squeeze %dma_start3A_690 : memref<1x16x32x768xf32, #tpu.memory_space<any>> -> memref<16x32x768xf32, #tpu.memory_space<any>>
    %dma_start3A_692 = arith.constant 16 : i32
    %dma_start3A_693 = arith.constant 0 : i32
    %dma_start3A_694 = arith.constant 0 : i32
    %dma_start3A_695 = tpu.memref_slice %arg2[%dma_start3A_692, %dma_start3A_693, %dma_start3A_694] : memref<32x32x768xf32, #tpu.memory_space<vmem>> -> memref<16x32x768xf32, #tpu.memory_space<vmem>>
    tpu.enqueue_dma source(%dma_start3A_695 : memref<16x32x768xf32, #tpu.memory_space<vmem>>) target(%dma_start3A_691 : memref<16x32x768xf32, #tpu.memory_space<any>>) target_semaphore(%dma_start3A_686 : memref<!tpu.dma_semaphore, #tpu.memory_space<semaphore_mem>>)
    %dma_start3A_696 = arith.constant 19 : i32
    %dma_start3A_697 = arith.constant 39 : i32
    %dma_start3A_698 = tpu.memref_slice %arg3[%dma_start3A_697] : memref<64x!tpu.dma_semaphore, #tpu.memory_space<semaphore_mem>> -> memref<1x!tpu.dma_semaphore, #tpu.memory_space<semaphore_mem>>
    %dma_start3A_699 = tpu.memref_squeeze %dma_start3A_698 : memref<1x!tpu.dma_semaphore, #tpu.memory_space<semaphore_mem>> -> memref<!tpu.dma_semaphore, #tpu.memory_space<semaphore_mem>>
    %dma_start3A_700 = arith.constant 16 : i32
    %dma_start3A_701 = arith.constant 0 : i32
    %dma_start3A_702 = arith.constant 0 : i32
    %dma_start3A_703 = tpu.memref_slice %arg1[%dma_start3A_696, %dma_start3A_700, %dma_start3A_701, %dma_start3A_702] : memref<32x32x32x768xf32, #tpu.memory_space<any>> -> memref<1x16x32x768xf32, #tpu.memory_space<any>>
    %dma_start3A_704 = tpu.memref_squeeze %dma_start3A_703 : memref<1x16x32x768xf32, #tpu.memory_space<any>> -> memref<16x32x768xf32, #tpu.memory_space<any>>
    %dma_start3A_705 = arith.constant 16 : i32
    %dma_start3A_706 = arith.constant 0 : i32
    %dma_start3A_707 = arith.constant 0 : i32
    %dma_start3A_708 = tpu.memref_slice %arg2[%dma_start3A_705, %dma_start3A_706, %dma_start3A_707] : memref<32x32x768xf32, #tpu.memory_space<vmem>> -> memref<16x32x768xf32, #tpu.memory_space<vmem>>
    tpu.enqueue_dma source(%dma_start3A_708 : memref<16x32x768xf32, #tpu.memory_space<vmem>>) target(%dma_start3A_704 : memref<16x32x768xf32, #tpu.memory_space<any>>) target_semaphore(%dma_start3A_699 : memref<!tpu.dma_semaphore, #tpu.memory_space<semaphore_mem>>)
    %dma_start3A_709 = arith.constant 20 : i32
    %dma_start3A_710 = arith.constant 41 : i32
    %dma_start3A_711 = tpu.memref_slice %arg3[%dma_start3A_710] : memref<64x!tpu.dma_semaphore, #tpu.memory_space<semaphore_mem>> -> memref<1x!tpu.dma_semaphore, #tpu.memory_space<semaphore_mem>>
    %dma_start3A_712 = tpu.memref_squeeze %dma_start3A_711 : memref<1x!tpu.dma_semaphore, #tpu.memory_space<semaphore_mem>> -> memref<!tpu.dma_semaphore, #tpu.memory_space<semaphore_mem>>
    %dma_start3A_713 = arith.constant 16 : i32
    %dma_start3A_714 = arith.constant 0 : i32
    %dma_start3A_715 = arith.constant 0 : i32
    %dma_start3A_716 = tpu.memref_slice %arg1[%dma_start3A_709, %dma_start3A_713, %dma_start3A_714, %dma_start3A_715] : memref<32x32x32x768xf32, #tpu.memory_space<any>> -> memref<1x16x32x768xf32, #tpu.memory_space<any>>
    %dma_start3A_717 = tpu.memref_squeeze %dma_start3A_716 : memref<1x16x32x768xf32, #tpu.memory_space<any>> -> memref<16x32x768xf32, #tpu.memory_space<any>>
    %dma_start3A_718 = arith.constant 16 : i32
    %dma_start3A_719 = arith.constant 0 : i32
    %dma_start3A_720 = arith.constant 0 : i32
    %dma_start3A_721 = tpu.memref_slice %arg2[%dma_start3A_718, %dma_start3A_719, %dma_start3A_720] : memref<32x32x768xf32, #tpu.memory_space<vmem>> -> memref<16x32x768xf32, #tpu.memory_space<vmem>>
    tpu.enqueue_dma source(%dma_start3A_721 : memref<16x32x768xf32, #tpu.memory_space<vmem>>) target(%dma_start3A_717 : memref<16x32x768xf32, #tpu.memory_space<any>>) target_semaphore(%dma_start3A_712 : memref<!tpu.dma_semaphore, #tpu.memory_space<semaphore_mem>>)
    %dma_start3A_722 = arith.constant 21 : i32
    %dma_start3A_723 = arith.constant 43 : i32
    %dma_start3A_724 = tpu.memref_slice %arg3[%dma_start3A_723] : memref<64x!tpu.dma_semaphore, #tpu.memory_space<semaphore_mem>> -> memref<1x!tpu.dma_semaphore, #tpu.memory_space<semaphore_mem>>
    %dma_start3A_725 = tpu.memref_squeeze %dma_start3A_724 : memref<1x!tpu.dma_semaphore, #tpu.memory_space<semaphore_mem>> -> memref<!tpu.dma_semaphore, #tpu.memory_space<semaphore_mem>>
    %dma_start3A_726 = arith.constant 16 : i32
    %dma_start3A_727 = arith.constant 0 : i32
    %dma_start3A_728 = arith.constant 0 : i32
    %dma_start3A_729 = tpu.memref_slice %arg1[%dma_start3A_722, %dma_start3A_726, %dma_start3A_727, %dma_start3A_728] : memref<32x32x32x768xf32, #tpu.memory_space<any>> -> memref<1x16x32x768xf32, #tpu.memory_space<any>>
    %dma_start3A_730 = tpu.memref_squeeze %dma_start3A_729 : memref<1x16x32x768xf32, #tpu.memory_space<any>> -> memref<16x32x768xf32, #tpu.memory_space<any>>
    %dma_start3A_731 = arith.constant 16 : i32
    %dma_start3A_732 = arith.constant 0 : i32
    %dma_start3A_733 = arith.constant 0 : i32
    %dma_start3A_734 = tpu.memref_slice %arg2[%dma_start3A_731, %dma_start3A_732, %dma_start3A_733] : memref<32x32x768xf32, #tpu.memory_space<vmem>> -> memref<16x32x768xf32, #tpu.memory_space<vmem>>
    tpu.enqueue_dma source(%dma_start3A_734 : memref<16x32x768xf32, #tpu.memory_space<vmem>>) target(%dma_start3A_730 : memref<16x32x768xf32, #tpu.memory_space<any>>) target_semaphore(%dma_start3A_725 : memref<!tpu.dma_semaphore, #tpu.memory_space<semaphore_mem>>)
    %dma_start3A_735 = arith.constant 22 : i32
    %dma_start3A_736 = arith.constant 45 : i32
    %dma_start3A_737 = tpu.memref_slice %arg3[%dma_start3A_736] : memref<64x!tpu.dma_semaphore, #tpu.memory_space<semaphore_mem>> -> memref<1x!tpu.dma_semaphore, #tpu.memory_space<semaphore_mem>>
    %dma_start3A_738 = tpu.memref_squeeze %dma_start3A_737 : memref<1x!tpu.dma_semaphore, #tpu.memory_space<semaphore_mem>> -> memref<!tpu.dma_semaphore, #tpu.memory_space<semaphore_mem>>
    %dma_start3A_739 = arith.constant 16 : i32
    %dma_start3A_740 = arith.constant 0 : i32
    %dma_start3A_741 = arith.constant 0 : i32
    %dma_start3A_742 = tpu.memref_slice %arg1[%dma_start3A_735, %dma_start3A_739, %dma_start3A_740, %dma_start3A_741] : memref<32x32x32x768xf32, #tpu.memory_space<any>> -> memref<1x16x32x768xf32, #tpu.memory_space<any>>
    %dma_start3A_743 = tpu.memref_squeeze %dma_start3A_742 : memref<1x16x32x768xf32, #tpu.memory_space<any>> -> memref<16x32x768xf32, #tpu.memory_space<any>>
    %dma_start3A_744 = arith.constant 16 : i32
    %dma_start3A_745 = arith.constant 0 : i32
    %dma_start3A_746 = arith.constant 0 : i32
    %dma_start3A_747 = tpu.memref_slice %arg2[%dma_start3A_744, %dma_start3A_745, %dma_start3A_746] : memref<32x32x768xf32, #tpu.memory_space<vmem>> -> memref<16x32x768xf32, #tpu.memory_space<vmem>>
    tpu.enqueue_dma source(%dma_start3A_747 : memref<16x32x768xf32, #tpu.memory_space<vmem>>) target(%dma_start3A_743 : memref<16x32x768xf32, #tpu.memory_space<any>>) target_semaphore(%dma_start3A_738 : memref<!tpu.dma_semaphore, #tpu.memory_space<semaphore_mem>>)
    %dma_start3A_748 = arith.constant 23 : i32
    %dma_start3A_749 = arith.constant 47 : i32
    %dma_start3A_750 = tpu.memref_slice %arg3[%dma_start3A_749] : memref<64x!tpu.dma_semaphore, #tpu.memory_space<semaphore_mem>> -> memref<1x!tpu.dma_semaphore, #tpu.memory_space<semaphore_mem>>
    %dma_start3A_751 = tpu.memref_squeeze %dma_start3A_750 : memref<1x!tpu.dma_semaphore, #tpu.memory_space<semaphore_mem>> -> memref<!tpu.dma_semaphore, #tpu.memory_space<semaphore_mem>>
    %dma_start3A_752 = arith.constant 16 : i32
    %dma_start3A_753 = arith.constant 0 : i32
    %dma_start3A_754 = arith.constant 0 : i32
    %dma_start3A_755 = tpu.memref_slice %arg1[%dma_start3A_748, %dma_start3A_752, %dma_start3A_753, %dma_start3A_754] : memref<32x32x32x768xf32, #tpu.memory_space<any>> -> memref<1x16x32x768xf32, #tpu.memory_space<any>>
    %dma_start3A_756 = tpu.memref_squeeze %dma_start3A_755 : memref<1x16x32x768xf32, #tpu.memory_space<any>> -> memref<16x32x768xf32, #tpu.memory_space<any>>
    %dma_start3A_757 = arith.constant 16 : i32
    %dma_start3A_758 = arith.constant 0 : i32
    %dma_start3A_759 = arith.constant 0 : i32
    %dma_start3A_760 = tpu.memref_slice %arg2[%dma_start3A_757, %dma_start3A_758, %dma_start3A_759] : memref<32x32x768xf32, #tpu.memory_space<vmem>> -> memref<16x32x768xf32, #tpu.memory_space<vmem>>
    tpu.enqueue_dma source(%dma_start3A_760 : memref<16x32x768xf32, #tpu.memory_space<vmem>>) target(%dma_start3A_756 : memref<16x32x768xf32, #tpu.memory_space<any>>) target_semaphore(%dma_start3A_751 : memref<!tpu.dma_semaphore, #tpu.memory_space<semaphore_mem>>)
    %dma_start3A_761 = arith.constant 24 : i32
    %dma_start3A_762 = arith.constant 49 : i32
    %dma_start3A_763 = tpu.memref_slice %arg3[%dma_start3A_762] : memref<64x!tpu.dma_semaphore, #tpu.memory_space<semaphore_mem>> -> memref<1x!tpu.dma_semaphore, #tpu.memory_space<semaphore_mem>>
    %dma_start3A_764 = tpu.memref_squeeze %dma_start3A_763 : memref<1x!tpu.dma_semaphore, #tpu.memory_space<semaphore_mem>> -> memref<!tpu.dma_semaphore, #tpu.memory_space<semaphore_mem>>
    %dma_start3A_765 = arith.constant 16 : i32
    %dma_start3A_766 = arith.constant 0 : i32
    %dma_start3A_767 = arith.constant 0 : i32
    %dma_start3A_768 = tpu.memref_slice %arg1[%dma_start3A_761, %dma_start3A_765, %dma_start3A_766, %dma_start3A_767] : memref<32x32x32x768xf32, #tpu.memory_space<any>> -> memref<1x16x32x768xf32, #tpu.memory_space<any>>
    %dma_start3A_769 = tpu.memref_squeeze %dma_start3A_768 : memref<1x16x32x768xf32, #tpu.memory_space<any>> -> memref<16x32x768xf32, #tpu.memory_space<any>>
    %dma_start3A_770 = arith.constant 16 : i32
    %dma_start3A_771 = arith.constant 0 : i32
    %dma_start3A_772 = arith.constant 0 : i32
    %dma_start3A_773 = tpu.memref_slice %arg2[%dma_start3A_770, %dma_start3A_771, %dma_start3A_772] : memref<32x32x768xf32, #tpu.memory_space<vmem>> -> memref<16x32x768xf32, #tpu.memory_space<vmem>>
    tpu.enqueue_dma source(%dma_start3A_773 : memref<16x32x768xf32, #tpu.memory_space<vmem>>) target(%dma_start3A_769 : memref<16x32x768xf32, #tpu.memory_space<any>>) target_semaphore(%dma_start3A_764 : memref<!tpu.dma_semaphore, #tpu.memory_space<semaphore_mem>>)
    %dma_start3A_774 = arith.constant 25 : i32
    %dma_start3A_775 = arith.constant 51 : i32
    %dma_start3A_776 = tpu.memref_slice %arg3[%dma_start3A_775] : memref<64x!tpu.dma_semaphore, #tpu.memory_space<semaphore_mem>> -> memref<1x!tpu.dma_semaphore, #tpu.memory_space<semaphore_mem>>
    %dma_start3A_777 = tpu.memref_squeeze %dma_start3A_776 : memref<1x!tpu.dma_semaphore, #tpu.memory_space<semaphore_mem>> -> memref<!tpu.dma_semaphore, #tpu.memory_space<semaphore_mem>>
    %dma_start3A_778 = arith.constant 16 : i32
    %dma_start3A_779 = arith.constant 0 : i32
    %dma_start3A_780 = arith.constant 0 : i32
    %dma_start3A_781 = tpu.memref_slice %arg1[%dma_start3A_774, %dma_start3A_778, %dma_start3A_779, %dma_start3A_780] : memref<32x32x32x768xf32, #tpu.memory_space<any>> -> memref<1x16x32x768xf32, #tpu.memory_space<any>>
    %dma_start3A_782 = tpu.memref_squeeze %dma_start3A_781 : memref<1x16x32x768xf32, #tpu.memory_space<any>> -> memref<16x32x768xf32, #tpu.memory_space<any>>
    %dma_start3A_783 = arith.constant 16 : i32
    %dma_start3A_784 = arith.constant 0 : i32
    %dma_start3A_785 = arith.constant 0 : i32
    %dma_start3A_786 = tpu.memref_slice %arg2[%dma_start3A_783, %dma_start3A_784, %dma_start3A_785] : memref<32x32x768xf32, #tpu.memory_space<vmem>> -> memref<16x32x768xf32, #tpu.memory_space<vmem>>
    tpu.enqueue_dma source(%dma_start3A_786 : memref<16x32x768xf32, #tpu.memory_space<vmem>>) target(%dma_start3A_782 : memref<16x32x768xf32, #tpu.memory_space<any>>) target_semaphore(%dma_start3A_777 : memref<!tpu.dma_semaphore, #tpu.memory_space<semaphore_mem>>)
    %dma_start3A_787 = arith.constant 26 : i32
    %dma_start3A_788 = arith.constant 53 : i32
    %dma_start3A_789 = tpu.memref_slice %arg3[%dma_start3A_788] : memref<64x!tpu.dma_semaphore, #tpu.memory_space<semaphore_mem>> -> memref<1x!tpu.dma_semaphore, #tpu.memory_space<semaphore_mem>>
    %dma_start3A_790 = tpu.memref_squeeze %dma_start3A_789 : memref<1x!tpu.dma_semaphore, #tpu.memory_space<semaphore_mem>> -> memref<!tpu.dma_semaphore, #tpu.memory_space<semaphore_mem>>
    %dma_start3A_791 = arith.constant 16 : i32
    %dma_start3A_792 = arith.constant 0 : i32
    %dma_start3A_793 = arith.constant 0 : i32
    %dma_start3A_794 = tpu.memref_slice %arg1[%dma_start3A_787, %dma_start3A_791, %dma_start3A_792, %dma_start3A_793] : memref<32x32x32x768xf32, #tpu.memory_space<any>> -> memref<1x16x32x768xf32, #tpu.memory_space<any>>
    %dma_start3A_795 = tpu.memref_squeeze %dma_start3A_794 : memref<1x16x32x768xf32, #tpu.memory_space<any>> -> memref<16x32x768xf32, #tpu.memory_space<any>>
    %dma_start3A_796 = arith.constant 16 : i32
    %dma_start3A_797 = arith.constant 0 : i32
    %dma_start3A_798 = arith.constant 0 : i32
    %dma_start3A_799 = tpu.memref_slice %arg2[%dma_start3A_796, %dma_start3A_797, %dma_start3A_798] : memref<32x32x768xf32, #tpu.memory_space<vmem>> -> memref<16x32x768xf32, #tpu.memory_space<vmem>>
    tpu.enqueue_dma source(%dma_start3A_799 : memref<16x32x768xf32, #tpu.memory_space<vmem>>) target(%dma_start3A_795 : memref<16x32x768xf32, #tpu.memory_space<any>>) target_semaphore(%dma_start3A_790 : memref<!tpu.dma_semaphore, #tpu.memory_space<semaphore_mem>>)
    %dma_start3A_800 = arith.constant 27 : i32
    %dma_start3A_801 = arith.constant 55 : i32
    %dma_start3A_802 = tpu.memref_slice %arg3[%dma_start3A_801] : memref<64x!tpu.dma_semaphore, #tpu.memory_space<semaphore_mem>> -> memref<1x!tpu.dma_semaphore, #tpu.memory_space<semaphore_mem>>
    %dma_start3A_803 = tpu.memref_squeeze %dma_start3A_802 : memref<1x!tpu.dma_semaphore, #tpu.memory_space<semaphore_mem>> -> memref<!tpu.dma_semaphore, #tpu.memory_space<semaphore_mem>>
    %dma_start3A_804 = arith.constant 16 : i32
    %dma_start3A_805 = arith.constant 0 : i32
    %dma_start3A_806 = arith.constant 0 : i32
    %dma_start3A_807 = tpu.memref_slice %arg1[%dma_start3A_800, %dma_start3A_804, %dma_start3A_805, %dma_start3A_806] : memref<32x32x32x768xf32, #tpu.memory_space<any>> -> memref<1x16x32x768xf32, #tpu.memory_space<any>>
    %dma_start3A_808 = tpu.memref_squeeze %dma_start3A_807 : memref<1x16x32x768xf32, #tpu.memory_space<any>> -> memref<16x32x768xf32, #tpu.memory_space<any>>
    %dma_start3A_809 = arith.constant 16 : i32
    %dma_start3A_810 = arith.constant 0 : i32
    %dma_start3A_811 = arith.constant 0 : i32
    %dma_start3A_812 = tpu.memref_slice %arg2[%dma_start3A_809, %dma_start3A_810, %dma_start3A_811] : memref<32x32x768xf32, #tpu.memory_space<vmem>> -> memref<16x32x768xf32, #tpu.memory_space<vmem>>
    tpu.enqueue_dma source(%dma_start3A_812 : memref<16x32x768xf32, #tpu.memory_space<vmem>>) target(%dma_start3A_808 : memref<16x32x768xf32, #tpu.memory_space<any>>) target_semaphore(%dma_start3A_803 : memref<!tpu.dma_semaphore, #tpu.memory_space<semaphore_mem>>)
    %dma_start3A_813 = arith.constant 28 : i32
    %dma_start3A_814 = arith.constant 57 : i32
    %dma_start3A_815 = tpu.memref_slice %arg3[%dma_start3A_814] : memref<64x!tpu.dma_semaphore, #tpu.memory_space<semaphore_mem>> -> memref<1x!tpu.dma_semaphore, #tpu.memory_space<semaphore_mem>>
    %dma_start3A_816 = tpu.memref_squeeze %dma_start3A_815 : memref<1x!tpu.dma_semaphore, #tpu.memory_space<semaphore_mem>> -> memref<!tpu.dma_semaphore, #tpu.memory_space<semaphore_mem>>
    %dma_start3A_817 = arith.constant 16 : i32
    %dma_start3A_818 = arith.constant 0 : i32
    %dma_start3A_819 = arith.constant 0 : i32
    %dma_start3A_820 = tpu.memref_slice %arg1[%dma_start3A_813, %dma_start3A_817, %dma_start3A_818, %dma_start3A_819] : memref<32x32x32x768xf32, #tpu.memory_space<any>> -> memref<1x16x32x768xf32, #tpu.memory_space<any>>
    %dma_start3A_821 = tpu.memref_squeeze %dma_start3A_820 : memref<1x16x32x768xf32, #tpu.memory_space<any>> -> memref<16x32x768xf32, #tpu.memory_space<any>>
    %dma_start3A_822 = arith.constant 16 : i32
    %dma_start3A_823 = arith.constant 0 : i32
    %dma_start3A_824 = arith.constant 0 : i32
    %dma_start3A_825 = tpu.memref_slice %arg2[%dma_start3A_822, %dma_start3A_823, %dma_start3A_824] : memref<32x32x768xf32, #tpu.memory_space<vmem>> -> memref<16x32x768xf32, #tpu.memory_space<vmem>>
    tpu.enqueue_dma source(%dma_start3A_825 : memref<16x32x768xf32, #tpu.memory_space<vmem>>) target(%dma_start3A_821 : memref<16x32x768xf32, #tpu.memory_space<any>>) target_semaphore(%dma_start3A_816 : memref<!tpu.dma_semaphore, #tpu.memory_space<semaphore_mem>>)
    %dma_start3A_826 = arith.constant 29 : i32
    %dma_start3A_827 = arith.constant 59 : i32
    %dma_start3A_828 = tpu.memref_slice %arg3[%dma_start3A_827] : memref<64x!tpu.dma_semaphore, #tpu.memory_space<semaphore_mem>> -> memref<1x!tpu.dma_semaphore, #tpu.memory_space<semaphore_mem>>
    %dma_start3A_829 = tpu.memref_squeeze %dma_start3A_828 : memref<1x!tpu.dma_semaphore, #tpu.memory_space<semaphore_mem>> -> memref<!tpu.dma_semaphore, #tpu.memory_space<semaphore_mem>>
    %dma_start3A_830 = arith.constant 16 : i32
    %dma_start3A_831 = arith.constant 0 : i32
    %dma_start3A_832 = arith.constant 0 : i32
    %dma_start3A_833 = tpu.memref_slice %arg1[%dma_start3A_826, %dma_start3A_830, %dma_start3A_831, %dma_start3A_832] : memref<32x32x32x768xf32, #tpu.memory_space<any>> -> memref<1x16x32x768xf32, #tpu.memory_space<any>>
    %dma_start3A_834 = tpu.memref_squeeze %dma_start3A_833 : memref<1x16x32x768xf32, #tpu.memory_space<any>> -> memref<16x32x768xf32, #tpu.memory_space<any>>
    %dma_start3A_835 = arith.constant 16 : i32
    %dma_start3A_836 = arith.constant 0 : i32
    %dma_start3A_837 = arith.constant 0 : i32
    %dma_start3A_838 = tpu.memref_slice %arg2[%dma_start3A_835, %dma_start3A_836, %dma_start3A_837] : memref<32x32x768xf32, #tpu.memory_space<vmem>> -> memref<16x32x768xf32, #tpu.memory_space<vmem>>
    tpu.enqueue_dma source(%dma_start3A_838 : memref<16x32x768xf32, #tpu.memory_space<vmem>>) target(%dma_start3A_834 : memref<16x32x768xf32, #tpu.memory_space<any>>) target_semaphore(%dma_start3A_829 : memref<!tpu.dma_semaphore, #tpu.memory_space<semaphore_mem>>)
    %dma_start3A_839 = arith.constant 30 : i32
    %dma_start3A_840 = arith.constant 61 : i32
    %dma_start3A_841 = tpu.memref_slice %arg3[%dma_start3A_840] : memref<64x!tpu.dma_semaphore, #tpu.memory_space<semaphore_mem>> -> memref<1x!tpu.dma_semaphore, #tpu.memory_space<semaphore_mem>>
    %dma_start3A_842 = tpu.memref_squeeze %dma_start3A_841 : memref<1x!tpu.dma_semaphore, #tpu.memory_space<semaphore_mem>> -> memref<!tpu.dma_semaphore, #tpu.memory_space<semaphore_mem>>
    %dma_start3A_843 = arith.constant 16 : i32
    %dma_start3A_844 = arith.constant 0 : i32
    %dma_start3A_845 = arith.constant 0 : i32
    %dma_start3A_846 = tpu.memref_slice %arg1[%dma_start3A_839, %dma_start3A_843, %dma_start3A_844, %dma_start3A_845] : memref<32x32x32x768xf32, #tpu.memory_space<any>> -> memref<1x16x32x768xf32, #tpu.memory_space<any>>
    %dma_start3A_847 = tpu.memref_squeeze %dma_start3A_846 : memref<1x16x32x768xf32, #tpu.memory_space<any>> -> memref<16x32x768xf32, #tpu.memory_space<any>>
    %dma_start3A_848 = arith.constant 16 : i32
    %dma_start3A_849 = arith.constant 0 : i32
    %dma_start3A_850 = arith.constant 0 : i32
    %dma_start3A_851 = tpu.memref_slice %arg2[%dma_start3A_848, %dma_start3A_849, %dma_start3A_850] : memref<32x32x768xf32, #tpu.memory_space<vmem>> -> memref<16x32x768xf32, #tpu.memory_space<vmem>>
    tpu.enqueue_dma source(%dma_start3A_851 : memref<16x32x768xf32, #tpu.memory_space<vmem>>) target(%dma_start3A_847 : memref<16x32x768xf32, #tpu.memory_space<any>>) target_semaphore(%dma_start3A_842 : memref<!tpu.dma_semaphore, #tpu.memory_space<semaphore_mem>>)
    %dma_start3A_852 = arith.constant 31 : i32
    %dma_start3A_853 = arith.constant 63 : i32
    %dma_start3A_854 = tpu.memref_slice %arg3[%dma_start3A_853] : memref<64x!tpu.dma_semaphore, #tpu.memory_space<semaphore_mem>> -> memref<1x!tpu.dma_semaphore, #tpu.memory_space<semaphore_mem>>
    %dma_start3A_855 = tpu.memref_squeeze %dma_start3A_854 : memref<1x!tpu.dma_semaphore, #tpu.memory_space<semaphore_mem>> -> memref<!tpu.dma_semaphore, #tpu.memory_space<semaphore_mem>>
    %dma_start3A_856 = arith.constant 16 : i32
    %dma_start3A_857 = arith.constant 0 : i32
    %dma_start3A_858 = arith.constant 0 : i32
    %dma_start3A_859 = tpu.memref_slice %arg1[%dma_start3A_852, %dma_start3A_856, %dma_start3A_857, %dma_start3A_858] : memref<32x32x32x768xf32, #tpu.memory_space<any>> -> memref<1x16x32x768xf32, #tpu.memory_space<any>>
    %dma_start3A_860 = tpu.memref_squeeze %dma_start3A_859 : memref<1x16x32x768xf32, #tpu.memory_space<any>> -> memref<16x32x768xf32, #tpu.memory_space<any>>
    %dma_start3A_861 = arith.constant 16 : i32
    %dma_start3A_862 = arith.constant 0 : i32
    %dma_start3A_863 = arith.constant 0 : i32
    %dma_start3A_864 = tpu.memref_slice %arg2[%dma_start3A_861, %dma_start3A_862, %dma_start3A_863] : memref<32x32x768xf32, #tpu.memory_space<vmem>> -> memref<16x32x768xf32, #tpu.memory_space<vmem>>
    tpu.enqueue_dma source(%dma_start3A_864 : memref<16x32x768xf32, #tpu.memory_space<vmem>>) target(%dma_start3A_860 : memref<16x32x768xf32, #tpu.memory_space<any>>) target_semaphore(%dma_start3A_855 : memref<!tpu.dma_semaphore, #tpu.memory_space<semaphore_mem>>)
    %dma_wait3A = arith.constant 0 : i32
    %dma_wait3A_865 = arith.constant 0 : i32
    %dma_wait3A_866 = tpu.memref_slice %arg3[%dma_wait3A_865] : memref<64x!tpu.dma_semaphore, #tpu.memory_space<semaphore_mem>> -> memref<1x!tpu.dma_semaphore, #tpu.memory_space<semaphore_mem>>
    %dma_wait3A_867 = tpu.memref_squeeze %dma_wait3A_866 : memref<1x!tpu.dma_semaphore, #tpu.memory_space<semaphore_mem>> -> memref<!tpu.dma_semaphore, #tpu.memory_space<semaphore_mem>>
    %dma_wait3A_868 = arith.constant 0 : i32
    %dma_wait3A_869 = arith.constant 0 : i32
    %dma_wait3A_870 = arith.constant 0 : i32
    %dma_wait3A_871 = tpu.memref_slice %arg1[%dma_wait3A, %dma_wait3A_868, %dma_wait3A_869, %dma_wait3A_870] : memref<32x32x32x768xf32, #tpu.memory_space<any>> -> memref<1x16x32x768xf32, #tpu.memory_space<any>>
    %dma_wait3A_872 = tpu.memref_squeeze %dma_wait3A_871 : memref<1x16x32x768xf32, #tpu.memory_space<any>> -> memref<16x32x768xf32, #tpu.memory_space<any>>
    %dma_wait3A_873 = arith.constant 0 : i32
    %dma_wait3A_874 = arith.constant 0 : i32
    %dma_wait3A_875 = arith.constant 0 : i32
    %dma_wait3A_876 = tpu.memref_slice %arg2[%dma_wait3A_873, %dma_wait3A_874, %dma_wait3A_875] : memref<32x32x768xf32, #tpu.memory_space<vmem>> -> memref<16x32x768xf32, #tpu.memory_space<vmem>>
    tpu.wait_dma2 semaphore(%dma_wait3A_867 : memref<!tpu.dma_semaphore, #tpu.memory_space<semaphore_mem>>) src(%dma_wait3A_876 : memref<16x32x768xf32, #tpu.memory_space<vmem>>) dst(%dma_wait3A_872 : memref<16x32x768xf32, #tpu.memory_space<any>>)
    %dma_wait3A_877 = arith.constant 1 : i32
    %dma_wait3A_878 = arith.constant 2 : i32
    %dma_wait3A_879 = tpu.memref_slice %arg3[%dma_wait3A_878] : memref<64x!tpu.dma_semaphore, #tpu.memory_space<semaphore_mem>> -> memref<1x!tpu.dma_semaphore, #tpu.memory_space<semaphore_mem>>
    %dma_wait3A_880 = tpu.memref_squeeze %dma_wait3A_879 : memref<1x!tpu.dma_semaphore, #tpu.memory_space<semaphore_mem>> -> memref<!tpu.dma_semaphore, #tpu.memory_space<semaphore_mem>>
    %dma_wait3A_881 = arith.constant 0 : i32
    %dma_wait3A_882 = arith.constant 0 : i32
    %dma_wait3A_883 = arith.constant 0 : i32
    %dma_wait3A_884 = tpu.memref_slice %arg1[%dma_wait3A_877, %dma_wait3A_881, %dma_wait3A_882, %dma_wait3A_883] : memref<32x32x32x768xf32, #tpu.memory_space<any>> -> memref<1x16x32x768xf32, #tpu.memory_space<any>>
    %dma_wait3A_885 = tpu.memref_squeeze %dma_wait3A_884 : memref<1x16x32x768xf32, #tpu.memory_space<any>> -> memref<16x32x768xf32, #tpu.memory_space<any>>
    %dma_wait3A_886 = arith.constant 0 : i32
    %dma_wait3A_887 = arith.constant 0 : i32
    %dma_wait3A_888 = arith.constant 0 : i32
    %dma_wait3A_889 = tpu.memref_slice %arg2[%dma_wait3A_886, %dma_wait3A_887, %dma_wait3A_888] : memref<32x32x768xf32, #tpu.memory_space<vmem>> -> memref<16x32x768xf32, #tpu.memory_space<vmem>>
    tpu.wait_dma2 semaphore(%dma_wait3A_880 : memref<!tpu.dma_semaphore, #tpu.memory_space<semaphore_mem>>) src(%dma_wait3A_889 : memref<16x32x768xf32, #tpu.memory_space<vmem>>) dst(%dma_wait3A_885 : memref<16x32x768xf32, #tpu.memory_space<any>>)
    %dma_wait3A_890 = arith.constant 2 : i32
    %dma_wait3A_891 = arith.constant 4 : i32
    %dma_wait3A_892 = tpu.memref_slice %arg3[%dma_wait3A_891] : memref<64x!tpu.dma_semaphore, #tpu.memory_space<semaphore_mem>> -> memref<1x!tpu.dma_semaphore, #tpu.memory_space<semaphore_mem>>
    %dma_wait3A_893 = tpu.memref_squeeze %dma_wait3A_892 : memref<1x!tpu.dma_semaphore, #tpu.memory_space<semaphore_mem>> -> memref<!tpu.dma_semaphore, #tpu.memory_space<semaphore_mem>>
    %dma_wait3A_894 = arith.constant 0 : i32
    %dma_wait3A_895 = arith.constant 0 : i32
    %dma_wait3A_896 = arith.constant 0 : i32
    %dma_wait3A_897 = tpu.memref_slice %arg1[%dma_wait3A_890, %dma_wait3A_894, %dma_wait3A_895, %dma_wait3A_896] : memref<32x32x32x768xf32, #tpu.memory_space<any>> -> memref<1x16x32x768xf32, #tpu.memory_space<any>>
    %dma_wait3A_898 = tpu.memref_squeeze %dma_wait3A_897 : memref<1x16x32x768xf32, #tpu.memory_space<any>> -> memref<16x32x768xf32, #tpu.memory_space<any>>
    %dma_wait3A_899 = arith.constant 0 : i32
    %dma_wait3A_900 = arith.constant 0 : i32
    %dma_wait3A_901 = arith.constant 0 : i32
    %dma_wait3A_902 = tpu.memref_slice %arg2[%dma_wait3A_899, %dma_wait3A_900, %dma_wait3A_901] : memref<32x32x768xf32, #tpu.memory_space<vmem>> -> memref<16x32x768xf32, #tpu.memory_space<vmem>>
    tpu.wait_dma2 semaphore(%dma_wait3A_893 : memref<!tpu.dma_semaphore, #tpu.memory_space<semaphore_mem>>) src(%dma_wait3A_902 : memref<16x32x768xf32, #tpu.memory_space<vmem>>) dst(%dma_wait3A_898 : memref<16x32x768xf32, #tpu.memory_space<any>>)
    %dma_wait3A_903 = arith.constant 3 : i32
    %dma_wait3A_904 = arith.constant 6 : i32
    %dma_wait3A_905 = tpu.memref_slice %arg3[%dma_wait3A_904] : memref<64x!tpu.dma_semaphore, #tpu.memory_space<semaphore_mem>> -> memref<1x!tpu.dma_semaphore, #tpu.memory_space<semaphore_mem>>
    %dma_wait3A_906 = tpu.memref_squeeze %dma_wait3A_905 : memref<1x!tpu.dma_semaphore, #tpu.memory_space<semaphore_mem>> -> memref<!tpu.dma_semaphore, #tpu.memory_space<semaphore_mem>>
    %dma_wait3A_907 = arith.constant 0 : i32
    %dma_wait3A_908 = arith.constant 0 : i32
    %dma_wait3A_909 = arith.constant 0 : i32
    %dma_wait3A_910 = tpu.memref_slice %arg1[%dma_wait3A_903, %dma_wait3A_907, %dma_wait3A_908, %dma_wait3A_909] : memref<32x32x32x768xf32, #tpu.memory_space<any>> -> memref<1x16x32x768xf32, #tpu.memory_space<any>>
    %dma_wait3A_911 = tpu.memref_squeeze %dma_wait3A_910 : memref<1x16x32x768xf32, #tpu.memory_space<any>> -> memref<16x32x768xf32, #tpu.memory_space<any>>
    %dma_wait3A_912 = arith.constant 0 : i32
    %dma_wait3A_913 = arith.constant 0 : i32
    %dma_wait3A_914 = arith.constant 0 : i32
    %dma_wait3A_915 = tpu.memref_slice %arg2[%dma_wait3A_912, %dma_wait3A_913, %dma_wait3A_914] : memref<32x32x768xf32, #tpu.memory_space<vmem>> -> memref<16x32x768xf32, #tpu.memory_space<vmem>>
    tpu.wait_dma2 semaphore(%dma_wait3A_906 : memref<!tpu.dma_semaphore, #tpu.memory_space<semaphore_mem>>) src(%dma_wait3A_915 : memref<16x32x768xf32, #tpu.memory_space<vmem>>) dst(%dma_wait3A_911 : memref<16x32x768xf32, #tpu.memory_space<any>>)
    %dma_wait3A_916 = arith.constant 4 : i32
    %dma_wait3A_917 = arith.constant 8 : i32
    %dma_wait3A_918 = tpu.memref_slice %arg3[%dma_wait3A_917] : memref<64x!tpu.dma_semaphore, #tpu.memory_space<semaphore_mem>> -> memref<1x!tpu.dma_semaphore, #tpu.memory_space<semaphore_mem>>
    %dma_wait3A_919 = tpu.memref_squeeze %dma_wait3A_918 : memref<1x!tpu.dma_semaphore, #tpu.memory_space<semaphore_mem>> -> memref<!tpu.dma_semaphore, #tpu.memory_space<semaphore_mem>>
    %dma_wait3A_920 = arith.constant 0 : i32
    %dma_wait3A_921 = arith.constant 0 : i32
    %dma_wait3A_922 = arith.constant 0 : i32
    %dma_wait3A_923 = tpu.memref_slice %arg1[%dma_wait3A_916, %dma_wait3A_920, %dma_wait3A_921, %dma_wait3A_922] : memref<32x32x32x768xf32, #tpu.memory_space<any>> -> memref<1x16x32x768xf32, #tpu.memory_space<any>>
    %dma_wait3A_924 = tpu.memref_squeeze %dma_wait3A_923 : memref<1x16x32x768xf32, #tpu.memory_space<any>> -> memref<16x32x768xf32, #tpu.memory_space<any>>
    %dma_wait3A_925 = arith.constant 0 : i32
    %dma_wait3A_926 = arith.constant 0 : i32
    %dma_wait3A_927 = arith.constant 0 : i32
    %dma_wait3A_928 = tpu.memref_slice %arg2[%dma_wait3A_925, %dma_wait3A_926, %dma_wait3A_927] : memref<32x32x768xf32, #tpu.memory_space<vmem>> -> memref<16x32x768xf32, #tpu.memory_space<vmem>>
    tpu.wait_dma2 semaphore(%dma_wait3A_919 : memref<!tpu.dma_semaphore, #tpu.memory_space<semaphore_mem>>) src(%dma_wait3A_928 : memref<16x32x768xf32, #tpu.memory_space<vmem>>) dst(%dma_wait3A_924 : memref<16x32x768xf32, #tpu.memory_space<any>>)
    %dma_wait3A_929 = arith.constant 5 : i32
    %dma_wait3A_930 = arith.constant 10 : i32
    %dma_wait3A_931 = tpu.memref_slice %arg3[%dma_wait3A_930] : memref<64x!tpu.dma_semaphore, #tpu.memory_space<semaphore_mem>> -> memref<1x!tpu.dma_semaphore, #tpu.memory_space<semaphore_mem>>
    %dma_wait3A_932 = tpu.memref_squeeze %dma_wait3A_931 : memref<1x!tpu.dma_semaphore, #tpu.memory_space<semaphore_mem>> -> memref<!tpu.dma_semaphore, #tpu.memory_space<semaphore_mem>>
    %dma_wait3A_933 = arith.constant 0 : i32
    %dma_wait3A_934 = arith.constant 0 : i32
    %dma_wait3A_935 = arith.constant 0 : i32
    %dma_wait3A_936 = tpu.memref_slice %arg1[%dma_wait3A_929, %dma_wait3A_933, %dma_wait3A_934, %dma_wait3A_935] : memref<32x32x32x768xf32, #tpu.memory_space<any>> -> memref<1x16x32x768xf32, #tpu.memory_space<any>>
    %dma_wait3A_937 = tpu.memref_squeeze %dma_wait3A_936 : memref<1x16x32x768xf32, #tpu.memory_space<any>> -> memref<16x32x768xf32, #tpu.memory_space<any>>
    %dma_wait3A_938 = arith.constant 0 : i32
    %dma_wait3A_939 = arith.constant 0 : i32
    %dma_wait3A_940 = arith.constant 0 : i32
    %dma_wait3A_941 = tpu.memref_slice %arg2[%dma_wait3A_938, %dma_wait3A_939, %dma_wait3A_940] : memref<32x32x768xf32, #tpu.memory_space<vmem>> -> memref<16x32x768xf32, #tpu.memory_space<vmem>>
    tpu.wait_dma2 semaphore(%dma_wait3A_932 : memref<!tpu.dma_semaphore, #tpu.memory_space<semaphore_mem>>) src(%dma_wait3A_941 : memref<16x32x768xf32, #tpu.memory_space<vmem>>) dst(%dma_wait3A_937 : memref<16x32x768xf32, #tpu.memory_space<any>>)
    %dma_wait3A_942 = arith.constant 6 : i32
    %dma_wait3A_943 = arith.constant 12 : i32
    %dma_wait3A_944 = tpu.memref_slice %arg3[%dma_wait3A_943] : memref<64x!tpu.dma_semaphore, #tpu.memory_space<semaphore_mem>> -> memref<1x!tpu.dma_semaphore, #tpu.memory_space<semaphore_mem>>
    %dma_wait3A_945 = tpu.memref_squeeze %dma_wait3A_944 : memref<1x!tpu.dma_semaphore, #tpu.memory_space<semaphore_mem>> -> memref<!tpu.dma_semaphore, #tpu.memory_space<semaphore_mem>>
    %dma_wait3A_946 = arith.constant 0 : i32
    %dma_wait3A_947 = arith.constant 0 : i32
    %dma_wait3A_948 = arith.constant 0 : i32
    %dma_wait3A_949 = tpu.memref_slice %arg1[%dma_wait3A_942, %dma_wait3A_946, %dma_wait3A_947, %dma_wait3A_948] : memref<32x32x32x768xf32, #tpu.memory_space<any>> -> memref<1x16x32x768xf32, #tpu.memory_space<any>>
    %dma_wait3A_950 = tpu.memref_squeeze %dma_wait3A_949 : memref<1x16x32x768xf32, #tpu.memory_space<any>> -> memref<16x32x768xf32, #tpu.memory_space<any>>
    %dma_wait3A_951 = arith.constant 0 : i32
    %dma_wait3A_952 = arith.constant 0 : i32
    %dma_wait3A_953 = arith.constant 0 : i32
    %dma_wait3A_954 = tpu.memref_slice %arg2[%dma_wait3A_951, %dma_wait3A_952, %dma_wait3A_953] : memref<32x32x768xf32, #tpu.memory_space<vmem>> -> memref<16x32x768xf32, #tpu.memory_space<vmem>>
    tpu.wait_dma2 semaphore(%dma_wait3A_945 : memref<!tpu.dma_semaphore, #tpu.memory_space<semaphore_mem>>) src(%dma_wait3A_954 : memref<16x32x768xf32, #tpu.memory_space<vmem>>) dst(%dma_wait3A_950 : memref<16x32x768xf32, #tpu.memory_space<any>>)
    %dma_wait3A_955 = arith.constant 7 : i32
    %dma_wait3A_956 = arith.constant 14 : i32
    %dma_wait3A_957 = tpu.memref_slice %arg3[%dma_wait3A_956] : memref<64x!tpu.dma_semaphore, #tpu.memory_space<semaphore_mem>> -> memref<1x!tpu.dma_semaphore, #tpu.memory_space<semaphore_mem>>
    %dma_wait3A_958 = tpu.memref_squeeze %dma_wait3A_957 : memref<1x!tpu.dma_semaphore, #tpu.memory_space<semaphore_mem>> -> memref<!tpu.dma_semaphore, #tpu.memory_space<semaphore_mem>>
    %dma_wait3A_959 = arith.constant 0 : i32
    %dma_wait3A_960 = arith.constant 0 : i32
    %dma_wait3A_961 = arith.constant 0 : i32
    %dma_wait3A_962 = tpu.memref_slice %arg1[%dma_wait3A_955, %dma_wait3A_959, %dma_wait3A_960, %dma_wait3A_961] : memref<32x32x32x768xf32, #tpu.memory_space<any>> -> memref<1x16x32x768xf32, #tpu.memory_space<any>>
    %dma_wait3A_963 = tpu.memref_squeeze %dma_wait3A_962 : memref<1x16x32x768xf32, #tpu.memory_space<any>> -> memref<16x32x768xf32, #tpu.memory_space<any>>
    %dma_wait3A_964 = arith.constant 0 : i32
    %dma_wait3A_965 = arith.constant 0 : i32
    %dma_wait3A_966 = arith.constant 0 : i32
    %dma_wait3A_967 = tpu.memref_slice %arg2[%dma_wait3A_964, %dma_wait3A_965, %dma_wait3A_966] : memref<32x32x768xf32, #tpu.memory_space<vmem>> -> memref<16x32x768xf32, #tpu.memory_space<vmem>>
    tpu.wait_dma2 semaphore(%dma_wait3A_958 : memref<!tpu.dma_semaphore, #tpu.memory_space<semaphore_mem>>) src(%dma_wait3A_967 : memref<16x32x768xf32, #tpu.memory_space<vmem>>) dst(%dma_wait3A_963 : memref<16x32x768xf32, #tpu.memory_space<any>>)
    %dma_wait3A_968 = arith.constant 8 : i32
    %dma_wait3A_969 = arith.constant 16 : i32
    %dma_wait3A_970 = tpu.memref_slice %arg3[%dma_wait3A_969] : memref<64x!tpu.dma_semaphore, #tpu.memory_space<semaphore_mem>> -> memref<1x!tpu.dma_semaphore, #tpu.memory_space<semaphore_mem>>
    %dma_wait3A_971 = tpu.memref_squeeze %dma_wait3A_970 : memref<1x!tpu.dma_semaphore, #tpu.memory_space<semaphore_mem>> -> memref<!tpu.dma_semaphore, #tpu.memory_space<semaphore_mem>>
    %dma_wait3A_972 = arith.constant 0 : i32
    %dma_wait3A_973 = arith.constant 0 : i32
    %dma_wait3A_974 = arith.constant 0 : i32
    %dma_wait3A_975 = tpu.memref_slice %arg1[%dma_wait3A_968, %dma_wait3A_972, %dma_wait3A_973, %dma_wait3A_974] : memref<32x32x32x768xf32, #tpu.memory_space<any>> -> memref<1x16x32x768xf32, #tpu.memory_space<any>>
    %dma_wait3A_976 = tpu.memref_squeeze %dma_wait3A_975 : memref<1x16x32x768xf32, #tpu.memory_space<any>> -> memref<16x32x768xf32, #tpu.memory_space<any>>
    %dma_wait3A_977 = arith.constant 0 : i32
    %dma_wait3A_978 = arith.constant 0 : i32
    %dma_wait3A_979 = arith.constant 0 : i32
    %dma_wait3A_980 = tpu.memref_slice %arg2[%dma_wait3A_977, %dma_wait3A_978, %dma_wait3A_979] : memref<32x32x768xf32, #tpu.memory_space<vmem>> -> memref<16x32x768xf32, #tpu.memory_space<vmem>>
    tpu.wait_dma2 semaphore(%dma_wait3A_971 : memref<!tpu.dma_semaphore, #tpu.memory_space<semaphore_mem>>) src(%dma_wait3A_980 : memref<16x32x768xf32, #tpu.memory_space<vmem>>) dst(%dma_wait3A_976 : memref<16x32x768xf32, #tpu.memory_space<any>>)
    %dma_wait3A_981 = arith.constant 9 : i32
    %dma_wait3A_982 = arith.constant 18 : i32
    %dma_wait3A_983 = tpu.memref_slice %arg3[%dma_wait3A_982] : memref<64x!tpu.dma_semaphore, #tpu.memory_space<semaphore_mem>> -> memref<1x!tpu.dma_semaphore, #tpu.memory_space<semaphore_mem>>
    %dma_wait3A_984 = tpu.memref_squeeze %dma_wait3A_983 : memref<1x!tpu.dma_semaphore, #tpu.memory_space<semaphore_mem>> -> memref<!tpu.dma_semaphore, #tpu.memory_space<semaphore_mem>>
    %dma_wait3A_985 = arith.constant 0 : i32
    %dma_wait3A_986 = arith.constant 0 : i32
    %dma_wait3A_987 = arith.constant 0 : i32
    %dma_wait3A_988 = tpu.memref_slice %arg1[%dma_wait3A_981, %dma_wait3A_985, %dma_wait3A_986, %dma_wait3A_987] : memref<32x32x32x768xf32, #tpu.memory_space<any>> -> memref<1x16x32x768xf32, #tpu.memory_space<any>>
    %dma_wait3A_989 = tpu.memref_squeeze %dma_wait3A_988 : memref<1x16x32x768xf32, #tpu.memory_space<any>> -> memref<16x32x768xf32, #tpu.memory_space<any>>
    %dma_wait3A_990 = arith.constant 0 : i32
    %dma_wait3A_991 = arith.constant 0 : i32
    %dma_wait3A_992 = arith.constant 0 : i32
    %dma_wait3A_993 = tpu.memref_slice %arg2[%dma_wait3A_990, %dma_wait3A_991, %dma_wait3A_992] : memref<32x32x768xf32, #tpu.memory_space<vmem>> -> memref<16x32x768xf32, #tpu.memory_space<vmem>>
    tpu.wait_dma2 semaphore(%dma_wait3A_984 : memref<!tpu.dma_semaphore, #tpu.memory_space<semaphore_mem>>) src(%dma_wait3A_993 : memref<16x32x768xf32, #tpu.memory_space<vmem>>) dst(%dma_wait3A_989 : memref<16x32x768xf32, #tpu.memory_space<any>>)
    %dma_wait3A_994 = arith.constant 10 : i32
    %dma_wait3A_995 = arith.constant 20 : i32
    %dma_wait3A_996 = tpu.memref_slice %arg3[%dma_wait3A_995] : memref<64x!tpu.dma_semaphore, #tpu.memory_space<semaphore_mem>> -> memref<1x!tpu.dma_semaphore, #tpu.memory_space<semaphore_mem>>
    %dma_wait3A_997 = tpu.memref_squeeze %dma_wait3A_996 : memref<1x!tpu.dma_semaphore, #tpu.memory_space<semaphore_mem>> -> memref<!tpu.dma_semaphore, #tpu.memory_space<semaphore_mem>>
    %dma_wait3A_998 = arith.constant 0 : i32
    %dma_wait3A_999 = arith.constant 0 : i32
    %dma_wait3A_1000 = arith.constant 0 : i32
    %dma_wait3A_1001 = tpu.memref_slice %arg1[%dma_wait3A_994, %dma_wait3A_998, %dma_wait3A_999, %dma_wait3A_1000] : memref<32x32x32x768xf32, #tpu.memory_space<any>> -> memref<1x16x32x768xf32, #tpu.memory_space<any>>
    %dma_wait3A_1002 = tpu.memref_squeeze %dma_wait3A_1001 : memref<1x16x32x768xf32, #tpu.memory_space<any>> -> memref<16x32x768xf32, #tpu.memory_space<any>>
    %dma_wait3A_1003 = arith.constant 0 : i32
    %dma_wait3A_1004 = arith.constant 0 : i32
    %dma_wait3A_1005 = arith.constant 0 : i32
    %dma_wait3A_1006 = tpu.memref_slice %arg2[%dma_wait3A_1003, %dma_wait3A_1004, %dma_wait3A_1005] : memref<32x32x768xf32, #tpu.memory_space<vmem>> -> memref<16x32x768xf32, #tpu.memory_space<vmem>>
    tpu.wait_dma2 semaphore(%dma_wait3A_997 : memref<!tpu.dma_semaphore, #tpu.memory_space<semaphore_mem>>) src(%dma_wait3A_1006 : memref<16x32x768xf32, #tpu.memory_space<vmem>>) dst(%dma_wait3A_1002 : memref<16x32x768xf32, #tpu.memory_space<any>>)
    %dma_wait3A_1007 = arith.constant 11 : i32
    %dma_wait3A_1008 = arith.constant 22 : i32
    %dma_wait3A_1009 = tpu.memref_slice %arg3[%dma_wait3A_1008] : memref<64x!tpu.dma_semaphore, #tpu.memory_space<semaphore_mem>> -> memref<1x!tpu.dma_semaphore, #tpu.memory_space<semaphore_mem>>
    %dma_wait3A_1010 = tpu.memref_squeeze %dma_wait3A_1009 : memref<1x!tpu.dma_semaphore, #tpu.memory_space<semaphore_mem>> -> memref<!tpu.dma_semaphore, #tpu.memory_space<semaphore_mem>>
    %dma_wait3A_1011 = arith.constant 0 : i32
    %dma_wait3A_1012 = arith.constant 0 : i32
    %dma_wait3A_1013 = arith.constant 0 : i32
    %dma_wait3A_1014 = tpu.memref_slice %arg1[%dma_wait3A_1007, %dma_wait3A_1011, %dma_wait3A_1012, %dma_wait3A_1013] : memref<32x32x32x768xf32, #tpu.memory_space<any>> -> memref<1x16x32x768xf32, #tpu.memory_space<any>>
    %dma_wait3A_1015 = tpu.memref_squeeze %dma_wait3A_1014 : memref<1x16x32x768xf32, #tpu.memory_space<any>> -> memref<16x32x768xf32, #tpu.memory_space<any>>
    %dma_wait3A_1016 = arith.constant 0 : i32
    %dma_wait3A_1017 = arith.constant 0 : i32
    %dma_wait3A_1018 = arith.constant 0 : i32
    %dma_wait3A_1019 = tpu.memref_slice %arg2[%dma_wait3A_1016, %dma_wait3A_1017, %dma_wait3A_1018] : memref<32x32x768xf32, #tpu.memory_space<vmem>> -> memref<16x32x768xf32, #tpu.memory_space<vmem>>
    tpu.wait_dma2 semaphore(%dma_wait3A_1010 : memref<!tpu.dma_semaphore, #tpu.memory_space<semaphore_mem>>) src(%dma_wait3A_1019 : memref<16x32x768xf32, #tpu.memory_space<vmem>>) dst(%dma_wait3A_1015 : memref<16x32x768xf32, #tpu.memory_space<any>>)
    %dma_wait3A_1020 = arith.constant 12 : i32
    %dma_wait3A_1021 = arith.constant 24 : i32
    %dma_wait3A_1022 = tpu.memref_slice %arg3[%dma_wait3A_1021] : memref<64x!tpu.dma_semaphore, #tpu.memory_space<semaphore_mem>> -> memref<1x!tpu.dma_semaphore, #tpu.memory_space<semaphore_mem>>
    %dma_wait3A_1023 = tpu.memref_squeeze %dma_wait3A_1022 : memref<1x!tpu.dma_semaphore, #tpu.memory_space<semaphore_mem>> -> memref<!tpu.dma_semaphore, #tpu.memory_space<semaphore_mem>>
    %dma_wait3A_1024 = arith.constant 0 : i32
    %dma_wait3A_1025 = arith.constant 0 : i32
    %dma_wait3A_1026 = arith.constant 0 : i32
    %dma_wait3A_1027 = tpu.memref_slice %arg1[%dma_wait3A_1020, %dma_wait3A_1024, %dma_wait3A_1025, %dma_wait3A_1026] : memref<32x32x32x768xf32, #tpu.memory_space<any>> -> memref<1x16x32x768xf32, #tpu.memory_space<any>>
    %dma_wait3A_1028 = tpu.memref_squeeze %dma_wait3A_1027 : memref<1x16x32x768xf32, #tpu.memory_space<any>> -> memref<16x32x768xf32, #tpu.memory_space<any>>
    %dma_wait3A_1029 = arith.constant 0 : i32
    %dma_wait3A_1030 = arith.constant 0 : i32
    %dma_wait3A_1031 = arith.constant 0 : i32
    %dma_wait3A_1032 = tpu.memref_slice %arg2[%dma_wait3A_1029, %dma_wait3A_1030, %dma_wait3A_1031] : memref<32x32x768xf32, #tpu.memory_space<vmem>> -> memref<16x32x768xf32, #tpu.memory_space<vmem>>
    tpu.wait_dma2 semaphore(%dma_wait3A_1023 : memref<!tpu.dma_semaphore, #tpu.memory_space<semaphore_mem>>) src(%dma_wait3A_1032 : memref<16x32x768xf32, #tpu.memory_space<vmem>>) dst(%dma_wait3A_1028 : memref<16x32x768xf32, #tpu.memory_space<any>>)
    %dma_wait3A_1033 = arith.constant 13 : i32
    %dma_wait3A_1034 = arith.constant 26 : i32
    %dma_wait3A_1035 = tpu.memref_slice %arg3[%dma_wait3A_1034] : memref<64x!tpu.dma_semaphore, #tpu.memory_space<semaphore_mem>> -> memref<1x!tpu.dma_semaphore, #tpu.memory_space<semaphore_mem>>
    %dma_wait3A_1036 = tpu.memref_squeeze %dma_wait3A_1035 : memref<1x!tpu.dma_semaphore, #tpu.memory_space<semaphore_mem>> -> memref<!tpu.dma_semaphore, #tpu.memory_space<semaphore_mem>>
    %dma_wait3A_1037 = arith.constant 0 : i32
    %dma_wait3A_1038 = arith.constant 0 : i32
    %dma_wait3A_1039 = arith.constant 0 : i32
    %dma_wait3A_1040 = tpu.memref_slice %arg1[%dma_wait3A_1033, %dma_wait3A_1037, %dma_wait3A_1038, %dma_wait3A_1039] : memref<32x32x32x768xf32, #tpu.memory_space<any>> -> memref<1x16x32x768xf32, #tpu.memory_space<any>>
    %dma_wait3A_1041 = tpu.memref_squeeze %dma_wait3A_1040 : memref<1x16x32x768xf32, #tpu.memory_space<any>> -> memref<16x32x768xf32, #tpu.memory_space<any>>
    %dma_wait3A_1042 = arith.constant 0 : i32
    %dma_wait3A_1043 = arith.constant 0 : i32
    %dma_wait3A_1044 = arith.constant 0 : i32
    %dma_wait3A_1045 = tpu.memref_slice %arg2[%dma_wait3A_1042, %dma_wait3A_1043, %dma_wait3A_1044] : memref<32x32x768xf32, #tpu.memory_space<vmem>> -> memref<16x32x768xf32, #tpu.memory_space<vmem>>
    tpu.wait_dma2 semaphore(%dma_wait3A_1036 : memref<!tpu.dma_semaphore, #tpu.memory_space<semaphore_mem>>) src(%dma_wait3A_1045 : memref<16x32x768xf32, #tpu.memory_space<vmem>>) dst(%dma_wait3A_1041 : memref<16x32x768xf32, #tpu.memory_space<any>>)
    %dma_wait3A_1046 = arith.constant 14 : i32
    %dma_wait3A_1047 = arith.constant 28 : i32
    %dma_wait3A_1048 = tpu.memref_slice %arg3[%dma_wait3A_1047] : memref<64x!tpu.dma_semaphore, #tpu.memory_space<semaphore_mem>> -> memref<1x!tpu.dma_semaphore, #tpu.memory_space<semaphore_mem>>
    %dma_wait3A_1049 = tpu.memref_squeeze %dma_wait3A_1048 : memref<1x!tpu.dma_semaphore, #tpu.memory_space<semaphore_mem>> -> memref<!tpu.dma_semaphore, #tpu.memory_space<semaphore_mem>>
    %dma_wait3A_1050 = arith.constant 0 : i32
    %dma_wait3A_1051 = arith.constant 0 : i32
    %dma_wait3A_1052 = arith.constant 0 : i32
    %dma_wait3A_1053 = tpu.memref_slice %arg1[%dma_wait3A_1046, %dma_wait3A_1050, %dma_wait3A_1051, %dma_wait3A_1052] : memref<32x32x32x768xf32, #tpu.memory_space<any>> -> memref<1x16x32x768xf32, #tpu.memory_space<any>>
    %dma_wait3A_1054 = tpu.memref_squeeze %dma_wait3A_1053 : memref<1x16x32x768xf32, #tpu.memory_space<any>> -> memref<16x32x768xf32, #tpu.memory_space<any>>
    %dma_wait3A_1055 = arith.constant 0 : i32
    %dma_wait3A_1056 = arith.constant 0 : i32
    %dma_wait3A_1057 = arith.constant 0 : i32
    %dma_wait3A_1058 = tpu.memref_slice %arg2[%dma_wait3A_1055, %dma_wait3A_1056, %dma_wait3A_1057] : memref<32x32x768xf32, #tpu.memory_space<vmem>> -> memref<16x32x768xf32, #tpu.memory_space<vmem>>
    tpu.wait_dma2 semaphore(%dma_wait3A_1049 : memref<!tpu.dma_semaphore, #tpu.memory_space<semaphore_mem>>) src(%dma_wait3A_1058 : memref<16x32x768xf32, #tpu.memory_space<vmem>>) dst(%dma_wait3A_1054 : memref<16x32x768xf32, #tpu.memory_space<any>>)
    %dma_wait3A_1059 = arith.constant 15 : i32
    %dma_wait3A_1060 = arith.constant 30 : i32
    %dma_wait3A_1061 = tpu.memref_slice %arg3[%dma_wait3A_1060] : memref<64x!tpu.dma_semaphore, #tpu.memory_space<semaphore_mem>> -> memref<1x!tpu.dma_semaphore, #tpu.memory_space<semaphore_mem>>
    %dma_wait3A_1062 = tpu.memref_squeeze %dma_wait3A_1061 : memref<1x!tpu.dma_semaphore, #tpu.memory_space<semaphore_mem>> -> memref<!tpu.dma_semaphore, #tpu.memory_space<semaphore_mem>>
    %dma_wait3A_1063 = arith.constant 0 : i32
    %dma_wait3A_1064 = arith.constant 0 : i32
    %dma_wait3A_1065 = arith.constant 0 : i32
    %dma_wait3A_1066 = tpu.memref_slice %arg1[%dma_wait3A_1059, %dma_wait3A_1063, %dma_wait3A_1064, %dma_wait3A_1065] : memref<32x32x32x768xf32, #tpu.memory_space<any>> -> memref<1x16x32x768xf32, #tpu.memory_space<any>>
    %dma_wait3A_1067 = tpu.memref_squeeze %dma_wait3A_1066 : memref<1x16x32x768xf32, #tpu.memory_space<any>> -> memref<16x32x768xf32, #tpu.memory_space<any>>
    %dma_wait3A_1068 = arith.constant 0 : i32
    %dma_wait3A_1069 = arith.constant 0 : i32
    %dma_wait3A_1070 = arith.constant 0 : i32
    %dma_wait3A_1071 = tpu.memref_slice %arg2[%dma_wait3A_1068, %dma_wait3A_1069, %dma_wait3A_1070] : memref<32x32x768xf32, #tpu.memory_space<vmem>> -> memref<16x32x768xf32, #tpu.memory_space<vmem>>
    tpu.wait_dma2 semaphore(%dma_wait3A_1062 : memref<!tpu.dma_semaphore, #tpu.memory_space<semaphore_mem>>) src(%dma_wait3A_1071 : memref<16x32x768xf32, #tpu.memory_space<vmem>>) dst(%dma_wait3A_1067 : memref<16x32x768xf32, #tpu.memory_space<any>>)
    %dma_wait3A_1072 = arith.constant 16 : i32
    %dma_wait3A_1073 = arith.constant 32 : i32
    %dma_wait3A_1074 = tpu.memref_slice %arg3[%dma_wait3A_1073] : memref<64x!tpu.dma_semaphore, #tpu.memory_space<semaphore_mem>> -> memref<1x!tpu.dma_semaphore, #tpu.memory_space<semaphore_mem>>
    %dma_wait3A_1075 = tpu.memref_squeeze %dma_wait3A_1074 : memref<1x!tpu.dma_semaphore, #tpu.memory_space<semaphore_mem>> -> memref<!tpu.dma_semaphore, #tpu.memory_space<semaphore_mem>>
    %dma_wait3A_1076 = arith.constant 0 : i32
    %dma_wait3A_1077 = arith.constant 0 : i32
    %dma_wait3A_1078 = arith.constant 0 : i32
    %dma_wait3A_1079 = tpu.memref_slice %arg1[%dma_wait3A_1072, %dma_wait3A_1076, %dma_wait3A_1077, %dma_wait3A_1078] : memref<32x32x32x768xf32, #tpu.memory_space<any>> -> memref<1x16x32x768xf32, #tpu.memory_space<any>>
    %dma_wait3A_1080 = tpu.memref_squeeze %dma_wait3A_1079 : memref<1x16x32x768xf32, #tpu.memory_space<any>> -> memref<16x32x768xf32, #tpu.memory_space<any>>
    %dma_wait3A_1081 = arith.constant 0 : i32
    %dma_wait3A_1082 = arith.constant 0 : i32
    %dma_wait3A_1083 = arith.constant 0 : i32
    %dma_wait3A_1084 = tpu.memref_slice %arg2[%dma_wait3A_1081, %dma_wait3A_1082, %dma_wait3A_1083] : memref<32x32x768xf32, #tpu.memory_space<vmem>> -> memref<16x32x768xf32, #tpu.memory_space<vmem>>
    tpu.wait_dma2 semaphore(%dma_wait3A_1075 : memref<!tpu.dma_semaphore, #tpu.memory_space<semaphore_mem>>) src(%dma_wait3A_1084 : memref<16x32x768xf32, #tpu.memory_space<vmem>>) dst(%dma_wait3A_1080 : memref<16x32x768xf32, #tpu.memory_space<any>>)
    %dma_wait3A_1085 = arith.constant 17 : i32
    %dma_wait3A_1086 = arith.constant 34 : i32
    %dma_wait3A_1087 = tpu.memref_slice %arg3[%dma_wait3A_1086] : memref<64x!tpu.dma_semaphore, #tpu.memory_space<semaphore_mem>> -> memref<1x!tpu.dma_semaphore, #tpu.memory_space<semaphore_mem>>
    %dma_wait3A_1088 = tpu.memref_squeeze %dma_wait3A_1087 : memref<1x!tpu.dma_semaphore, #tpu.memory_space<semaphore_mem>> -> memref<!tpu.dma_semaphore, #tpu.memory_space<semaphore_mem>>
    %dma_wait3A_1089 = arith.constant 0 : i32
    %dma_wait3A_1090 = arith.constant 0 : i32
    %dma_wait3A_1091 = arith.constant 0 : i32
    %dma_wait3A_1092 = tpu.memref_slice %arg1[%dma_wait3A_1085, %dma_wait3A_1089, %dma_wait3A_1090, %dma_wait3A_1091] : memref<32x32x32x768xf32, #tpu.memory_space<any>> -> memref<1x16x32x768xf32, #tpu.memory_space<any>>
    %dma_wait3A_1093 = tpu.memref_squeeze %dma_wait3A_1092 : memref<1x16x32x768xf32, #tpu.memory_space<any>> -> memref<16x32x768xf32, #tpu.memory_space<any>>
    %dma_wait3A_1094 = arith.constant 0 : i32
    %dma_wait3A_1095 = arith.constant 0 : i32
    %dma_wait3A_1096 = arith.constant 0 : i32
    %dma_wait3A_1097 = tpu.memref_slice %arg2[%dma_wait3A_1094, %dma_wait3A_1095, %dma_wait3A_1096] : memref<32x32x768xf32, #tpu.memory_space<vmem>> -> memref<16x32x768xf32, #tpu.memory_space<vmem>>
    tpu.wait_dma2 semaphore(%dma_wait3A_1088 : memref<!tpu.dma_semaphore, #tpu.memory_space<semaphore_mem>>) src(%dma_wait3A_1097 : memref<16x32x768xf32, #tpu.memory_space<vmem>>) dst(%dma_wait3A_1093 : memref<16x32x768xf32, #tpu.memory_space<any>>)
    %dma_wait3A_1098 = arith.constant 18 : i32
    %dma_wait3A_1099 = arith.constant 36 : i32
    %dma_wait3A_1100 = tpu.memref_slice %arg3[%dma_wait3A_1099] : memref<64x!tpu.dma_semaphore, #tpu.memory_space<semaphore_mem>> -> memref<1x!tpu.dma_semaphore, #tpu.memory_space<semaphore_mem>>
    %dma_wait3A_1101 = tpu.memref_squeeze %dma_wait3A_1100 : memref<1x!tpu.dma_semaphore, #tpu.memory_space<semaphore_mem>> -> memref<!tpu.dma_semaphore, #tpu.memory_space<semaphore_mem>>
    %dma_wait3A_1102 = arith.constant 0 : i32
    %dma_wait3A_1103 = arith.constant 0 : i32
    %dma_wait3A_1104 = arith.constant 0 : i32
    %dma_wait3A_1105 = tpu.memref_slice %arg1[%dma_wait3A_1098, %dma_wait3A_1102, %dma_wait3A_1103, %dma_wait3A_1104] : memref<32x32x32x768xf32, #tpu.memory_space<any>> -> memref<1x16x32x768xf32, #tpu.memory_space<any>>
    %dma_wait3A_1106 = tpu.memref_squeeze %dma_wait3A_1105 : memref<1x16x32x768xf32, #tpu.memory_space<any>> -> memref<16x32x768xf32, #tpu.memory_space<any>>
    %dma_wait3A_1107 = arith.constant 0 : i32
    %dma_wait3A_1108 = arith.constant 0 : i32
    %dma_wait3A_1109 = arith.constant 0 : i32
    %dma_wait3A_1110 = tpu.memref_slice %arg2[%dma_wait3A_1107, %dma_wait3A_1108, %dma_wait3A_1109] : memref<32x32x768xf32, #tpu.memory_space<vmem>> -> memref<16x32x768xf32, #tpu.memory_space<vmem>>
    tpu.wait_dma2 semaphore(%dma_wait3A_1101 : memref<!tpu.dma_semaphore, #tpu.memory_space<semaphore_mem>>) src(%dma_wait3A_1110 : memref<16x32x768xf32, #tpu.memory_space<vmem>>) dst(%dma_wait3A_1106 : memref<16x32x768xf32, #tpu.memory_space<any>>)
    %dma_wait3A_1111 = arith.constant 19 : i32
    %dma_wait3A_1112 = arith.constant 38 : i32
    %dma_wait3A_1113 = tpu.memref_slice %arg3[%dma_wait3A_1112] : memref<64x!tpu.dma_semaphore, #tpu.memory_space<semaphore_mem>> -> memref<1x!tpu.dma_semaphore, #tpu.memory_space<semaphore_mem>>
    %dma_wait3A_1114 = tpu.memref_squeeze %dma_wait3A_1113 : memref<1x!tpu.dma_semaphore, #tpu.memory_space<semaphore_mem>> -> memref<!tpu.dma_semaphore, #tpu.memory_space<semaphore_mem>>
    %dma_wait3A_1115 = arith.constant 0 : i32
    %dma_wait3A_1116 = arith.constant 0 : i32
    %dma_wait3A_1117 = arith.constant 0 : i32
    %dma_wait3A_1118 = tpu.memref_slice %arg1[%dma_wait3A_1111, %dma_wait3A_1115, %dma_wait3A_1116, %dma_wait3A_1117] : memref<32x32x32x768xf32, #tpu.memory_space<any>> -> memref<1x16x32x768xf32, #tpu.memory_space<any>>
    %dma_wait3A_1119 = tpu.memref_squeeze %dma_wait3A_1118 : memref<1x16x32x768xf32, #tpu.memory_space<any>> -> memref<16x32x768xf32, #tpu.memory_space<any>>
    %dma_wait3A_1120 = arith.constant 0 : i32
    %dma_wait3A_1121 = arith.constant 0 : i32
    %dma_wait3A_1122 = arith.constant 0 : i32
    %dma_wait3A_1123 = tpu.memref_slice %arg2[%dma_wait3A_1120, %dma_wait3A_1121, %dma_wait3A_1122] : memref<32x32x768xf32, #tpu.memory_space<vmem>> -> memref<16x32x768xf32, #tpu.memory_space<vmem>>
    tpu.wait_dma2 semaphore(%dma_wait3A_1114 : memref<!tpu.dma_semaphore, #tpu.memory_space<semaphore_mem>>) src(%dma_wait3A_1123 : memref<16x32x768xf32, #tpu.memory_space<vmem>>) dst(%dma_wait3A_1119 : memref<16x32x768xf32, #tpu.memory_space<any>>)
    %dma_wait3A_1124 = arith.constant 20 : i32
    %dma_wait3A_1125 = arith.constant 40 : i32
    %dma_wait3A_1126 = tpu.memref_slice %arg3[%dma_wait3A_1125] : memref<64x!tpu.dma_semaphore, #tpu.memory_space<semaphore_mem>> -> memref<1x!tpu.dma_semaphore, #tpu.memory_space<semaphore_mem>>
    %dma_wait3A_1127 = tpu.memref_squeeze %dma_wait3A_1126 : memref<1x!tpu.dma_semaphore, #tpu.memory_space<semaphore_mem>> -> memref<!tpu.dma_semaphore, #tpu.memory_space<semaphore_mem>>
    %dma_wait3A_1128 = arith.constant 0 : i32
    %dma_wait3A_1129 = arith.constant 0 : i32
    %dma_wait3A_1130 = arith.constant 0 : i32
    %dma_wait3A_1131 = tpu.memref_slice %arg1[%dma_wait3A_1124, %dma_wait3A_1128, %dma_wait3A_1129, %dma_wait3A_1130] : memref<32x32x32x768xf32, #tpu.memory_space<any>> -> memref<1x16x32x768xf32, #tpu.memory_space<any>>
    %dma_wait3A_1132 = tpu.memref_squeeze %dma_wait3A_1131 : memref<1x16x32x768xf32, #tpu.memory_space<any>> -> memref<16x32x768xf32, #tpu.memory_space<any>>
    %dma_wait3A_1133 = arith.constant 0 : i32
    %dma_wait3A_1134 = arith.constant 0 : i32
    %dma_wait3A_1135 = arith.constant 0 : i32
    %dma_wait3A_1136 = tpu.memref_slice %arg2[%dma_wait3A_1133, %dma_wait3A_1134, %dma_wait3A_1135] : memref<32x32x768xf32, #tpu.memory_space<vmem>> -> memref<16x32x768xf32, #tpu.memory_space<vmem>>
    tpu.wait_dma2 semaphore(%dma_wait3A_1127 : memref<!tpu.dma_semaphore, #tpu.memory_space<semaphore_mem>>) src(%dma_wait3A_1136 : memref<16x32x768xf32, #tpu.memory_space<vmem>>) dst(%dma_wait3A_1132 : memref<16x32x768xf32, #tpu.memory_space<any>>)
    %dma_wait3A_1137 = arith.constant 21 : i32
    %dma_wait3A_1138 = arith.constant 42 : i32
    %dma_wait3A_1139 = tpu.memref_slice %arg3[%dma_wait3A_1138] : memref<64x!tpu.dma_semaphore, #tpu.memory_space<semaphore_mem>> -> memref<1x!tpu.dma_semaphore, #tpu.memory_space<semaphore_mem>>
    %dma_wait3A_1140 = tpu.memref_squeeze %dma_wait3A_1139 : memref<1x!tpu.dma_semaphore, #tpu.memory_space<semaphore_mem>> -> memref<!tpu.dma_semaphore, #tpu.memory_space<semaphore_mem>>
    %dma_wait3A_1141 = arith.constant 0 : i32
    %dma_wait3A_1142 = arith.constant 0 : i32
    %dma_wait3A_1143 = arith.constant 0 : i32
    %dma_wait3A_1144 = tpu.memref_slice %arg1[%dma_wait3A_1137, %dma_wait3A_1141, %dma_wait3A_1142, %dma_wait3A_1143] : memref<32x32x32x768xf32, #tpu.memory_space<any>> -> memref<1x16x32x768xf32, #tpu.memory_space<any>>
    %dma_wait3A_1145 = tpu.memref_squeeze %dma_wait3A_1144 : memref<1x16x32x768xf32, #tpu.memory_space<any>> -> memref<16x32x768xf32, #tpu.memory_space<any>>
    %dma_wait3A_1146 = arith.constant 0 : i32
    %dma_wait3A_1147 = arith.constant 0 : i32
    %dma_wait3A_1148 = arith.constant 0 : i32
    %dma_wait3A_1149 = tpu.memref_slice %arg2[%dma_wait3A_1146, %dma_wait3A_1147, %dma_wait3A_1148] : memref<32x32x768xf32, #tpu.memory_space<vmem>> -> memref<16x32x768xf32, #tpu.memory_space<vmem>>
    tpu.wait_dma2 semaphore(%dma_wait3A_1140 : memref<!tpu.dma_semaphore, #tpu.memory_space<semaphore_mem>>) src(%dma_wait3A_1149 : memref<16x32x768xf32, #tpu.memory_space<vmem>>) dst(%dma_wait3A_1145 : memref<16x32x768xf32, #tpu.memory_space<any>>)
    %dma_wait3A_1150 = arith.constant 22 : i32
    %dma_wait3A_1151 = arith.constant 44 : i32
    %dma_wait3A_1152 = tpu.memref_slice %arg3[%dma_wait3A_1151] : memref<64x!tpu.dma_semaphore, #tpu.memory_space<semaphore_mem>> -> memref<1x!tpu.dma_semaphore, #tpu.memory_space<semaphore_mem>>
    %dma_wait3A_1153 = tpu.memref_squeeze %dma_wait3A_1152 : memref<1x!tpu.dma_semaphore, #tpu.memory_space<semaphore_mem>> -> memref<!tpu.dma_semaphore, #tpu.memory_space<semaphore_mem>>
    %dma_wait3A_1154 = arith.constant 0 : i32
    %dma_wait3A_1155 = arith.constant 0 : i32
    %dma_wait3A_1156 = arith.constant 0 : i32
    %dma_wait3A_1157 = tpu.memref_slice %arg1[%dma_wait3A_1150, %dma_wait3A_1154, %dma_wait3A_1155, %dma_wait3A_1156] : memref<32x32x32x768xf32, #tpu.memory_space<any>> -> memref<1x16x32x768xf32, #tpu.memory_space<any>>
    %dma_wait3A_1158 = tpu.memref_squeeze %dma_wait3A_1157 : memref<1x16x32x768xf32, #tpu.memory_space<any>> -> memref<16x32x768xf32, #tpu.memory_space<any>>
    %dma_wait3A_1159 = arith.constant 0 : i32
    %dma_wait3A_1160 = arith.constant 0 : i32
    %dma_wait3A_1161 = arith.constant 0 : i32
    %dma_wait3A_1162 = tpu.memref_slice %arg2[%dma_wait3A_1159, %dma_wait3A_1160, %dma_wait3A_1161] : memref<32x32x768xf32, #tpu.memory_space<vmem>> -> memref<16x32x768xf32, #tpu.memory_space<vmem>>
    tpu.wait_dma2 semaphore(%dma_wait3A_1153 : memref<!tpu.dma_semaphore, #tpu.memory_space<semaphore_mem>>) src(%dma_wait3A_1162 : memref<16x32x768xf32, #tpu.memory_space<vmem>>) dst(%dma_wait3A_1158 : memref<16x32x768xf32, #tpu.memory_space<any>>)
    %dma_wait3A_1163 = arith.constant 23 : i32
    %dma_wait3A_1164 = arith.constant 46 : i32
    %dma_wait3A_1165 = tpu.memref_slice %arg3[%dma_wait3A_1164] : memref<64x!tpu.dma_semaphore, #tpu.memory_space<semaphore_mem>> -> memref<1x!tpu.dma_semaphore, #tpu.memory_space<semaphore_mem>>
    %dma_wait3A_1166 = tpu.memref_squeeze %dma_wait3A_1165 : memref<1x!tpu.dma_semaphore, #tpu.memory_space<semaphore_mem>> -> memref<!tpu.dma_semaphore, #tpu.memory_space<semaphore_mem>>
    %dma_wait3A_1167 = arith.constant 0 : i32
    %dma_wait3A_1168 = arith.constant 0 : i32
    %dma_wait3A_1169 = arith.constant 0 : i32
    %dma_wait3A_1170 = tpu.memref_slice %arg1[%dma_wait3A_1163, %dma_wait3A_1167, %dma_wait3A_1168, %dma_wait3A_1169] : memref<32x32x32x768xf32, #tpu.memory_space<any>> -> memref<1x16x32x768xf32, #tpu.memory_space<any>>
    %dma_wait3A_1171 = tpu.memref_squeeze %dma_wait3A_1170 : memref<1x16x32x768xf32, #tpu.memory_space<any>> -> memref<16x32x768xf32, #tpu.memory_space<any>>
    %dma_wait3A_1172 = arith.constant 0 : i32
    %dma_wait3A_1173 = arith.constant 0 : i32
    %dma_wait3A_1174 = arith.constant 0 : i32
    %dma_wait3A_1175 = tpu.memref_slice %arg2[%dma_wait3A_1172, %dma_wait3A_1173, %dma_wait3A_1174] : memref<32x32x768xf32, #tpu.memory_space<vmem>> -> memref<16x32x768xf32, #tpu.memory_space<vmem>>
    tpu.wait_dma2 semaphore(%dma_wait3A_1166 : memref<!tpu.dma_semaphore, #tpu.memory_space<semaphore_mem>>) src(%dma_wait3A_1175 : memref<16x32x768xf32, #tpu.memory_space<vmem>>) dst(%dma_wait3A_1171 : memref<16x32x768xf32, #tpu.memory_space<any>>)
    %dma_wait3A_1176 = arith.constant 24 : i32
    %dma_wait3A_1177 = arith.constant 48 : i32
    %dma_wait3A_1178 = tpu.memref_slice %arg3[%dma_wait3A_1177] : memref<64x!tpu.dma_semaphore, #tpu.memory_space<semaphore_mem>> -> memref<1x!tpu.dma_semaphore, #tpu.memory_space<semaphore_mem>>
    %dma_wait3A_1179 = tpu.memref_squeeze %dma_wait3A_1178 : memref<1x!tpu.dma_semaphore, #tpu.memory_space<semaphore_mem>> -> memref<!tpu.dma_semaphore, #tpu.memory_space<semaphore_mem>>
    %dma_wait3A_1180 = arith.constant 0 : i32
    %dma_wait3A_1181 = arith.constant 0 : i32
    %dma_wait3A_1182 = arith.constant 0 : i32
    %dma_wait3A_1183 = tpu.memref_slice %arg1[%dma_wait3A_1176, %dma_wait3A_1180, %dma_wait3A_1181, %dma_wait3A_1182] : memref<32x32x32x768xf32, #tpu.memory_space<any>> -> memref<1x16x32x768xf32, #tpu.memory_space<any>>
    %dma_wait3A_1184 = tpu.memref_squeeze %dma_wait3A_1183 : memref<1x16x32x768xf32, #tpu.memory_space<any>> -> memref<16x32x768xf32, #tpu.memory_space<any>>
    %dma_wait3A_1185 = arith.constant 0 : i32
    %dma_wait3A_1186 = arith.constant 0 : i32
    %dma_wait3A_1187 = arith.constant 0 : i32
    %dma_wait3A_1188 = tpu.memref_slice %arg2[%dma_wait3A_1185, %dma_wait3A_1186, %dma_wait3A_1187] : memref<32x32x768xf32, #tpu.memory_space<vmem>> -> memref<16x32x768xf32, #tpu.memory_space<vmem>>
    tpu.wait_dma2 semaphore(%dma_wait3A_1179 : memref<!tpu.dma_semaphore, #tpu.memory_space<semaphore_mem>>) src(%dma_wait3A_1188 : memref<16x32x768xf32, #tpu.memory_space<vmem>>) dst(%dma_wait3A_1184 : memref<16x32x768xf32, #tpu.memory_space<any>>)
    %dma_wait3A_1189 = arith.constant 25 : i32
    %dma_wait3A_1190 = arith.constant 50 : i32
    %dma_wait3A_1191 = tpu.memref_slice %arg3[%dma_wait3A_1190] : memref<64x!tpu.dma_semaphore, #tpu.memory_space<semaphore_mem>> -> memref<1x!tpu.dma_semaphore, #tpu.memory_space<semaphore_mem>>
    %dma_wait3A_1192 = tpu.memref_squeeze %dma_wait3A_1191 : memref<1x!tpu.dma_semaphore, #tpu.memory_space<semaphore_mem>> -> memref<!tpu.dma_semaphore, #tpu.memory_space<semaphore_mem>>
    %dma_wait3A_1193 = arith.constant 0 : i32
    %dma_wait3A_1194 = arith.constant 0 : i32
    %dma_wait3A_1195 = arith.constant 0 : i32
    %dma_wait3A_1196 = tpu.memref_slice %arg1[%dma_wait3A_1189, %dma_wait3A_1193, %dma_wait3A_1194, %dma_wait3A_1195] : memref<32x32x32x768xf32, #tpu.memory_space<any>> -> memref<1x16x32x768xf32, #tpu.memory_space<any>>
    %dma_wait3A_1197 = tpu.memref_squeeze %dma_wait3A_1196 : memref<1x16x32x768xf32, #tpu.memory_space<any>> -> memref<16x32x768xf32, #tpu.memory_space<any>>
    %dma_wait3A_1198 = arith.constant 0 : i32
    %dma_wait3A_1199 = arith.constant 0 : i32
    %dma_wait3A_1200 = arith.constant 0 : i32
    %dma_wait3A_1201 = tpu.memref_slice %arg2[%dma_wait3A_1198, %dma_wait3A_1199, %dma_wait3A_1200] : memref<32x32x768xf32, #tpu.memory_space<vmem>> -> memref<16x32x768xf32, #tpu.memory_space<vmem>>
    tpu.wait_dma2 semaphore(%dma_wait3A_1192 : memref<!tpu.dma_semaphore, #tpu.memory_space<semaphore_mem>>) src(%dma_wait3A_1201 : memref<16x32x768xf32, #tpu.memory_space<vmem>>) dst(%dma_wait3A_1197 : memref<16x32x768xf32, #tpu.memory_space<any>>)
    %dma_wait3A_1202 = arith.constant 26 : i32
    %dma_wait3A_1203 = arith.constant 52 : i32
    %dma_wait3A_1204 = tpu.memref_slice %arg3[%dma_wait3A_1203] : memref<64x!tpu.dma_semaphore, #tpu.memory_space<semaphore_mem>> -> memref<1x!tpu.dma_semaphore, #tpu.memory_space<semaphore_mem>>
    %dma_wait3A_1205 = tpu.memref_squeeze %dma_wait3A_1204 : memref<1x!tpu.dma_semaphore, #tpu.memory_space<semaphore_mem>> -> memref<!tpu.dma_semaphore, #tpu.memory_space<semaphore_mem>>
    %dma_wait3A_1206 = arith.constant 0 : i32
    %dma_wait3A_1207 = arith.constant 0 : i32
    %dma_wait3A_1208 = arith.constant 0 : i32
    %dma_wait3A_1209 = tpu.memref_slice %arg1[%dma_wait3A_1202, %dma_wait3A_1206, %dma_wait3A_1207, %dma_wait3A_1208] : memref<32x32x32x768xf32, #tpu.memory_space<any>> -> memref<1x16x32x768xf32, #tpu.memory_space<any>>
    %dma_wait3A_1210 = tpu.memref_squeeze %dma_wait3A_1209 : memref<1x16x32x768xf32, #tpu.memory_space<any>> -> memref<16x32x768xf32, #tpu.memory_space<any>>
    %dma_wait3A_1211 = arith.constant 0 : i32
    %dma_wait3A_1212 = arith.constant 0 : i32
    %dma_wait3A_1213 = arith.constant 0 : i32
    %dma_wait3A_1214 = tpu.memref_slice %arg2[%dma_wait3A_1211, %dma_wait3A_1212, %dma_wait3A_1213] : memref<32x32x768xf32, #tpu.memory_space<vmem>> -> memref<16x32x768xf32, #tpu.memory_space<vmem>>
    tpu.wait_dma2 semaphore(%dma_wait3A_1205 : memref<!tpu.dma_semaphore, #tpu.memory_space<semaphore_mem>>) src(%dma_wait3A_1214 : memref<16x32x768xf32, #tpu.memory_space<vmem>>) dst(%dma_wait3A_1210 : memref<16x32x768xf32, #tpu.memory_space<any>>)
    %dma_wait3A_1215 = arith.constant 27 : i32
    %dma_wait3A_1216 = arith.constant 54 : i32
    %dma_wait3A_1217 = tpu.memref_slice %arg3[%dma_wait3A_1216] : memref<64x!tpu.dma_semaphore, #tpu.memory_space<semaphore_mem>> -> memref<1x!tpu.dma_semaphore, #tpu.memory_space<semaphore_mem>>
    %dma_wait3A_1218 = tpu.memref_squeeze %dma_wait3A_1217 : memref<1x!tpu.dma_semaphore, #tpu.memory_space<semaphore_mem>> -> memref<!tpu.dma_semaphore, #tpu.memory_space<semaphore_mem>>
    %dma_wait3A_1219 = arith.constant 0 : i32
    %dma_wait3A_1220 = arith.constant 0 : i32
    %dma_wait3A_1221 = arith.constant 0 : i32
    %dma_wait3A_1222 = tpu.memref_slice %arg1[%dma_wait3A_1215, %dma_wait3A_1219, %dma_wait3A_1220, %dma_wait3A_1221] : memref<32x32x32x768xf32, #tpu.memory_space<any>> -> memref<1x16x32x768xf32, #tpu.memory_space<any>>
    %dma_wait3A_1223 = tpu.memref_squeeze %dma_wait3A_1222 : memref<1x16x32x768xf32, #tpu.memory_space<any>> -> memref<16x32x768xf32, #tpu.memory_space<any>>
    %dma_wait3A_1224 = arith.constant 0 : i32
    %dma_wait3A_1225 = arith.constant 0 : i32
    %dma_wait3A_1226 = arith.constant 0 : i32
    %dma_wait3A_1227 = tpu.memref_slice %arg2[%dma_wait3A_1224, %dma_wait3A_1225, %dma_wait3A_1226] : memref<32x32x768xf32, #tpu.memory_space<vmem>> -> memref<16x32x768xf32, #tpu.memory_space<vmem>>
    tpu.wait_dma2 semaphore(%dma_wait3A_1218 : memref<!tpu.dma_semaphore, #tpu.memory_space<semaphore_mem>>) src(%dma_wait3A_1227 : memref<16x32x768xf32, #tpu.memory_space<vmem>>) dst(%dma_wait3A_1223 : memref<16x32x768xf32, #tpu.memory_space<any>>)
    %dma_wait3A_1228 = arith.constant 28 : i32
    %dma_wait3A_1229 = arith.constant 56 : i32
    %dma_wait3A_1230 = tpu.memref_slice %arg3[%dma_wait3A_1229] : memref<64x!tpu.dma_semaphore, #tpu.memory_space<semaphore_mem>> -> memref<1x!tpu.dma_semaphore, #tpu.memory_space<semaphore_mem>>
    %dma_wait3A_1231 = tpu.memref_squeeze %dma_wait3A_1230 : memref<1x!tpu.dma_semaphore, #tpu.memory_space<semaphore_mem>> -> memref<!tpu.dma_semaphore, #tpu.memory_space<semaphore_mem>>
    %dma_wait3A_1232 = arith.constant 0 : i32
    %dma_wait3A_1233 = arith.constant 0 : i32
    %dma_wait3A_1234 = arith.constant 0 : i32
    %dma_wait3A_1235 = tpu.memref_slice %arg1[%dma_wait3A_1228, %dma_wait3A_1232, %dma_wait3A_1233, %dma_wait3A_1234] : memref<32x32x32x768xf32, #tpu.memory_space<any>> -> memref<1x16x32x768xf32, #tpu.memory_space<any>>
    %dma_wait3A_1236 = tpu.memref_squeeze %dma_wait3A_1235 : memref<1x16x32x768xf32, #tpu.memory_space<any>> -> memref<16x32x768xf32, #tpu.memory_space<any>>
    %dma_wait3A_1237 = arith.constant 0 : i32
    %dma_wait3A_1238 = arith.constant 0 : i32
    %dma_wait3A_1239 = arith.constant 0 : i32
    %dma_wait3A_1240 = tpu.memref_slice %arg2[%dma_wait3A_1237, %dma_wait3A_1238, %dma_wait3A_1239] : memref<32x32x768xf32, #tpu.memory_space<vmem>> -> memref<16x32x768xf32, #tpu.memory_space<vmem>>
    tpu.wait_dma2 semaphore(%dma_wait3A_1231 : memref<!tpu.dma_semaphore, #tpu.memory_space<semaphore_mem>>) src(%dma_wait3A_1240 : memref<16x32x768xf32, #tpu.memory_space<vmem>>) dst(%dma_wait3A_1236 : memref<16x32x768xf32, #tpu.memory_space<any>>)
    %dma_wait3A_1241 = arith.constant 29 : i32
    %dma_wait3A_1242 = arith.constant 58 : i32
    %dma_wait3A_1243 = tpu.memref_slice %arg3[%dma_wait3A_1242] : memref<64x!tpu.dma_semaphore, #tpu.memory_space<semaphore_mem>> -> memref<1x!tpu.dma_semaphore, #tpu.memory_space<semaphore_mem>>
    %dma_wait3A_1244 = tpu.memref_squeeze %dma_wait3A_1243 : memref<1x!tpu.dma_semaphore, #tpu.memory_space<semaphore_mem>> -> memref<!tpu.dma_semaphore, #tpu.memory_space<semaphore_mem>>
    %dma_wait3A_1245 = arith.constant 0 : i32
    %dma_wait3A_1246 = arith.constant 0 : i32
    %dma_wait3A_1247 = arith.constant 0 : i32
    %dma_wait3A_1248 = tpu.memref_slice %arg1[%dma_wait3A_1241, %dma_wait3A_1245, %dma_wait3A_1246, %dma_wait3A_1247] : memref<32x32x32x768xf32, #tpu.memory_space<any>> -> memref<1x16x32x768xf32, #tpu.memory_space<any>>
    %dma_wait3A_1249 = tpu.memref_squeeze %dma_wait3A_1248 : memref<1x16x32x768xf32, #tpu.memory_space<any>> -> memref<16x32x768xf32, #tpu.memory_space<any>>
    %dma_wait3A_1250 = arith.constant 0 : i32
    %dma_wait3A_1251 = arith.constant 0 : i32
    %dma_wait3A_1252 = arith.constant 0 : i32
    %dma_wait3A_1253 = tpu.memref_slice %arg2[%dma_wait3A_1250, %dma_wait3A_1251, %dma_wait3A_1252] : memref<32x32x768xf32, #tpu.memory_space<vmem>> -> memref<16x32x768xf32, #tpu.memory_space<vmem>>
    tpu.wait_dma2 semaphore(%dma_wait3A_1244 : memref<!tpu.dma_semaphore, #tpu.memory_space<semaphore_mem>>) src(%dma_wait3A_1253 : memref<16x32x768xf32, #tpu.memory_space<vmem>>) dst(%dma_wait3A_1249 : memref<16x32x768xf32, #tpu.memory_space<any>>)
    %dma_wait3A_1254 = arith.constant 30 : i32
    %dma_wait3A_1255 = arith.constant 60 : i32
    %dma_wait3A_1256 = tpu.memref_slice %arg3[%dma_wait3A_1255] : memref<64x!tpu.dma_semaphore, #tpu.memory_space<semaphore_mem>> -> memref<1x!tpu.dma_semaphore, #tpu.memory_space<semaphore_mem>>
    %dma_wait3A_1257 = tpu.memref_squeeze %dma_wait3A_1256 : memref<1x!tpu.dma_semaphore, #tpu.memory_space<semaphore_mem>> -> memref<!tpu.dma_semaphore, #tpu.memory_space<semaphore_mem>>
    %dma_wait3A_1258 = arith.constant 0 : i32
    %dma_wait3A_1259 = arith.constant 0 : i32
    %dma_wait3A_1260 = arith.constant 0 : i32
    %dma_wait3A_1261 = tpu.memref_slice %arg1[%dma_wait3A_1254, %dma_wait3A_1258, %dma_wait3A_1259, %dma_wait3A_1260] : memref<32x32x32x768xf32, #tpu.memory_space<any>> -> memref<1x16x32x768xf32, #tpu.memory_space<any>>
    %dma_wait3A_1262 = tpu.memref_squeeze %dma_wait3A_1261 : memref<1x16x32x768xf32, #tpu.memory_space<any>> -> memref<16x32x768xf32, #tpu.memory_space<any>>
    %dma_wait3A_1263 = arith.constant 0 : i32
    %dma_wait3A_1264 = arith.constant 0 : i32
    %dma_wait3A_1265 = arith.constant 0 : i32
    %dma_wait3A_1266 = tpu.memref_slice %arg2[%dma_wait3A_1263, %dma_wait3A_1264, %dma_wait3A_1265] : memref<32x32x768xf32, #tpu.memory_space<vmem>> -> memref<16x32x768xf32, #tpu.memory_space<vmem>>
    tpu.wait_dma2 semaphore(%dma_wait3A_1257 : memref<!tpu.dma_semaphore, #tpu.memory_space<semaphore_mem>>) src(%dma_wait3A_1266 : memref<16x32x768xf32, #tpu.memory_space<vmem>>) dst(%dma_wait3A_1262 : memref<16x32x768xf32, #tpu.memory_space<any>>)
    %dma_wait3A_1267 = arith.constant 31 : i32
    %dma_wait3A_1268 = arith.constant 62 : i32
    %dma_wait3A_1269 = tpu.memref_slice %arg3[%dma_wait3A_1268] : memref<64x!tpu.dma_semaphore, #tpu.memory_space<semaphore_mem>> -> memref<1x!tpu.dma_semaphore, #tpu.memory_space<semaphore_mem>>
    %dma_wait3A_1270 = tpu.memref_squeeze %dma_wait3A_1269 : memref<1x!tpu.dma_semaphore, #tpu.memory_space<semaphore_mem>> -> memref<!tpu.dma_semaphore, #tpu.memory_space<semaphore_mem>>
    %dma_wait3A_1271 = arith.constant 0 : i32
    %dma_wait3A_1272 = arith.constant 0 : i32
    %dma_wait3A_1273 = arith.constant 0 : i32
    %dma_wait3A_1274 = tpu.memref_slice %arg1[%dma_wait3A_1267, %dma_wait3A_1271, %dma_wait3A_1272, %dma_wait3A_1273] : memref<32x32x32x768xf32, #tpu.memory_space<any>> -> memref<1x16x32x768xf32, #tpu.memory_space<any>>
    %dma_wait3A_1275 = tpu.memref_squeeze %dma_wait3A_1274 : memref<1x16x32x768xf32, #tpu.memory_space<any>> -> memref<16x32x768xf32, #tpu.memory_space<any>>
    %dma_wait3A_1276 = arith.constant 0 : i32
    %dma_wait3A_1277 = arith.constant 0 : i32
    %dma_wait3A_1278 = arith.constant 0 : i32
    %dma_wait3A_1279 = tpu.memref_slice %arg2[%dma_wait3A_1276, %dma_wait3A_1277, %dma_wait3A_1278] : memref<32x32x768xf32, #tpu.memory_space<vmem>> -> memref<16x32x768xf32, #tpu.memory_space<vmem>>
    tpu.wait_dma2 semaphore(%dma_wait3A_1270 : memref<!tpu.dma_semaphore, #tpu.memory_space<semaphore_mem>>) src(%dma_wait3A_1279 : memref<16x32x768xf32, #tpu.memory_space<vmem>>) dst(%dma_wait3A_1275 : memref<16x32x768xf32, #tpu.memory_space<any>>)
    %dma_wait3A_1280 = arith.constant 0 : i32
    %dma_wait3A_1281 = arith.constant 1 : i32
    %dma_wait3A_1282 = tpu.memref_slice %arg3[%dma_wait3A_1281] : memref<64x!tpu.dma_semaphore, #tpu.memory_space<semaphore_mem>> -> memref<1x!tpu.dma_semaphore, #tpu.memory_space<semaphore_mem>>
    %dma_wait3A_1283 = tpu.memref_squeeze %dma_wait3A_1282 : memref<1x!tpu.dma_semaphore, #tpu.memory_space<semaphore_mem>> -> memref<!tpu.dma_semaphore, #tpu.memory_space<semaphore_mem>>
    %dma_wait3A_1284 = arith.constant 16 : i32
    %dma_wait3A_1285 = arith.constant 0 : i32
    %dma_wait3A_1286 = arith.constant 0 : i32
    %dma_wait3A_1287 = tpu.memref_slice %arg1[%dma_wait3A_1280, %dma_wait3A_1284, %dma_wait3A_1285, %dma_wait3A_1286] : memref<32x32x32x768xf32, #tpu.memory_space<any>> -> memref<1x16x32x768xf32, #tpu.memory_space<any>>
    %dma_wait3A_1288 = tpu.memref_squeeze %dma_wait3A_1287 : memref<1x16x32x768xf32, #tpu.memory_space<any>> -> memref<16x32x768xf32, #tpu.memory_space<any>>
    %dma_wait3A_1289 = arith.constant 16 : i32
    %dma_wait3A_1290 = arith.constant 0 : i32
    %dma_wait3A_1291 = arith.constant 0 : i32
    %dma_wait3A_1292 = tpu.memref_slice %arg2[%dma_wait3A_1289, %dma_wait3A_1290, %dma_wait3A_1291] : memref<32x32x768xf32, #tpu.memory_space<vmem>> -> memref<16x32x768xf32, #tpu.memory_space<vmem>>
    tpu.wait_dma2 semaphore(%dma_wait3A_1283 : memref<!tpu.dma_semaphore, #tpu.memory_space<semaphore_mem>>) src(%dma_wait3A_1292 : memref<16x32x768xf32, #tpu.memory_space<vmem>>) dst(%dma_wait3A_1288 : memref<16x32x768xf32, #tpu.memory_space<any>>)
    %dma_wait3A_1293 = arith.constant 1 : i32
    %dma_wait3A_1294 = arith.constant 3 : i32
    %dma_wait3A_1295 = tpu.memref_slice %arg3[%dma_wait3A_1294] : memref<64x!tpu.dma_semaphore, #tpu.memory_space<semaphore_mem>> -> memref<1x!tpu.dma_semaphore, #tpu.memory_space<semaphore_mem>>
    %dma_wait3A_1296 = tpu.memref_squeeze %dma_wait3A_1295 : memref<1x!tpu.dma_semaphore, #tpu.memory_space<semaphore_mem>> -> memref<!tpu.dma_semaphore, #tpu.memory_space<semaphore_mem>>
    %dma_wait3A_1297 = arith.constant 16 : i32
    %dma_wait3A_1298 = arith.constant 0 : i32
    %dma_wait3A_1299 = arith.constant 0 : i32
    %dma_wait3A_1300 = tpu.memref_slice %arg1[%dma_wait3A_1293, %dma_wait3A_1297, %dma_wait3A_1298, %dma_wait3A_1299] : memref<32x32x32x768xf32, #tpu.memory_space<any>> -> memref<1x16x32x768xf32, #tpu.memory_space<any>>
    %dma_wait3A_1301 = tpu.memref_squeeze %dma_wait3A_1300 : memref<1x16x32x768xf32, #tpu.memory_space<any>> -> memref<16x32x768xf32, #tpu.memory_space<any>>
    %dma_wait3A_1302 = arith.constant 16 : i32
    %dma_wait3A_1303 = arith.constant 0 : i32
    %dma_wait3A_1304 = arith.constant 0 : i32
    %dma_wait3A_1305 = tpu.memref_slice %arg2[%dma_wait3A_1302, %dma_wait3A_1303, %dma_wait3A_1304] : memref<32x32x768xf32, #tpu.memory_space<vmem>> -> memref<16x32x768xf32, #tpu.memory_space<vmem>>
    tpu.wait_dma2 semaphore(%dma_wait3A_1296 : memref<!tpu.dma_semaphore, #tpu.memory_space<semaphore_mem>>) src(%dma_wait3A_1305 : memref<16x32x768xf32, #tpu.memory_space<vmem>>) dst(%dma_wait3A_1301 : memref<16x32x768xf32, #tpu.memory_space<any>>)
    %dma_wait3A_1306 = arith.constant 2 : i32
    %dma_wait3A_1307 = arith.constant 5 : i32
    %dma_wait3A_1308 = tpu.memref_slice %arg3[%dma_wait3A_1307] : memref<64x!tpu.dma_semaphore, #tpu.memory_space<semaphore_mem>> -> memref<1x!tpu.dma_semaphore, #tpu.memory_space<semaphore_mem>>
    %dma_wait3A_1309 = tpu.memref_squeeze %dma_wait3A_1308 : memref<1x!tpu.dma_semaphore, #tpu.memory_space<semaphore_mem>> -> memref<!tpu.dma_semaphore, #tpu.memory_space<semaphore_mem>>
    %dma_wait3A_1310 = arith.constant 16 : i32
    %dma_wait3A_1311 = arith.constant 0 : i32
    %dma_wait3A_1312 = arith.constant 0 : i32
    %dma_wait3A_1313 = tpu.memref_slice %arg1[%dma_wait3A_1306, %dma_wait3A_1310, %dma_wait3A_1311, %dma_wait3A_1312] : memref<32x32x32x768xf32, #tpu.memory_space<any>> -> memref<1x16x32x768xf32, #tpu.memory_space<any>>
    %dma_wait3A_1314 = tpu.memref_squeeze %dma_wait3A_1313 : memref<1x16x32x768xf32, #tpu.memory_space<any>> -> memref<16x32x768xf32, #tpu.memory_space<any>>
    %dma_wait3A_1315 = arith.constant 16 : i32
    %dma_wait3A_1316 = arith.constant 0 : i32
    %dma_wait3A_1317 = arith.constant 0 : i32
    %dma_wait3A_1318 = tpu.memref_slice %arg2[%dma_wait3A_1315, %dma_wait3A_1316, %dma_wait3A_1317] : memref<32x32x768xf32, #tpu.memory_space<vmem>> -> memref<16x32x768xf32, #tpu.memory_space<vmem>>
    tpu.wait_dma2 semaphore(%dma_wait3A_1309 : memref<!tpu.dma_semaphore, #tpu.memory_space<semaphore_mem>>) src(%dma_wait3A_1318 : memref<16x32x768xf32, #tpu.memory_space<vmem>>) dst(%dma_wait3A_1314 : memref<16x32x768xf32, #tpu.memory_space<any>>)
    %dma_wait3A_1319 = arith.constant 3 : i32
    %dma_wait3A_1320 = arith.constant 7 : i32
    %dma_wait3A_1321 = tpu.memref_slice %arg3[%dma_wait3A_1320] : memref<64x!tpu.dma_semaphore, #tpu.memory_space<semaphore_mem>> -> memref<1x!tpu.dma_semaphore, #tpu.memory_space<semaphore_mem>>
    %dma_wait3A_1322 = tpu.memref_squeeze %dma_wait3A_1321 : memref<1x!tpu.dma_semaphore, #tpu.memory_space<semaphore_mem>> -> memref<!tpu.dma_semaphore, #tpu.memory_space<semaphore_mem>>
    %dma_wait3A_1323 = arith.constant 16 : i32
    %dma_wait3A_1324 = arith.constant 0 : i32
    %dma_wait3A_1325 = arith.constant 0 : i32
    %dma_wait3A_1326 = tpu.memref_slice %arg1[%dma_wait3A_1319, %dma_wait3A_1323, %dma_wait3A_1324, %dma_wait3A_1325] : memref<32x32x32x768xf32, #tpu.memory_space<any>> -> memref<1x16x32x768xf32, #tpu.memory_space<any>>
    %dma_wait3A_1327 = tpu.memref_squeeze %dma_wait3A_1326 : memref<1x16x32x768xf32, #tpu.memory_space<any>> -> memref<16x32x768xf32, #tpu.memory_space<any>>
    %dma_wait3A_1328 = arith.constant 16 : i32
    %dma_wait3A_1329 = arith.constant 0 : i32
    %dma_wait3A_1330 = arith.constant 0 : i32
    %dma_wait3A_1331 = tpu.memref_slice %arg2[%dma_wait3A_1328, %dma_wait3A_1329, %dma_wait3A_1330] : memref<32x32x768xf32, #tpu.memory_space<vmem>> -> memref<16x32x768xf32, #tpu.memory_space<vmem>>
    tpu.wait_dma2 semaphore(%dma_wait3A_1322 : memref<!tpu.dma_semaphore, #tpu.memory_space<semaphore_mem>>) src(%dma_wait3A_1331 : memref<16x32x768xf32, #tpu.memory_space<vmem>>) dst(%dma_wait3A_1327 : memref<16x32x768xf32, #tpu.memory_space<any>>)
    %dma_wait3A_1332 = arith.constant 4 : i32
    %dma_wait3A_1333 = arith.constant 9 : i32
    %dma_wait3A_1334 = tpu.memref_slice %arg3[%dma_wait3A_1333] : memref<64x!tpu.dma_semaphore, #tpu.memory_space<semaphore_mem>> -> memref<1x!tpu.dma_semaphore, #tpu.memory_space<semaphore_mem>>
    %dma_wait3A_1335 = tpu.memref_squeeze %dma_wait3A_1334 : memref<1x!tpu.dma_semaphore, #tpu.memory_space<semaphore_mem>> -> memref<!tpu.dma_semaphore, #tpu.memory_space<semaphore_mem>>
    %dma_wait3A_1336 = arith.constant 16 : i32
    %dma_wait3A_1337 = arith.constant 0 : i32
    %dma_wait3A_1338 = arith.constant 0 : i32
    %dma_wait3A_1339 = tpu.memref_slice %arg1[%dma_wait3A_1332, %dma_wait3A_1336, %dma_wait3A_1337, %dma_wait3A_1338] : memref<32x32x32x768xf32, #tpu.memory_space<any>> -> memref<1x16x32x768xf32, #tpu.memory_space<any>>
    %dma_wait3A_1340 = tpu.memref_squeeze %dma_wait3A_1339 : memref<1x16x32x768xf32, #tpu.memory_space<any>> -> memref<16x32x768xf32, #tpu.memory_space<any>>
    %dma_wait3A_1341 = arith.constant 16 : i32
    %dma_wait3A_1342 = arith.constant 0 : i32
    %dma_wait3A_1343 = arith.constant 0 : i32
    %dma_wait3A_1344 = tpu.memref_slice %arg2[%dma_wait3A_1341, %dma_wait3A_1342, %dma_wait3A_1343] : memref<32x32x768xf32, #tpu.memory_space<vmem>> -> memref<16x32x768xf32, #tpu.memory_space<vmem>>
    tpu.wait_dma2 semaphore(%dma_wait3A_1335 : memref<!tpu.dma_semaphore, #tpu.memory_space<semaphore_mem>>) src(%dma_wait3A_1344 : memref<16x32x768xf32, #tpu.memory_space<vmem>>) dst(%dma_wait3A_1340 : memref<16x32x768xf32, #tpu.memory_space<any>>)
    %dma_wait3A_1345 = arith.constant 5 : i32
    %dma_wait3A_1346 = arith.constant 11 : i32
    %dma_wait3A_1347 = tpu.memref_slice %arg3[%dma_wait3A_1346] : memref<64x!tpu.dma_semaphore, #tpu.memory_space<semaphore_mem>> -> memref<1x!tpu.dma_semaphore, #tpu.memory_space<semaphore_mem>>
    %dma_wait3A_1348 = tpu.memref_squeeze %dma_wait3A_1347 : memref<1x!tpu.dma_semaphore, #tpu.memory_space<semaphore_mem>> -> memref<!tpu.dma_semaphore, #tpu.memory_space<semaphore_mem>>
    %dma_wait3A_1349 = arith.constant 16 : i32
    %dma_wait3A_1350 = arith.constant 0 : i32
    %dma_wait3A_1351 = arith.constant 0 : i32
    %dma_wait3A_1352 = tpu.memref_slice %arg1[%dma_wait3A_1345, %dma_wait3A_1349, %dma_wait3A_1350, %dma_wait3A_1351] : memref<32x32x32x768xf32, #tpu.memory_space<any>> -> memref<1x16x32x768xf32, #tpu.memory_space<any>>
    %dma_wait3A_1353 = tpu.memref_squeeze %dma_wait3A_1352 : memref<1x16x32x768xf32, #tpu.memory_space<any>> -> memref<16x32x768xf32, #tpu.memory_space<any>>
    %dma_wait3A_1354 = arith.constant 16 : i32
    %dma_wait3A_1355 = arith.constant 0 : i32
    %dma_wait3A_1356 = arith.constant 0 : i32
    %dma_wait3A_1357 = tpu.memref_slice %arg2[%dma_wait3A_1354, %dma_wait3A_1355, %dma_wait3A_1356] : memref<32x32x768xf32, #tpu.memory_space<vmem>> -> memref<16x32x768xf32, #tpu.memory_space<vmem>>
    tpu.wait_dma2 semaphore(%dma_wait3A_1348 : memref<!tpu.dma_semaphore, #tpu.memory_space<semaphore_mem>>) src(%dma_wait3A_1357 : memref<16x32x768xf32, #tpu.memory_space<vmem>>) dst(%dma_wait3A_1353 : memref<16x32x768xf32, #tpu.memory_space<any>>)
    %dma_wait3A_1358 = arith.constant 6 : i32
    %dma_wait3A_1359 = arith.constant 13 : i32
    %dma_wait3A_1360 = tpu.memref_slice %arg3[%dma_wait3A_1359] : memref<64x!tpu.dma_semaphore, #tpu.memory_space<semaphore_mem>> -> memref<1x!tpu.dma_semaphore, #tpu.memory_space<semaphore_mem>>
    %dma_wait3A_1361 = tpu.memref_squeeze %dma_wait3A_1360 : memref<1x!tpu.dma_semaphore, #tpu.memory_space<semaphore_mem>> -> memref<!tpu.dma_semaphore, #tpu.memory_space<semaphore_mem>>
    %dma_wait3A_1362 = arith.constant 16 : i32
    %dma_wait3A_1363 = arith.constant 0 : i32
    %dma_wait3A_1364 = arith.constant 0 : i32
    %dma_wait3A_1365 = tpu.memref_slice %arg1[%dma_wait3A_1358, %dma_wait3A_1362, %dma_wait3A_1363, %dma_wait3A_1364] : memref<32x32x32x768xf32, #tpu.memory_space<any>> -> memref<1x16x32x768xf32, #tpu.memory_space<any>>
    %dma_wait3A_1366 = tpu.memref_squeeze %dma_wait3A_1365 : memref<1x16x32x768xf32, #tpu.memory_space<any>> -> memref<16x32x768xf32, #tpu.memory_space<any>>
    %dma_wait3A_1367 = arith.constant 16 : i32
    %dma_wait3A_1368 = arith.constant 0 : i32
    %dma_wait3A_1369 = arith.constant 0 : i32
    %dma_wait3A_1370 = tpu.memref_slice %arg2[%dma_wait3A_1367, %dma_wait3A_1368, %dma_wait3A_1369] : memref<32x32x768xf32, #tpu.memory_space<vmem>> -> memref<16x32x768xf32, #tpu.memory_space<vmem>>
    tpu.wait_dma2 semaphore(%dma_wait3A_1361 : memref<!tpu.dma_semaphore, #tpu.memory_space<semaphore_mem>>) src(%dma_wait3A_1370 : memref<16x32x768xf32, #tpu.memory_space<vmem>>) dst(%dma_wait3A_1366 : memref<16x32x768xf32, #tpu.memory_space<any>>)
    %dma_wait3A_1371 = arith.constant 7 : i32
    %dma_wait3A_1372 = arith.constant 15 : i32
    %dma_wait3A_1373 = tpu.memref_slice %arg3[%dma_wait3A_1372] : memref<64x!tpu.dma_semaphore, #tpu.memory_space<semaphore_mem>> -> memref<1x!tpu.dma_semaphore, #tpu.memory_space<semaphore_mem>>
    %dma_wait3A_1374 = tpu.memref_squeeze %dma_wait3A_1373 : memref<1x!tpu.dma_semaphore, #tpu.memory_space<semaphore_mem>> -> memref<!tpu.dma_semaphore, #tpu.memory_space<semaphore_mem>>
    %dma_wait3A_1375 = arith.constant 16 : i32
    %dma_wait3A_1376 = arith.constant 0 : i32
    %dma_wait3A_1377 = arith.constant 0 : i32
    %dma_wait3A_1378 = tpu.memref_slice %arg1[%dma_wait3A_1371, %dma_wait3A_1375, %dma_wait3A_1376, %dma_wait3A_1377] : memref<32x32x32x768xf32, #tpu.memory_space<any>> -> memref<1x16x32x768xf32, #tpu.memory_space<any>>
    %dma_wait3A_1379 = tpu.memref_squeeze %dma_wait3A_1378 : memref<1x16x32x768xf32, #tpu.memory_space<any>> -> memref<16x32x768xf32, #tpu.memory_space<any>>
    %dma_wait3A_1380 = arith.constant 16 : i32
    %dma_wait3A_1381 = arith.constant 0 : i32
    %dma_wait3A_1382 = arith.constant 0 : i32
    %dma_wait3A_1383 = tpu.memref_slice %arg2[%dma_wait3A_1380, %dma_wait3A_1381, %dma_wait3A_1382] : memref<32x32x768xf32, #tpu.memory_space<vmem>> -> memref<16x32x768xf32, #tpu.memory_space<vmem>>
    tpu.wait_dma2 semaphore(%dma_wait3A_1374 : memref<!tpu.dma_semaphore, #tpu.memory_space<semaphore_mem>>) src(%dma_wait3A_1383 : memref<16x32x768xf32, #tpu.memory_space<vmem>>) dst(%dma_wait3A_1379 : memref<16x32x768xf32, #tpu.memory_space<any>>)
    %dma_wait3A_1384 = arith.constant 8 : i32
    %dma_wait3A_1385 = arith.constant 17 : i32
    %dma_wait3A_1386 = tpu.memref_slice %arg3[%dma_wait3A_1385] : memref<64x!tpu.dma_semaphore, #tpu.memory_space<semaphore_mem>> -> memref<1x!tpu.dma_semaphore, #tpu.memory_space<semaphore_mem>>
    %dma_wait3A_1387 = tpu.memref_squeeze %dma_wait3A_1386 : memref<1x!tpu.dma_semaphore, #tpu.memory_space<semaphore_mem>> -> memref<!tpu.dma_semaphore, #tpu.memory_space<semaphore_mem>>
    %dma_wait3A_1388 = arith.constant 16 : i32
    %dma_wait3A_1389 = arith.constant 0 : i32
    %dma_wait3A_1390 = arith.constant 0 : i32
    %dma_wait3A_1391 = tpu.memref_slice %arg1[%dma_wait3A_1384, %dma_wait3A_1388, %dma_wait3A_1389, %dma_wait3A_1390] : memref<32x32x32x768xf32, #tpu.memory_space<any>> -> memref<1x16x32x768xf32, #tpu.memory_space<any>>
    %dma_wait3A_1392 = tpu.memref_squeeze %dma_wait3A_1391 : memref<1x16x32x768xf32, #tpu.memory_space<any>> -> memref<16x32x768xf32, #tpu.memory_space<any>>
    %dma_wait3A_1393 = arith.constant 16 : i32
    %dma_wait3A_1394 = arith.constant 0 : i32
    %dma_wait3A_1395 = arith.constant 0 : i32
    %dma_wait3A_1396 = tpu.memref_slice %arg2[%dma_wait3A_1393, %dma_wait3A_1394, %dma_wait3A_1395] : memref<32x32x768xf32, #tpu.memory_space<vmem>> -> memref<16x32x768xf32, #tpu.memory_space<vmem>>
    tpu.wait_dma2 semaphore(%dma_wait3A_1387 : memref<!tpu.dma_semaphore, #tpu.memory_space<semaphore_mem>>) src(%dma_wait3A_1396 : memref<16x32x768xf32, #tpu.memory_space<vmem>>) dst(%dma_wait3A_1392 : memref<16x32x768xf32, #tpu.memory_space<any>>)
    %dma_wait3A_1397 = arith.constant 9 : i32
    %dma_wait3A_1398 = arith.constant 19 : i32
    %dma_wait3A_1399 = tpu.memref_slice %arg3[%dma_wait3A_1398] : memref<64x!tpu.dma_semaphore, #tpu.memory_space<semaphore_mem>> -> memref<1x!tpu.dma_semaphore, #tpu.memory_space<semaphore_mem>>
    %dma_wait3A_1400 = tpu.memref_squeeze %dma_wait3A_1399 : memref<1x!tpu.dma_semaphore, #tpu.memory_space<semaphore_mem>> -> memref<!tpu.dma_semaphore, #tpu.memory_space<semaphore_mem>>
    %dma_wait3A_1401 = arith.constant 16 : i32
    %dma_wait3A_1402 = arith.constant 0 : i32
    %dma_wait3A_1403 = arith.constant 0 : i32
    %dma_wait3A_1404 = tpu.memref_slice %arg1[%dma_wait3A_1397, %dma_wait3A_1401, %dma_wait3A_1402, %dma_wait3A_1403] : memref<32x32x32x768xf32, #tpu.memory_space<any>> -> memref<1x16x32x768xf32, #tpu.memory_space<any>>
    %dma_wait3A_1405 = tpu.memref_squeeze %dma_wait3A_1404 : memref<1x16x32x768xf32, #tpu.memory_space<any>> -> memref<16x32x768xf32, #tpu.memory_space<any>>
    %dma_wait3A_1406 = arith.constant 16 : i32
    %dma_wait3A_1407 = arith.constant 0 : i32
    %dma_wait3A_1408 = arith.constant 0 : i32
    %dma_wait3A_1409 = tpu.memref_slice %arg2[%dma_wait3A_1406, %dma_wait3A_1407, %dma_wait3A_1408] : memref<32x32x768xf32, #tpu.memory_space<vmem>> -> memref<16x32x768xf32, #tpu.memory_space<vmem>>
    tpu.wait_dma2 semaphore(%dma_wait3A_1400 : memref<!tpu.dma_semaphore, #tpu.memory_space<semaphore_mem>>) src(%dma_wait3A_1409 : memref<16x32x768xf32, #tpu.memory_space<vmem>>) dst(%dma_wait3A_1405 : memref<16x32x768xf32, #tpu.memory_space<any>>)
    %dma_wait3A_1410 = arith.constant 10 : i32
    %dma_wait3A_1411 = arith.constant 21 : i32
    %dma_wait3A_1412 = tpu.memref_slice %arg3[%dma_wait3A_1411] : memref<64x!tpu.dma_semaphore, #tpu.memory_space<semaphore_mem>> -> memref<1x!tpu.dma_semaphore, #tpu.memory_space<semaphore_mem>>
    %dma_wait3A_1413 = tpu.memref_squeeze %dma_wait3A_1412 : memref<1x!tpu.dma_semaphore, #tpu.memory_space<semaphore_mem>> -> memref<!tpu.dma_semaphore, #tpu.memory_space<semaphore_mem>>
    %dma_wait3A_1414 = arith.constant 16 : i32
    %dma_wait3A_1415 = arith.constant 0 : i32
    %dma_wait3A_1416 = arith.constant 0 : i32
    %dma_wait3A_1417 = tpu.memref_slice %arg1[%dma_wait3A_1410, %dma_wait3A_1414, %dma_wait3A_1415, %dma_wait3A_1416] : memref<32x32x32x768xf32, #tpu.memory_space<any>> -> memref<1x16x32x768xf32, #tpu.memory_space<any>>
    %dma_wait3A_1418 = tpu.memref_squeeze %dma_wait3A_1417 : memref<1x16x32x768xf32, #tpu.memory_space<any>> -> memref<16x32x768xf32, #tpu.memory_space<any>>
    %dma_wait3A_1419 = arith.constant 16 : i32
    %dma_wait3A_1420 = arith.constant 0 : i32
    %dma_wait3A_1421 = arith.constant 0 : i32
    %dma_wait3A_1422 = tpu.memref_slice %arg2[%dma_wait3A_1419, %dma_wait3A_1420, %dma_wait3A_1421] : memref<32x32x768xf32, #tpu.memory_space<vmem>> -> memref<16x32x768xf32, #tpu.memory_space<vmem>>
    tpu.wait_dma2 semaphore(%dma_wait3A_1413 : memref<!tpu.dma_semaphore, #tpu.memory_space<semaphore_mem>>) src(%dma_wait3A_1422 : memref<16x32x768xf32, #tpu.memory_space<vmem>>) dst(%dma_wait3A_1418 : memref<16x32x768xf32, #tpu.memory_space<any>>)
    %dma_wait3A_1423 = arith.constant 11 : i32
    %dma_wait3A_1424 = arith.constant 23 : i32
    %dma_wait3A_1425 = tpu.memref_slice %arg3[%dma_wait3A_1424] : memref<64x!tpu.dma_semaphore, #tpu.memory_space<semaphore_mem>> -> memref<1x!tpu.dma_semaphore, #tpu.memory_space<semaphore_mem>>
    %dma_wait3A_1426 = tpu.memref_squeeze %dma_wait3A_1425 : memref<1x!tpu.dma_semaphore, #tpu.memory_space<semaphore_mem>> -> memref<!tpu.dma_semaphore, #tpu.memory_space<semaphore_mem>>
    %dma_wait3A_1427 = arith.constant 16 : i32
    %dma_wait3A_1428 = arith.constant 0 : i32
    %dma_wait3A_1429 = arith.constant 0 : i32
    %dma_wait3A_1430 = tpu.memref_slice %arg1[%dma_wait3A_1423, %dma_wait3A_1427, %dma_wait3A_1428, %dma_wait3A_1429] : memref<32x32x32x768xf32, #tpu.memory_space<any>> -> memref<1x16x32x768xf32, #tpu.memory_space<any>>
    %dma_wait3A_1431 = tpu.memref_squeeze %dma_wait3A_1430 : memref<1x16x32x768xf32, #tpu.memory_space<any>> -> memref<16x32x768xf32, #tpu.memory_space<any>>
    %dma_wait3A_1432 = arith.constant 16 : i32
    %dma_wait3A_1433 = arith.constant 0 : i32
    %dma_wait3A_1434 = arith.constant 0 : i32
    %dma_wait3A_1435 = tpu.memref_slice %arg2[%dma_wait3A_1432, %dma_wait3A_1433, %dma_wait3A_1434] : memref<32x32x768xf32, #tpu.memory_space<vmem>> -> memref<16x32x768xf32, #tpu.memory_space<vmem>>
    tpu.wait_dma2 semaphore(%dma_wait3A_1426 : memref<!tpu.dma_semaphore, #tpu.memory_space<semaphore_mem>>) src(%dma_wait3A_1435 : memref<16x32x768xf32, #tpu.memory_space<vmem>>) dst(%dma_wait3A_1431 : memref<16x32x768xf32, #tpu.memory_space<any>>)
    %dma_wait3A_1436 = arith.constant 12 : i32
    %dma_wait3A_1437 = arith.constant 25 : i32
    %dma_wait3A_1438 = tpu.memref_slice %arg3[%dma_wait3A_1437] : memref<64x!tpu.dma_semaphore, #tpu.memory_space<semaphore_mem>> -> memref<1x!tpu.dma_semaphore, #tpu.memory_space<semaphore_mem>>
    %dma_wait3A_1439 = tpu.memref_squeeze %dma_wait3A_1438 : memref<1x!tpu.dma_semaphore, #tpu.memory_space<semaphore_mem>> -> memref<!tpu.dma_semaphore, #tpu.memory_space<semaphore_mem>>
    %dma_wait3A_1440 = arith.constant 16 : i32
    %dma_wait3A_1441 = arith.constant 0 : i32
    %dma_wait3A_1442 = arith.constant 0 : i32
    %dma_wait3A_1443 = tpu.memref_slice %arg1[%dma_wait3A_1436, %dma_wait3A_1440, %dma_wait3A_1441, %dma_wait3A_1442] : memref<32x32x32x768xf32, #tpu.memory_space<any>> -> memref<1x16x32x768xf32, #tpu.memory_space<any>>
    %dma_wait3A_1444 = tpu.memref_squeeze %dma_wait3A_1443 : memref<1x16x32x768xf32, #tpu.memory_space<any>> -> memref<16x32x768xf32, #tpu.memory_space<any>>
    %dma_wait3A_1445 = arith.constant 16 : i32
    %dma_wait3A_1446 = arith.constant 0 : i32
    %dma_wait3A_1447 = arith.constant 0 : i32
    %dma_wait3A_1448 = tpu.memref_slice %arg2[%dma_wait3A_1445, %dma_wait3A_1446, %dma_wait3A_1447] : memref<32x32x768xf32, #tpu.memory_space<vmem>> -> memref<16x32x768xf32, #tpu.memory_space<vmem>>
    tpu.wait_dma2 semaphore(%dma_wait3A_1439 : memref<!tpu.dma_semaphore, #tpu.memory_space<semaphore_mem>>) src(%dma_wait3A_1448 : memref<16x32x768xf32, #tpu.memory_space<vmem>>) dst(%dma_wait3A_1444 : memref<16x32x768xf32, #tpu.memory_space<any>>)
    %dma_wait3A_1449 = arith.constant 13 : i32
    %dma_wait3A_1450 = arith.constant 27 : i32
    %dma_wait3A_1451 = tpu.memref_slice %arg3[%dma_wait3A_1450] : memref<64x!tpu.dma_semaphore, #tpu.memory_space<semaphore_mem>> -> memref<1x!tpu.dma_semaphore, #tpu.memory_space<semaphore_mem>>
    %dma_wait3A_1452 = tpu.memref_squeeze %dma_wait3A_1451 : memref<1x!tpu.dma_semaphore, #tpu.memory_space<semaphore_mem>> -> memref<!tpu.dma_semaphore, #tpu.memory_space<semaphore_mem>>
    %dma_wait3A_1453 = arith.constant 16 : i32
    %dma_wait3A_1454 = arith.constant 0 : i32
    %dma_wait3A_1455 = arith.constant 0 : i32
    %dma_wait3A_1456 = tpu.memref_slice %arg1[%dma_wait3A_1449, %dma_wait3A_1453, %dma_wait3A_1454, %dma_wait3A_1455] : memref<32x32x32x768xf32, #tpu.memory_space<any>> -> memref<1x16x32x768xf32, #tpu.memory_space<any>>
    %dma_wait3A_1457 = tpu.memref_squeeze %dma_wait3A_1456 : memref<1x16x32x768xf32, #tpu.memory_space<any>> -> memref<16x32x768xf32, #tpu.memory_space<any>>
    %dma_wait3A_1458 = arith.constant 16 : i32
    %dma_wait3A_1459 = arith.constant 0 : i32
    %dma_wait3A_1460 = arith.constant 0 : i32
    %dma_wait3A_1461 = tpu.memref_slice %arg2[%dma_wait3A_1458, %dma_wait3A_1459, %dma_wait3A_1460] : memref<32x32x768xf32, #tpu.memory_space<vmem>> -> memref<16x32x768xf32, #tpu.memory_space<vmem>>
    tpu.wait_dma2 semaphore(%dma_wait3A_1452 : memref<!tpu.dma_semaphore, #tpu.memory_space<semaphore_mem>>) src(%dma_wait3A_1461 : memref<16x32x768xf32, #tpu.memory_space<vmem>>) dst(%dma_wait3A_1457 : memref<16x32x768xf32, #tpu.memory_space<any>>)
    %dma_wait3A_1462 = arith.constant 14 : i32
    %dma_wait3A_1463 = arith.constant 29 : i32
    %dma_wait3A_1464 = tpu.memref_slice %arg3[%dma_wait3A_1463] : memref<64x!tpu.dma_semaphore, #tpu.memory_space<semaphore_mem>> -> memref<1x!tpu.dma_semaphore, #tpu.memory_space<semaphore_mem>>
    %dma_wait3A_1465 = tpu.memref_squeeze %dma_wait3A_1464 : memref<1x!tpu.dma_semaphore, #tpu.memory_space<semaphore_mem>> -> memref<!tpu.dma_semaphore, #tpu.memory_space<semaphore_mem>>
    %dma_wait3A_1466 = arith.constant 16 : i32
    %dma_wait3A_1467 = arith.constant 0 : i32
    %dma_wait3A_1468 = arith.constant 0 : i32
    %dma_wait3A_1469 = tpu.memref_slice %arg1[%dma_wait3A_1462, %dma_wait3A_1466, %dma_wait3A_1467, %dma_wait3A_1468] : memref<32x32x32x768xf32, #tpu.memory_space<any>> -> memref<1x16x32x768xf32, #tpu.memory_space<any>>
    %dma_wait3A_1470 = tpu.memref_squeeze %dma_wait3A_1469 : memref<1x16x32x768xf32, #tpu.memory_space<any>> -> memref<16x32x768xf32, #tpu.memory_space<any>>
    %dma_wait3A_1471 = arith.constant 16 : i32
    %dma_wait3A_1472 = arith.constant 0 : i32
    %dma_wait3A_1473 = arith.constant 0 : i32
    %dma_wait3A_1474 = tpu.memref_slice %arg2[%dma_wait3A_1471, %dma_wait3A_1472, %dma_wait3A_1473] : memref<32x32x768xf32, #tpu.memory_space<vmem>> -> memref<16x32x768xf32, #tpu.memory_space<vmem>>
    tpu.wait_dma2 semaphore(%dma_wait3A_1465 : memref<!tpu.dma_semaphore, #tpu.memory_space<semaphore_mem>>) src(%dma_wait3A_1474 : memref<16x32x768xf32, #tpu.memory_space<vmem>>) dst(%dma_wait3A_1470 : memref<16x32x768xf32, #tpu.memory_space<any>>)
    %dma_wait3A_1475 = arith.constant 15 : i32
    %dma_wait3A_1476 = arith.constant 31 : i32
    %dma_wait3A_1477 = tpu.memref_slice %arg3[%dma_wait3A_1476] : memref<64x!tpu.dma_semaphore, #tpu.memory_space<semaphore_mem>> -> memref<1x!tpu.dma_semaphore, #tpu.memory_space<semaphore_mem>>
    %dma_wait3A_1478 = tpu.memref_squeeze %dma_wait3A_1477 : memref<1x!tpu.dma_semaphore, #tpu.memory_space<semaphore_mem>> -> memref<!tpu.dma_semaphore, #tpu.memory_space<semaphore_mem>>
    %dma_wait3A_1479 = arith.constant 16 : i32
    %dma_wait3A_1480 = arith.constant 0 : i32
    %dma_wait3A_1481 = arith.constant 0 : i32
    %dma_wait3A_1482 = tpu.memref_slice %arg1[%dma_wait3A_1475, %dma_wait3A_1479, %dma_wait3A_1480, %dma_wait3A_1481] : memref<32x32x32x768xf32, #tpu.memory_space<any>> -> memref<1x16x32x768xf32, #tpu.memory_space<any>>
    %dma_wait3A_1483 = tpu.memref_squeeze %dma_wait3A_1482 : memref<1x16x32x768xf32, #tpu.memory_space<any>> -> memref<16x32x768xf32, #tpu.memory_space<any>>
    %dma_wait3A_1484 = arith.constant 16 : i32
    %dma_wait3A_1485 = arith.constant 0 : i32
    %dma_wait3A_1486 = arith.constant 0 : i32
    %dma_wait3A_1487 = tpu.memref_slice %arg2[%dma_wait3A_1484, %dma_wait3A_1485, %dma_wait3A_1486] : memref<32x32x768xf32, #tpu.memory_space<vmem>> -> memref<16x32x768xf32, #tpu.memory_space<vmem>>
    tpu.wait_dma2 semaphore(%dma_wait3A_1478 : memref<!tpu.dma_semaphore, #tpu.memory_space<semaphore_mem>>) src(%dma_wait3A_1487 : memref<16x32x768xf32, #tpu.memory_space<vmem>>) dst(%dma_wait3A_1483 : memref<16x32x768xf32, #tpu.memory_space<any>>)
    %dma_wait3A_1488 = arith.constant 16 : i32
    %dma_wait3A_1489 = arith.constant 33 : i32
    %dma_wait3A_1490 = tpu.memref_slice %arg3[%dma_wait3A_1489] : memref<64x!tpu.dma_semaphore, #tpu.memory_space<semaphore_mem>> -> memref<1x!tpu.dma_semaphore, #tpu.memory_space<semaphore_mem>>
    %dma_wait3A_1491 = tpu.memref_squeeze %dma_wait3A_1490 : memref<1x!tpu.dma_semaphore, #tpu.memory_space<semaphore_mem>> -> memref<!tpu.dma_semaphore, #tpu.memory_space<semaphore_mem>>
    %dma_wait3A_1492 = arith.constant 16 : i32
    %dma_wait3A_1493 = arith.constant 0 : i32
    %dma_wait3A_1494 = arith.constant 0 : i32
    %dma_wait3A_1495 = tpu.memref_slice %arg1[%dma_wait3A_1488, %dma_wait3A_1492, %dma_wait3A_1493, %dma_wait3A_1494] : memref<32x32x32x768xf32, #tpu.memory_space<any>> -> memref<1x16x32x768xf32, #tpu.memory_space<any>>
    %dma_wait3A_1496 = tpu.memref_squeeze %dma_wait3A_1495 : memref<1x16x32x768xf32, #tpu.memory_space<any>> -> memref<16x32x768xf32, #tpu.memory_space<any>>
    %dma_wait3A_1497 = arith.constant 16 : i32
    %dma_wait3A_1498 = arith.constant 0 : i32
    %dma_wait3A_1499 = arith.constant 0 : i32
    %dma_wait3A_1500 = tpu.memref_slice %arg2[%dma_wait3A_1497, %dma_wait3A_1498, %dma_wait3A_1499] : memref<32x32x768xf32, #tpu.memory_space<vmem>> -> memref<16x32x768xf32, #tpu.memory_space<vmem>>
    tpu.wait_dma2 semaphore(%dma_wait3A_1491 : memref<!tpu.dma_semaphore, #tpu.memory_space<semaphore_mem>>) src(%dma_wait3A_1500 : memref<16x32x768xf32, #tpu.memory_space<vmem>>) dst(%dma_wait3A_1496 : memref<16x32x768xf32, #tpu.memory_space<any>>)
    %dma_wait3A_1501 = arith.constant 17 : i32
    %dma_wait3A_1502 = arith.constant 35 : i32
    %dma_wait3A_1503 = tpu.memref_slice %arg3[%dma_wait3A_1502] : memref<64x!tpu.dma_semaphore, #tpu.memory_space<semaphore_mem>> -> memref<1x!tpu.dma_semaphore, #tpu.memory_space<semaphore_mem>>
    %dma_wait3A_1504 = tpu.memref_squeeze %dma_wait3A_1503 : memref<1x!tpu.dma_semaphore, #tpu.memory_space<semaphore_mem>> -> memref<!tpu.dma_semaphore, #tpu.memory_space<semaphore_mem>>
    %dma_wait3A_1505 = arith.constant 16 : i32
    %dma_wait3A_1506 = arith.constant 0 : i32
    %dma_wait3A_1507 = arith.constant 0 : i32
    %dma_wait3A_1508 = tpu.memref_slice %arg1[%dma_wait3A_1501, %dma_wait3A_1505, %dma_wait3A_1506, %dma_wait3A_1507] : memref<32x32x32x768xf32, #tpu.memory_space<any>> -> memref<1x16x32x768xf32, #tpu.memory_space<any>>
    %dma_wait3A_1509 = tpu.memref_squeeze %dma_wait3A_1508 : memref<1x16x32x768xf32, #tpu.memory_space<any>> -> memref<16x32x768xf32, #tpu.memory_space<any>>
    %dma_wait3A_1510 = arith.constant 16 : i32
    %dma_wait3A_1511 = arith.constant 0 : i32
    %dma_wait3A_1512 = arith.constant 0 : i32
    %dma_wait3A_1513 = tpu.memref_slice %arg2[%dma_wait3A_1510, %dma_wait3A_1511, %dma_wait3A_1512] : memref<32x32x768xf32, #tpu.memory_space<vmem>> -> memref<16x32x768xf32, #tpu.memory_space<vmem>>
    tpu.wait_dma2 semaphore(%dma_wait3A_1504 : memref<!tpu.dma_semaphore, #tpu.memory_space<semaphore_mem>>) src(%dma_wait3A_1513 : memref<16x32x768xf32, #tpu.memory_space<vmem>>) dst(%dma_wait3A_1509 : memref<16x32x768xf32, #tpu.memory_space<any>>)
    %dma_wait3A_1514 = arith.constant 18 : i32
    %dma_wait3A_1515 = arith.constant 37 : i32
    %dma_wait3A_1516 = tpu.memref_slice %arg3[%dma_wait3A_1515] : memref<64x!tpu.dma_semaphore, #tpu.memory_space<semaphore_mem>> -> memref<1x!tpu.dma_semaphore, #tpu.memory_space<semaphore_mem>>
    %dma_wait3A_1517 = tpu.memref_squeeze %dma_wait3A_1516 : memref<1x!tpu.dma_semaphore, #tpu.memory_space<semaphore_mem>> -> memref<!tpu.dma_semaphore, #tpu.memory_space<semaphore_mem>>
    %dma_wait3A_1518 = arith.constant 16 : i32
    %dma_wait3A_1519 = arith.constant 0 : i32
    %dma_wait3A_1520 = arith.constant 0 : i32
    %dma_wait3A_1521 = tpu.memref_slice %arg1[%dma_wait3A_1514, %dma_wait3A_1518, %dma_wait3A_1519, %dma_wait3A_1520] : memref<32x32x32x768xf32, #tpu.memory_space<any>> -> memref<1x16x32x768xf32, #tpu.memory_space<any>>
    %dma_wait3A_1522 = tpu.memref_squeeze %dma_wait3A_1521 : memref<1x16x32x768xf32, #tpu.memory_space<any>> -> memref<16x32x768xf32, #tpu.memory_space<any>>
    %dma_wait3A_1523 = arith.constant 16 : i32
    %dma_wait3A_1524 = arith.constant 0 : i32
    %dma_wait3A_1525 = arith.constant 0 : i32
    %dma_wait3A_1526 = tpu.memref_slice %arg2[%dma_wait3A_1523, %dma_wait3A_1524, %dma_wait3A_1525] : memref<32x32x768xf32, #tpu.memory_space<vmem>> -> memref<16x32x768xf32, #tpu.memory_space<vmem>>
    tpu.wait_dma2 semaphore(%dma_wait3A_1517 : memref<!tpu.dma_semaphore, #tpu.memory_space<semaphore_mem>>) src(%dma_wait3A_1526 : memref<16x32x768xf32, #tpu.memory_space<vmem>>) dst(%dma_wait3A_1522 : memref<16x32x768xf32, #tpu.memory_space<any>>)
    %dma_wait3A_1527 = arith.constant 19 : i32
    %dma_wait3A_1528 = arith.constant 39 : i32
    %dma_wait3A_1529 = tpu.memref_slice %arg3[%dma_wait3A_1528] : memref<64x!tpu.dma_semaphore, #tpu.memory_space<semaphore_mem>> -> memref<1x!tpu.dma_semaphore, #tpu.memory_space<semaphore_mem>>
    %dma_wait3A_1530 = tpu.memref_squeeze %dma_wait3A_1529 : memref<1x!tpu.dma_semaphore, #tpu.memory_space<semaphore_mem>> -> memref<!tpu.dma_semaphore, #tpu.memory_space<semaphore_mem>>
    %dma_wait3A_1531 = arith.constant 16 : i32
    %dma_wait3A_1532 = arith.constant 0 : i32
    %dma_wait3A_1533 = arith.constant 0 : i32
    %dma_wait3A_1534 = tpu.memref_slice %arg1[%dma_wait3A_1527, %dma_wait3A_1531, %dma_wait3A_1532, %dma_wait3A_1533] : memref<32x32x32x768xf32, #tpu.memory_space<any>> -> memref<1x16x32x768xf32, #tpu.memory_space<any>>
    %dma_wait3A_1535 = tpu.memref_squeeze %dma_wait3A_1534 : memref<1x16x32x768xf32, #tpu.memory_space<any>> -> memref<16x32x768xf32, #tpu.memory_space<any>>
    %dma_wait3A_1536 = arith.constant 16 : i32
    %dma_wait3A_1537 = arith.constant 0 : i32
    %dma_wait3A_1538 = arith.constant 0 : i32
    %dma_wait3A_1539 = tpu.memref_slice %arg2[%dma_wait3A_1536, %dma_wait3A_1537, %dma_wait3A_1538] : memref<32x32x768xf32, #tpu.memory_space<vmem>> -> memref<16x32x768xf32, #tpu.memory_space<vmem>>
    tpu.wait_dma2 semaphore(%dma_wait3A_1530 : memref<!tpu.dma_semaphore, #tpu.memory_space<semaphore_mem>>) src(%dma_wait3A_1539 : memref<16x32x768xf32, #tpu.memory_space<vmem>>) dst(%dma_wait3A_1535 : memref<16x32x768xf32, #tpu.memory_space<any>>)
    %dma_wait3A_1540 = arith.constant 20 : i32
    %dma_wait3A_1541 = arith.constant 41 : i32
    %dma_wait3A_1542 = tpu.memref_slice %arg3[%dma_wait3A_1541] : memref<64x!tpu.dma_semaphore, #tpu.memory_space<semaphore_mem>> -> memref<1x!tpu.dma_semaphore, #tpu.memory_space<semaphore_mem>>
    %dma_wait3A_1543 = tpu.memref_squeeze %dma_wait3A_1542 : memref<1x!tpu.dma_semaphore, #tpu.memory_space<semaphore_mem>> -> memref<!tpu.dma_semaphore, #tpu.memory_space<semaphore_mem>>
    %dma_wait3A_1544 = arith.constant 16 : i32
    %dma_wait3A_1545 = arith.constant 0 : i32
    %dma_wait3A_1546 = arith.constant 0 : i32
    %dma_wait3A_1547 = tpu.memref_slice %arg1[%dma_wait3A_1540, %dma_wait3A_1544, %dma_wait3A_1545, %dma_wait3A_1546] : memref<32x32x32x768xf32, #tpu.memory_space<any>> -> memref<1x16x32x768xf32, #tpu.memory_space<any>>
    %dma_wait3A_1548 = tpu.memref_squeeze %dma_wait3A_1547 : memref<1x16x32x768xf32, #tpu.memory_space<any>> -> memref<16x32x768xf32, #tpu.memory_space<any>>
    %dma_wait3A_1549 = arith.constant 16 : i32
    %dma_wait3A_1550 = arith.constant 0 : i32
    %dma_wait3A_1551 = arith.constant 0 : i32
    %dma_wait3A_1552 = tpu.memref_slice %arg2[%dma_wait3A_1549, %dma_wait3A_1550, %dma_wait3A_1551] : memref<32x32x768xf32, #tpu.memory_space<vmem>> -> memref<16x32x768xf32, #tpu.memory_space<vmem>>
    tpu.wait_dma2 semaphore(%dma_wait3A_1543 : memref<!tpu.dma_semaphore, #tpu.memory_space<semaphore_mem>>) src(%dma_wait3A_1552 : memref<16x32x768xf32, #tpu.memory_space<vmem>>) dst(%dma_wait3A_1548 : memref<16x32x768xf32, #tpu.memory_space<any>>)
    %dma_wait3A_1553 = arith.constant 21 : i32
    %dma_wait3A_1554 = arith.constant 43 : i32
    %dma_wait3A_1555 = tpu.memref_slice %arg3[%dma_wait3A_1554] : memref<64x!tpu.dma_semaphore, #tpu.memory_space<semaphore_mem>> -> memref<1x!tpu.dma_semaphore, #tpu.memory_space<semaphore_mem>>
    %dma_wait3A_1556 = tpu.memref_squeeze %dma_wait3A_1555 : memref<1x!tpu.dma_semaphore, #tpu.memory_space<semaphore_mem>> -> memref<!tpu.dma_semaphore, #tpu.memory_space<semaphore_mem>>
    %dma_wait3A_1557 = arith.constant 16 : i32
    %dma_wait3A_1558 = arith.constant 0 : i32
    %dma_wait3A_1559 = arith.constant 0 : i32
    %dma_wait3A_1560 = tpu.memref_slice %arg1[%dma_wait3A_1553, %dma_wait3A_1557, %dma_wait3A_1558, %dma_wait3A_1559] : memref<32x32x32x768xf32, #tpu.memory_space<any>> -> memref<1x16x32x768xf32, #tpu.memory_space<any>>
    %dma_wait3A_1561 = tpu.memref_squeeze %dma_wait3A_1560 : memref<1x16x32x768xf32, #tpu.memory_space<any>> -> memref<16x32x768xf32, #tpu.memory_space<any>>
    %dma_wait3A_1562 = arith.constant 16 : i32
    %dma_wait3A_1563 = arith.constant 0 : i32
    %dma_wait3A_1564 = arith.constant 0 : i32
    %dma_wait3A_1565 = tpu.memref_slice %arg2[%dma_wait3A_1562, %dma_wait3A_1563, %dma_wait3A_1564] : memref<32x32x768xf32, #tpu.memory_space<vmem>> -> memref<16x32x768xf32, #tpu.memory_space<vmem>>
    tpu.wait_dma2 semaphore(%dma_wait3A_1556 : memref<!tpu.dma_semaphore, #tpu.memory_space<semaphore_mem>>) src(%dma_wait3A_1565 : memref<16x32x768xf32, #tpu.memory_space<vmem>>) dst(%dma_wait3A_1561 : memref<16x32x768xf32, #tpu.memory_space<any>>)
    %dma_wait3A_1566 = arith.constant 22 : i32
    %dma_wait3A_1567 = arith.constant 45 : i32
    %dma_wait3A_1568 = tpu.memref_slice %arg3[%dma_wait3A_1567] : memref<64x!tpu.dma_semaphore, #tpu.memory_space<semaphore_mem>> -> memref<1x!tpu.dma_semaphore, #tpu.memory_space<semaphore_mem>>
    %dma_wait3A_1569 = tpu.memref_squeeze %dma_wait3A_1568 : memref<1x!tpu.dma_semaphore, #tpu.memory_space<semaphore_mem>> -> memref<!tpu.dma_semaphore, #tpu.memory_space<semaphore_mem>>
    %dma_wait3A_1570 = arith.constant 16 : i32
    %dma_wait3A_1571 = arith.constant 0 : i32
    %dma_wait3A_1572 = arith.constant 0 : i32
    %dma_wait3A_1573 = tpu.memref_slice %arg1[%dma_wait3A_1566, %dma_wait3A_1570, %dma_wait3A_1571, %dma_wait3A_1572] : memref<32x32x32x768xf32, #tpu.memory_space<any>> -> memref<1x16x32x768xf32, #tpu.memory_space<any>>
    %dma_wait3A_1574 = tpu.memref_squeeze %dma_wait3A_1573 : memref<1x16x32x768xf32, #tpu.memory_space<any>> -> memref<16x32x768xf32, #tpu.memory_space<any>>
    %dma_wait3A_1575 = arith.constant 16 : i32
    %dma_wait3A_1576 = arith.constant 0 : i32
    %dma_wait3A_1577 = arith.constant 0 : i32
    %dma_wait3A_1578 = tpu.memref_slice %arg2[%dma_wait3A_1575, %dma_wait3A_1576, %dma_wait3A_1577] : memref<32x32x768xf32, #tpu.memory_space<vmem>> -> memref<16x32x768xf32, #tpu.memory_space<vmem>>
    tpu.wait_dma2 semaphore(%dma_wait3A_1569 : memref<!tpu.dma_semaphore, #tpu.memory_space<semaphore_mem>>) src(%dma_wait3A_1578 : memref<16x32x768xf32, #tpu.memory_space<vmem>>) dst(%dma_wait3A_1574 : memref<16x32x768xf32, #tpu.memory_space<any>>)
    %dma_wait3A_1579 = arith.constant 23 : i32
    %dma_wait3A_1580 = arith.constant 47 : i32
    %dma_wait3A_1581 = tpu.memref_slice %arg3[%dma_wait3A_1580] : memref<64x!tpu.dma_semaphore, #tpu.memory_space<semaphore_mem>> -> memref<1x!tpu.dma_semaphore, #tpu.memory_space<semaphore_mem>>
    %dma_wait3A_1582 = tpu.memref_squeeze %dma_wait3A_1581 : memref<1x!tpu.dma_semaphore, #tpu.memory_space<semaphore_mem>> -> memref<!tpu.dma_semaphore, #tpu.memory_space<semaphore_mem>>
    %dma_wait3A_1583 = arith.constant 16 : i32
    %dma_wait3A_1584 = arith.constant 0 : i32
    %dma_wait3A_1585 = arith.constant 0 : i32
    %dma_wait3A_1586 = tpu.memref_slice %arg1[%dma_wait3A_1579, %dma_wait3A_1583, %dma_wait3A_1584, %dma_wait3A_1585] : memref<32x32x32x768xf32, #tpu.memory_space<any>> -> memref<1x16x32x768xf32, #tpu.memory_space<any>>
    %dma_wait3A_1587 = tpu.memref_squeeze %dma_wait3A_1586 : memref<1x16x32x768xf32, #tpu.memory_space<any>> -> memref<16x32x768xf32, #tpu.memory_space<any>>
    %dma_wait3A_1588 = arith.constant 16 : i32
    %dma_wait3A_1589 = arith.constant 0 : i32
    %dma_wait3A_1590 = arith.constant 0 : i32
    %dma_wait3A_1591 = tpu.memref_slice %arg2[%dma_wait3A_1588, %dma_wait3A_1589, %dma_wait3A_1590] : memref<32x32x768xf32, #tpu.memory_space<vmem>> -> memref<16x32x768xf32, #tpu.memory_space<vmem>>
    tpu.wait_dma2 semaphore(%dma_wait3A_1582 : memref<!tpu.dma_semaphore, #tpu.memory_space<semaphore_mem>>) src(%dma_wait3A_1591 : memref<16x32x768xf32, #tpu.memory_space<vmem>>) dst(%dma_wait3A_1587 : memref<16x32x768xf32, #tpu.memory_space<any>>)
    %dma_wait3A_1592 = arith.constant 24 : i32
    %dma_wait3A_1593 = arith.constant 49 : i32
    %dma_wait3A_1594 = tpu.memref_slice %arg3[%dma_wait3A_1593] : memref<64x!tpu.dma_semaphore, #tpu.memory_space<semaphore_mem>> -> memref<1x!tpu.dma_semaphore, #tpu.memory_space<semaphore_mem>>
    %dma_wait3A_1595 = tpu.memref_squeeze %dma_wait3A_1594 : memref<1x!tpu.dma_semaphore, #tpu.memory_space<semaphore_mem>> -> memref<!tpu.dma_semaphore, #tpu.memory_space<semaphore_mem>>
    %dma_wait3A_1596 = arith.constant 16 : i32
    %dma_wait3A_1597 = arith.constant 0 : i32
    %dma_wait3A_1598 = arith.constant 0 : i32
    %dma_wait3A_1599 = tpu.memref_slice %arg1[%dma_wait3A_1592, %dma_wait3A_1596, %dma_wait3A_1597, %dma_wait3A_1598] : memref<32x32x32x768xf32, #tpu.memory_space<any>> -> memref<1x16x32x768xf32, #tpu.memory_space<any>>
    %dma_wait3A_1600 = tpu.memref_squeeze %dma_wait3A_1599 : memref<1x16x32x768xf32, #tpu.memory_space<any>> -> memref<16x32x768xf32, #tpu.memory_space<any>>
    %dma_wait3A_1601 = arith.constant 16 : i32
    %dma_wait3A_1602 = arith.constant 0 : i32
    %dma_wait3A_1603 = arith.constant 0 : i32
    %dma_wait3A_1604 = tpu.memref_slice %arg2[%dma_wait3A_1601, %dma_wait3A_1602, %dma_wait3A_1603] : memref<32x32x768xf32, #tpu.memory_space<vmem>> -> memref<16x32x768xf32, #tpu.memory_space<vmem>>
    tpu.wait_dma2 semaphore(%dma_wait3A_1595 : memref<!tpu.dma_semaphore, #tpu.memory_space<semaphore_mem>>) src(%dma_wait3A_1604 : memref<16x32x768xf32, #tpu.memory_space<vmem>>) dst(%dma_wait3A_1600 : memref<16x32x768xf32, #tpu.memory_space<any>>)
    %dma_wait3A_1605 = arith.constant 25 : i32
    %dma_wait3A_1606 = arith.constant 51 : i32
    %dma_wait3A_1607 = tpu.memref_slice %arg3[%dma_wait3A_1606] : memref<64x!tpu.dma_semaphore, #tpu.memory_space<semaphore_mem>> -> memref<1x!tpu.dma_semaphore, #tpu.memory_space<semaphore_mem>>
    %dma_wait3A_1608 = tpu.memref_squeeze %dma_wait3A_1607 : memref<1x!tpu.dma_semaphore, #tpu.memory_space<semaphore_mem>> -> memref<!tpu.dma_semaphore, #tpu.memory_space<semaphore_mem>>
    %dma_wait3A_1609 = arith.constant 16 : i32
    %dma_wait3A_1610 = arith.constant 0 : i32
    %dma_wait3A_1611 = arith.constant 0 : i32
    %dma_wait3A_1612 = tpu.memref_slice %arg1[%dma_wait3A_1605, %dma_wait3A_1609, %dma_wait3A_1610, %dma_wait3A_1611] : memref<32x32x32x768xf32, #tpu.memory_space<any>> -> memref<1x16x32x768xf32, #tpu.memory_space<any>>
    %dma_wait3A_1613 = tpu.memref_squeeze %dma_wait3A_1612 : memref<1x16x32x768xf32, #tpu.memory_space<any>> -> memref<16x32x768xf32, #tpu.memory_space<any>>
    %dma_wait3A_1614 = arith.constant 16 : i32
    %dma_wait3A_1615 = arith.constant 0 : i32
    %dma_wait3A_1616 = arith.constant 0 : i32
    %dma_wait3A_1617 = tpu.memref_slice %arg2[%dma_wait3A_1614, %dma_wait3A_1615, %dma_wait3A_1616] : memref<32x32x768xf32, #tpu.memory_space<vmem>> -> memref<16x32x768xf32, #tpu.memory_space<vmem>>
    tpu.wait_dma2 semaphore(%dma_wait3A_1608 : memref<!tpu.dma_semaphore, #tpu.memory_space<semaphore_mem>>) src(%dma_wait3A_1617 : memref<16x32x768xf32, #tpu.memory_space<vmem>>) dst(%dma_wait3A_1613 : memref<16x32x768xf32, #tpu.memory_space<any>>)
    %dma_wait3A_1618 = arith.constant 26 : i32
    %dma_wait3A_1619 = arith.constant 53 : i32
    %dma_wait3A_1620 = tpu.memref_slice %arg3[%dma_wait3A_1619] : memref<64x!tpu.dma_semaphore, #tpu.memory_space<semaphore_mem>> -> memref<1x!tpu.dma_semaphore, #tpu.memory_space<semaphore_mem>>
    %dma_wait3A_1621 = tpu.memref_squeeze %dma_wait3A_1620 : memref<1x!tpu.dma_semaphore, #tpu.memory_space<semaphore_mem>> -> memref<!tpu.dma_semaphore, #tpu.memory_space<semaphore_mem>>
    %dma_wait3A_1622 = arith.constant 16 : i32
    %dma_wait3A_1623 = arith.constant 0 : i32
    %dma_wait3A_1624 = arith.constant 0 : i32
    %dma_wait3A_1625 = tpu.memref_slice %arg1[%dma_wait3A_1618, %dma_wait3A_1622, %dma_wait3A_1623, %dma_wait3A_1624] : memref<32x32x32x768xf32, #tpu.memory_space<any>> -> memref<1x16x32x768xf32, #tpu.memory_space<any>>
    %dma_wait3A_1626 = tpu.memref_squeeze %dma_wait3A_1625 : memref<1x16x32x768xf32, #tpu.memory_space<any>> -> memref<16x32x768xf32, #tpu.memory_space<any>>
    %dma_wait3A_1627 = arith.constant 16 : i32
    %dma_wait3A_1628 = arith.constant 0 : i32
    %dma_wait3A_1629 = arith.constant 0 : i32
    %dma_wait3A_1630 = tpu.memref_slice %arg2[%dma_wait3A_1627, %dma_wait3A_1628, %dma_wait3A_1629] : memref<32x32x768xf32, #tpu.memory_space<vmem>> -> memref<16x32x768xf32, #tpu.memory_space<vmem>>
    tpu.wait_dma2 semaphore(%dma_wait3A_1621 : memref<!tpu.dma_semaphore, #tpu.memory_space<semaphore_mem>>) src(%dma_wait3A_1630 : memref<16x32x768xf32, #tpu.memory_space<vmem>>) dst(%dma_wait3A_1626 : memref<16x32x768xf32, #tpu.memory_space<any>>)
    %dma_wait3A_1631 = arith.constant 27 : i32
    %dma_wait3A_1632 = arith.constant 55 : i32
    %dma_wait3A_1633 = tpu.memref_slice %arg3[%dma_wait3A_1632] : memref<64x!tpu.dma_semaphore, #tpu.memory_space<semaphore_mem>> -> memref<1x!tpu.dma_semaphore, #tpu.memory_space<semaphore_mem>>
    %dma_wait3A_1634 = tpu.memref_squeeze %dma_wait3A_1633 : memref<1x!tpu.dma_semaphore, #tpu.memory_space<semaphore_mem>> -> memref<!tpu.dma_semaphore, #tpu.memory_space<semaphore_mem>>
    %dma_wait3A_1635 = arith.constant 16 : i32
    %dma_wait3A_1636 = arith.constant 0 : i32
    %dma_wait3A_1637 = arith.constant 0 : i32
    %dma_wait3A_1638 = tpu.memref_slice %arg1[%dma_wait3A_1631, %dma_wait3A_1635, %dma_wait3A_1636, %dma_wait3A_1637] : memref<32x32x32x768xf32, #tpu.memory_space<any>> -> memref<1x16x32x768xf32, #tpu.memory_space<any>>
    %dma_wait3A_1639 = tpu.memref_squeeze %dma_wait3A_1638 : memref<1x16x32x768xf32, #tpu.memory_space<any>> -> memref<16x32x768xf32, #tpu.memory_space<any>>
    %dma_wait3A_1640 = arith.constant 16 : i32
    %dma_wait3A_1641 = arith.constant 0 : i32
    %dma_wait3A_1642 = arith.constant 0 : i32
    %dma_wait3A_1643 = tpu.memref_slice %arg2[%dma_wait3A_1640, %dma_wait3A_1641, %dma_wait3A_1642] : memref<32x32x768xf32, #tpu.memory_space<vmem>> -> memref<16x32x768xf32, #tpu.memory_space<vmem>>
    tpu.wait_dma2 semaphore(%dma_wait3A_1634 : memref<!tpu.dma_semaphore, #tpu.memory_space<semaphore_mem>>) src(%dma_wait3A_1643 : memref<16x32x768xf32, #tpu.memory_space<vmem>>) dst(%dma_wait3A_1639 : memref<16x32x768xf32, #tpu.memory_space<any>>)
    %dma_wait3A_1644 = arith.constant 28 : i32
    %dma_wait3A_1645 = arith.constant 57 : i32
    %dma_wait3A_1646 = tpu.memref_slice %arg3[%dma_wait3A_1645] : memref<64x!tpu.dma_semaphore, #tpu.memory_space<semaphore_mem>> -> memref<1x!tpu.dma_semaphore, #tpu.memory_space<semaphore_mem>>
    %dma_wait3A_1647 = tpu.memref_squeeze %dma_wait3A_1646 : memref<1x!tpu.dma_semaphore, #tpu.memory_space<semaphore_mem>> -> memref<!tpu.dma_semaphore, #tpu.memory_space<semaphore_mem>>
    %dma_wait3A_1648 = arith.constant 16 : i32
    %dma_wait3A_1649 = arith.constant 0 : i32
    %dma_wait3A_1650 = arith.constant 0 : i32
    %dma_wait3A_1651 = tpu.memref_slice %arg1[%dma_wait3A_1644, %dma_wait3A_1648, %dma_wait3A_1649, %dma_wait3A_1650] : memref<32x32x32x768xf32, #tpu.memory_space<any>> -> memref<1x16x32x768xf32, #tpu.memory_space<any>>
    %dma_wait3A_1652 = tpu.memref_squeeze %dma_wait3A_1651 : memref<1x16x32x768xf32, #tpu.memory_space<any>> -> memref<16x32x768xf32, #tpu.memory_space<any>>
    %dma_wait3A_1653 = arith.constant 16 : i32
    %dma_wait3A_1654 = arith.constant 0 : i32
    %dma_wait3A_1655 = arith.constant 0 : i32
    %dma_wait3A_1656 = tpu.memref_slice %arg2[%dma_wait3A_1653, %dma_wait3A_1654, %dma_wait3A_1655] : memref<32x32x768xf32, #tpu.memory_space<vmem>> -> memref<16x32x768xf32, #tpu.memory_space<vmem>>
    tpu.wait_dma2 semaphore(%dma_wait3A_1647 : memref<!tpu.dma_semaphore, #tpu.memory_space<semaphore_mem>>) src(%dma_wait3A_1656 : memref<16x32x768xf32, #tpu.memory_space<vmem>>) dst(%dma_wait3A_1652 : memref<16x32x768xf32, #tpu.memory_space<any>>)
    %dma_wait3A_1657 = arith.constant 29 : i32
    %dma_wait3A_1658 = arith.constant 59 : i32
    %dma_wait3A_1659 = tpu.memref_slice %arg3[%dma_wait3A_1658] : memref<64x!tpu.dma_semaphore, #tpu.memory_space<semaphore_mem>> -> memref<1x!tpu.dma_semaphore, #tpu.memory_space<semaphore_mem>>
    %dma_wait3A_1660 = tpu.memref_squeeze %dma_wait3A_1659 : memref<1x!tpu.dma_semaphore, #tpu.memory_space<semaphore_mem>> -> memref<!tpu.dma_semaphore, #tpu.memory_space<semaphore_mem>>
    %dma_wait3A_1661 = arith.constant 16 : i32
    %dma_wait3A_1662 = arith.constant 0 : i32
    %dma_wait3A_1663 = arith.constant 0 : i32
    %dma_wait3A_1664 = tpu.memref_slice %arg1[%dma_wait3A_1657, %dma_wait3A_1661, %dma_wait3A_1662, %dma_wait3A_1663] : memref<32x32x32x768xf32, #tpu.memory_space<any>> -> memref<1x16x32x768xf32, #tpu.memory_space<any>>
    %dma_wait3A_1665 = tpu.memref_squeeze %dma_wait3A_1664 : memref<1x16x32x768xf32, #tpu.memory_space<any>> -> memref<16x32x768xf32, #tpu.memory_space<any>>
    %dma_wait3A_1666 = arith.constant 16 : i32
    %dma_wait3A_1667 = arith.constant 0 : i32
    %dma_wait3A_1668 = arith.constant 0 : i32
    %dma_wait3A_1669 = tpu.memref_slice %arg2[%dma_wait3A_1666, %dma_wait3A_1667, %dma_wait3A_1668] : memref<32x32x768xf32, #tpu.memory_space<vmem>> -> memref<16x32x768xf32, #tpu.memory_space<vmem>>
    tpu.wait_dma2 semaphore(%dma_wait3A_1660 : memref<!tpu.dma_semaphore, #tpu.memory_space<semaphore_mem>>) src(%dma_wait3A_1669 : memref<16x32x768xf32, #tpu.memory_space<vmem>>) dst(%dma_wait3A_1665 : memref<16x32x768xf32, #tpu.memory_space<any>>)
    %dma_wait3A_1670 = arith.constant 30 : i32
    %dma_wait3A_1671 = arith.constant 61 : i32
    %dma_wait3A_1672 = tpu.memref_slice %arg3[%dma_wait3A_1671] : memref<64x!tpu.dma_semaphore, #tpu.memory_space<semaphore_mem>> -> memref<1x!tpu.dma_semaphore, #tpu.memory_space<semaphore_mem>>
    %dma_wait3A_1673 = tpu.memref_squeeze %dma_wait3A_1672 : memref<1x!tpu.dma_semaphore, #tpu.memory_space<semaphore_mem>> -> memref<!tpu.dma_semaphore, #tpu.memory_space<semaphore_mem>>
    %dma_wait3A_1674 = arith.constant 16 : i32
    %dma_wait3A_1675 = arith.constant 0 : i32
    %dma_wait3A_1676 = arith.constant 0 : i32
    %dma_wait3A_1677 = tpu.memref_slice %arg1[%dma_wait3A_1670, %dma_wait3A_1674, %dma_wait3A_1675, %dma_wait3A_1676] : memref<32x32x32x768xf32, #tpu.memory_space<any>> -> memref<1x16x32x768xf32, #tpu.memory_space<any>>
    %dma_wait3A_1678 = tpu.memref_squeeze %dma_wait3A_1677 : memref<1x16x32x768xf32, #tpu.memory_space<any>> -> memref<16x32x768xf32, #tpu.memory_space<any>>
    %dma_wait3A_1679 = arith.constant 16 : i32
    %dma_wait3A_1680 = arith.constant 0 : i32
    %dma_wait3A_1681 = arith.constant 0 : i32
    %dma_wait3A_1682 = tpu.memref_slice %arg2[%dma_wait3A_1679, %dma_wait3A_1680, %dma_wait3A_1681] : memref<32x32x768xf32, #tpu.memory_space<vmem>> -> memref<16x32x768xf32, #tpu.memory_space<vmem>>
    tpu.wait_dma2 semaphore(%dma_wait3A_1673 : memref<!tpu.dma_semaphore, #tpu.memory_space<semaphore_mem>>) src(%dma_wait3A_1682 : memref<16x32x768xf32, #tpu.memory_space<vmem>>) dst(%dma_wait3A_1678 : memref<16x32x768xf32, #tpu.memory_space<any>>)
    %dma_wait3A_1683 = arith.constant 31 : i32
    %dma_wait3A_1684 = arith.constant 63 : i32
    %dma_wait3A_1685 = tpu.memref_slice %arg3[%dma_wait3A_1684] : memref<64x!tpu.dma_semaphore, #tpu.memory_space<semaphore_mem>> -> memref<1x!tpu.dma_semaphore, #tpu.memory_space<semaphore_mem>>
    %dma_wait3A_1686 = tpu.memref_squeeze %dma_wait3A_1685 : memref<1x!tpu.dma_semaphore, #tpu.memory_space<semaphore_mem>> -> memref<!tpu.dma_semaphore, #tpu.memory_space<semaphore_mem>>
    %dma_wait3A_1687 = arith.constant 16 : i32
    %dma_wait3A_1688 = arith.constant 0 : i32
    %dma_wait3A_1689 = arith.constant 0 : i32
    %dma_wait3A_1690 = tpu.memref_slice %arg1[%dma_wait3A_1683, %dma_wait3A_1687, %dma_wait3A_1688, %dma_wait3A_1689] : memref<32x32x32x768xf32, #tpu.memory_space<any>> -> memref<1x16x32x768xf32, #tpu.memory_space<any>>
    %dma_wait3A_1691 = tpu.memref_squeeze %dma_wait3A_1690 : memref<1x16x32x768xf32, #tpu.memory_space<any>> -> memref<16x32x768xf32, #tpu.memory_space<any>>
    %dma_wait3A_1692 = arith.constant 16 : i32
    %dma_wait3A_1693 = arith.constant 0 : i32
    %dma_wait3A_1694 = arith.constant 0 : i32
    %dma_wait3A_1695 = tpu.memref_slice %arg2[%dma_wait3A_1692, %dma_wait3A_1693, %dma_wait3A_1694] : memref<32x32x768xf32, #tpu.memory_space<vmem>> -> memref<16x32x768xf32, #tpu.memory_space<vmem>>
    tpu.wait_dma2 semaphore(%dma_wait3A_1686 : memref<!tpu.dma_semaphore, #tpu.memory_space<semaphore_mem>>) src(%dma_wait3A_1695 : memref<16x32x768xf32, #tpu.memory_space<vmem>>) dst(%dma_wait3A_1691 : memref<16x32x768xf32, #tpu.memory_space<any>>)
    return
  }
}

</mosaic_0001>

<sc_bundles>
// kernel: kernel.4.cloned.1.call-start
scs
__scs_entry_jumppad:
0x0: {  	(pc) =	sbr.rel $0x88, $3  }
0x1: {  	(tag) =	ssettag $0x0;
	lr =	simm.s32 $0x1  }
0x2: {  	[smem:$0x3F9E] =	sst lr;
	_ =	strace $0xD0000000  }
0x3: {  	_ = 	snop  }
0x4: {  	_ = 	snop  }
0x5: {  	_ = 	snop  }
0x6: {  	_ = 	snop  }
0x7: {  	_ = 	snop  }
__scs_overlays_trampoline_lowered:
0x8: {  	[smem:$0x3FAD] =	sst s0  }
0x9: {  	[smem:$0x3FAE] =	sst s1  }
0xa: {  	[smem:$0x3FAF] =	sst s2  }
0xb: {  	[smem:$0x3FB0] =	sst s3  }
0xc: {  	[smem:$0x3FB1] =	sst s4  }
0xd: {  	[smem:$0x3FB2] =	sst s5  }
0xe: {  	[smem:$0x3FB3] =	sst s6  }
0xf: {  	[smem:$0x3FB4] =	sst s7  }
0x10: {  	[smem:$0x3FB5] =	sst s8  }
0x11: {  	[smem:$0x3FB6] =	sst s9;
	s0 =	simm.s32 @!p0 $0x0  }
0x12: {  	s1 =	sld [smem:$0x3F9C];
	s0 =	simm.s32 @p0 $0x1  }
0x13: {  	[smem:$0x3FB7] =	sst s0;
	s0 =	simm.s32 @!p1 $0x0  }
0x14: {  	s2 =	sld [smem:$0x3F9B];
	s0 =	simm.s32 @p1 $0x1  }
0x15: {  	[smem:$0x3FB8] =	sst s0;
	s0 =	simm.s32 @!p2 $0x0  }
0x16: {  	s3 =	sld [smem:$0x3FDB];
	s0 =	simm.s32 @p2 $0x1  }
0x17: {  	s4 =	simm.s32 $0x1BF5;
	[smem:$0x3FBA] =	sst s0  }
0x18: {  	s0 =	sld [smem:$0x3F9D];
	_ =	swait.ge [sflag:s4], $0x0  }
0x19: {  	s7 =	sld [smem:$0x3F9E]  }
0x1a: {  	s8 =	sadd.s32 $0xFFFFE003, lr  }
0x1b: {  	s9 =	sadd.s32 $0xFFFFFEF7, lr;
	s5 =	simm.s32 $0xFFFFFFFF;
	p2 =	slt.u32 s8, $0xFFFFF086  }
0x1c: {  	p1 =	slt.u32 s9, $0xF7A;
	s5 =	simm.s32 @!p2 $0x0  }
0x1d: {  	s5 =	simm.s32 @p1 $0x1;
	p0 =	seq.s32 s7, s2  }
0x1e: {  	s7 =	smul.u32 @!p0 $0xF7A, s2;
	p2 =	seq.s32 @!p0 s5, $0x0  }
0x1f: {  	s9 =	smul.u32 $0xF7A, s1;
	s8 =	simm.s32 @!p0 $0x1BF5;
	p2 =	por !p2, p0  }
0x20: {  	[sflag:s8] =	ssyncset.s32 @!p0 $0xFFFFF086;
	s6 =	sadd.s32 @!p0 s3, s7;
	s7 =	simm.s32 @!p0 $0x108  }
0x21: {  	s3 =	sadd.s32 s3, s9;
	s6 =	sadd.s32 @!p0 $0x88, s6;
	s7 =	simm.s32 @p2 $0x1082  }
0x22: {  	[simem:s7], [sflag:s8] =	dma.local @!p0 [hbm:s6], $0xF7A  }
0x23: {  	s9 =	sor.u32 $0xD0000000, s2;
	s6 =	simm.s32 $0x108;
	_ =	swait.ge @!p0 [sflag:s8], $0x0  }
0x24: {  	s3 =	sadd.s32 $0x88, s3;
	s6 =	simm.s32 @!p1 $0x1082;
	[sflag:s4] =	ssyncset.s32 $0xFFFFF086  }
0x25: {  	[simem:s6], [sflag:s4] =	dma.local [hbm:s3], $0xF7A  }
0x26: {  	[smem:$0x3F9E] =	sst s1;
	(tag) =	ssettag s2;
	_ =	strace s9  }
0x27: {  	s1 =	sld [smem:$0x3FAE]  }
0x28: {  	s2 =	sld [smem:$0x3FAF]  }
0x29: {  	s4 =	sld [smem:$0x3FB1]  }
0x2a: {  	p0 =	seq.s32 s5, $0x0;
	s5 =	sld [smem:$0x3FB2]  }
0x2b: {  	s6 =	sld [smem:$0x3FB3]  }
0x2c: {  	s7 =	sld [smem:$0x3FB4]  }
0x2d: {  	s3 =	simm.s32 $0x108;
	s8 =	sld [smem:$0x3FB5]  }
0x2e: {  	s3 =	simm.s32 @!p0 $0x1082;
	s9 =	sld [smem:$0x3FB6]  }
0x2f: {  	lr =	sadd.s32 s0, s3;
	s0 =	sld [smem:$0x3FAD]  }
0x30: {  	s3 =	sld [smem:$0x3FB0]  }
0x31: {  	[smem:$0x3FB9] =	sst s10  }
0x32: {  	s10 =	sld [smem:$0x3FB7];
	_ =	sdelay $0x3  }
0x33: {  	p0 =	seq.s32 s10, $0x1;
	s10 =	sld [smem:$0x3FB9];
	_ =	sdelay $0x3  }
0x34: {  	[smem:$0x3FB9] =	sst s10  }
0x35: {  	s10 =	sld [smem:$0x3FB8];
	_ =	sdelay $0x3  }
0x36: {  	p1 =	seq.s32 s10, $0x1;
	s10 =	sld [smem:$0x3FB9];
	_ =	sdelay $0x3  }
0x37: {  	[smem:$0x3FB9] =	sst s10  }
0x38: {  	s10 =	sld [smem:$0x3FBA]  }
0x39: {  	_ = 	snop;
	(pc) =	sbr.ind lr, $3  }
0x3a: {  	_ = 	snop  }
0x3b: {  	_ = 	snop  }
0x3c: {  	p2 =	seq.s32 s10, $0x1;
	s10 =	sld [smem:$0x3FB9]  }
0x3d: {  	_ =	shalt  }
0x3e: {  	_ =	shalt  }
0x3f: {  	_ =	shalt  }
0x40: {  	_ =	shalt  }
0x41: {  	_ =	shalt  }
0x42: {  	_ =	shalt  }
0x43: {  	_ =	shalt  }
0x44: {  	_ =	shalt  }
0x45: {  	_ =	shalt  }
0x46: {  	_ =	shalt  }
0x47: {  	_ =	shalt  }
0x48: {  	_ =	shalt  }
0x49: {  	_ =	shalt  }
0x4a: {  	_ =	shalt  }
0x4b: {  	_ =	shalt  }
0x4c: {  	_ =	shalt  }
0x4d: {  	_ =	shalt  }
0x4e: {  	_ =	shalt  }
0x4f: {  	_ =	shalt  }
0x50: {  	_ =	shalt  }
0x51: {  	_ =	shalt  }
0x52: {  	_ =	shalt  }
0x53: {  	_ =	shalt  }
0x54: {  	_ =	shalt  }
0x55: {  	_ =	shalt  }
0x56: {  	_ =	shalt  }
0x57: {  	_ =	shalt  }
0x58: {  	_ =	shalt  }
0x59: {  	_ =	shalt  }
0x5a: {  	_ =	shalt  }
0x5b: {  	_ =	shalt  }
0x5c: {  	_ =	shalt  }
0x5d: {  	_ =	shalt  }
0x5e: {  	_ =	shalt  }
0x5f: {  	_ =	shalt  }
0x60: {  	_ =	shalt  }
0x61: {  	_ =	shalt  }
0x62: {  	_ =	shalt  }
0x63: {  	_ =	shalt  }
0x64: {  	_ =	shalt  }
0x65: {  	_ =	shalt  }
0x66: {  	_ =	shalt  }
0x67: {  	_ =	shalt  }
0x68: {  	_ =	shalt  }
0x69: {  	_ =	shalt  }
0x6a: {  	_ =	shalt  }
0x6b: {  	_ =	shalt  }
0x6c: {  	_ =	shalt  }
0x6d: {  	_ =	shalt  }
0x6e: {  	_ =	shalt  }
0x6f: {  	_ =	shalt  }
0x70: {  	_ =	shalt  }
0x71: {  	_ =	shalt  }
0x72: {  	_ =	shalt  }
0x73: {  	_ =	shalt  }
0x74: {  	_ =	shalt  }
0x75: {  	_ =	shalt  }
0x76: {  	_ =	shalt  }
0x77: {  	_ =	shalt  }
0x78: {  	_ =	shalt  }
0x79: {  	_ =	shalt  }
0x7a: {  	_ =	shalt  }
0x7b: {  	_ =	shalt  }
0x7c: {  	_ =	shalt  }
0x7d: {  	_ =	shalt  }
0x7e: {  	_ =	shalt  }
0x7f: {  	_ =	shalt  }
0x80: {  	_ =	shalt  }
0x81: {  	_ =	shalt  }
0x82: {  	_ =	shalt  }
0x83: {  	_ =	shalt  }
0x84: {  	_ =	shalt  }
0x85: {  	_ =	shalt  }
0x86: {  	_ =	shalt  }
0x87: {  	_ =	shalt  }
.Lfunc_end0:
.L_simem_size_0:
called_computation_lowered:
.L_overlay_start_0:
0x88: {  	s0 =	sld [smem:$0x3FD9]  }
0x89: {  	s1 =	sld [smem:$0x3FFE];
	_ =	sdelay $0x3  }
0x8a: {  	s0 =	sadd.s32 s1, s0  }
0x8b: {  	[smem:$0x3FC5] =	sst s0  }
0x8c: {  	_ = 	snop  }
0x8d: {  	s0 =	sld [smem:$0x3FC9]  }
0x8e: {  	s16 =	sld [smem:$0x3FC8]  }
0x8f: {  	s2 =	sld [smem:$0x3FD0];
	(tm) =	ssettm $0x1  }
0x90: {  	s3 =	sld [smem:$0x3FFB];
	_ =	sdelay $0x3  }
0x91: {  	_ =	strace s3  }
0x92: {  	s3 =	sld [smem:$0x3FFC];
	_ =	sdelay $0x3  }
0x93: {  	_ =	strace s3  }
0x94: {  	s3 =	sld [smem:$0x3FFD];
	_ =	sdelay $0x3  }
0x95: {  	_ =	strace s3  }
0x96: {  	_ =	strace $0x8FFFFFFF  }
0x97: {  	s17 =	sld [smem:$0x3FDB];
	_ =	sdelay $0x1  }
0x98: {  	s4 =	simm.s32 $_scs_section_size  }
0x99: {  	s5 =	simm.s32 $_size__tile_overlayer_lowered;
	s6 =	simm.s32 $_tile_overlayer_lowered  }
0x9a: {  	s20 =	simm.s32 $0x1BFF;
	s19 =	sshll.u32 s6, $0x1;
	s3 =	sadd.s32 s4, s17  }
0x9b: {  	s7 =	simm.s32 $0x0;
	s18 =	sshll.u32 s5, $0x1;
	s5 =	sadd.s32 s19, s3  }
0x9c: {  	[timem:s7], [sflag:s20] =	dma.local [hbm:s5], s18  }
0x9d: {  	_ =	swait.ge [sflag:s20], s18  }
0x9e: {  	s4 =	ssub.s32 $0x0, s18;
	[sflag:s20] =	ssyncset.done $0x0  }
0x9f: {  	[sflag:s20] =	ssyncadd.s32 s4;
	_ =	sdelay $0x1  }
0xa0: {  	s21 =	simm.s32 $0x1B8B  }
0xa1: {  	_ =	swait.ge [sflag:s21], $0x1  }
0xa2: {  	[sflag:s21] =	ssyncset.done $0x0  }
0xa3: {  	s23 =	simm.s32 $0x1B8E;
	s22 =	sld [smem:$0x3FFE];
	[sflag:s21] =	ssyncadd.s32 $0xFFFFFFFF  }
0xa4: {  	s24 =	simm.s32 $execute0_lowered;
	[smem:$0x3FD2] =	sst s23  }
0xa5: {  	s5 =	sshll.u32 s24, $0x1;
	_ =	strace $0x80000046;
	[dreg:$0x1] =	wrdreg $0xFFFFFFFF  }
0xa6: {  	s25 =	simm.s32 $_size_execute0_lowered;
	s3 =	sadd.s32 s3, s5;
	[dreg:$0x0] =	wrdreg $0x0  }
0xa7: {  	s5 =	sshll.u32 s25, $0x1;
	[dreg:$0x2] =	wrdreg s3  }
0xa8: {  	[dreg:$0x3] =	wrdreg s5  }
0xa9: {  	[dreg:$0x4] =	wrdreg $0xC0  }
0xaa: {  	_ =	task [dreg:s7], $0x5FFFF  }
0xab: {  	[dreg:$0x1] =	wrdreg $0xFFFFFFFF  }
0xac: {  	[dreg:$0x0] =	wrdreg $0x60  }
0xad: {  	[dreg:$0x2] =	wrdreg s22  }
0xae: {  	[dreg:$0x3] =	wrdreg s0  }
0xaf: {  	[dreg:$0x4] =	wrdreg s16  }
0xb0: {  	[dreg:$0x5] =	wrdreg s2  }
0xb1: {  	[dreg:$0x6] =	wrdreg $0x9  }
0xb2: {  	_ =	task.clear_ibuf [dreg:s7], $0x7FFFF;
	_ =	strace $0x90000046  }
0xb3: {  	s26 =	simm.s32 $0x9;
	_ =	strace $0x80000048  }
0xb4: {  	_ =	swait.ge [sflag:s26], $0x1  }
0xb5: {  	[sflag:s26] =	ssyncadd.s32 $0xFFFFFFFF  }
0xb6: {  	_ =	strace $0x90000048  }
0xb7: {  	_ =	sfence  }
0xb8: {  	s28 =	sld [smem:$0x0];
	_ =	sdelay $0x1  }
0xb9: {  	s29 =	srdreg.scid  }
0xba: {  	s30 =	sshll.u32 s29, $0xD;
	s31 =	sshrl.u32 s29, $0x2  }
0xbb: {  	s1 =	sand.u32 $0x1, s29;
	s2 =	sand.u32 $0x4000, s30;
	s0 =	sadd.s32 s31, s28  }
0xbc: {  	s1 =	sor.u32 s2, s1;
	s0 =	sshll.u32 s0, $0x11  }
0xbd: {  	s0 =	sor.u32 s0, s1  }
0xbe: {  	s0 =	sadd.s32 $0x8F2B, s0  }
0xbf: {  	[sflag:s0] =	ssyncadd.remote.s32 $0x1  }
0xc0: {  	_ =	sfence.sel $0xFFFF  }
0xc1: {  	[dreg:$0x0] =	wrdreg $0xFFFFFFFF;
	(pc) =	sbr.abs _section_cstart, $3  }
0xc2: {  	[dreg:$0x1] =	wrdreg $0xFFFFFFFF  }
0xc3: {  	_ =	task.clear_ibuf [dreg:s7], $0x2FFFF;
	_ =	strace $0x9FFFFFFF  }
0xc4: {  	(tm) =	ssettm $0x7FFFFFFF  }
0xc5: {  	_ =	shalt  }
tec
execute0_lowered:
.L_overlay_start_1:
0x0: {  	(tag) =	ssettag $0x1  }
0x1: {  	s5 =	rddreg [dreg:$0x0]  }
0x2: {  	s6 =	rddreg [dreg:$0x1]  }
0x3: {  	s9 =	rddreg [dreg:$0x2]  }
0x4: {  	s0 =	stileid.u32;
	s3 =	rddreg [dreg:$0x3]  }
0x5: {  	s2 =	simm.s32 $0x0;
	s1 =	sshrl.u32 s0, $0x2;
	s7 =	sshll.u32 s0, $0x8  }
0x6: {  	[smem:$0x7FF] =	sst s2;
	s22 =	sadd.s32 $0x600, s5;
	s4 =	smul.u32 $0xC00, s1  }
0x7: {  	s1 =	rddreg [dreg:$0x4];
	s7 =	sand.u32 $0x300, s7;
	_ =	strace $0x80000047  }
0x8: {  	[tilespmem:s2], [sflag:$0x1] =	stream.linear.gather [hbm4b:s22+s2], $0x80, $0x38;
	[tilespmem:$0x680] =	vst v63  }
0x9: {  	s4 =	sor.u32 s7, s4  }
0xa: {  	s23 =	sshrl.u32 s4, $0x3  }
0xb: {  	s24 =	simm.s32 $0x80;
	s6 =	sadd.s32 s6, s23  }
0xc: {  	[tilespmem:s24], [sflag:$0x1] =	stream.linear.gather [hbm4b:s6+s2], $0x100, $0x38;
	[tilespmem:$0x680] =	vst v63  }
0xd: {  	s8 =	simm.s32 $0x280;
	s10 =	sadd.s32 $0x80, s6  }
0xe: {  	[tilespmem:s8], [sflag:$0x1] =	stream.linear.gather [hbm4b:s10+s2], $0x100, $0x38;
	[tilespmem:$0x680] =	vst v63  }
0xf: {  	s25 =	simm.s32 $0x480;
	s6 =	sadd.s32 $0x100, s6  }
0x10: {  	[tilespmem:s25], [sflag:$0x1] =	stream.linear.gather [hbm4b:s6+s2], $0x100, $0x38;
	[tilespmem:$0x680] =	vst v63  }
0x11: {  	s28 =	simm.s32 $0x180;
	s26 =	sadd.s32 s9, s23  }
0x12: {  	[tilespmem:s28], [sflag:$0x1] =	stream.linear.gather [hbm4b:s26+s2], $0x100, $0x38;
	[tilespmem:$0x680] =	vst v63  }
0x13: {  	s11 =	simm.s32 $0x380;
	s12 =	sadd.s32 $0x80, s26  }
0x14: {  	[tilespmem:s11], [sflag:$0x1] =	stream.linear.gather [hbm4b:s12+s2], $0x100, $0x38;
	[tilespmem:$0x680] =	vst v63  }
0x15: {  	s29 =	simm.s32 $0x580;
	s30 =	simm.s32 $0x1;
	s6 =	sadd.s32 $0x100, s26  }
0x16: {  	[tilespmem:s29], [sflag:$0x1] =	stream.linear.gather [hbm4b:s6+s2], $0x100, $0x38;
	[tilespmem:$0x680] =	vst v63  }
0x17: {  	_ =	swait.ge [sflag:s30], $0x80  }
0x18: {  	[sflag:s30] =	ssyncset.done $0x0  }
0x19: {  	[sflag:s30] =	ssyncadd.s32 $0xFFFFFF80  }
0x1a: {  	_ =	swait.ge [sflag:s30], $0x300  }
0x1b: {  	[sflag:s30] =	ssyncset.done $0x0  }
0x1c: {  	[sflag:s30] =	ssyncadd.s32 $0xFFFFFD00  }
0x1d: {  	_ =	swait.ge [sflag:s30], $0x300  }
0x1e: {  	[sflag:s30] =	ssyncset.done $0x0  }
0x1f: {  	[sflag:s30] =	ssyncadd.s32 $0xFFFFFD00  }
0x20: {  	v0 =	vld [tilespmem:$0x0]  }
0x21: {  	v1 =	vld [tilespmem:$0x80]  }
0x22: {  	v2 =	vld [tilespmem:$0x90]  }
0x23: {  	v3 =	vld [tilespmem:$0xA0]  }
0x24: {  	v4 =	vld [tilespmem:$0xB0]  }
0x25: {  	v5 =	vld [tilespmem:$0xC0]  }
0x26: {  	v6 =	vld [tilespmem:$0xD0];
	v1 =	vmul.f32 v1, v0  }
0x27: {  	v7 =	vld [tilespmem:$0xE0];
	v2 =	vmul.f32 v2, v0  }
0x28: {  	v48 =	vld [tilespmem:$0xF0];
	v47 =	vmul.f32 v3, v0;
	[tilespmem:$0x80] =	vst v1  }
0x29: {  	v50 =	vld [tilespmem:$0x280];
	v49 =	vmul.f32 v4, v0;
	[tilespmem:$0x90] =	vst v2  }
0x2a: {  	v52 =	vld [tilespmem:$0x290];
	v51 =	vmul.f32 v5, v0;
	[tilespmem:$0xA0] =	vst v47  }
0x2b: {  	v54 =	vld [tilespmem:$0x2A0];
	v53 =	vmul.f32 v6, v0;
	[tilespmem:$0xB0] =	vst v49  }
0x2c: {  	v56 =	vld [tilespmem:$0x2B0];
	v55 =	vmul.f32 v7, v0;
	[tilespmem:$0xC0] =	vst v51  }
0x2d: {  	v58 =	vld [tilespmem:$0x2C0];
	v57 =	vmul.f32 v48, v0;
	[tilespmem:$0xD0] =	vst v53  }
0x2e: {  	v60 =	vld [tilespmem:$0x2D0];
	v59 =	vmul.f32 v50, v0;
	[tilespmem:$0xE0] =	vst v55  }
0x2f: {  	v62 =	vld [tilespmem:$0x2E0];
	v61 =	vmul.f32 v52, v0;
	[tilespmem:$0xF0] =	vst v57  }
0x30: {  	v9 =	vld [tilespmem:$0x2F0];
	v63 =	vmul.f32 v54, v0;
	[tilespmem:$0x280] =	vst v59  }
0x31: {  	v11 =	vld [tilespmem:$0x480];
	v10 =	vmul.f32 v56, v0;
	[tilespmem:$0x290] =	vst v61  }
0x32: {  	v13 =	vld [tilespmem:$0x490];
	v12 =	vmul.f32 v58, v0;
	[tilespmem:$0x2A0] =	vst v63  }
0x33: {  	v15 =	vld [tilespmem:$0x4A0];
	v14 =	vmul.f32 v60, v0;
	[tilespmem:$0x2B0] =	vst v10  }
0x34: {  	v17 =	vld [tilespmem:$0x4B0];
	v16 =	vmul.f32 v62, v0;
	[tilespmem:$0x2C0] =	vst v12  }
0x35: {  	v19 =	vld [tilespmem:$0x4C0];
	v18 =	vmul.f32 v9, v0;
	[tilespmem:$0x2D0] =	vst v14  }
0x36: {  	v21 =	vld [tilespmem:$0x4D0];
	v20 =	vmul.f32 v11, v0;
	[tilespmem:$0x2E0] =	vst v16  }
0x37: {  	v23 =	vld [tilespmem:$0x4E0];
	v22 =	vmul.f32 v13, v0;
	[tilespmem:$0x2F0] =	vst v18  }
0x38: {  	v25 =	vld [tilespmem:$0x4F0];
	v24 =	vmul.f32 v15, v0;
	[tilespmem:$0x480] =	vst v20  }
0x39: {  	v27 =	vld [tilespmem:$0x100];
	v26 =	vmul.f32 v17, v0;
	[tilespmem:$0x490] =	vst v22  }
0x3a: {  	v29 =	vld [tilespmem:$0x110];
	v28 =	vmul.f32 v19, v0;
	[tilespmem:$0x4A0] =	vst v24  }
0x3b: {  	v31 =	vld [tilespmem:$0x120];
	v30 =	vmul.f32 v21, v0;
	[tilespmem:$0x4B0] =	vst v26  }
0x3c: {  	v33 =	vld [tilespmem:$0x130];
	v32 =	vmul.f32 v23, v0;
	[tilespmem:$0x4C0] =	vst v28  }
0x3d: {  	v35 =	vld [tilespmem:$0x140];
	v34 =	vmul.f32 v25, v0;
	[tilespmem:$0x4D0] =	vst v30  }
0x3e: {  	v37 =	vld [tilespmem:$0x150];
	v36 =	vmul.f32 v27, v0;
	[tilespmem:$0x4E0] =	vst v32  }
0x3f: {  	v39 =	vld [tilespmem:$0x160];
	v38 =	vmul.f32 v29, v0;
	[tilespmem:$0x4F0] =	vst v34  }
0x40: {  	v41 =	vld [tilespmem:$0x170];
	v40 =	vmul.f32 v31, v0;
	[tilespmem:$0x100] =	vst v36  }
0x41: {  	v43 =	vld [tilespmem:$0x300];
	v42 =	vmul.f32 v33, v0;
	[tilespmem:$0x110] =	vst v38  }
0x42: {  	v45 =	vld [tilespmem:$0x310];
	v44 =	vmul.f32 v35, v0;
	[tilespmem:$0x120] =	vst v40  }
0x43: {  	v46 =	vmul.f32 v37, v0;
	[tilespmem:$0x130] =	vst v42;
	v47 =	vld [tilespmem:$0x320]  }
0x44: {  	v48 =	vmul.f32 v39, v0;
	[tilespmem:$0x140] =	vst v44;
	v49 =	vld [tilespmem:$0x330]  }
0x45: {  	v50 =	vmul.f32 v41, v0;
	[tilespmem:$0x150] =	vst v46;
	v51 =	vld [tilespmem:$0x340]  }
0x46: {  	v52 =	vmul.f32 v43, v0;
	[tilespmem:$0x160] =	vst v48;
	v53 =	vld [tilespmem:$0x350]  }
0x47: {  	v54 =	vmul.f32 v45, v0;
	[tilespmem:$0x170] =	vst v50;
	v55 =	vld [tilespmem:$0x360]  }
0x48: {  	[tilespmem:$0x300] =	vst v52;
	v57 =	vld [tilespmem:$0x370];
	v56 =	vmul.f32 v47, v0  }
0x49: {  	[tilespmem:$0x310] =	vst v54;
	v59 =	vld [tilespmem:$0x500];
	v58 =	vmul.f32 v49, v0  }
0x4a: {  	v61 =	vld [tilespmem:$0x510];
	v60 =	vmul.f32 v51, v0;
	[tilespmem:$0x320] =	vst v56  }
0x4b: {  	v63 =	vld [tilespmem:$0x520];
	v62 =	vmul.f32 v53, v0;
	[tilespmem:$0x330] =	vst v58  }
0x4c: {  	v10 =	vld [tilespmem:$0x530];
	v9 =	vmul.f32 v55, v0;
	[tilespmem:$0x340] =	vst v60  }
0x4d: {  	v12 =	vld [tilespmem:$0x540];
	v11 =	vmul.f32 v57, v0;
	[tilespmem:$0x350] =	vst v62  }
0x4e: {  	v14 =	vld [tilespmem:$0x550];
	v13 =	vmul.f32 v59, v0;
	[tilespmem:$0x360] =	vst v9  }
0x4f: {  	v16 =	vld [tilespmem:$0x560];
	v15 =	vmul.f32 v61, v0;
	[tilespmem:$0x370] =	vst v11  }
0x50: {  	v18 =	vld [tilespmem:$0x570];
	v17 =	vmul.f32 v63, v0;
	[tilespmem:$0x500] =	vst v13  }
0x51: {  	v20 =	vld [tilespmem:$0x180];
	v19 =	vmul.f32 v10, v0;
	[tilespmem:$0x510] =	vst v15  }
0x52: {  	v22 =	vld [tilespmem:$0x190];
	v21 =	vmul.f32 v12, v0;
	[tilespmem:$0x520] =	vst v17  }
0x53: {  	v24 =	vld [tilespmem:$0x1A0];
	v23 =	vmul.f32 v14, v0;
	[tilespmem:$0x530] =	vst v19  }
0x54: {  	v26 =	vld [tilespmem:$0x1B0];
	v25 =	vmul.f32 v16, v0;
	[tilespmem:$0x540] =	vst v21  }
0x55: {  	v28 =	vld [tilespmem:$0x1C0];
	v27 =	vmul.f32 v18, v0;
	[tilespmem:$0x550] =	vst v23  }
0x56: {  	v30 =	vld [tilespmem:$0x1D0];
	v29 =	vmul.f32 v20, v0;
	[tilespmem:$0x560] =	vst v25  }
0x57: {  	v32 =	vld [tilespmem:$0x1E0];
	v31 =	vmul.f32 v22, v0;
	[tilespmem:$0x570] =	vst v27  }
0x58: {  	v34 =	vld [tilespmem:$0x1F0];
	v33 =	vmul.f32 v24, v0;
	[tilespmem:$0x180] =	vst v29  }
0x59: {  	v36 =	vld [tilespmem:$0x380];
	v35 =	vmul.f32 v26, v0;
	[tilespmem:$0x190] =	vst v31  }
0x5a: {  	v38 =	vld [tilespmem:$0x390];
	v37 =	vmul.f32 v28, v0;
	[tilespmem:$0x1A0] =	vst v33  }
0x5b: {  	v40 =	vld [tilespmem:$0x3A0];
	v39 =	vmul.f32 v30, v0;
	[tilespmem:$0x1B0] =	vst v35  }
0x5c: {  	v42 =	vld [tilespmem:$0x3B0];
	v41 =	vmul.f32 v32, v0;
	[tilespmem:$0x1C0] =	vst v37  }
0x5d: {  	v44 =	vld [tilespmem:$0x3C0];
	v43 =	vmul.f32 v34, v0;
	[tilespmem:$0x1D0] =	vst v39  }
0x5e: {  	v46 =	vld [tilespmem:$0x3D0];
	v45 =	vmul.f32 v36, v0;
	[tilespmem:$0x1E0] =	vst v41  }
0x5f: {  	v48 =	vld [tilespmem:$0x3E0];
	v47 =	vmul.f32 v38, v0;
	[tilespmem:$0x1F0] =	vst v43  }
0x60: {  	v50 =	vld [tilespmem:$0x3F0];
	v49 =	vmul.f32 v40, v0;
	[tilespmem:$0x380] =	vst v45  }
0x61: {  	v52 =	vld [tilespmem:$0x580];
	v51 =	vmul.f32 v42, v0;
	[tilespmem:$0x390] =	vst v47  }
0x62: {  	v54 =	vld [tilespmem:$0x590];
	v53 =	vmul.f32 v44, v0;
	[tilespmem:$0x3A0] =	vst v49  }
0x63: {  	v55 =	vmul.f32 v46, v0;
	[tilespmem:$0x3B0] =	vst v51;
	v56 =	vld [tilespmem:$0x5A0]  }
0x64: {  	v57 =	vmul.f32 v48, v0;
	[tilespmem:$0x3C0] =	vst v53;
	v58 =	vld [tilespmem:$0x5B0]  }
0x65: {  	v59 =	vmul.f32 v50, v0;
	[tilespmem:$0x3D0] =	vst v55;
	v60 =	vld [tilespmem:$0x5C0]  }
0x66: {  	v61 =	vmul.f32 v52, v0;
	[tilespmem:$0x3E0] =	vst v57;
	v62 =	vld [tilespmem:$0x5D0]  }
0x67: {  	v63 =	vmul.f32 v54, v0;
	[tilespmem:$0x3F0] =	vst v59;
	v9 =	vld [tilespmem:$0x5E0]  }
0x68: {  	[tilespmem:$0x580] =	vst v61;
	v11 =	vld [tilespmem:$0x5F0];
	v10 =	vmul.f32 v56, v0  }
0x69: {  	[tilespmem:$0x590] =	vst v63;
	v13 =	vld [tilespmem:$0x200];
	v12 =	vmul.f32 v58, v0  }
0x6a: {  	v15 =	vld [tilespmem:$0x210];
	v14 =	vmul.f32 v60, v0;
	[tilespmem:$0x5A0] =	vst v10  }
0x6b: {  	v17 =	vld [tilespmem:$0x220];
	v16 =	vmul.f32 v62, v0;
	[tilespmem:$0x5B0] =	vst v12  }
0x6c: {  	v19 =	vld [tilespmem:$0x230];
	v18 =	vmul.f32 v9, v0;
	[tilespmem:$0x5C0] =	vst v14  }
0x6d: {  	v21 =	vld [tilespmem:$0x240];
	v20 =	vmul.f32 v11, v0;
	[tilespmem:$0x5D0] =	vst v16  }
0x6e: {  	v23 =	vld [tilespmem:$0x250];
	v22 =	vmul.f32 v13, v0;
	[tilespmem:$0x5E0] =	vst v18  }
0x6f: {  	v25 =	vld [tilespmem:$0x260];
	v24 =	vmul.f32 v15, v0;
	[tilespmem:$0x5F0] =	vst v20  }
0x70: {  	v27 =	vld [tilespmem:$0x270];
	v26 =	vmul.f32 v17, v0;
	[tilespmem:$0x200] =	vst v22  }
0x71: {  	v29 =	vld [tilespmem:$0x400];
	v28 =	vmul.f32 v19, v0;
	[tilespmem:$0x210] =	vst v24  }
0x72: {  	v31 =	vld [tilespmem:$0x410];
	v30 =	vmul.f32 v21, v0;
	[tilespmem:$0x220] =	vst v26  }
0x73: {  	v33 =	vld [tilespmem:$0x420];
	v32 =	vmul.f32 v23, v0;
	[tilespmem:$0x230] =	vst v28  }
0x74: {  	v35 =	vld [tilespmem:$0x430];
	v34 =	vmul.f32 v25, v0;
	[tilespmem:$0x240] =	vst v30  }
0x75: {  	v37 =	vld [tilespmem:$0x440];
	v36 =	vmul.f32 v27, v0;
	[tilespmem:$0x250] =	vst v32  }
0x76: {  	v39 =	vld [tilespmem:$0x450];
	v38 =	vmul.f32 v29, v0;
	[tilespmem:$0x260] =	vst v34  }
0x77: {  	v41 =	vld [tilespmem:$0x460];
	v40 =	vmul.f32 v31, v0;
	[tilespmem:$0x270] =	vst v36  }
0x78: {  	v43 =	vld [tilespmem:$0x470];
	v42 =	vmul.f32 v33, v0;
	[tilespmem:$0x400] =	vst v38  }
0x79: {  	v45 =	vld [tilespmem:$0x600];
	v44 =	vmul.f32 v35, v0;
	[tilespmem:$0x410] =	vst v40  }
0x7a: {  	v47 =	vld [tilespmem:$0x610];
	v46 =	vmul.f32 v37, v0;
	[tilespmem:$0x420] =	vst v42  }
0x7b: {  	v49 =	vld [tilespmem:$0x620];
	v48 =	vmul.f32 v39, v0;
	[tilespmem:$0x430] =	vst v44  }
0x7c: {  	v51 =	vld [tilespmem:$0x630];
	v50 =	vmul.f32 v41, v0;
	[tilespmem:$0x440] =	vst v46  }
0x7d: {  	v53 =	vld [tilespmem:$0x640];
	v52 =	vmul.f32 v43, v0;
	[tilespmem:$0x450] =	vst v48  }
0x7e: {  	v55 =	vld [tilespmem:$0x650];
	v54 =	vmul.f32 v45, v0;
	[tilespmem:$0x460] =	vst v50  }
0x7f: {  	v57 =	vld [tilespmem:$0x660];
	v56 =	vmul.f32 v47, v0;
	[tilespmem:$0x470] =	vst v52  }
0x80: {  	v59 =	vld [tilespmem:$0x670];
	v58 =	vmul.f32 v49, v0;
	[tilespmem:$0x600] =	vst v54  }
0x81: {  	v60 =	vmul.f32 v51, v0;
	[tilespmem:$0x610] =	vst v56  }
0x82: {  	v61 =	vmul.f32 v53, v0;
	[tilespmem:$0x620] =	vst v58  }
0x83: {  	v62 =	vmul.f32 v55, v0;
	[tilespmem:$0x630] =	vst v60  }
0x84: {  	v63 =	vmul.f32 v57, v0;
	[tilespmem:$0x640] =	vst v61  }
0x85: {  	v0 =	vmul.f32 v59, v0;
	[tilespmem:$0x650] =	vst v62  }
0x86: {  	[tilespmem:$0x660] =	vst v63  }
0x87: {  	s5 =	sadd.s32 s3, s23;
	[tilespmem:$0x670] =	vst v0  }
0x88: {  	[hbm4b:s5+s2] =	stream.linear.scatter [tilespmem:s24], [sflag:$0x1], $0x100, $0x38;
	[tilespmem:$0x680] =	vst v63  }
0x89: {  	s4 =	sadd.s32 $0x3000, s4;
	s31 =	sadd.s32 $0x80, s5  }
0x8a: {  	[hbm4b:s31+s2] =	stream.linear.scatter [tilespmem:s8], [sflag:$0x1], $0x100, $0x38;
	[tilespmem:$0x680] =	vst v63  }
0x8b: {  	s4 =	sshrl.u32 s4, $0x3;
	s5 =	sadd.s32 $0x100, s5  }
0x8c: {  	[hbm4b:s5+s2] =	stream.linear.scatter [tilespmem:s25], [sflag:$0x1], $0x100, $0x38;
	[tilespmem:$0x680] =	vst v63  }
0x8d: {  	s3 =	sadd.s32 s3, s4  }
0x8e: {  	[hbm4b:s3+s2] =	stream.linear.scatter [tilespmem:s28], [sflag:$0x1], $0x100, $0x38;
	[tilespmem:$0x680] =	vst v63  }
0x8f: {  	s4 =	sadd.s32 $0x80, s3  }
0x90: {  	[hbm4b:s4+s2] =	stream.linear.scatter [tilespmem:s11], [sflag:$0x1], $0x100, $0x38;
	[tilespmem:$0x680] =	vst v63  }
0x91: {  	s3 =	sadd.s32 $0x100, s3  }
0x92: {  	[hbm4b:s3+s2] =	stream.linear.scatter [tilespmem:s29], [sflag:$0x1], $0x100, $0x38;
	[tilespmem:$0x680] =	vst v63  }
0x93: {  	_ =	swait.ge [sflag:s30], $0x300  }
0x94: {  	[sflag:s30] =	ssyncset.done $0x0  }
0x95: {  	[sflag:s30] =	ssyncadd.s32 $0xFFFFFD00  }
0x96: {  	_ =	swait.ge [sflag:s30], $0x300  }
0x97: {  	[sflag:s30] =	ssyncset.done $0x0  }
0x98: {  	[sflag:s30] =	ssyncadd.s32 $0xFFFFFD00  }
0x99: {  	_ =	sfence.sel $0x180000  }
0x9a: {  	[bflag:$0x0] =	sbarrier.arrive $0xFFFF  }
0x9b: {  	p0 =	sne.s32 s0, $0x0;
	_ =	strace $0x90000047  }
0x9c: {  	s0 =	sadd.s32 @!p0 $0x100000, s1;
	[bflag:$0x2] =	sbarrier.arrive $0xFFFF  }
0x9d: {  	[sflag:s0] =	ssyncadd.tile.s32 @!p0 $0x1;
	_ =	shalt  }
.Lfunc_end2:
_tile_overlayer_lowered:
.L_overlay_start_2:
0x9e: {  	(tag) =	ssettag $0x2  }
0x9f: {  	s0 =	rddreg [dreg:$0x0];
	s2 =	stileid.u32  }
0xa0: {  	s1 =	rddreg [dreg:$0x1];
	p0 =	sne.s32 s2, $0x0  }
0xa1: {  	s3 =	rddreg [dreg:$0x2];
	[bflag:$0x3] =	sbarrier.arrive $0xFFFF;
	s2 =	simm.s32 @!p0 $0x1C02  }
0xa2: {  	[timem:s3], [sflag:s2] =	dma.local @!p0 [hbm:s0], s1  }
0xa3: {  	s0 =	simm.s32 @!p0 $0x2  }
0xa4: {  	_ =	swait.ge @!p0 [sflag:s0], s1  }
0xa5: {  	s1 =	ssub.s32 @!p0 $0x0, s1;
	[sflag:s0] =	ssyncset.done @!p0 $0x0  }
0xa6: {  	[sflag:s0] =	ssyncadd.s32 @!p0 s1  }
0xa7: {  	[bflag:$0x3] =	sbarrier.arrive $0xFFFF  }
0xa8: {  	_ =	shalt  }

</sc_bundles>
